<compile_context>
chip_gen: v7x
topology: tpu7x:2x2x1
jax: 0.10.2.dev20260603
libtpu: 0.0.44.dev20260713+nightly
codegen_flags: <defaults>
</compile_context>

<pallas_src>
import jax
import jax.numpy as jnp
import numpy as np
from jax import lax
from jax.experimental import pallas as pl
from jax.experimental.pallas import tpu as pltpu
from jax.experimental.pallas import tpu_sc as plsc

_PRIME = 1000000007
_VOCAB = 32768
_DIM = 512
_BATCH = 4
_SEQ = 8192
_NW = 32
_BPW = (_BATCH * _SEQ) // _NW
_CHUNK = 32
_NCHUNK = _BPW // _CHUNK
_ROWPAD = _SEQ + 16
_WPR = _SEQ // _BPW

_POW = [pow(_PRIME, j, 2 ** 32) for j in range(5)]
_P = [np.int32(x - 2 ** 32 if x >= 2 ** 31 else x) for x in _POW]


def _body(tok_hbm, w0, w1, w2, out_hbm, tok_v, i0_v, i1_v, i2_v,
          r0a, r1a, r2a, r0b, r1b, r2b, gsa, gsb, wsa, wsb):
    c32 = jnp.int32
    wid = lax.axis_index("s") * c32(2) + lax.axis_index("c")
    brow = wid // c32(_WPR)
    coff = wid % c32(_WPR)
    tok_base = brow * c32(16384) + coff * c32(2048)
    pltpu.sync_copy(tok_hbm.at[pl.ds(tok_base, _BPW + 8)], tok_v)

    def hash_step(i, _):
        o = i * jnp.int32(16)
        t0 = tok_v[pl.ds(o + 4, 16)]
        t1 = tok_v[pl.ds(o + 3, 16)]
        t2 = tok_v[pl.ds(o + 2, 16)]
        t3 = tok_v[pl.ds(o + 1, 16)]
        t4 = tok_v[pl.ds(o, 16)]
        h3 = t0 * _P[2] + t1 * _P[1] + t2
        h4 = t0 * _P[3] + t1 * _P[2] + t2 * _P[1] + t3
        h5 = t0 * _P[4] + t1 * _P[3] + t2 * _P[2] + t3 * _P[1] + t4
        m = jnp.int32(0x7FFF)
        i0_v[pl.ds(o, 16)] = jnp.bitwise_and(h3, m)
        i1_v[pl.ds(o, 16)] = jnp.bitwise_and(h4, m)
        i2_v[pl.ds(o, 16)] = jnp.bitwise_and(h5, m)
        return jnp.int32(0)

    lax.fori_loop(jnp.int32(0), jnp.int32(_CHUNK // 16), hash_step,
                  jnp.int32(0))

    out_base = wid * jnp.int32(_BPW)
    R0 = [r0a, r0b]
    R1 = [r1a, r1b]
    R2 = [r2a, r2b]
    GS = [gsa, gsb]
    WS = [wsa, wsb]

    def issue_gathers(o, s):
        pltpu.async_copy(w0.at[i0_v.at[pl.ds(o, _CHUNK)]], R0[s], GS[s])
        pltpu.async_copy(w1.at[i1_v.at[pl.ds(o, _CHUNK)]], R1[s], GS[s])
        pltpu.async_copy(w2.at[i2_v.at[pl.ds(o, _CHUNK)]], R2[s], GS[s])

    def wait_gathers(s):
        for rr, ww in ((R0[s], w0), (R1[s], w1), (R2[s], w2)):
            pltpu.make_async_copy(ww.at[i0_v.at[pl.ds(0, _CHUNK)]], rr,
                                  GS[s]).wait()

    def issue_write(o, s):
        pltpu.async_copy(R0[s], out_hbm.at[pl.ds(out_base + o, _CHUNK)],
                         WS[s])

    def wait_write(s):
        pltpu.make_async_copy(R0[s], out_hbm.at[pl.ds(out_base, _CHUNK)],
                              WS[s]).wait()

    def add_rows(s):
        def add_row(row, _):
            for cc in range(_DIM // 16):
                sl = pl.ds(cc * 16, 16)
                plsc.addupdate(R0[s].at[row, sl],
                               R1[s][row, sl] + R2[s][row, sl])
            return jnp.int32(0)
        lax.fori_loop(jnp.int32(0), jnp.int32(_CHUNK), add_row, jnp.int32(0))

    npair = _NCHUNK // 2
    issue_gathers(c32(0), 0)
    lax.fori_loop(jnp.int32(_CHUNK // 16), jnp.int32(_BPW // 16), hash_step,
                  jnp.int32(0))

    def pair_step(jj, _):
        a = jj * c32(2 * _CHUNK)
        b = a + c32(_CHUNK)

        @pl.when(jj > c32(0))
        def _():
            wait_write(1)
        issue_gathers(b, 1)
        wait_gathers(0)
        add_rows(0)
        issue_write(a, 0)
        wait_write(0)

        @pl.when(jj < c32(npair - 1))
        def _():
            issue_gathers(a + c32(2 * _CHUNK), 0)
        wait_gathers(1)
        add_rows(1)
        issue_write(b, 1)
        return jnp.int32(0)

    lax.fori_loop(jnp.int32(0), jnp.int32(npair), pair_step, jnp.int32(0))
    wait_write(1)


@jax.jit
def kernel(tokens, W0, W1, W2):
    padded = jax.lax.bitcast_convert_type(tokens, jnp.int32).reshape(-1)

    mesh = plsc.VectorSubcoreMesh(core_axis_name="c", subcore_axis_name="s")
    kfn = pl.kernel(
        _body,
        out_type=jax.ShapeDtypeStruct((_BATCH * _SEQ, _DIM), jnp.float32),
        mesh=mesh,
        scratch_types=[
            pltpu.VMEM((_BPW + 8,), jnp.int32),
            pltpu.VMEM((_BPW,), jnp.int32),
            pltpu.VMEM((_BPW,), jnp.int32),
            pltpu.VMEM((_BPW,), jnp.int32),
            pltpu.VMEM((_CHUNK, _DIM), jnp.float32),
            pltpu.VMEM((_CHUNK, _DIM), jnp.float32),
            pltpu.VMEM((_CHUNK, _DIM), jnp.float32),
            pltpu.VMEM((_CHUNK, _DIM), jnp.float32),
            pltpu.VMEM((_CHUNK, _DIM), jnp.float32),
            pltpu.VMEM((_CHUNK, _DIM), jnp.float32),
            pltpu.SemaphoreType.DMA,
            pltpu.SemaphoreType.DMA,
            pltpu.SemaphoreType.DMA,
            pltpu.SemaphoreType.DMA,
        ],
    )
    out = kfn(padded, W0, W1, W2)
    return out.reshape(_BATCH, _SEQ, _DIM)

# --- scband reference (transcript-rebuilt; emitter-appended) ---
"""Pipeline reference for scband-hash-embedding-48704929136710 (READ-ONLY COPY).

The authoritative reference and input builder live on the scoring server;
editing this copy changes nothing except your own understanding.
"""

import jax, jax.numpy as jnp
import numpy as np
jax.config.update('jax_enable_x64', True)

PRIMES = [1000000007, 5915587277, 1500450271, 3267000013, 5754853343, 4093082899, 9576890767, 3628273133, 2860486313, 5463458053]

BATCH = 4
SEQ_LEN = 8192
VOCAB = 32768
DIM = 512
GROUP_SIZES = [3, 4, 5]
NB_FUNCS = 1


def byte_group_hash(tokens, group_size, hash_func_nb, max_hash):
    bs, seq_len = tokens.shape
    prefix = jnp.zeros((bs, group_size - 1), dtype=jnp.int64)
    x_padded = jnp.concatenate([prefix, tokens.astype(jnp.int64)], axis=1)
    prime = jnp.int64(PRIMES[hash_func_nb])
    powers = prime ** jnp.arange(group_size, dtype=jnp.int64)  # wraps mod 2^64 like torch int64
    h = jnp.zeros((bs, seq_len), dtype=jnp.int64)
    for j in range(group_size):
        h = h + x_padded[:, j:j + seq_len] * powers[j]
    return jnp.mod(h, max_hash)  # non-negative, matches torch % semantics


def setup_inputs(seed: int = 0) -> dict:
    key = jax.random.key(seed)
    k_tok, k_w = jax.random.split(key)
    tokens = jax.random.randint(k_tok, (BATCH, SEQ_LEN), 0, 256, dtype=jnp.int64)
    wkeys = jax.random.split(k_w, NB_FUNCS * len(GROUP_SIZES))
    inp = {'tokens': tokens}
    for i, wk in enumerate(wkeys):
        inp[f'W{i}'] = jax.random.normal(wk, (VOCAB, DIM), dtype=jnp.float32)
    return inp


def reference(tokens, W0, W1, W2):
    tables = [W0, W1, W2]
    result = jnp.zeros((tokens.shape[0], tokens.shape[1], DIM), dtype=jnp.float32)
    idx = 0
    for func_nb in range(NB_FUNCS):
        for gs in GROUP_SIZES:
            hash_ids = byte_group_hash(tokens, gs, func_nb, VOCAB)
            result = result + jnp.take(tables[idx], hash_ids, axis=0)
            idx += 1
    return result

if __name__ == "__main__":
    import jax
    _d = setup_inputs()
    print(jax.jit(kernel)(*tuple(_d.values())))

</pallas_src>

<mosaic_0001>
#map = affine_map<(d0, d1) -> (0)>
#map1 = affine_map<(d0, d1) -> (0, 0)>
module attributes {stable_mosaic.version = 14 : i64} {
  func.func @_body(%arg0: i32, %arg1: i32, %arg2: memref<65536xi32, #tpu.memory_space<hbm>>, %arg3: memref<32768x512xf32, #tpu.memory_space<hbm>>, %arg4: memref<32768x512xf32, #tpu.memory_space<hbm>>, %arg5: memref<32768x512xf32, #tpu.memory_space<hbm>>, %arg6: memref<32768x512xf32, #tpu.memory_space<hbm>>, %arg7: memref<1032xi32, #tpu.memory_space<vmem>>, %arg8: memref<1024xi32, #tpu.memory_space<vmem>>, %arg9: memref<1024xi32, #tpu.memory_space<vmem>>, %arg10: memref<1024xi32, #tpu.memory_space<vmem>>, %arg11: memref<32x512xf32, #tpu.memory_space<vmem>>, %arg12: memref<32x512xf32, #tpu.memory_space<vmem>>, %arg13: memref<32x512xf32, #tpu.memory_space<vmem>>, %arg14: memref<32x512xf32, #tpu.memory_space<vmem>>, %arg15: memref<32x512xf32, #tpu.memory_space<vmem>>, %arg16: memref<32x512xf32, #tpu.memory_space<vmem>>, %arg17: memref<!tpu.dma_semaphore, #tpu.memory_space<semaphore_mem>>, %arg18: memref<!tpu.dma_semaphore, #tpu.memory_space<semaphore_mem>>, %arg19: memref<!tpu.dma_semaphore, #tpu.memory_space<semaphore_mem>>, %arg20: memref<!tpu.dma_semaphore, #tpu.memory_space<semaphore_mem>>) attributes {dimension_semantics = [#tpu.dimension_semantics<core_parallel>, #tpu.dimension_semantics<subcore_parallel>], iteration_bounds = array<i64: 2, 16>, scalar_prefetch = 0 : i64, scratch_operands = 14 : i64, tpu.core_type = #tpu.core_type<sc_vector_subcore>, window_params = [{transform_indices = #map}, {transform_indices = #map1}, {transform_indices = #map1}, {transform_indices = #map1}, {transform_indices = #map1}]} {
    %mul3A = arith.constant 2 : i32
    %mul3A_0 = arith.muli %arg1, %mul3A : i32
    %add3A = arith.addi %mul3A_0, %arg0 : i32
    %jit3A = arith.constant 8 : i32
    %div3A = arith.divsi %add3A, %jit3A : i32
    %sign3A = arith.constant 0 : i32
    %sign3A_1 = arith.cmpi sgt, %add3A, %sign3A : i32
    %sign3A_2 = arith.extui %sign3A_1 : i1 to i32
    %sign3A_3 = arith.constant 0 : i32
    %sign3A_4 = arith.cmpi slt, %add3A, %sign3A_3 : i32
    %sign3A_5 = arith.extui %sign3A_4 : i1 to i32
    %sign3A_6 = arith.subi %sign3A_2, %sign3A_5 : i32
    %sign3A_7 = arith.constant 0 : i32
    %sign3A_8 = arith.cmpi sgt, %jit3A, %sign3A_7 : i32
    %sign3A_9 = arith.extui %sign3A_8 : i1 to i32
    %sign3A_10 = arith.constant 0 : i32
    %sign3A_11 = arith.cmpi slt, %jit3A, %sign3A_10 : i32
    %sign3A_12 = arith.extui %sign3A_11 : i1 to i32
    %sign3A_13 = arith.subi %sign3A_9, %sign3A_12 : i32
    %ne3A = arith.cmpi ne, %sign3A_6, %sign3A_13 : i32
    %rem3A = arith.remsi %add3A, %jit3A : i32
    %ne3A_14 = arith.constant 0 : i32
    %ne3A_15 = arith.cmpi ne, %rem3A, %ne3A_14 : i32
    %and3A = arith.andi %ne3A, %ne3A_15 : i1
    %sub3A = arith.constant 1 : i32
    %sub3A_16 = arith.subi %div3A, %sub3A : i32
    %select_n3A = arith.select %and3A, %sub3A_16, %div3A : i32
    %jit3A_17 = arith.constant 8 : i32
    %eq3A = arith.constant 0 : i32
    %eq3A_18 = arith.cmpi eq, %jit3A_17, %eq3A : i32
    %jit3A_19 = arith.constant 1 : i32
    %select_n3A_20 = arith.select %eq3A_18, %jit3A_19, %jit3A_17 : i32
    %rem3A_21 = arith.remsi %add3A, %select_n3A_20 : i32
    %ne3A_22 = arith.constant 0 : i32
    %ne3A_23 = arith.cmpi ne, %rem3A_21, %ne3A_22 : i32
    %lt3A = arith.constant 0 : i32
    %lt3A_24 = arith.cmpi slt, %rem3A_21, %lt3A : i32
    %lt3A_25 = arith.constant 0 : i32
    %lt3A_26 = arith.cmpi slt, %select_n3A_20, %lt3A_25 : i32
    %ne3A_27 = arith.xori %lt3A_24, %lt3A_26 : i1
    %and3A_28 = arith.andi %ne3A_27, %ne3A_23 : i1
    %add3A_29 = arith.addi %rem3A_21, %select_n3A_20 : i32
    %select_n3A_30 = arith.select %and3A_28, %add3A_29, %rem3A_21 : i32
    %mul3A_31 = arith.constant 16384 : i32
    %mul3A_32 = arith.muli %select_n3A, %mul3A_31 : i32
    %mul3A_33 = arith.constant 2048 : i32
    %mul3A_34 = arith.muli %select_n3A_30, %mul3A_33 : i32
    %add3A_35 = arith.addi %mul3A_32, %mul3A_34 : i32
    "tpu.region"() ({
      %run_scoped3A = tpu.sem_alloc : memref<!tpu.dma_semaphore, #tpu.memory_space<semaphore_mem>>
      %dma_start3A_93 = tpu.memref_slice %arg2[%add3A_35] : memref<65536xi32, #tpu.memory_space<hbm>> -> memref<1032xi32, #tpu.memory_space<hbm>>
      %dma_start3A_94 = tpu.memref_slice %arg2[%add3A_35] : memref<65536xi32, #tpu.memory_space<hbm>> -> memref<1032xi32, #tpu.memory_space<hbm>>
      tpu.enqueue_dma source(%dma_start3A_94 : memref<1032xi32, #tpu.memory_space<hbm>>) target(%arg7 : memref<1032xi32, #tpu.memory_space<vmem>>) target_semaphore(%run_scoped3A : memref<!tpu.dma_semaphore, #tpu.memory_space<semaphore_mem>>)
      %dma_wait3A_95 = tpu.memref_slice %arg2[%add3A_35] : memref<65536xi32, #tpu.memory_space<hbm>> -> memref<1032xi32, #tpu.memory_space<hbm>>
      %dma_wait3A_96 = tpu.memref_slice %arg2[%add3A_35] : memref<65536xi32, #tpu.memory_space<hbm>> -> memref<1032xi32, #tpu.memory_space<hbm>>
      tpu.wait_dma2 semaphore(%run_scoped3A : memref<!tpu.dma_semaphore, #tpu.memory_space<semaphore_mem>>) src(%dma_wait3A_96 : memref<1032xi32, #tpu.memory_space<hbm>>) dst(%arg7 : memref<1032xi32, #tpu.memory_space<vmem>>)
      tpu.yield
    }) : () -> ()
    %while3A = arith.constant 0 : i32
    %while3A_36 = arith.constant 2 : i32
    %while3A_37 = arith.constant 0 : i32
    %while3A_38 = arith.subi %while3A_36, %while3A : i32
    %while3A_39 = arith.addi %while3A, %while3A_38 : i32
    %while3A_40 = arith.constant 1 : i32
    %while3A_41 = arith.divsi %while3A_38, %while3A_40 : i32
    %while3A_42 = arith.muli %while3A_41, %while3A_40 : i32
    %while3A_43 = arith.addi %while3A, %while3A_42 : i32
    %while3A_44 = arith.constant 1 : i32
    %while3A_45 = scf.for %while3A_93 = %while3A to %while3A_43 step %while3A_44 iter_args(%while3A_94 = %while3A_37) -> (i32)  : i32 {
      %mul3A_95 = arith.constant 16 : i32
      %mul3A_96 = arith.muli %while3A_93, %mul3A_95 : i32
      %add3A_97 = arith.constant 4 : i32
      %add3A_98 = arith.addi %mul3A_96, %add3A_97 : i32
      %get3A = arith.index_cast %add3A_98 : i32 to index
      %get3A_99 = tpu.vector_load %arg7[%get3A] {strides = array<i32>} : memref<1032xi32, #tpu.memory_space<vmem>>, vector<16xi32>,
      %get3A_100 = vector.shape_cast %get3A_99 : vector<16xi32> to vector<16xi32>
      %add3A_101 = arith.constant 3 : i32
      %add3A_102 = arith.addi %mul3A_96, %add3A_101 : i32
      %get3A_103 = arith.index_cast %add3A_102 : i32 to index
      %get3A_104 = tpu.vector_load %arg7[%get3A_103] {strides = array<i32>} : memref<1032xi32, #tpu.memory_space<vmem>>, vector<16xi32>,
      %get3A_105 = vector.shape_cast %get3A_104 : vector<16xi32> to vector<16xi32>
      %add3A_106 = arith.constant 2 : i32
      %add3A_107 = arith.addi %mul3A_96, %add3A_106 : i32
      %get3A_108 = arith.index_cast %add3A_107 : i32 to index
      %get3A_109 = tpu.vector_load %arg7[%get3A_108] {strides = array<i32>} : memref<1032xi32, #tpu.memory_space<vmem>>, vector<16xi32>,
      %get3A_110 = vector.shape_cast %get3A_109 : vector<16xi32> to vector<16xi32>
      %add3A_111 = arith.constant 1 : i32
      %add3A_112 = arith.addi %mul3A_96, %add3A_111 : i32
      %get3A_113 = arith.index_cast %add3A_112 : i32 to index
      %get3A_114 = tpu.vector_load %arg7[%get3A_113] {strides = array<i32>} : memref<1032xi32, #tpu.memory_space<vmem>>, vector<16xi32>,
      %get3A_115 = vector.shape_cast %get3A_114 : vector<16xi32> to vector<16xi32>
      %get3A_116 = arith.index_cast %mul3A_96 : i32 to index
      %get3A_117 = tpu.vector_load %arg7[%get3A_116] {strides = array<i32>} : memref<1032xi32, #tpu.memory_space<vmem>>, vector<16xi32>,
      %get3A_118 = vector.shape_cast %get3A_117 : vector<16xi32> to vector<16xi32>
      %mul3A_119 = arith.constant -371520463 : i32
      %mul3A_120 = vector.broadcast %mul3A_119 : i32 to vector<16xi32>
      %mul3A_121 = arith.muli %get3A_100, %mul3A_120 : vector<16xi32>
      %mul3A_122 = arith.constant 1000000007 : i32
      %mul3A_123 = vector.broadcast %mul3A_122 : i32 to vector<16xi32>
      %mul3A_124 = arith.muli %get3A_105, %mul3A_123 : vector<16xi32>
      %add3A_125 = arith.addi %mul3A_121, %mul3A_124 : vector<16xi32>
      %add3A_126 = arith.addi %add3A_125, %get3A_110 : vector<16xi32>
      %mul3A_127 = arith.constant -585760937 : i32
      %mul3A_128 = vector.broadcast %mul3A_127 : i32 to vector<16xi32>
      %mul3A_129 = arith.muli %get3A_100, %mul3A_128 : vector<16xi32>
      %mul3A_130 = arith.constant -371520463 : i32
      %mul3A_131 = vector.broadcast %mul3A_130 : i32 to vector<16xi32>
      %mul3A_132 = arith.muli %get3A_105, %mul3A_131 : vector<16xi32>
      %add3A_133 = arith.addi %mul3A_129, %mul3A_132 : vector<16xi32>
      %mul3A_134 = arith.constant 1000000007 : i32
      %mul3A_135 = vector.broadcast %mul3A_134 : i32 to vector<16xi32>
      %mul3A_136 = arith.muli %get3A_110, %mul3A_135 : vector<16xi32>
      %add3A_137 = arith.addi %add3A_133, %mul3A_136 : vector<16xi32>
      %add3A_138 = arith.addi %add3A_137, %get3A_115 : vector<16xi32>
      %mul3A_139 = arith.constant 241869153 : i32
      %mul3A_140 = vector.broadcast %mul3A_139 : i32 to vector<16xi32>
      %mul3A_141 = arith.muli %get3A_100, %mul3A_140 : vector<16xi32>
      %mul3A_142 = arith.constant -585760937 : i32
      %mul3A_143 = vector.broadcast %mul3A_142 : i32 to vector<16xi32>
      %mul3A_144 = arith.muli %get3A_105, %mul3A_143 : vector<16xi32>
      %add3A_145 = arith.addi %mul3A_141, %mul3A_144 : vector<16xi32>
      %mul3A_146 = arith.constant -371520463 : i32
      %mul3A_147 = vector.broadcast %mul3A_146 : i32 to vector<16xi32>
      %mul3A_148 = arith.muli %get3A_110, %mul3A_147 : vector<16xi32>
      %add3A_149 = arith.addi %add3A_145, %mul3A_148 : vector<16xi32>
      %mul3A_150 = arith.constant 1000000007 : i32
      %mul3A_151 = vector.broadcast %mul3A_150 : i32 to vector<16xi32>
      %mul3A_152 = arith.muli %get3A_115, %mul3A_151 : vector<16xi32>
      %add3A_153 = arith.addi %add3A_149, %mul3A_152 : vector<16xi32>
      %add3A_154 = arith.addi %add3A_153, %get3A_118 : vector<16xi32>
      %and3A_155 = arith.constant 32767 : i32
      %and3A_156 = vector.broadcast %and3A_155 : i32 to vector<16xi32>
      %and3A_157 = arith.andi %add3A_126, %and3A_156 : vector<16xi32>
      %swap3A = arith.index_cast %mul3A_96 : i32 to index
      %swap3A_158 = tpu.vector_load %arg8[%swap3A] {strides = array<i32>} : memref<1024xi32, #tpu.memory_space<vmem>>, vector<16xi32>,
      %swap3A_159 = vector.shape_cast %swap3A_158 : vector<16xi32> to vector<16xi32>
      %swap3A_160 = vector.shape_cast %and3A_157 : vector<16xi32> to vector<16xi32>
      tpu.vector_store %arg8[%swap3A], %swap3A_160 {strides = array<i32>} : memref<1024xi32, #tpu.memory_space<vmem>>, vector<16xi32>,
      %and3A_161 = arith.constant 32767 : i32
      %and3A_162 = vector.broadcast %and3A_161 : i32 to vector<16xi32>
      %and3A_163 = arith.andi %add3A_138, %and3A_162 : vector<16xi32>
      %swap3A_164 = arith.index_cast %mul3A_96 : i32 to index
      %swap3A_165 = tpu.vector_load %arg9[%swap3A_164] {strides = array<i32>} : memref<1024xi32, #tpu.memory_space<vmem>>, vector<16xi32>,
      %swap3A_166 = vector.shape_cast %swap3A_165 : vector<16xi32> to vector<16xi32>
      %swap3A_167 = vector.shape_cast %and3A_163 : vector<16xi32> to vector<16xi32>
      tpu.vector_store %arg9[%swap3A_164], %swap3A_167 {strides = array<i32>} : memref<1024xi32, #tpu.memory_space<vmem>>, vector<16xi32>,
      %and3A_168 = arith.constant 32767 : i32
      %and3A_169 = vector.broadcast %and3A_168 : i32 to vector<16xi32>
      %and3A_170 = arith.andi %add3A_154, %and3A_169 : vector<16xi32>
      %swap3A_171 = arith.index_cast %mul3A_96 : i32 to index
      %swap3A_172 = tpu.vector_load %arg10[%swap3A_171] {strides = array<i32>} : memref<1024xi32, #tpu.memory_space<vmem>>, vector<16xi32>,
      %swap3A_173 = vector.shape_cast %swap3A_172 : vector<16xi32> to vector<16xi32>
      %swap3A_174 = vector.shape_cast %and3A_170 : vector<16xi32> to vector<16xi32>
      tpu.vector_store %arg10[%swap3A_171], %swap3A_174 {strides = array<i32>} : memref<1024xi32, #tpu.memory_space<vmem>>, vector<16xi32>,
      %while3A_175 = arith.constant 0 : i32
      scf.yield %while3A_175 : i32
    }
    %while3A_46 = arith.constant 1 : i32
    %while3A_47 = scf.for %while3A_93 = %while3A_43 to %while3A_39 step %while3A_46 iter_args(%while3A_94 = %while3A_45) -> (i32)  : i32 {
      %mul3A_95 = arith.constant 16 : i32
      %mul3A_96 = arith.muli %while3A_93, %mul3A_95 : i32
      %add3A_97 = arith.constant 4 : i32
      %add3A_98 = arith.addi %mul3A_96, %add3A_97 : i32
      %get3A = arith.index_cast %add3A_98 : i32 to index
      %get3A_99 = tpu.vector_load %arg7[%get3A] {strides = array<i32>} : memref<1032xi32, #tpu.memory_space<vmem>>, vector<16xi32>,
      %get3A_100 = vector.shape_cast %get3A_99 : vector<16xi32> to vector<16xi32>
      %add3A_101 = arith.constant 3 : i32
      %add3A_102 = arith.addi %mul3A_96, %add3A_101 : i32
      %get3A_103 = arith.index_cast %add3A_102 : i32 to index
      %get3A_104 = tpu.vector_load %arg7[%get3A_103] {strides = array<i32>} : memref<1032xi32, #tpu.memory_space<vmem>>, vector<16xi32>,
      %get3A_105 = vector.shape_cast %get3A_104 : vector<16xi32> to vector<16xi32>
      %add3A_106 = arith.constant 2 : i32
      %add3A_107 = arith.addi %mul3A_96, %add3A_106 : i32
      %get3A_108 = arith.index_cast %add3A_107 : i32 to index
      %get3A_109 = tpu.vector_load %arg7[%get3A_108] {strides = array<i32>} : memref<1032xi32, #tpu.memory_space<vmem>>, vector<16xi32>,
      %get3A_110 = vector.shape_cast %get3A_109 : vector<16xi32> to vector<16xi32>
      %add3A_111 = arith.constant 1 : i32
      %add3A_112 = arith.addi %mul3A_96, %add3A_111 : i32
      %get3A_113 = arith.index_cast %add3A_112 : i32 to index
      %get3A_114 = tpu.vector_load %arg7[%get3A_113] {strides = array<i32>} : memref<1032xi32, #tpu.memory_space<vmem>>, vector<16xi32>,
      %get3A_115 = vector.shape_cast %get3A_114 : vector<16xi32> to vector<16xi32>
      %get3A_116 = arith.index_cast %mul3A_96 : i32 to index
      %get3A_117 = tpu.vector_load %arg7[%get3A_116] {strides = array<i32>} : memref<1032xi32, #tpu.memory_space<vmem>>, vector<16xi32>,
      %get3A_118 = vector.shape_cast %get3A_117 : vector<16xi32> to vector<16xi32>
      %mul3A_119 = arith.constant -371520463 : i32
      %mul3A_120 = vector.broadcast %mul3A_119 : i32 to vector<16xi32>
      %mul3A_121 = arith.muli %get3A_100, %mul3A_120 : vector<16xi32>
      %mul3A_122 = arith.constant 1000000007 : i32
      %mul3A_123 = vector.broadcast %mul3A_122 : i32 to vector<16xi32>
      %mul3A_124 = arith.muli %get3A_105, %mul3A_123 : vector<16xi32>
      %add3A_125 = arith.addi %mul3A_121, %mul3A_124 : vector<16xi32>
      %add3A_126 = arith.addi %add3A_125, %get3A_110 : vector<16xi32>
      %mul3A_127 = arith.constant -585760937 : i32
      %mul3A_128 = vector.broadcast %mul3A_127 : i32 to vector<16xi32>
      %mul3A_129 = arith.muli %get3A_100, %mul3A_128 : vector<16xi32>
      %mul3A_130 = arith.constant -371520463 : i32
      %mul3A_131 = vector.broadcast %mul3A_130 : i32 to vector<16xi32>
      %mul3A_132 = arith.muli %get3A_105, %mul3A_131 : vector<16xi32>
      %add3A_133 = arith.addi %mul3A_129, %mul3A_132 : vector<16xi32>
      %mul3A_134 = arith.constant 1000000007 : i32
      %mul3A_135 = vector.broadcast %mul3A_134 : i32 to vector<16xi32>
      %mul3A_136 = arith.muli %get3A_110, %mul3A_135 : vector<16xi32>
      %add3A_137 = arith.addi %add3A_133, %mul3A_136 : vector<16xi32>
      %add3A_138 = arith.addi %add3A_137, %get3A_115 : vector<16xi32>
      %mul3A_139 = arith.constant 241869153 : i32
      %mul3A_140 = vector.broadcast %mul3A_139 : i32 to vector<16xi32>
      %mul3A_141 = arith.muli %get3A_100, %mul3A_140 : vector<16xi32>
      %mul3A_142 = arith.constant -585760937 : i32
      %mul3A_143 = vector.broadcast %mul3A_142 : i32 to vector<16xi32>
      %mul3A_144 = arith.muli %get3A_105, %mul3A_143 : vector<16xi32>
      %add3A_145 = arith.addi %mul3A_141, %mul3A_144 : vector<16xi32>
      %mul3A_146 = arith.constant -371520463 : i32
      %mul3A_147 = vector.broadcast %mul3A_146 : i32 to vector<16xi32>
      %mul3A_148 = arith.muli %get3A_110, %mul3A_147 : vector<16xi32>
      %add3A_149 = arith.addi %add3A_145, %mul3A_148 : vector<16xi32>
      %mul3A_150 = arith.constant 1000000007 : i32
      %mul3A_151 = vector.broadcast %mul3A_150 : i32 to vector<16xi32>
      %mul3A_152 = arith.muli %get3A_115, %mul3A_151 : vector<16xi32>
      %add3A_153 = arith.addi %add3A_149, %mul3A_152 : vector<16xi32>
      %add3A_154 = arith.addi %add3A_153, %get3A_118 : vector<16xi32>
      %and3A_155 = arith.constant 32767 : i32
      %and3A_156 = vector.broadcast %and3A_155 : i32 to vector<16xi32>
      %and3A_157 = arith.andi %add3A_126, %and3A_156 : vector<16xi32>
      %swap3A = arith.index_cast %mul3A_96 : i32 to index
      %swap3A_158 = tpu.vector_load %arg8[%swap3A] {strides = array<i32>} : memref<1024xi32, #tpu.memory_space<vmem>>, vector<16xi32>,
      %swap3A_159 = vector.shape_cast %swap3A_158 : vector<16xi32> to vector<16xi32>
      %swap3A_160 = vector.shape_cast %and3A_157 : vector<16xi32> to vector<16xi32>
      tpu.vector_store %arg8[%swap3A], %swap3A_160 {strides = array<i32>} : memref<1024xi32, #tpu.memory_space<vmem>>, vector<16xi32>,
      %and3A_161 = arith.constant 32767 : i32
      %and3A_162 = vector.broadcast %and3A_161 : i32 to vector<16xi32>
      %and3A_163 = arith.andi %add3A_138, %and3A_162 : vector<16xi32>
      %swap3A_164 = arith.index_cast %mul3A_96 : i32 to index
      %swap3A_165 = tpu.vector_load %arg9[%swap3A_164] {strides = array<i32>} : memref<1024xi32, #tpu.memory_space<vmem>>, vector<16xi32>,
      %swap3A_166 = vector.shape_cast %swap3A_165 : vector<16xi32> to vector<16xi32>
      %swap3A_167 = vector.shape_cast %and3A_163 : vector<16xi32> to vector<16xi32>
      tpu.vector_store %arg9[%swap3A_164], %swap3A_167 {strides = array<i32>} : memref<1024xi32, #tpu.memory_space<vmem>>, vector<16xi32>,
      %and3A_168 = arith.constant 32767 : i32
      %and3A_169 = vector.broadcast %and3A_168 : i32 to vector<16xi32>
      %and3A_170 = arith.andi %add3A_154, %and3A_169 : vector<16xi32>
      %swap3A_171 = arith.index_cast %mul3A_96 : i32 to index
      %swap3A_172 = tpu.vector_load %arg10[%swap3A_171] {strides = array<i32>} : memref<1024xi32, #tpu.memory_space<vmem>>, vector<16xi32>,
      %swap3A_173 = vector.shape_cast %swap3A_172 : vector<16xi32> to vector<16xi32>
      %swap3A_174 = vector.shape_cast %and3A_170 : vector<16xi32> to vector<16xi32>
      tpu.vector_store %arg10[%swap3A_171], %swap3A_174 {strides = array<i32>} : memref<1024xi32, #tpu.memory_space<vmem>>, vector<16xi32>,
      %while3A_175 = arith.constant 0 : i32
      scf.yield %while3A_175 : i32
    }
    %mul3A_48 = arith.constant 1024 : i32
    %mul3A_49 = arith.muli %add3A, %mul3A_48 : i32
    %dma_start3A = arith.constant 0 : i32
    %dma_start3A_50 = tpu.memref_slice %arg8[%dma_start3A] : memref<1024xi32, #tpu.memory_space<vmem>> -> memref<32xi32, #tpu.memory_space<vmem>>
    %dma_start3A_51 = arith.constant 0 : i32
    %dma_start3A_52 = arith.constant 0 : i32
    %dma_start3A_53 = tpu.memref_slice %arg3[%dma_start3A_51, %dma_start3A_52] : memref<32768x512xf32, #tpu.memory_space<hbm>> -> memref<32768x512xf32, #tpu.memory_space<hbm>>
    tpu.enqueue_indirect_dma source(%dma_start3A_53 : memref<32768x512xf32, #tpu.memory_space<hbm>>) target(%arg11 : memref<32x512xf32, #tpu.memory_space<vmem>>) offsets(%dma_start3A_50 : memref<32xi32, #tpu.memory_space<vmem>>) semaphore(%arg17 : memref<!tpu.dma_semaphore, #tpu.memory_space<semaphore_mem>>)
    %dma_start3A_54 = arith.constant 0 : i32
    %dma_start3A_55 = tpu.memref_slice %arg9[%dma_start3A_54] : memref<1024xi32, #tpu.memory_space<vmem>> -> memref<32xi32, #tpu.memory_space<vmem>>
    %dma_start3A_56 = arith.constant 0 : i32
    %dma_start3A_57 = arith.constant 0 : i32
    %dma_start3A_58 = tpu.memref_slice %arg4[%dma_start3A_56, %dma_start3A_57] : memref<32768x512xf32, #tpu.memory_space<hbm>> -> memref<32768x512xf32, #tpu.memory_space<hbm>>
    tpu.enqueue_indirect_dma source(%dma_start3A_58 : memref<32768x512xf32, #tpu.memory_space<hbm>>) target(%arg12 : memref<32x512xf32, #tpu.memory_space<vmem>>) offsets(%dma_start3A_55 : memref<32xi32, #tpu.memory_space<vmem>>) semaphore(%arg17 : memref<!tpu.dma_semaphore, #tpu.memory_space<semaphore_mem>>)
    %dma_start3A_59 = arith.constant 0 : i32
    %dma_start3A_60 = tpu.memref_slice %arg10[%dma_start3A_59] : memref<1024xi32, #tpu.memory_space<vmem>> -> memref<32xi32, #tpu.memory_space<vmem>>
    %dma_start3A_61 = arith.constant 0 : i32
    %dma_start3A_62 = arith.constant 0 : i32
    %dma_start3A_63 = tpu.memref_slice %arg5[%dma_start3A_61, %dma_start3A_62] : memref<32768x512xf32, #tpu.memory_space<hbm>> -> memref<32768x512xf32, #tpu.memory_space<hbm>>
    tpu.enqueue_indirect_dma source(%dma_start3A_63 : memref<32768x512xf32, #tpu.memory_space<hbm>>) target(%arg13 : memref<32x512xf32, #tpu.memory_space<vmem>>) offsets(%dma_start3A_60 : memref<32xi32, #tpu.memory_space<vmem>>) semaphore(%arg17 : memref<!tpu.dma_semaphore, #tpu.memory_space<semaphore_mem>>)
    %while3A_64 = arith.constant 2 : i32
    %while3A_65 = arith.constant 64 : i32
    %while3A_66 = arith.constant 0 : i32
    %while3A_67 = arith.subi %while3A_65, %while3A_64 : i32
    %while3A_68 = arith.addi %while3A_64, %while3A_67 : i32
    %while3A_69 = arith.constant 1 : i32
    %while3A_70 = arith.divsi %while3A_67, %while3A_69 : i32
    %while3A_71 = arith.muli %while3A_70, %while3A_69 : i32
    %while3A_72 = arith.addi %while3A_64, %while3A_71 : i32
    %while3A_73 = arith.constant 1 : i32
    %while3A_74 = scf.for %while3A_93 = %while3A_64 to %while3A_72 step %while3A_73 iter_args(%while3A_94 = %while3A_66) -> (i32)  : i32 {
      %mul3A_95 = arith.constant 16 : i32
      %mul3A_96 = arith.muli %while3A_93, %mul3A_95 : i32
      %add3A_97 = arith.constant 4 : i32
      %add3A_98 = arith.addi %mul3A_96, %add3A_97 : i32
      %get3A = arith.index_cast %add3A_98 : i32 to index
      %get3A_99 = tpu.vector_load %arg7[%get3A] {strides = array<i32>} : memref<1032xi32, #tpu.memory_space<vmem>>, vector<16xi32>,
      %get3A_100 = vector.shape_cast %get3A_99 : vector<16xi32> to vector<16xi32>
      %add3A_101 = arith.constant 3 : i32
      %add3A_102 = arith.addi %mul3A_96, %add3A_101 : i32
      %get3A_103 = arith.index_cast %add3A_102 : i32 to index
      %get3A_104 = tpu.vector_load %arg7[%get3A_103] {strides = array<i32>} : memref<1032xi32, #tpu.memory_space<vmem>>, vector<16xi32>,
      %get3A_105 = vector.shape_cast %get3A_104 : vector<16xi32> to vector<16xi32>
      %add3A_106 = arith.constant 2 : i32
      %add3A_107 = arith.addi %mul3A_96, %add3A_106 : i32
      %get3A_108 = arith.index_cast %add3A_107 : i32 to index
      %get3A_109 = tpu.vector_load %arg7[%get3A_108] {strides = array<i32>} : memref<1032xi32, #tpu.memory_space<vmem>>, vector<16xi32>,
      %get3A_110 = vector.shape_cast %get3A_109 : vector<16xi32> to vector<16xi32>
      %add3A_111 = arith.constant 1 : i32
      %add3A_112 = arith.addi %mul3A_96, %add3A_111 : i32
      %get3A_113 = arith.index_cast %add3A_112 : i32 to index
      %get3A_114 = tpu.vector_load %arg7[%get3A_113] {strides = array<i32>} : memref<1032xi32, #tpu.memory_space<vmem>>, vector<16xi32>,
      %get3A_115 = vector.shape_cast %get3A_114 : vector<16xi32> to vector<16xi32>
      %get3A_116 = arith.index_cast %mul3A_96 : i32 to index
      %get3A_117 = tpu.vector_load %arg7[%get3A_116] {strides = array<i32>} : memref<1032xi32, #tpu.memory_space<vmem>>, vector<16xi32>,
      %get3A_118 = vector.shape_cast %get3A_117 : vector<16xi32> to vector<16xi32>
      %mul3A_119 = arith.constant -371520463 : i32
      %mul3A_120 = vector.broadcast %mul3A_119 : i32 to vector<16xi32>
      %mul3A_121 = arith.muli %get3A_100, %mul3A_120 : vector<16xi32>
      %mul3A_122 = arith.constant 1000000007 : i32
      %mul3A_123 = vector.broadcast %mul3A_122 : i32 to vector<16xi32>
      %mul3A_124 = arith.muli %get3A_105, %mul3A_123 : vector<16xi32>
      %add3A_125 = arith.addi %mul3A_121, %mul3A_124 : vector<16xi32>
      %add3A_126 = arith.addi %add3A_125, %get3A_110 : vector<16xi32>
      %mul3A_127 = arith.constant -585760937 : i32
      %mul3A_128 = vector.broadcast %mul3A_127 : i32 to vector<16xi32>
      %mul3A_129 = arith.muli %get3A_100, %mul3A_128 : vector<16xi32>
      %mul3A_130 = arith.constant -371520463 : i32
      %mul3A_131 = vector.broadcast %mul3A_130 : i32 to vector<16xi32>
      %mul3A_132 = arith.muli %get3A_105, %mul3A_131 : vector<16xi32>
      %add3A_133 = arith.addi %mul3A_129, %mul3A_132 : vector<16xi32>
      %mul3A_134 = arith.constant 1000000007 : i32
      %mul3A_135 = vector.broadcast %mul3A_134 : i32 to vector<16xi32>
      %mul3A_136 = arith.muli %get3A_110, %mul3A_135 : vector<16xi32>
      %add3A_137 = arith.addi %add3A_133, %mul3A_136 : vector<16xi32>
      %add3A_138 = arith.addi %add3A_137, %get3A_115 : vector<16xi32>
      %mul3A_139 = arith.constant 241869153 : i32
      %mul3A_140 = vector.broadcast %mul3A_139 : i32 to vector<16xi32>
      %mul3A_141 = arith.muli %get3A_100, %mul3A_140 : vector<16xi32>
      %mul3A_142 = arith.constant -585760937 : i32
      %mul3A_143 = vector.broadcast %mul3A_142 : i32 to vector<16xi32>
      %mul3A_144 = arith.muli %get3A_105, %mul3A_143 : vector<16xi32>
      %add3A_145 = arith.addi %mul3A_141, %mul3A_144 : vector<16xi32>
      %mul3A_146 = arith.constant -371520463 : i32
      %mul3A_147 = vector.broadcast %mul3A_146 : i32 to vector<16xi32>
      %mul3A_148 = arith.muli %get3A_110, %mul3A_147 : vector<16xi32>
      %add3A_149 = arith.addi %add3A_145, %mul3A_148 : vector<16xi32>
      %mul3A_150 = arith.constant 1000000007 : i32
      %mul3A_151 = vector.broadcast %mul3A_150 : i32 to vector<16xi32>
      %mul3A_152 = arith.muli %get3A_115, %mul3A_151 : vector<16xi32>
      %add3A_153 = arith.addi %add3A_149, %mul3A_152 : vector<16xi32>
      %add3A_154 = arith.addi %add3A_153, %get3A_118 : vector<16xi32>
      %and3A_155 = arith.constant 32767 : i32
      %and3A_156 = vector.broadcast %and3A_155 : i32 to vector<16xi32>
      %and3A_157 = arith.andi %add3A_126, %and3A_156 : vector<16xi32>
      %swap3A = arith.index_cast %mul3A_96 : i32 to index
      %swap3A_158 = tpu.vector_load %arg8[%swap3A] {strides = array<i32>} : memref<1024xi32, #tpu.memory_space<vmem>>, vector<16xi32>,
      %swap3A_159 = vector.shape_cast %swap3A_158 : vector<16xi32> to vector<16xi32>
      %swap3A_160 = vector.shape_cast %and3A_157 : vector<16xi32> to vector<16xi32>
      tpu.vector_store %arg8[%swap3A], %swap3A_160 {strides = array<i32>} : memref<1024xi32, #tpu.memory_space<vmem>>, vector<16xi32>,
      %and3A_161 = arith.constant 32767 : i32
      %and3A_162 = vector.broadcast %and3A_161 : i32 to vector<16xi32>
      %and3A_163 = arith.andi %add3A_138, %and3A_162 : vector<16xi32>
      %swap3A_164 = arith.index_cast %mul3A_96 : i32 to index
      %swap3A_165 = tpu.vector_load %arg9[%swap3A_164] {strides = array<i32>} : memref<1024xi32, #tpu.memory_space<vmem>>, vector<16xi32>,
      %swap3A_166 = vector.shape_cast %swap3A_165 : vector<16xi32> to vector<16xi32>
      %swap3A_167 = vector.shape_cast %and3A_163 : vector<16xi32> to vector<16xi32>
      tpu.vector_store %arg9[%swap3A_164], %swap3A_167 {strides = array<i32>} : memref<1024xi32, #tpu.memory_space<vmem>>, vector<16xi32>,
      %and3A_168 = arith.constant 32767 : i32
      %and3A_169 = vector.broadcast %and3A_168 : i32 to vector<16xi32>
      %and3A_170 = arith.andi %add3A_154, %and3A_169 : vector<16xi32>
      %swap3A_171 = arith.index_cast %mul3A_96 : i32 to index
      %swap3A_172 = tpu.vector_load %arg10[%swap3A_171] {strides = array<i32>} : memref<1024xi32, #tpu.memory_space<vmem>>, vector<16xi32>,
      %swap3A_173 = vector.shape_cast %swap3A_172 : vector<16xi32> to vector<16xi32>
      %swap3A_174 = vector.shape_cast %and3A_170 : vector<16xi32> to vector<16xi32>
      tpu.vector_store %arg10[%swap3A_171], %swap3A_174 {strides = array<i32>} : memref<1024xi32, #tpu.memory_space<vmem>>, vector<16xi32>,
      %while3A_175 = arith.constant 0 : i32
      scf.yield %while3A_175 : i32
    }
    %while3A_75 = arith.constant 1 : i32
    %while3A_76 = scf.for %while3A_93 = %while3A_72 to %while3A_68 step %while3A_75 iter_args(%while3A_94 = %while3A_74) -> (i32)  : i32 {
      %mul3A_95 = arith.constant 16 : i32
      %mul3A_96 = arith.muli %while3A_93, %mul3A_95 : i32
      %add3A_97 = arith.constant 4 : i32
      %add3A_98 = arith.addi %mul3A_96, %add3A_97 : i32
      %get3A = arith.index_cast %add3A_98 : i32 to index
      %get3A_99 = tpu.vector_load %arg7[%get3A] {strides = array<i32>} : memref<1032xi32, #tpu.memory_space<vmem>>, vector<16xi32>,
      %get3A_100 = vector.shape_cast %get3A_99 : vector<16xi32> to vector<16xi32>
      %add3A_101 = arith.constant 3 : i32
      %add3A_102 = arith.addi %mul3A_96, %add3A_101 : i32
      %get3A_103 = arith.index_cast %add3A_102 : i32 to index
      %get3A_104 = tpu.vector_load %arg7[%get3A_103] {strides = array<i32>} : memref<1032xi32, #tpu.memory_space<vmem>>, vector<16xi32>,
      %get3A_105 = vector.shape_cast %get3A_104 : vector<16xi32> to vector<16xi32>
      %add3A_106 = arith.constant 2 : i32
      %add3A_107 = arith.addi %mul3A_96, %add3A_106 : i32
      %get3A_108 = arith.index_cast %add3A_107 : i32 to index
      %get3A_109 = tpu.vector_load %arg7[%get3A_108] {strides = array<i32>} : memref<1032xi32, #tpu.memory_space<vmem>>, vector<16xi32>,
      %get3A_110 = vector.shape_cast %get3A_109 : vector<16xi32> to vector<16xi32>
      %add3A_111 = arith.constant 1 : i32
      %add3A_112 = arith.addi %mul3A_96, %add3A_111 : i32
      %get3A_113 = arith.index_cast %add3A_112 : i32 to index
      %get3A_114 = tpu.vector_load %arg7[%get3A_113] {strides = array<i32>} : memref<1032xi32, #tpu.memory_space<vmem>>, vector<16xi32>,
      %get3A_115 = vector.shape_cast %get3A_114 : vector<16xi32> to vector<16xi32>
      %get3A_116 = arith.index_cast %mul3A_96 : i32 to index
      %get3A_117 = tpu.vector_load %arg7[%get3A_116] {strides = array<i32>} : memref<1032xi32, #tpu.memory_space<vmem>>, vector<16xi32>,
      %get3A_118 = vector.shape_cast %get3A_117 : vector<16xi32> to vector<16xi32>
      %mul3A_119 = arith.constant -371520463 : i32
      %mul3A_120 = vector.broadcast %mul3A_119 : i32 to vector<16xi32>
      %mul3A_121 = arith.muli %get3A_100, %mul3A_120 : vector<16xi32>
      %mul3A_122 = arith.constant 1000000007 : i32
      %mul3A_123 = vector.broadcast %mul3A_122 : i32 to vector<16xi32>
      %mul3A_124 = arith.muli %get3A_105, %mul3A_123 : vector<16xi32>
      %add3A_125 = arith.addi %mul3A_121, %mul3A_124 : vector<16xi32>
      %add3A_126 = arith.addi %add3A_125, %get3A_110 : vector<16xi32>
      %mul3A_127 = arith.constant -585760937 : i32
      %mul3A_128 = vector.broadcast %mul3A_127 : i32 to vector<16xi32>
      %mul3A_129 = arith.muli %get3A_100, %mul3A_128 : vector<16xi32>
      %mul3A_130 = arith.constant -371520463 : i32
      %mul3A_131 = vector.broadcast %mul3A_130 : i32 to vector<16xi32>
      %mul3A_132 = arith.muli %get3A_105, %mul3A_131 : vector<16xi32>
      %add3A_133 = arith.addi %mul3A_129, %mul3A_132 : vector<16xi32>
      %mul3A_134 = arith.constant 1000000007 : i32
      %mul3A_135 = vector.broadcast %mul3A_134 : i32 to vector<16xi32>
      %mul3A_136 = arith.muli %get3A_110, %mul3A_135 : vector<16xi32>
      %add3A_137 = arith.addi %add3A_133, %mul3A_136 : vector<16xi32>
      %add3A_138 = arith.addi %add3A_137, %get3A_115 : vector<16xi32>
      %mul3A_139 = arith.constant 241869153 : i32
      %mul3A_140 = vector.broadcast %mul3A_139 : i32 to vector<16xi32>
      %mul3A_141 = arith.muli %get3A_100, %mul3A_140 : vector<16xi32>
      %mul3A_142 = arith.constant -585760937 : i32
      %mul3A_143 = vector.broadcast %mul3A_142 : i32 to vector<16xi32>
      %mul3A_144 = arith.muli %get3A_105, %mul3A_143 : vector<16xi32>
      %add3A_145 = arith.addi %mul3A_141, %mul3A_144 : vector<16xi32>
      %mul3A_146 = arith.constant -371520463 : i32
      %mul3A_147 = vector.broadcast %mul3A_146 : i32 to vector<16xi32>
      %mul3A_148 = arith.muli %get3A_110, %mul3A_147 : vector<16xi32>
      %add3A_149 = arith.addi %add3A_145, %mul3A_148 : vector<16xi32>
      %mul3A_150 = arith.constant 1000000007 : i32
      %mul3A_151 = vector.broadcast %mul3A_150 : i32 to vector<16xi32>
      %mul3A_152 = arith.muli %get3A_115, %mul3A_151 : vector<16xi32>
      %add3A_153 = arith.addi %add3A_149, %mul3A_152 : vector<16xi32>
      %add3A_154 = arith.addi %add3A_153, %get3A_118 : vector<16xi32>
      %and3A_155 = arith.constant 32767 : i32
      %and3A_156 = vector.broadcast %and3A_155 : i32 to vector<16xi32>
      %and3A_157 = arith.andi %add3A_126, %and3A_156 : vector<16xi32>
      %swap3A = arith.index_cast %mul3A_96 : i32 to index
      %swap3A_158 = tpu.vector_load %arg8[%swap3A] {strides = array<i32>} : memref<1024xi32, #tpu.memory_space<vmem>>, vector<16xi32>,
      %swap3A_159 = vector.shape_cast %swap3A_158 : vector<16xi32> to vector<16xi32>
      %swap3A_160 = vector.shape_cast %and3A_157 : vector<16xi32> to vector<16xi32>
      tpu.vector_store %arg8[%swap3A], %swap3A_160 {strides = array<i32>} : memref<1024xi32, #tpu.memory_space<vmem>>, vector<16xi32>,
      %and3A_161 = arith.constant 32767 : i32
      %and3A_162 = vector.broadcast %and3A_161 : i32 to vector<16xi32>
      %and3A_163 = arith.andi %add3A_138, %and3A_162 : vector<16xi32>
      %swap3A_164 = arith.index_cast %mul3A_96 : i32 to index
      %swap3A_165 = tpu.vector_load %arg9[%swap3A_164] {strides = array<i32>} : memref<1024xi32, #tpu.memory_space<vmem>>, vector<16xi32>,
      %swap3A_166 = vector.shape_cast %swap3A_165 : vector<16xi32> to vector<16xi32>
      %swap3A_167 = vector.shape_cast %and3A_163 : vector<16xi32> to vector<16xi32>
      tpu.vector_store %arg9[%swap3A_164], %swap3A_167 {strides = array<i32>} : memref<1024xi32, #tpu.memory_space<vmem>>, vector<16xi32>,
      %and3A_168 = arith.constant 32767 : i32
      %and3A_169 = vector.broadcast %and3A_168 : i32 to vector<16xi32>
      %and3A_170 = arith.andi %add3A_154, %and3A_169 : vector<16xi32>
      %swap3A_171 = arith.index_cast %mul3A_96 : i32 to index
      %swap3A_172 = tpu.vector_load %arg10[%swap3A_171] {strides = array<i32>} : memref<1024xi32, #tpu.memory_space<vmem>>, vector<16xi32>,
      %swap3A_173 = vector.shape_cast %swap3A_172 : vector<16xi32> to vector<16xi32>
      %swap3A_174 = vector.shape_cast %and3A_170 : vector<16xi32> to vector<16xi32>
      tpu.vector_store %arg10[%swap3A_171], %swap3A_174 {strides = array<i32>} : memref<1024xi32, #tpu.memory_space<vmem>>, vector<16xi32>,
      %while3A_175 = arith.constant 0 : i32
      scf.yield %while3A_175 : i32
    }
    %while3A_77 = arith.constant 0 : i32
    %while3A_78 = arith.constant 16 : i32
    %while3A_79 = arith.constant 0 : i32
    %while3A_80 = arith.subi %while3A_78, %while3A_77 : i32
    %while3A_81 = arith.addi %while3A_77, %while3A_80 : i32
    %while3A_82 = arith.constant 1 : i32
    %while3A_83 = arith.divsi %while3A_80, %while3A_82 : i32
    %while3A_84 = arith.muli %while3A_83, %while3A_82 : i32
    %while3A_85 = arith.addi %while3A_77, %while3A_84 : i32
    %while3A_86 = arith.constant 1 : i32
    %while3A_87 = scf.for %while3A_93 = %while3A_77 to %while3A_85 step %while3A_86 iter_args(%while3A_94 = %while3A_79) -> (i32)  : i32 {
      %mul3A_95 = arith.constant 64 : i32
      %mul3A_96 = arith.muli %while3A_93, %mul3A_95 : i32
      %add3A_97 = arith.constant 32 : i32
      %add3A_98 = arith.addi %mul3A_96, %add3A_97 : i32
      %gt3A = arith.constant 0 : i32
      %gt3A_99 = arith.cmpi sgt, %while3A_93, %gt3A : i32
      %convert_element_type3A = arith.extui %gt3A_99 : i1 to i32
      %cond3A = arith.constant 0 : i32
      %cond3A_100 = arith.cmpi ne, %convert_element_type3A, %cond3A : i32
      scf.if %cond3A_100 {
        %dma_wait3A_189 = arith.constant 0 : i32
        %dma_wait3A_190 = tpu.memref_slice %arg6[%mul3A_49, %dma_wait3A_189] : memref<32768x512xf32, #tpu.memory_space<hbm>> -> memref<32x512xf32, #tpu.memory_space<hbm>>
        %dma_wait3A_191 = arith.constant 0 : i32
        %dma_wait3A_192 = tpu.memref_slice %arg6[%mul3A_49, %dma_wait3A_191] : memref<32768x512xf32, #tpu.memory_space<hbm>> -> memref<32x512xf32, #tpu.memory_space<hbm>>
        tpu.wait_dma2 semaphore(%arg20 : memref<!tpu.dma_semaphore, #tpu.memory_space<semaphore_mem>>) src(%arg14 : memref<32x512xf32, #tpu.memory_space<vmem>>) dst(%dma_wait3A_192 : memref<32x512xf32, #tpu.memory_space<hbm>>)
      } else {
      }
      %dma_start3A_101 = tpu.memref_slice %arg8[%add3A_98] : memref<1024xi32, #tpu.memory_space<vmem>> -> memref<32xi32, #tpu.memory_space<vmem>>
      %dma_start3A_102 = arith.constant 0 : i32
      %dma_start3A_103 = arith.constant 0 : i32
      %dma_start3A_104 = tpu.memref_slice %arg3[%dma_start3A_102, %dma_start3A_103] : memref<32768x512xf32, #tpu.memory_space<hbm>> -> memref<32768x512xf32, #tpu.memory_space<hbm>>
      tpu.enqueue_indirect_dma source(%dma_start3A_104 : memref<32768x512xf32, #tpu.memory_space<hbm>>) target(%arg14 : memref<32x512xf32, #tpu.memory_space<vmem>>) offsets(%dma_start3A_101 : memref<32xi32, #tpu.memory_space<vmem>>) semaphore(%arg18 : memref<!tpu.dma_semaphore, #tpu.memory_space<semaphore_mem>>)
      %dma_start3A_105 = tpu.memref_slice %arg9[%add3A_98] : memref<1024xi32, #tpu.memory_space<vmem>> -> memref<32xi32, #tpu.memory_space<vmem>>
      %dma_start3A_106 = arith.constant 0 : i32
      %dma_start3A_107 = arith.constant 0 : i32
      %dma_start3A_108 = tpu.memref_slice %arg4[%dma_start3A_106, %dma_start3A_107] : memref<32768x512xf32, #tpu.memory_space<hbm>> -> memref<32768x512xf32, #tpu.memory_space<hbm>>
      tpu.enqueue_indirect_dma source(%dma_start3A_108 : memref<32768x512xf32, #tpu.memory_space<hbm>>) target(%arg15 : memref<32x512xf32, #tpu.memory_space<vmem>>) offsets(%dma_start3A_105 : memref<32xi32, #tpu.memory_space<vmem>>) semaphore(%arg18 : memref<!tpu.dma_semaphore, #tpu.memory_space<semaphore_mem>>)
      %dma_start3A_109 = tpu.memref_slice %arg10[%add3A_98] : memref<1024xi32, #tpu.memory_space<vmem>> -> memref<32xi32, #tpu.memory_space<vmem>>
      %dma_start3A_110 = arith.constant 0 : i32
      %dma_start3A_111 = arith.constant 0 : i32
      %dma_start3A_112 = tpu.memref_slice %arg5[%dma_start3A_110, %dma_start3A_111] : memref<32768x512xf32, #tpu.memory_space<hbm>> -> memref<32768x512xf32, #tpu.memory_space<hbm>>
      tpu.enqueue_indirect_dma source(%dma_start3A_112 : memref<32768x512xf32, #tpu.memory_space<hbm>>) target(%arg16 : memref<32x512xf32, #tpu.memory_space<vmem>>) offsets(%dma_start3A_109 : memref<32xi32, #tpu.memory_space<vmem>>) semaphore(%arg18 : memref<!tpu.dma_semaphore, #tpu.memory_space<semaphore_mem>>)
      %dma_wait3A_113 = arith.constant 0 : i32
      %dma_wait3A_114 = tpu.memref_slice %arg8[%dma_wait3A_113] : memref<1024xi32, #tpu.memory_space<vmem>> -> memref<32xi32, #tpu.memory_space<vmem>>
      %dma_wait3A_115 = arith.constant 0 : i32
      %dma_wait3A_116 = arith.constant 0 : i32
      %dma_wait3A_117 = tpu.memref_slice %arg3[%dma_wait3A_115, %dma_wait3A_116] : memref<32768x512xf32, #tpu.memory_space<hbm>> -> memref<32768x512xf32, #tpu.memory_space<hbm>>
      tpu.wait_indirect_dma semaphore(%arg17 : memref<!tpu.dma_semaphore, #tpu.memory_space<semaphore_mem>>) src(%dma_wait3A_117 : memref<32768x512xf32, #tpu.memory_space<hbm>>) dst(%arg11 : memref<32x512xf32, #tpu.memory_space<vmem>>)
      %dma_wait3A_118 = arith.constant 0 : i32
      %dma_wait3A_119 = tpu.memref_slice %arg8[%dma_wait3A_118] : memref<1024xi32, #tpu.memory_space<vmem>> -> memref<32xi32, #tpu.memory_space<vmem>>
      %dma_wait3A_120 = arith.constant 0 : i32
      %dma_wait3A_121 = arith.constant 0 : i32
      %dma_wait3A_122 = tpu.memref_slice %arg4[%dma_wait3A_120, %dma_wait3A_121] : memref<32768x512xf32, #tpu.memory_space<hbm>> -> memref<32768x512xf32, #tpu.memory_space<hbm>>
      tpu.wait_indirect_dma semaphore(%arg17 : memref<!tpu.dma_semaphore, #tpu.memory_space<semaphore_mem>>) src(%dma_wait3A_122 : memref<32768x512xf32, #tpu.memory_space<hbm>>) dst(%arg12 : memref<32x512xf32, #tpu.memory_space<vmem>>)
      %dma_wait3A_123 = arith.constant 0 : i32
      %dma_wait3A_124 = tpu.memref_slice %arg8[%dma_wait3A_123] : memref<1024xi32, #tpu.memory_space<vmem>> -> memref<32xi32, #tpu.memory_space<vmem>>
      %dma_wait3A_125 = arith.constant 0 : i32
      %dma_wait3A_126 = arith.constant 0 : i32
      %dma_wait3A_127 = tpu.memref_slice %arg5[%dma_wait3A_125, %dma_wait3A_126] : memref<32768x512xf32, #tpu.memory_space<hbm>> -> memref<32768x512xf32, #tpu.memory_space<hbm>>
      tpu.wait_indirect_dma semaphore(%arg17 : memref<!tpu.dma_semaphore, #tpu.memory_space<semaphore_mem>>) src(%dma_wait3A_127 : memref<32768x512xf32, #tpu.memory_space<hbm>>) dst(%arg13 : memref<32x512xf32, #tpu.memory_space<vmem>>)
      %while3A_128 = arith.constant 0 : i32
      %while3A_129 = arith.constant 32 : i32
      %while3A_130 = arith.constant 0 : i32
      %while3A_131 = arith.subi %while3A_129, %while3A_128 : i32
      %while3A_132 = arith.addi %while3A_128, %while3A_131 : i32
      %while3A_133 = arith.constant 1 : i32
      %while3A_134 = arith.divsi %while3A_131, %while3A_133 : i32
      %while3A_135 = arith.muli %while3A_134, %while3A_133 : i32
      %while3A_136 = arith.addi %while3A_128, %while3A_135 : i32
      %while3A_137 = arith.constant 1 : i32
      %while3A_138 = scf.for %while3A_189 = %while3A_128 to %while3A_136 step %while3A_137 iter_args(%while3A_190 = %while3A_130) -> (i32)  : i32 {
        %get3A = arith.index_cast %while3A_189 : i32 to index
        %get3A_191 = arith.constant 0 : index
        %get3A_192 = tpu.vector_load %arg12[%get3A, %get3A_191] {strides = array<i32>} : memref<32x512xf32, #tpu.memory_space<vmem>>, vector<1x16xf32>,
        %get3A_193 = vector.shape_cast %get3A_192 : vector<1x16xf32> to vector<16xf32>
        %get3A_194 = arith.index_cast %while3A_189 : i32 to index
        %get3A_195 = arith.constant 0 : index
        %get3A_196 = tpu.vector_load %arg13[%get3A_194, %get3A_195] {strides = array<i32>} : memref<32x512xf32, #tpu.memory_space<vmem>>, vector<1x16xf32>,
        %get3A_197 = vector.shape_cast %get3A_196 : vector<1x16xf32> to vector<16xf32>
        %add3A_198 = arith.addf %get3A_193, %get3A_197 : vector<16xf32>
        %swap3A = arith.index_cast %while3A_189 : i32 to index
        %swap3A_199 = arith.constant 0 : index
        %swap3A_200 = tpu.vector_load %arg11[%swap3A, %swap3A_199] {strides = array<i32>} : memref<32x512xf32, #tpu.memory_space<vmem>>, vector<1x16xf32>,
        %swap3A_201 = vector.shape_cast %swap3A_200 : vector<1x16xf32> to vector<16xf32>
        %swap3A_202 = vector.shape_cast %add3A_198 : vector<16xf32> to vector<1x16xf32>
        tpu.vector_store %arg11[%swap3A, %swap3A_199], %swap3A_202 {add = true, strides = array<i32>} : memref<32x512xf32, #tpu.memory_space<vmem>>, vector<1x16xf32>,
        %get3A_203 = arith.index_cast %while3A_189 : i32 to index
        %get3A_204 = arith.constant 16 : index
        %get3A_205 = tpu.vector_load %arg12[%get3A_203, %get3A_204] {strides = array<i32>} : memref<32x512xf32, #tpu.memory_space<vmem>>, vector<1x16xf32>,
        %get3A_206 = vector.shape_cast %get3A_205 : vector<1x16xf32> to vector<16xf32>
        %get3A_207 = arith.index_cast %while3A_189 : i32 to index
        %get3A_208 = arith.constant 16 : index
        %get3A_209 = tpu.vector_load %arg13[%get3A_207, %get3A_208] {strides = array<i32>} : memref<32x512xf32, #tpu.memory_space<vmem>>, vector<1x16xf32>,
        %get3A_210 = vector.shape_cast %get3A_209 : vector<1x16xf32> to vector<16xf32>
        %add3A_211 = arith.addf %get3A_206, %get3A_210 : vector<16xf32>
        %swap3A_212 = arith.index_cast %while3A_189 : i32 to index
        %swap3A_213 = arith.constant 16 : index
        %swap3A_214 = tpu.vector_load %arg11[%swap3A_212, %swap3A_213] {strides = array<i32>} : memref<32x512xf32, #tpu.memory_space<vmem>>, vector<1x16xf32>,
        %swap3A_215 = vector.shape_cast %swap3A_214 : vector<1x16xf32> to vector<16xf32>
        %swap3A_216 = vector.shape_cast %add3A_211 : vector<16xf32> to vector<1x16xf32>
        tpu.vector_store %arg11[%swap3A_212, %swap3A_213], %swap3A_216 {add = true, strides = array<i32>} : memref<32x512xf32, #tpu.memory_space<vmem>>, vector<1x16xf32>,
        %get3A_217 = arith.index_cast %while3A_189 : i32 to index
        %get3A_218 = arith.constant 32 : index
        %get3A_219 = tpu.vector_load %arg12[%get3A_217, %get3A_218] {strides = array<i32>} : memref<32x512xf32, #tpu.memory_space<vmem>>, vector<1x16xf32>,
        %get3A_220 = vector.shape_cast %get3A_219 : vector<1x16xf32> to vector<16xf32>
        %get3A_221 = arith.index_cast %while3A_189 : i32 to index
        %get3A_222 = arith.constant 32 : index
        %get3A_223 = tpu.vector_load %arg13[%get3A_221, %get3A_222] {strides = array<i32>} : memref<32x512xf32, #tpu.memory_space<vmem>>, vector<1x16xf32>,
        %get3A_224 = vector.shape_cast %get3A_223 : vector<1x16xf32> to vector<16xf32>
        %add3A_225 = arith.addf %get3A_220, %get3A_224 : vector<16xf32>
        %swap3A_226 = arith.index_cast %while3A_189 : i32 to index
        %swap3A_227 = arith.constant 32 : index
        %swap3A_228 = tpu.vector_load %arg11[%swap3A_226, %swap3A_227] {strides = array<i32>} : memref<32x512xf32, #tpu.memory_space<vmem>>, vector<1x16xf32>,
        %swap3A_229 = vector.shape_cast %swap3A_228 : vector<1x16xf32> to vector<16xf32>
        %swap3A_230 = vector.shape_cast %add3A_225 : vector<16xf32> to vector<1x16xf32>
        tpu.vector_store %arg11[%swap3A_226, %swap3A_227], %swap3A_230 {add = true, strides = array<i32>} : memref<32x512xf32, #tpu.memory_space<vmem>>, vector<1x16xf32>,
        %get3A_231 = arith.index_cast %while3A_189 : i32 to index
        %get3A_232 = arith.constant 48 : index
        %get3A_233 = tpu.vector_load %arg12[%get3A_231, %get3A_232] {strides = array<i32>} : memref<32x512xf32, #tpu.memory_space<vmem>>, vector<1x16xf32>,
        %get3A_234 = vector.shape_cast %get3A_233 : vector<1x16xf32> to vector<16xf32>
        %get3A_235 = arith.index_cast %while3A_189 : i32 to index
        %get3A_236 = arith.constant 48 : index
        %get3A_237 = tpu.vector_load %arg13[%get3A_235, %get3A_236] {strides = array<i32>} : memref<32x512xf32, #tpu.memory_space<vmem>>, vector<1x16xf32>,
        %get3A_238 = vector.shape_cast %get3A_237 : vector<1x16xf32> to vector<16xf32>
        %add3A_239 = arith.addf %get3A_234, %get3A_238 : vector<16xf32>
        %swap3A_240 = arith.index_cast %while3A_189 : i32 to index
        %swap3A_241 = arith.constant 48 : index
        %swap3A_242 = tpu.vector_load %arg11[%swap3A_240, %swap3A_241] {strides = array<i32>} : memref<32x512xf32, #tpu.memory_space<vmem>>, vector<1x16xf32>,
        %swap3A_243 = vector.shape_cast %swap3A_242 : vector<1x16xf32> to vector<16xf32>
        %swap3A_244 = vector.shape_cast %add3A_239 : vector<16xf32> to vector<1x16xf32>
        tpu.vector_store %arg11[%swap3A_240, %swap3A_241], %swap3A_244 {add = true, strides = array<i32>} : memref<32x512xf32, #tpu.memory_space<vmem>>, vector<1x16xf32>,
        %get3A_245 = arith.index_cast %while3A_189 : i32 to index
        %get3A_246 = arith.constant 64 : index
        %get3A_247 = tpu.vector_load %arg12[%get3A_245, %get3A_246] {strides = array<i32>} : memref<32x512xf32, #tpu.memory_space<vmem>>, vector<1x16xf32>,
        %get3A_248 = vector.shape_cast %get3A_247 : vector<1x16xf32> to vector<16xf32>
        %get3A_249 = arith.index_cast %while3A_189 : i32 to index
        %get3A_250 = arith.constant 64 : index
        %get3A_251 = tpu.vector_load %arg13[%get3A_249, %get3A_250] {strides = array<i32>} : memref<32x512xf32, #tpu.memory_space<vmem>>, vector<1x16xf32>,
        %get3A_252 = vector.shape_cast %get3A_251 : vector<1x16xf32> to vector<16xf32>
        %add3A_253 = arith.addf %get3A_248, %get3A_252 : vector<16xf32>
        %swap3A_254 = arith.index_cast %while3A_189 : i32 to index
        %swap3A_255 = arith.constant 64 : index
        %swap3A_256 = tpu.vector_load %arg11[%swap3A_254, %swap3A_255] {strides = array<i32>} : memref<32x512xf32, #tpu.memory_space<vmem>>, vector<1x16xf32>,
        %swap3A_257 = vector.shape_cast %swap3A_256 : vector<1x16xf32> to vector<16xf32>
        %swap3A_258 = vector.shape_cast %add3A_253 : vector<16xf32> to vector<1x16xf32>
        tpu.vector_store %arg11[%swap3A_254, %swap3A_255], %swap3A_258 {add = true, strides = array<i32>} : memref<32x512xf32, #tpu.memory_space<vmem>>, vector<1x16xf32>,
        %get3A_259 = arith.index_cast %while3A_189 : i32 to index
        %get3A_260 = arith.constant 80 : index
        %get3A_261 = tpu.vector_load %arg12[%get3A_259, %get3A_260] {strides = array<i32>} : memref<32x512xf32, #tpu.memory_space<vmem>>, vector<1x16xf32>,
        %get3A_262 = vector.shape_cast %get3A_261 : vector<1x16xf32> to vector<16xf32>
        %get3A_263 = arith.index_cast %while3A_189 : i32 to index
        %get3A_264 = arith.constant 80 : index
        %get3A_265 = tpu.vector_load %arg13[%get3A_263, %get3A_264] {strides = array<i32>} : memref<32x512xf32, #tpu.memory_space<vmem>>, vector<1x16xf32>,
        %get3A_266 = vector.shape_cast %get3A_265 : vector<1x16xf32> to vector<16xf32>
        %add3A_267 = arith.addf %get3A_262, %get3A_266 : vector<16xf32>
        %swap3A_268 = arith.index_cast %while3A_189 : i32 to index
        %swap3A_269 = arith.constant 80 : index
        %swap3A_270 = tpu.vector_load %arg11[%swap3A_268, %swap3A_269] {strides = array<i32>} : memref<32x512xf32, #tpu.memory_space<vmem>>, vector<1x16xf32>,
        %swap3A_271 = vector.shape_cast %swap3A_270 : vector<1x16xf32> to vector<16xf32>
        %swap3A_272 = vector.shape_cast %add3A_267 : vector<16xf32> to vector<1x16xf32>
        tpu.vector_store %arg11[%swap3A_268, %swap3A_269], %swap3A_272 {add = true, strides = array<i32>} : memref<32x512xf32, #tpu.memory_space<vmem>>, vector<1x16xf32>,
        %get3A_273 = arith.index_cast %while3A_189 : i32 to index
        %get3A_274 = arith.constant 96 : index
        %get3A_275 = tpu.vector_load %arg12[%get3A_273, %get3A_274] {strides = array<i32>} : memref<32x512xf32, #tpu.memory_space<vmem>>, vector<1x16xf32>,
        %get3A_276 = vector.shape_cast %get3A_275 : vector<1x16xf32> to vector<16xf32>
        %get3A_277 = arith.index_cast %while3A_189 : i32 to index
        %get3A_278 = arith.constant 96 : index
        %get3A_279 = tpu.vector_load %arg13[%get3A_277, %get3A_278] {strides = array<i32>} : memref<32x512xf32, #tpu.memory_space<vmem>>, vector<1x16xf32>,
        %get3A_280 = vector.shape_cast %get3A_279 : vector<1x16xf32> to vector<16xf32>
        %add3A_281 = arith.addf %get3A_276, %get3A_280 : vector<16xf32>
        %swap3A_282 = arith.index_cast %while3A_189 : i32 to index
        %swap3A_283 = arith.constant 96 : index
        %swap3A_284 = tpu.vector_load %arg11[%swap3A_282, %swap3A_283] {strides = array<i32>} : memref<32x512xf32, #tpu.memory_space<vmem>>, vector<1x16xf32>,
        %swap3A_285 = vector.shape_cast %swap3A_284 : vector<1x16xf32> to vector<16xf32>
        %swap3A_286 = vector.shape_cast %add3A_281 : vector<16xf32> to vector<1x16xf32>
        tpu.vector_store %arg11[%swap3A_282, %swap3A_283], %swap3A_286 {add = true, strides = array<i32>} : memref<32x512xf32, #tpu.memory_space<vmem>>, vector<1x16xf32>,
        %get3A_287 = arith.index_cast %while3A_189 : i32 to index
        %get3A_288 = arith.constant 112 : index
        %get3A_289 = tpu.vector_load %arg12[%get3A_287, %get3A_288] {strides = array<i32>} : memref<32x512xf32, #tpu.memory_space<vmem>>, vector<1x16xf32>,
        %get3A_290 = vector.shape_cast %get3A_289 : vector<1x16xf32> to vector<16xf32>
        %get3A_291 = arith.index_cast %while3A_189 : i32 to index
        %get3A_292 = arith.constant 112 : index
        %get3A_293 = tpu.vector_load %arg13[%get3A_291, %get3A_292] {strides = array<i32>} : memref<32x512xf32, #tpu.memory_space<vmem>>, vector<1x16xf32>,
        %get3A_294 = vector.shape_cast %get3A_293 : vector<1x16xf32> to vector<16xf32>
        %add3A_295 = arith.addf %get3A_290, %get3A_294 : vector<16xf32>
        %swap3A_296 = arith.index_cast %while3A_189 : i32 to index
        %swap3A_297 = arith.constant 112 : index
        %swap3A_298 = tpu.vector_load %arg11[%swap3A_296, %swap3A_297] {strides = array<i32>} : memref<32x512xf32, #tpu.memory_space<vmem>>, vector<1x16xf32>,
        %swap3A_299 = vector.shape_cast %swap3A_298 : vector<1x16xf32> to vector<16xf32>
        %swap3A_300 = vector.shape_cast %add3A_295 : vector<16xf32> to vector<1x16xf32>
        tpu.vector_store %arg11[%swap3A_296, %swap3A_297], %swap3A_300 {add = true, strides = array<i32>} : memref<32x512xf32, #tpu.memory_space<vmem>>, vector<1x16xf32>,
        %get3A_301 = arith.index_cast %while3A_189 : i32 to index
        %get3A_302 = arith.constant 128 : index
        %get3A_303 = tpu.vector_load %arg12[%get3A_301, %get3A_302] {strides = array<i32>} : memref<32x512xf32, #tpu.memory_space<vmem>>, vector<1x16xf32>,
        %get3A_304 = vector.shape_cast %get3A_303 : vector<1x16xf32> to vector<16xf32>
        %get3A_305 = arith.index_cast %while3A_189 : i32 to index
        %get3A_306 = arith.constant 128 : index
        %get3A_307 = tpu.vector_load %arg13[%get3A_305, %get3A_306] {strides = array<i32>} : memref<32x512xf32, #tpu.memory_space<vmem>>, vector<1x16xf32>,
        %get3A_308 = vector.shape_cast %get3A_307 : vector<1x16xf32> to vector<16xf32>
        %add3A_309 = arith.addf %get3A_304, %get3A_308 : vector<16xf32>
        %swap3A_310 = arith.index_cast %while3A_189 : i32 to index
        %swap3A_311 = arith.constant 128 : index
        %swap3A_312 = tpu.vector_load %arg11[%swap3A_310, %swap3A_311] {strides = array<i32>} : memref<32x512xf32, #tpu.memory_space<vmem>>, vector<1x16xf32>,
        %swap3A_313 = vector.shape_cast %swap3A_312 : vector<1x16xf32> to vector<16xf32>
        %swap3A_314 = vector.shape_cast %add3A_309 : vector<16xf32> to vector<1x16xf32>
        tpu.vector_store %arg11[%swap3A_310, %swap3A_311], %swap3A_314 {add = true, strides = array<i32>} : memref<32x512xf32, #tpu.memory_space<vmem>>, vector<1x16xf32>,
        %get3A_315 = arith.index_cast %while3A_189 : i32 to index
        %get3A_316 = arith.constant 144 : index
        %get3A_317 = tpu.vector_load %arg12[%get3A_315, %get3A_316] {strides = array<i32>} : memref<32x512xf32, #tpu.memory_space<vmem>>, vector<1x16xf32>,
        %get3A_318 = vector.shape_cast %get3A_317 : vector<1x16xf32> to vector<16xf32>
        %get3A_319 = arith.index_cast %while3A_189 : i32 to index
        %get3A_320 = arith.constant 144 : index
        %get3A_321 = tpu.vector_load %arg13[%get3A_319, %get3A_320] {strides = array<i32>} : memref<32x512xf32, #tpu.memory_space<vmem>>, vector<1x16xf32>,
        %get3A_322 = vector.shape_cast %get3A_321 : vector<1x16xf32> to vector<16xf32>
        %add3A_323 = arith.addf %get3A_318, %get3A_322 : vector<16xf32>
        %swap3A_324 = arith.index_cast %while3A_189 : i32 to index
        %swap3A_325 = arith.constant 144 : index
        %swap3A_326 = tpu.vector_load %arg11[%swap3A_324, %swap3A_325] {strides = array<i32>} : memref<32x512xf32, #tpu.memory_space<vmem>>, vector<1x16xf32>,
        %swap3A_327 = vector.shape_cast %swap3A_326 : vector<1x16xf32> to vector<16xf32>
        %swap3A_328 = vector.shape_cast %add3A_323 : vector<16xf32> to vector<1x16xf32>
        tpu.vector_store %arg11[%swap3A_324, %swap3A_325], %swap3A_328 {add = true, strides = array<i32>} : memref<32x512xf32, #tpu.memory_space<vmem>>, vector<1x16xf32>,
        %get3A_329 = arith.index_cast %while3A_189 : i32 to index
        %get3A_330 = arith.constant 160 : index
        %get3A_331 = tpu.vector_load %arg12[%get3A_329, %get3A_330] {strides = array<i32>} : memref<32x512xf32, #tpu.memory_space<vmem>>, vector<1x16xf32>,
        %get3A_332 = vector.shape_cast %get3A_331 : vector<1x16xf32> to vector<16xf32>
        %get3A_333 = arith.index_cast %while3A_189 : i32 to index
        %get3A_334 = arith.constant 160 : index
        %get3A_335 = tpu.vector_load %arg13[%get3A_333, %get3A_334] {strides = array<i32>} : memref<32x512xf32, #tpu.memory_space<vmem>>, vector<1x16xf32>,
        %get3A_336 = vector.shape_cast %get3A_335 : vector<1x16xf32> to vector<16xf32>
        %add3A_337 = arith.addf %get3A_332, %get3A_336 : vector<16xf32>
        %swap3A_338 = arith.index_cast %while3A_189 : i32 to index
        %swap3A_339 = arith.constant 160 : index
        %swap3A_340 = tpu.vector_load %arg11[%swap3A_338, %swap3A_339] {strides = array<i32>} : memref<32x512xf32, #tpu.memory_space<vmem>>, vector<1x16xf32>,
        %swap3A_341 = vector.shape_cast %swap3A_340 : vector<1x16xf32> to vector<16xf32>
        %swap3A_342 = vector.shape_cast %add3A_337 : vector<16xf32> to vector<1x16xf32>
        tpu.vector_store %arg11[%swap3A_338, %swap3A_339], %swap3A_342 {add = true, strides = array<i32>} : memref<32x512xf32, #tpu.memory_space<vmem>>, vector<1x16xf32>,
        %get3A_343 = arith.index_cast %while3A_189 : i32 to index
        %get3A_344 = arith.constant 176 : index
        %get3A_345 = tpu.vector_load %arg12[%get3A_343, %get3A_344] {strides = array<i32>} : memref<32x512xf32, #tpu.memory_space<vmem>>, vector<1x16xf32>,
        %get3A_346 = vector.shape_cast %get3A_345 : vector<1x16xf32> to vector<16xf32>
        %get3A_347 = arith.index_cast %while3A_189 : i32 to index
        %get3A_348 = arith.constant 176 : index
        %get3A_349 = tpu.vector_load %arg13[%get3A_347, %get3A_348] {strides = array<i32>} : memref<32x512xf32, #tpu.memory_space<vmem>>, vector<1x16xf32>,
        %get3A_350 = vector.shape_cast %get3A_349 : vector<1x16xf32> to vector<16xf32>
        %add3A_351 = arith.addf %get3A_346, %get3A_350 : vector<16xf32>
        %swap3A_352 = arith.index_cast %while3A_189 : i32 to index
        %swap3A_353 = arith.constant 176 : index
        %swap3A_354 = tpu.vector_load %arg11[%swap3A_352, %swap3A_353] {strides = array<i32>} : memref<32x512xf32, #tpu.memory_space<vmem>>, vector<1x16xf32>,
        %swap3A_355 = vector.shape_cast %swap3A_354 : vector<1x16xf32> to vector<16xf32>
        %swap3A_356 = vector.shape_cast %add3A_351 : vector<16xf32> to vector<1x16xf32>
        tpu.vector_store %arg11[%swap3A_352, %swap3A_353], %swap3A_356 {add = true, strides = array<i32>} : memref<32x512xf32, #tpu.memory_space<vmem>>, vector<1x16xf32>,
        %get3A_357 = arith.index_cast %while3A_189 : i32 to index
        %get3A_358 = arith.constant 192 : index
        %get3A_359 = tpu.vector_load %arg12[%get3A_357, %get3A_358] {strides = array<i32>} : memref<32x512xf32, #tpu.memory_space<vmem>>, vector<1x16xf32>,
        %get3A_360 = vector.shape_cast %get3A_359 : vector<1x16xf32> to vector<16xf32>
        %get3A_361 = arith.index_cast %while3A_189 : i32 to index
        %get3A_362 = arith.constant 192 : index
        %get3A_363 = tpu.vector_load %arg13[%get3A_361, %get3A_362] {strides = array<i32>} : memref<32x512xf32, #tpu.memory_space<vmem>>, vector<1x16xf32>,
        %get3A_364 = vector.shape_cast %get3A_363 : vector<1x16xf32> to vector<16xf32>
        %add3A_365 = arith.addf %get3A_360, %get3A_364 : vector<16xf32>
        %swap3A_366 = arith.index_cast %while3A_189 : i32 to index
        %swap3A_367 = arith.constant 192 : index
        %swap3A_368 = tpu.vector_load %arg11[%swap3A_366, %swap3A_367] {strides = array<i32>} : memref<32x512xf32, #tpu.memory_space<vmem>>, vector<1x16xf32>,
        %swap3A_369 = vector.shape_cast %swap3A_368 : vector<1x16xf32> to vector<16xf32>
        %swap3A_370 = vector.shape_cast %add3A_365 : vector<16xf32> to vector<1x16xf32>
        tpu.vector_store %arg11[%swap3A_366, %swap3A_367], %swap3A_370 {add = true, strides = array<i32>} : memref<32x512xf32, #tpu.memory_space<vmem>>, vector<1x16xf32>,
        %get3A_371 = arith.index_cast %while3A_189 : i32 to index
        %get3A_372 = arith.constant 208 : index
        %get3A_373 = tpu.vector_load %arg12[%get3A_371, %get3A_372] {strides = array<i32>} : memref<32x512xf32, #tpu.memory_space<vmem>>, vector<1x16xf32>,
        %get3A_374 = vector.shape_cast %get3A_373 : vector<1x16xf32> to vector<16xf32>
        %get3A_375 = arith.index_cast %while3A_189 : i32 to index
        %get3A_376 = arith.constant 208 : index
        %get3A_377 = tpu.vector_load %arg13[%get3A_375, %get3A_376] {strides = array<i32>} : memref<32x512xf32, #tpu.memory_space<vmem>>, vector<1x16xf32>,
        %get3A_378 = vector.shape_cast %get3A_377 : vector<1x16xf32> to vector<16xf32>
        %add3A_379 = arith.addf %get3A_374, %get3A_378 : vector<16xf32>
        %swap3A_380 = arith.index_cast %while3A_189 : i32 to index
        %swap3A_381 = arith.constant 208 : index
        %swap3A_382 = tpu.vector_load %arg11[%swap3A_380, %swap3A_381] {strides = array<i32>} : memref<32x512xf32, #tpu.memory_space<vmem>>, vector<1x16xf32>,
        %swap3A_383 = vector.shape_cast %swap3A_382 : vector<1x16xf32> to vector<16xf32>
        %swap3A_384 = vector.shape_cast %add3A_379 : vector<16xf32> to vector<1x16xf32>
        tpu.vector_store %arg11[%swap3A_380, %swap3A_381], %swap3A_384 {add = true, strides = array<i32>} : memref<32x512xf32, #tpu.memory_space<vmem>>, vector<1x16xf32>,
        %get3A_385 = arith.index_cast %while3A_189 : i32 to index
        %get3A_386 = arith.constant 224 : index
        %get3A_387 = tpu.vector_load %arg12[%get3A_385, %get3A_386] {strides = array<i32>} : memref<32x512xf32, #tpu.memory_space<vmem>>, vector<1x16xf32>,
        %get3A_388 = vector.shape_cast %get3A_387 : vector<1x16xf32> to vector<16xf32>
        %get3A_389 = arith.index_cast %while3A_189 : i32 to index
        %get3A_390 = arith.constant 224 : index
        %get3A_391 = tpu.vector_load %arg13[%get3A_389, %get3A_390] {strides = array<i32>} : memref<32x512xf32, #tpu.memory_space<vmem>>, vector<1x16xf32>,
        %get3A_392 = vector.shape_cast %get3A_391 : vector<1x16xf32> to vector<16xf32>
        %add3A_393 = arith.addf %get3A_388, %get3A_392 : vector<16xf32>
        %swap3A_394 = arith.index_cast %while3A_189 : i32 to index
        %swap3A_395 = arith.constant 224 : index
        %swap3A_396 = tpu.vector_load %arg11[%swap3A_394, %swap3A_395] {strides = array<i32>} : memref<32x512xf32, #tpu.memory_space<vmem>>, vector<1x16xf32>,
        %swap3A_397 = vector.shape_cast %swap3A_396 : vector<1x16xf32> to vector<16xf32>
        %swap3A_398 = vector.shape_cast %add3A_393 : vector<16xf32> to vector<1x16xf32>
        tpu.vector_store %arg11[%swap3A_394, %swap3A_395], %swap3A_398 {add = true, strides = array<i32>} : memref<32x512xf32, #tpu.memory_space<vmem>>, vector<1x16xf32>,
        %get3A_399 = arith.index_cast %while3A_189 : i32 to index
        %get3A_400 = arith.constant 240 : index
        %get3A_401 = tpu.vector_load %arg12[%get3A_399, %get3A_400] {strides = array<i32>} : memref<32x512xf32, #tpu.memory_space<vmem>>, vector<1x16xf32>,
        %get3A_402 = vector.shape_cast %get3A_401 : vector<1x16xf32> to vector<16xf32>
        %get3A_403 = arith.index_cast %while3A_189 : i32 to index
        %get3A_404 = arith.constant 240 : index
        %get3A_405 = tpu.vector_load %arg13[%get3A_403, %get3A_404] {strides = array<i32>} : memref<32x512xf32, #tpu.memory_space<vmem>>, vector<1x16xf32>,
        %get3A_406 = vector.shape_cast %get3A_405 : vector<1x16xf32> to vector<16xf32>
        %add3A_407 = arith.addf %get3A_402, %get3A_406 : vector<16xf32>
        %swap3A_408 = arith.index_cast %while3A_189 : i32 to index
        %swap3A_409 = arith.constant 240 : index
        %swap3A_410 = tpu.vector_load %arg11[%swap3A_408, %swap3A_409] {strides = array<i32>} : memref<32x512xf32, #tpu.memory_space<vmem>>, vector<1x16xf32>,
        %swap3A_411 = vector.shape_cast %swap3A_410 : vector<1x16xf32> to vector<16xf32>
        %swap3A_412 = vector.shape_cast %add3A_407 : vector<16xf32> to vector<1x16xf32>
        tpu.vector_store %arg11[%swap3A_408, %swap3A_409], %swap3A_412 {add = true, strides = array<i32>} : memref<32x512xf32, #tpu.memory_space<vmem>>, vector<1x16xf32>,
        %get3A_413 = arith.index_cast %while3A_189 : i32 to index
        %get3A_414 = arith.constant 256 : index
        %get3A_415 = tpu.vector_load %arg12[%get3A_413, %get3A_414] {strides = array<i32>} : memref<32x512xf32, #tpu.memory_space<vmem>>, vector<1x16xf32>,
        %get3A_416 = vector.shape_cast %get3A_415 : vector<1x16xf32> to vector<16xf32>
        %get3A_417 = arith.index_cast %while3A_189 : i32 to index
        %get3A_418 = arith.constant 256 : index
        %get3A_419 = tpu.vector_load %arg13[%get3A_417, %get3A_418] {strides = array<i32>} : memref<32x512xf32, #tpu.memory_space<vmem>>, vector<1x16xf32>,
        %get3A_420 = vector.shape_cast %get3A_419 : vector<1x16xf32> to vector<16xf32>
        %add3A_421 = arith.addf %get3A_416, %get3A_420 : vector<16xf32>
        %swap3A_422 = arith.index_cast %while3A_189 : i32 to index
        %swap3A_423 = arith.constant 256 : index
        %swap3A_424 = tpu.vector_load %arg11[%swap3A_422, %swap3A_423] {strides = array<i32>} : memref<32x512xf32, #tpu.memory_space<vmem>>, vector<1x16xf32>,
        %swap3A_425 = vector.shape_cast %swap3A_424 : vector<1x16xf32> to vector<16xf32>
        %swap3A_426 = vector.shape_cast %add3A_421 : vector<16xf32> to vector<1x16xf32>
        tpu.vector_store %arg11[%swap3A_422, %swap3A_423], %swap3A_426 {add = true, strides = array<i32>} : memref<32x512xf32, #tpu.memory_space<vmem>>, vector<1x16xf32>,
        %get3A_427 = arith.index_cast %while3A_189 : i32 to index
        %get3A_428 = arith.constant 272 : index
        %get3A_429 = tpu.vector_load %arg12[%get3A_427, %get3A_428] {strides = array<i32>} : memref<32x512xf32, #tpu.memory_space<vmem>>, vector<1x16xf32>,
        %get3A_430 = vector.shape_cast %get3A_429 : vector<1x16xf32> to vector<16xf32>
        %get3A_431 = arith.index_cast %while3A_189 : i32 to index
        %get3A_432 = arith.constant 272 : index
        %get3A_433 = tpu.vector_load %arg13[%get3A_431, %get3A_432] {strides = array<i32>} : memref<32x512xf32, #tpu.memory_space<vmem>>, vector<1x16xf32>,
        %get3A_434 = vector.shape_cast %get3A_433 : vector<1x16xf32> to vector<16xf32>
        %add3A_435 = arith.addf %get3A_430, %get3A_434 : vector<16xf32>
        %swap3A_436 = arith.index_cast %while3A_189 : i32 to index
        %swap3A_437 = arith.constant 272 : index
        %swap3A_438 = tpu.vector_load %arg11[%swap3A_436, %swap3A_437] {strides = array<i32>} : memref<32x512xf32, #tpu.memory_space<vmem>>, vector<1x16xf32>,
        %swap3A_439 = vector.shape_cast %swap3A_438 : vector<1x16xf32> to vector<16xf32>
        %swap3A_440 = vector.shape_cast %add3A_435 : vector<16xf32> to vector<1x16xf32>
        tpu.vector_store %arg11[%swap3A_436, %swap3A_437], %swap3A_440 {add = true, strides = array<i32>} : memref<32x512xf32, #tpu.memory_space<vmem>>, vector<1x16xf32>,
        %get3A_441 = arith.index_cast %while3A_189 : i32 to index
        %get3A_442 = arith.constant 288 : index
        %get3A_443 = tpu.vector_load %arg12[%get3A_441, %get3A_442] {strides = array<i32>} : memref<32x512xf32, #tpu.memory_space<vmem>>, vector<1x16xf32>,
        %get3A_444 = vector.shape_cast %get3A_443 : vector<1x16xf32> to vector<16xf32>
        %get3A_445 = arith.index_cast %while3A_189 : i32 to index
        %get3A_446 = arith.constant 288 : index
        %get3A_447 = tpu.vector_load %arg13[%get3A_445, %get3A_446] {strides = array<i32>} : memref<32x512xf32, #tpu.memory_space<vmem>>, vector<1x16xf32>,
        %get3A_448 = vector.shape_cast %get3A_447 : vector<1x16xf32> to vector<16xf32>
        %add3A_449 = arith.addf %get3A_444, %get3A_448 : vector<16xf32>
        %swap3A_450 = arith.index_cast %while3A_189 : i32 to index
        %swap3A_451 = arith.constant 288 : index
        %swap3A_452 = tpu.vector_load %arg11[%swap3A_450, %swap3A_451] {strides = array<i32>} : memref<32x512xf32, #tpu.memory_space<vmem>>, vector<1x16xf32>,
        %swap3A_453 = vector.shape_cast %swap3A_452 : vector<1x16xf32> to vector<16xf32>
        %swap3A_454 = vector.shape_cast %add3A_449 : vector<16xf32> to vector<1x16xf32>
        tpu.vector_store %arg11[%swap3A_450, %swap3A_451], %swap3A_454 {add = true, strides = array<i32>} : memref<32x512xf32, #tpu.memory_space<vmem>>, vector<1x16xf32>,
        %get3A_455 = arith.index_cast %while3A_189 : i32 to index
        %get3A_456 = arith.constant 304 : index
        %get3A_457 = tpu.vector_load %arg12[%get3A_455, %get3A_456] {strides = array<i32>} : memref<32x512xf32, #tpu.memory_space<vmem>>, vector<1x16xf32>,
        %get3A_458 = vector.shape_cast %get3A_457 : vector<1x16xf32> to vector<16xf32>
        %get3A_459 = arith.index_cast %while3A_189 : i32 to index
        %get3A_460 = arith.constant 304 : index
        %get3A_461 = tpu.vector_load %arg13[%get3A_459, %get3A_460] {strides = array<i32>} : memref<32x512xf32, #tpu.memory_space<vmem>>, vector<1x16xf32>,
        %get3A_462 = vector.shape_cast %get3A_461 : vector<1x16xf32> to vector<16xf32>
        %add3A_463 = arith.addf %get3A_458, %get3A_462 : vector<16xf32>
        %swap3A_464 = arith.index_cast %while3A_189 : i32 to index
        %swap3A_465 = arith.constant 304 : index
        %swap3A_466 = tpu.vector_load %arg11[%swap3A_464, %swap3A_465] {strides = array<i32>} : memref<32x512xf32, #tpu.memory_space<vmem>>, vector<1x16xf32>,
        %swap3A_467 = vector.shape_cast %swap3A_466 : vector<1x16xf32> to vector<16xf32>
        %swap3A_468 = vector.shape_cast %add3A_463 : vector<16xf32> to vector<1x16xf32>
        tpu.vector_store %arg11[%swap3A_464, %swap3A_465], %swap3A_468 {add = true, strides = array<i32>} : memref<32x512xf32, #tpu.memory_space<vmem>>, vector<1x16xf32>,
        %get3A_469 = arith.index_cast %while3A_189 : i32 to index
        %get3A_470 = arith.constant 320 : index
        %get3A_471 = tpu.vector_load %arg12[%get3A_469, %get3A_470] {strides = array<i32>} : memref<32x512xf32, #tpu.memory_space<vmem>>, vector<1x16xf32>,
        %get3A_472 = vector.shape_cast %get3A_471 : vector<1x16xf32> to vector<16xf32>
        %get3A_473 = arith.index_cast %while3A_189 : i32 to index
        %get3A_474 = arith.constant 320 : index
        %get3A_475 = tpu.vector_load %arg13[%get3A_473, %get3A_474] {strides = array<i32>} : memref<32x512xf32, #tpu.memory_space<vmem>>, vector<1x16xf32>,
        %get3A_476 = vector.shape_cast %get3A_475 : vector<1x16xf32> to vector<16xf32>
        %add3A_477 = arith.addf %get3A_472, %get3A_476 : vector<16xf32>
        %swap3A_478 = arith.index_cast %while3A_189 : i32 to index
        %swap3A_479 = arith.constant 320 : index
        %swap3A_480 = tpu.vector_load %arg11[%swap3A_478, %swap3A_479] {strides = array<i32>} : memref<32x512xf32, #tpu.memory_space<vmem>>, vector<1x16xf32>,
        %swap3A_481 = vector.shape_cast %swap3A_480 : vector<1x16xf32> to vector<16xf32>
        %swap3A_482 = vector.shape_cast %add3A_477 : vector<16xf32> to vector<1x16xf32>
        tpu.vector_store %arg11[%swap3A_478, %swap3A_479], %swap3A_482 {add = true, strides = array<i32>} : memref<32x512xf32, #tpu.memory_space<vmem>>, vector<1x16xf32>,
        %get3A_483 = arith.index_cast %while3A_189 : i32 to index
        %get3A_484 = arith.constant 336 : index
        %get3A_485 = tpu.vector_load %arg12[%get3A_483, %get3A_484] {strides = array<i32>} : memref<32x512xf32, #tpu.memory_space<vmem>>, vector<1x16xf32>,
        %get3A_486 = vector.shape_cast %get3A_485 : vector<1x16xf32> to vector<16xf32>
        %get3A_487 = arith.index_cast %while3A_189 : i32 to index
        %get3A_488 = arith.constant 336 : index
        %get3A_489 = tpu.vector_load %arg13[%get3A_487, %get3A_488] {strides = array<i32>} : memref<32x512xf32, #tpu.memory_space<vmem>>, vector<1x16xf32>,
        %get3A_490 = vector.shape_cast %get3A_489 : vector<1x16xf32> to vector<16xf32>
        %add3A_491 = arith.addf %get3A_486, %get3A_490 : vector<16xf32>
        %swap3A_492 = arith.index_cast %while3A_189 : i32 to index
        %swap3A_493 = arith.constant 336 : index
        %swap3A_494 = tpu.vector_load %arg11[%swap3A_492, %swap3A_493] {strides = array<i32>} : memref<32x512xf32, #tpu.memory_space<vmem>>, vector<1x16xf32>,
        %swap3A_495 = vector.shape_cast %swap3A_494 : vector<1x16xf32> to vector<16xf32>
        %swap3A_496 = vector.shape_cast %add3A_491 : vector<16xf32> to vector<1x16xf32>
        tpu.vector_store %arg11[%swap3A_492, %swap3A_493], %swap3A_496 {add = true, strides = array<i32>} : memref<32x512xf32, #tpu.memory_space<vmem>>, vector<1x16xf32>,
        %get3A_497 = arith.index_cast %while3A_189 : i32 to index
        %get3A_498 = arith.constant 352 : index
        %get3A_499 = tpu.vector_load %arg12[%get3A_497, %get3A_498] {strides = array<i32>} : memref<32x512xf32, #tpu.memory_space<vmem>>, vector<1x16xf32>,
        %get3A_500 = vector.shape_cast %get3A_499 : vector<1x16xf32> to vector<16xf32>
        %get3A_501 = arith.index_cast %while3A_189 : i32 to index
        %get3A_502 = arith.constant 352 : index
        %get3A_503 = tpu.vector_load %arg13[%get3A_501, %get3A_502] {strides = array<i32>} : memref<32x512xf32, #tpu.memory_space<vmem>>, vector<1x16xf32>,
        %get3A_504 = vector.shape_cast %get3A_503 : vector<1x16xf32> to vector<16xf32>
        %add3A_505 = arith.addf %get3A_500, %get3A_504 : vector<16xf32>
        %swap3A_506 = arith.index_cast %while3A_189 : i32 to index
        %swap3A_507 = arith.constant 352 : index
        %swap3A_508 = tpu.vector_load %arg11[%swap3A_506, %swap3A_507] {strides = array<i32>} : memref<32x512xf32, #tpu.memory_space<vmem>>, vector<1x16xf32>,
        %swap3A_509 = vector.shape_cast %swap3A_508 : vector<1x16xf32> to vector<16xf32>
        %swap3A_510 = vector.shape_cast %add3A_505 : vector<16xf32> to vector<1x16xf32>
        tpu.vector_store %arg11[%swap3A_506, %swap3A_507], %swap3A_510 {add = true, strides = array<i32>} : memref<32x512xf32, #tpu.memory_space<vmem>>, vector<1x16xf32>,
        %get3A_511 = arith.index_cast %while3A_189 : i32 to index
        %get3A_512 = arith.constant 368 : index
        %get3A_513 = tpu.vector_load %arg12[%get3A_511, %get3A_512] {strides = array<i32>} : memref<32x512xf32, #tpu.memory_space<vmem>>, vector<1x16xf32>,
        %get3A_514 = vector.shape_cast %get3A_513 : vector<1x16xf32> to vector<16xf32>
        %get3A_515 = arith.index_cast %while3A_189 : i32 to index
        %get3A_516 = arith.constant 368 : index
        %get3A_517 = tpu.vector_load %arg13[%get3A_515, %get3A_516] {strides = array<i32>} : memref<32x512xf32, #tpu.memory_space<vmem>>, vector<1x16xf32>,
        %get3A_518 = vector.shape_cast %get3A_517 : vector<1x16xf32> to vector<16xf32>
        %add3A_519 = arith.addf %get3A_514, %get3A_518 : vector<16xf32>
        %swap3A_520 = arith.index_cast %while3A_189 : i32 to index
        %swap3A_521 = arith.constant 368 : index
        %swap3A_522 = tpu.vector_load %arg11[%swap3A_520, %swap3A_521] {strides = array<i32>} : memref<32x512xf32, #tpu.memory_space<vmem>>, vector<1x16xf32>,
        %swap3A_523 = vector.shape_cast %swap3A_522 : vector<1x16xf32> to vector<16xf32>
        %swap3A_524 = vector.shape_cast %add3A_519 : vector<16xf32> to vector<1x16xf32>
        tpu.vector_store %arg11[%swap3A_520, %swap3A_521], %swap3A_524 {add = true, strides = array<i32>} : memref<32x512xf32, #tpu.memory_space<vmem>>, vector<1x16xf32>,
        %get3A_525 = arith.index_cast %while3A_189 : i32 to index
        %get3A_526 = arith.constant 384 : index
        %get3A_527 = tpu.vector_load %arg12[%get3A_525, %get3A_526] {strides = array<i32>} : memref<32x512xf32, #tpu.memory_space<vmem>>, vector<1x16xf32>,
        %get3A_528 = vector.shape_cast %get3A_527 : vector<1x16xf32> to vector<16xf32>
        %get3A_529 = arith.index_cast %while3A_189 : i32 to index
        %get3A_530 = arith.constant 384 : index
        %get3A_531 = tpu.vector_load %arg13[%get3A_529, %get3A_530] {strides = array<i32>} : memref<32x512xf32, #tpu.memory_space<vmem>>, vector<1x16xf32>,
        %get3A_532 = vector.shape_cast %get3A_531 : vector<1x16xf32> to vector<16xf32>
        %add3A_533 = arith.addf %get3A_528, %get3A_532 : vector<16xf32>
        %swap3A_534 = arith.index_cast %while3A_189 : i32 to index
        %swap3A_535 = arith.constant 384 : index
        %swap3A_536 = tpu.vector_load %arg11[%swap3A_534, %swap3A_535] {strides = array<i32>} : memref<32x512xf32, #tpu.memory_space<vmem>>, vector<1x16xf32>,
        %swap3A_537 = vector.shape_cast %swap3A_536 : vector<1x16xf32> to vector<16xf32>
        %swap3A_538 = vector.shape_cast %add3A_533 : vector<16xf32> to vector<1x16xf32>
        tpu.vector_store %arg11[%swap3A_534, %swap3A_535], %swap3A_538 {add = true, strides = array<i32>} : memref<32x512xf32, #tpu.memory_space<vmem>>, vector<1x16xf32>,
        %get3A_539 = arith.index_cast %while3A_189 : i32 to index
        %get3A_540 = arith.constant 400 : index
        %get3A_541 = tpu.vector_load %arg12[%get3A_539, %get3A_540] {strides = array<i32>} : memref<32x512xf32, #tpu.memory_space<vmem>>, vector<1x16xf32>,
        %get3A_542 = vector.shape_cast %get3A_541 : vector<1x16xf32> to vector<16xf32>
        %get3A_543 = arith.index_cast %while3A_189 : i32 to index
        %get3A_544 = arith.constant 400 : index
        %get3A_545 = tpu.vector_load %arg13[%get3A_543, %get3A_544] {strides = array<i32>} : memref<32x512xf32, #tpu.memory_space<vmem>>, vector<1x16xf32>,
        %get3A_546 = vector.shape_cast %get3A_545 : vector<1x16xf32> to vector<16xf32>
        %add3A_547 = arith.addf %get3A_542, %get3A_546 : vector<16xf32>
        %swap3A_548 = arith.index_cast %while3A_189 : i32 to index
        %swap3A_549 = arith.constant 400 : index
        %swap3A_550 = tpu.vector_load %arg11[%swap3A_548, %swap3A_549] {strides = array<i32>} : memref<32x512xf32, #tpu.memory_space<vmem>>, vector<1x16xf32>,
        %swap3A_551 = vector.shape_cast %swap3A_550 : vector<1x16xf32> to vector<16xf32>
        %swap3A_552 = vector.shape_cast %add3A_547 : vector<16xf32> to vector<1x16xf32>
        tpu.vector_store %arg11[%swap3A_548, %swap3A_549], %swap3A_552 {add = true, strides = array<i32>} : memref<32x512xf32, #tpu.memory_space<vmem>>, vector<1x16xf32>,
        %get3A_553 = arith.index_cast %while3A_189 : i32 to index
        %get3A_554 = arith.constant 416 : index
        %get3A_555 = tpu.vector_load %arg12[%get3A_553, %get3A_554] {strides = array<i32>} : memref<32x512xf32, #tpu.memory_space<vmem>>, vector<1x16xf32>,
        %get3A_556 = vector.shape_cast %get3A_555 : vector<1x16xf32> to vector<16xf32>
        %get3A_557 = arith.index_cast %while3A_189 : i32 to index
        %get3A_558 = arith.constant 416 : index
        %get3A_559 = tpu.vector_load %arg13[%get3A_557, %get3A_558] {strides = array<i32>} : memref<32x512xf32, #tpu.memory_space<vmem>>, vector<1x16xf32>,
        %get3A_560 = vector.shape_cast %get3A_559 : vector<1x16xf32> to vector<16xf32>
        %add3A_561 = arith.addf %get3A_556, %get3A_560 : vector<16xf32>
        %swap3A_562 = arith.index_cast %while3A_189 : i32 to index
        %swap3A_563 = arith.constant 416 : index
        %swap3A_564 = tpu.vector_load %arg11[%swap3A_562, %swap3A_563] {strides = array<i32>} : memref<32x512xf32, #tpu.memory_space<vmem>>, vector<1x16xf32>,
        %swap3A_565 = vector.shape_cast %swap3A_564 : vector<1x16xf32> to vector<16xf32>
        %swap3A_566 = vector.shape_cast %add3A_561 : vector<16xf32> to vector<1x16xf32>
        tpu.vector_store %arg11[%swap3A_562, %swap3A_563], %swap3A_566 {add = true, strides = array<i32>} : memref<32x512xf32, #tpu.memory_space<vmem>>, vector<1x16xf32>,
        %get3A_567 = arith.index_cast %while3A_189 : i32 to index
        %get3A_568 = arith.constant 432 : index
        %get3A_569 = tpu.vector_load %arg12[%get3A_567, %get3A_568] {strides = array<i32>} : memref<32x512xf32, #tpu.memory_space<vmem>>, vector<1x16xf32>,
        %get3A_570 = vector.shape_cast %get3A_569 : vector<1x16xf32> to vector<16xf32>
        %get3A_571 = arith.index_cast %while3A_189 : i32 to index
        %get3A_572 = arith.constant 432 : index
        %get3A_573 = tpu.vector_load %arg13[%get3A_571, %get3A_572] {strides = array<i32>} : memref<32x512xf32, #tpu.memory_space<vmem>>, vector<1x16xf32>,
        %get3A_574 = vector.shape_cast %get3A_573 : vector<1x16xf32> to vector<16xf32>
        %add3A_575 = arith.addf %get3A_570, %get3A_574 : vector<16xf32>
        %swap3A_576 = arith.index_cast %while3A_189 : i32 to index
        %swap3A_577 = arith.constant 432 : index
        %swap3A_578 = tpu.vector_load %arg11[%swap3A_576, %swap3A_577] {strides = array<i32>} : memref<32x512xf32, #tpu.memory_space<vmem>>, vector<1x16xf32>,
        %swap3A_579 = vector.shape_cast %swap3A_578 : vector<1x16xf32> to vector<16xf32>
        %swap3A_580 = vector.shape_cast %add3A_575 : vector<16xf32> to vector<1x16xf32>
        tpu.vector_store %arg11[%swap3A_576, %swap3A_577], %swap3A_580 {add = true, strides = array<i32>} : memref<32x512xf32, #tpu.memory_space<vmem>>, vector<1x16xf32>,
        %get3A_581 = arith.index_cast %while3A_189 : i32 to index
        %get3A_582 = arith.constant 448 : index
        %get3A_583 = tpu.vector_load %arg12[%get3A_581, %get3A_582] {strides = array<i32>} : memref<32x512xf32, #tpu.memory_space<vmem>>, vector<1x16xf32>,
        %get3A_584 = vector.shape_cast %get3A_583 : vector<1x16xf32> to vector<16xf32>
        %get3A_585 = arith.index_cast %while3A_189 : i32 to index
        %get3A_586 = arith.constant 448 : index
        %get3A_587 = tpu.vector_load %arg13[%get3A_585, %get3A_586] {strides = array<i32>} : memref<32x512xf32, #tpu.memory_space<vmem>>, vector<1x16xf32>,
        %get3A_588 = vector.shape_cast %get3A_587 : vector<1x16xf32> to vector<16xf32>
        %add3A_589 = arith.addf %get3A_584, %get3A_588 : vector<16xf32>
        %swap3A_590 = arith.index_cast %while3A_189 : i32 to index
        %swap3A_591 = arith.constant 448 : index
        %swap3A_592 = tpu.vector_load %arg11[%swap3A_590, %swap3A_591] {strides = array<i32>} : memref<32x512xf32, #tpu.memory_space<vmem>>, vector<1x16xf32>,
        %swap3A_593 = vector.shape_cast %swap3A_592 : vector<1x16xf32> to vector<16xf32>
        %swap3A_594 = vector.shape_cast %add3A_589 : vector<16xf32> to vector<1x16xf32>
        tpu.vector_store %arg11[%swap3A_590, %swap3A_591], %swap3A_594 {add = true, strides = array<i32>} : memref<32x512xf32, #tpu.memory_space<vmem>>, vector<1x16xf32>,
        %get3A_595 = arith.index_cast %while3A_189 : i32 to index
        %get3A_596 = arith.constant 464 : index
        %get3A_597 = tpu.vector_load %arg12[%get3A_595, %get3A_596] {strides = array<i32>} : memref<32x512xf32, #tpu.memory_space<vmem>>, vector<1x16xf32>,
        %get3A_598 = vector.shape_cast %get3A_597 : vector<1x16xf32> to vector<16xf32>
        %get3A_599 = arith.index_cast %while3A_189 : i32 to index
        %get3A_600 = arith.constant 464 : index
        %get3A_601 = tpu.vector_load %arg13[%get3A_599, %get3A_600] {strides = array<i32>} : memref<32x512xf32, #tpu.memory_space<vmem>>, vector<1x16xf32>,
        %get3A_602 = vector.shape_cast %get3A_601 : vector<1x16xf32> to vector<16xf32>
        %add3A_603 = arith.addf %get3A_598, %get3A_602 : vector<16xf32>
        %swap3A_604 = arith.index_cast %while3A_189 : i32 to index
        %swap3A_605 = arith.constant 464 : index
        %swap3A_606 = tpu.vector_load %arg11[%swap3A_604, %swap3A_605] {strides = array<i32>} : memref<32x512xf32, #tpu.memory_space<vmem>>, vector<1x16xf32>,
        %swap3A_607 = vector.shape_cast %swap3A_606 : vector<1x16xf32> to vector<16xf32>
        %swap3A_608 = vector.shape_cast %add3A_603 : vector<16xf32> to vector<1x16xf32>
        tpu.vector_store %arg11[%swap3A_604, %swap3A_605], %swap3A_608 {add = true, strides = array<i32>} : memref<32x512xf32, #tpu.memory_space<vmem>>, vector<1x16xf32>,
        %get3A_609 = arith.index_cast %while3A_189 : i32 to index
        %get3A_610 = arith.constant 480 : index
        %get3A_611 = tpu.vector_load %arg12[%get3A_609, %get3A_610] {strides = array<i32>} : memref<32x512xf32, #tpu.memory_space<vmem>>, vector<1x16xf32>,
        %get3A_612 = vector.shape_cast %get3A_611 : vector<1x16xf32> to vector<16xf32>
        %get3A_613 = arith.index_cast %while3A_189 : i32 to index
        %get3A_614 = arith.constant 480 : index
        %get3A_615 = tpu.vector_load %arg13[%get3A_613, %get3A_614] {strides = array<i32>} : memref<32x512xf32, #tpu.memory_space<vmem>>, vector<1x16xf32>,
        %get3A_616 = vector.shape_cast %get3A_615 : vector<1x16xf32> to vector<16xf32>
        %add3A_617 = arith.addf %get3A_612, %get3A_616 : vector<16xf32>
        %swap3A_618 = arith.index_cast %while3A_189 : i32 to index
        %swap3A_619 = arith.constant 480 : index
        %swap3A_620 = tpu.vector_load %arg11[%swap3A_618, %swap3A_619] {strides = array<i32>} : memref<32x512xf32, #tpu.memory_space<vmem>>, vector<1x16xf32>,
        %swap3A_621 = vector.shape_cast %swap3A_620 : vector<1x16xf32> to vector<16xf32>
        %swap3A_622 = vector.shape_cast %add3A_617 : vector<16xf32> to vector<1x16xf32>
        tpu.vector_store %arg11[%swap3A_618, %swap3A_619], %swap3A_622 {add = true, strides = array<i32>} : memref<32x512xf32, #tpu.memory_space<vmem>>, vector<1x16xf32>,
        %get3A_623 = arith.index_cast %while3A_189 : i32 to index
        %get3A_624 = arith.constant 496 : index
        %get3A_625 = tpu.vector_load %arg12[%get3A_623, %get3A_624] {strides = array<i32>} : memref<32x512xf32, #tpu.memory_space<vmem>>, vector<1x16xf32>,
        %get3A_626 = vector.shape_cast %get3A_625 : vector<1x16xf32> to vector<16xf32>
        %get3A_627 = arith.index_cast %while3A_189 : i32 to index
        %get3A_628 = arith.constant 496 : index
        %get3A_629 = tpu.vector_load %arg13[%get3A_627, %get3A_628] {strides = array<i32>} : memref<32x512xf32, #tpu.memory_space<vmem>>, vector<1x16xf32>,
        %get3A_630 = vector.shape_cast %get3A_629 : vector<1x16xf32> to vector<16xf32>
        %add3A_631 = arith.addf %get3A_626, %get3A_630 : vector<16xf32>
        %swap3A_632 = arith.index_cast %while3A_189 : i32 to index
        %swap3A_633 = arith.constant 496 : index
        %swap3A_634 = tpu.vector_load %arg11[%swap3A_632, %swap3A_633] {strides = array<i32>} : memref<32x512xf32, #tpu.memory_space<vmem>>, vector<1x16xf32>,
        %swap3A_635 = vector.shape_cast %swap3A_634 : vector<1x16xf32> to vector<16xf32>
        %swap3A_636 = vector.shape_cast %add3A_631 : vector<16xf32> to vector<1x16xf32>
        tpu.vector_store %arg11[%swap3A_632, %swap3A_633], %swap3A_636 {add = true, strides = array<i32>} : memref<32x512xf32, #tpu.memory_space<vmem>>, vector<1x16xf32>,
        %while3A_637 = arith.constant 0 : i32
        scf.yield %while3A_637 : i32
      }
      %while3A_139 = arith.constant 1 : i32
      %while3A_140 = scf.for %while3A_189 = %while3A_136 to %while3A_132 step %while3A_139 iter_args(%while3A_190 = %while3A_138) -> (i32)  : i32 {
        %get3A = arith.index_cast %while3A_189 : i32 to index
        %get3A_191 = arith.constant 0 : index
        %get3A_192 = tpu.vector_load %arg12[%get3A, %get3A_191] {strides = array<i32>} : memref<32x512xf32, #tpu.memory_space<vmem>>, vector<1x16xf32>,
        %get3A_193 = vector.shape_cast %get3A_192 : vector<1x16xf32> to vector<16xf32>
        %get3A_194 = arith.index_cast %while3A_189 : i32 to index
        %get3A_195 = arith.constant 0 : index
        %get3A_196 = tpu.vector_load %arg13[%get3A_194, %get3A_195] {strides = array<i32>} : memref<32x512xf32, #tpu.memory_space<vmem>>, vector<1x16xf32>,
        %get3A_197 = vector.shape_cast %get3A_196 : vector<1x16xf32> to vector<16xf32>
        %add3A_198 = arith.addf %get3A_193, %get3A_197 : vector<16xf32>
        %swap3A = arith.index_cast %while3A_189 : i32 to index
        %swap3A_199 = arith.constant 0 : index
        %swap3A_200 = tpu.vector_load %arg11[%swap3A, %swap3A_199] {strides = array<i32>} : memref<32x512xf32, #tpu.memory_space<vmem>>, vector<1x16xf32>,
        %swap3A_201 = vector.shape_cast %swap3A_200 : vector<1x16xf32> to vector<16xf32>
        %swap3A_202 = vector.shape_cast %add3A_198 : vector<16xf32> to vector<1x16xf32>
        tpu.vector_store %arg11[%swap3A, %swap3A_199], %swap3A_202 {add = true, strides = array<i32>} : memref<32x512xf32, #tpu.memory_space<vmem>>, vector<1x16xf32>,
        %get3A_203 = arith.index_cast %while3A_189 : i32 to index
        %get3A_204 = arith.constant 16 : index
        %get3A_205 = tpu.vector_load %arg12[%get3A_203, %get3A_204] {strides = array<i32>} : memref<32x512xf32, #tpu.memory_space<vmem>>, vector<1x16xf32>,
        %get3A_206 = vector.shape_cast %get3A_205 : vector<1x16xf32> to vector<16xf32>
        %get3A_207 = arith.index_cast %while3A_189 : i32 to index
        %get3A_208 = arith.constant 16 : index
        %get3A_209 = tpu.vector_load %arg13[%get3A_207, %get3A_208] {strides = array<i32>} : memref<32x512xf32, #tpu.memory_space<vmem>>, vector<1x16xf32>,
        %get3A_210 = vector.shape_cast %get3A_209 : vector<1x16xf32> to vector<16xf32>
        %add3A_211 = arith.addf %get3A_206, %get3A_210 : vector<16xf32>
        %swap3A_212 = arith.index_cast %while3A_189 : i32 to index
        %swap3A_213 = arith.constant 16 : index
        %swap3A_214 = tpu.vector_load %arg11[%swap3A_212, %swap3A_213] {strides = array<i32>} : memref<32x512xf32, #tpu.memory_space<vmem>>, vector<1x16xf32>,
        %swap3A_215 = vector.shape_cast %swap3A_214 : vector<1x16xf32> to vector<16xf32>
        %swap3A_216 = vector.shape_cast %add3A_211 : vector<16xf32> to vector<1x16xf32>
        tpu.vector_store %arg11[%swap3A_212, %swap3A_213], %swap3A_216 {add = true, strides = array<i32>} : memref<32x512xf32, #tpu.memory_space<vmem>>, vector<1x16xf32>,
        %get3A_217 = arith.index_cast %while3A_189 : i32 to index
        %get3A_218 = arith.constant 32 : index
        %get3A_219 = tpu.vector_load %arg12[%get3A_217, %get3A_218] {strides = array<i32>} : memref<32x512xf32, #tpu.memory_space<vmem>>, vector<1x16xf32>,
        %get3A_220 = vector.shape_cast %get3A_219 : vector<1x16xf32> to vector<16xf32>
        %get3A_221 = arith.index_cast %while3A_189 : i32 to index
        %get3A_222 = arith.constant 32 : index
        %get3A_223 = tpu.vector_load %arg13[%get3A_221, %get3A_222] {strides = array<i32>} : memref<32x512xf32, #tpu.memory_space<vmem>>, vector<1x16xf32>,
        %get3A_224 = vector.shape_cast %get3A_223 : vector<1x16xf32> to vector<16xf32>
        %add3A_225 = arith.addf %get3A_220, %get3A_224 : vector<16xf32>
        %swap3A_226 = arith.index_cast %while3A_189 : i32 to index
        %swap3A_227 = arith.constant 32 : index
        %swap3A_228 = tpu.vector_load %arg11[%swap3A_226, %swap3A_227] {strides = array<i32>} : memref<32x512xf32, #tpu.memory_space<vmem>>, vector<1x16xf32>,
        %swap3A_229 = vector.shape_cast %swap3A_228 : vector<1x16xf32> to vector<16xf32>
        %swap3A_230 = vector.shape_cast %add3A_225 : vector<16xf32> to vector<1x16xf32>
        tpu.vector_store %arg11[%swap3A_226, %swap3A_227], %swap3A_230 {add = true, strides = array<i32>} : memref<32x512xf32, #tpu.memory_space<vmem>>, vector<1x16xf32>,
        %get3A_231 = arith.index_cast %while3A_189 : i32 to index
        %get3A_232 = arith.constant 48 : index
        %get3A_233 = tpu.vector_load %arg12[%get3A_231, %get3A_232] {strides = array<i32>} : memref<32x512xf32, #tpu.memory_space<vmem>>, vector<1x16xf32>,
        %get3A_234 = vector.shape_cast %get3A_233 : vector<1x16xf32> to vector<16xf32>
        %get3A_235 = arith.index_cast %while3A_189 : i32 to index
        %get3A_236 = arith.constant 48 : index
        %get3A_237 = tpu.vector_load %arg13[%get3A_235, %get3A_236] {strides = array<i32>} : memref<32x512xf32, #tpu.memory_space<vmem>>, vector<1x16xf32>,
        %get3A_238 = vector.shape_cast %get3A_237 : vector<1x16xf32> to vector<16xf32>
        %add3A_239 = arith.addf %get3A_234, %get3A_238 : vector<16xf32>
        %swap3A_240 = arith.index_cast %while3A_189 : i32 to index
        %swap3A_241 = arith.constant 48 : index
        %swap3A_242 = tpu.vector_load %arg11[%swap3A_240, %swap3A_241] {strides = array<i32>} : memref<32x512xf32, #tpu.memory_space<vmem>>, vector<1x16xf32>,
        %swap3A_243 = vector.shape_cast %swap3A_242 : vector<1x16xf32> to vector<16xf32>
        %swap3A_244 = vector.shape_cast %add3A_239 : vector<16xf32> to vector<1x16xf32>
        tpu.vector_store %arg11[%swap3A_240, %swap3A_241], %swap3A_244 {add = true, strides = array<i32>} : memref<32x512xf32, #tpu.memory_space<vmem>>, vector<1x16xf32>,
        %get3A_245 = arith.index_cast %while3A_189 : i32 to index
        %get3A_246 = arith.constant 64 : index
        %get3A_247 = tpu.vector_load %arg12[%get3A_245, %get3A_246] {strides = array<i32>} : memref<32x512xf32, #tpu.memory_space<vmem>>, vector<1x16xf32>,
        %get3A_248 = vector.shape_cast %get3A_247 : vector<1x16xf32> to vector<16xf32>
        %get3A_249 = arith.index_cast %while3A_189 : i32 to index
        %get3A_250 = arith.constant 64 : index
        %get3A_251 = tpu.vector_load %arg13[%get3A_249, %get3A_250] {strides = array<i32>} : memref<32x512xf32, #tpu.memory_space<vmem>>, vector<1x16xf32>,
        %get3A_252 = vector.shape_cast %get3A_251 : vector<1x16xf32> to vector<16xf32>
        %add3A_253 = arith.addf %get3A_248, %get3A_252 : vector<16xf32>
        %swap3A_254 = arith.index_cast %while3A_189 : i32 to index
        %swap3A_255 = arith.constant 64 : index
        %swap3A_256 = tpu.vector_load %arg11[%swap3A_254, %swap3A_255] {strides = array<i32>} : memref<32x512xf32, #tpu.memory_space<vmem>>, vector<1x16xf32>,
        %swap3A_257 = vector.shape_cast %swap3A_256 : vector<1x16xf32> to vector<16xf32>
        %swap3A_258 = vector.shape_cast %add3A_253 : vector<16xf32> to vector<1x16xf32>
        tpu.vector_store %arg11[%swap3A_254, %swap3A_255], %swap3A_258 {add = true, strides = array<i32>} : memref<32x512xf32, #tpu.memory_space<vmem>>, vector<1x16xf32>,
        %get3A_259 = arith.index_cast %while3A_189 : i32 to index
        %get3A_260 = arith.constant 80 : index
        %get3A_261 = tpu.vector_load %arg12[%get3A_259, %get3A_260] {strides = array<i32>} : memref<32x512xf32, #tpu.memory_space<vmem>>, vector<1x16xf32>,
        %get3A_262 = vector.shape_cast %get3A_261 : vector<1x16xf32> to vector<16xf32>
        %get3A_263 = arith.index_cast %while3A_189 : i32 to index
        %get3A_264 = arith.constant 80 : index
        %get3A_265 = tpu.vector_load %arg13[%get3A_263, %get3A_264] {strides = array<i32>} : memref<32x512xf32, #tpu.memory_space<vmem>>, vector<1x16xf32>,
        %get3A_266 = vector.shape_cast %get3A_265 : vector<1x16xf32> to vector<16xf32>
        %add3A_267 = arith.addf %get3A_262, %get3A_266 : vector<16xf32>
        %swap3A_268 = arith.index_cast %while3A_189 : i32 to index
        %swap3A_269 = arith.constant 80 : index
        %swap3A_270 = tpu.vector_load %arg11[%swap3A_268, %swap3A_269] {strides = array<i32>} : memref<32x512xf32, #tpu.memory_space<vmem>>, vector<1x16xf32>,
        %swap3A_271 = vector.shape_cast %swap3A_270 : vector<1x16xf32> to vector<16xf32>
        %swap3A_272 = vector.shape_cast %add3A_267 : vector<16xf32> to vector<1x16xf32>
        tpu.vector_store %arg11[%swap3A_268, %swap3A_269], %swap3A_272 {add = true, strides = array<i32>} : memref<32x512xf32, #tpu.memory_space<vmem>>, vector<1x16xf32>,
        %get3A_273 = arith.index_cast %while3A_189 : i32 to index
        %get3A_274 = arith.constant 96 : index
        %get3A_275 = tpu.vector_load %arg12[%get3A_273, %get3A_274] {strides = array<i32>} : memref<32x512xf32, #tpu.memory_space<vmem>>, vector<1x16xf32>,
        %get3A_276 = vector.shape_cast %get3A_275 : vector<1x16xf32> to vector<16xf32>
        %get3A_277 = arith.index_cast %while3A_189 : i32 to index
        %get3A_278 = arith.constant 96 : index
        %get3A_279 = tpu.vector_load %arg13[%get3A_277, %get3A_278] {strides = array<i32>} : memref<32x512xf32, #tpu.memory_space<vmem>>, vector<1x16xf32>,
        %get3A_280 = vector.shape_cast %get3A_279 : vector<1x16xf32> to vector<16xf32>
        %add3A_281 = arith.addf %get3A_276, %get3A_280 : vector<16xf32>
        %swap3A_282 = arith.index_cast %while3A_189 : i32 to index
        %swap3A_283 = arith.constant 96 : index
        %swap3A_284 = tpu.vector_load %arg11[%swap3A_282, %swap3A_283] {strides = array<i32>} : memref<32x512xf32, #tpu.memory_space<vmem>>, vector<1x16xf32>,
        %swap3A_285 = vector.shape_cast %swap3A_284 : vector<1x16xf32> to vector<16xf32>
        %swap3A_286 = vector.shape_cast %add3A_281 : vector<16xf32> to vector<1x16xf32>
        tpu.vector_store %arg11[%swap3A_282, %swap3A_283], %swap3A_286 {add = true, strides = array<i32>} : memref<32x512xf32, #tpu.memory_space<vmem>>, vector<1x16xf32>,
        %get3A_287 = arith.index_cast %while3A_189 : i32 to index
        %get3A_288 = arith.constant 112 : index
        %get3A_289 = tpu.vector_load %arg12[%get3A_287, %get3A_288] {strides = array<i32>} : memref<32x512xf32, #tpu.memory_space<vmem>>, vector<1x16xf32>,
        %get3A_290 = vector.shape_cast %get3A_289 : vector<1x16xf32> to vector<16xf32>
        %get3A_291 = arith.index_cast %while3A_189 : i32 to index
        %get3A_292 = arith.constant 112 : index
        %get3A_293 = tpu.vector_load %arg13[%get3A_291, %get3A_292] {strides = array<i32>} : memref<32x512xf32, #tpu.memory_space<vmem>>, vector<1x16xf32>,
        %get3A_294 = vector.shape_cast %get3A_293 : vector<1x16xf32> to vector<16xf32>
        %add3A_295 = arith.addf %get3A_290, %get3A_294 : vector<16xf32>
        %swap3A_296 = arith.index_cast %while3A_189 : i32 to index
        %swap3A_297 = arith.constant 112 : index
        %swap3A_298 = tpu.vector_load %arg11[%swap3A_296, %swap3A_297] {strides = array<i32>} : memref<32x512xf32, #tpu.memory_space<vmem>>, vector<1x16xf32>,
        %swap3A_299 = vector.shape_cast %swap3A_298 : vector<1x16xf32> to vector<16xf32>
        %swap3A_300 = vector.shape_cast %add3A_295 : vector<16xf32> to vector<1x16xf32>
        tpu.vector_store %arg11[%swap3A_296, %swap3A_297], %swap3A_300 {add = true, strides = array<i32>} : memref<32x512xf32, #tpu.memory_space<vmem>>, vector<1x16xf32>,
        %get3A_301 = arith.index_cast %while3A_189 : i32 to index
        %get3A_302 = arith.constant 128 : index
        %get3A_303 = tpu.vector_load %arg12[%get3A_301, %get3A_302] {strides = array<i32>} : memref<32x512xf32, #tpu.memory_space<vmem>>, vector<1x16xf32>,
        %get3A_304 = vector.shape_cast %get3A_303 : vector<1x16xf32> to vector<16xf32>
        %get3A_305 = arith.index_cast %while3A_189 : i32 to index
        %get3A_306 = arith.constant 128 : index
        %get3A_307 = tpu.vector_load %arg13[%get3A_305, %get3A_306] {strides = array<i32>} : memref<32x512xf32, #tpu.memory_space<vmem>>, vector<1x16xf32>,
        %get3A_308 = vector.shape_cast %get3A_307 : vector<1x16xf32> to vector<16xf32>
        %add3A_309 = arith.addf %get3A_304, %get3A_308 : vector<16xf32>
        %swap3A_310 = arith.index_cast %while3A_189 : i32 to index
        %swap3A_311 = arith.constant 128 : index
        %swap3A_312 = tpu.vector_load %arg11[%swap3A_310, %swap3A_311] {strides = array<i32>} : memref<32x512xf32, #tpu.memory_space<vmem>>, vector<1x16xf32>,
        %swap3A_313 = vector.shape_cast %swap3A_312 : vector<1x16xf32> to vector<16xf32>
        %swap3A_314 = vector.shape_cast %add3A_309 : vector<16xf32> to vector<1x16xf32>
        tpu.vector_store %arg11[%swap3A_310, %swap3A_311], %swap3A_314 {add = true, strides = array<i32>} : memref<32x512xf32, #tpu.memory_space<vmem>>, vector<1x16xf32>,
        %get3A_315 = arith.index_cast %while3A_189 : i32 to index
        %get3A_316 = arith.constant 144 : index
        %get3A_317 = tpu.vector_load %arg12[%get3A_315, %get3A_316] {strides = array<i32>} : memref<32x512xf32, #tpu.memory_space<vmem>>, vector<1x16xf32>,
        %get3A_318 = vector.shape_cast %get3A_317 : vector<1x16xf32> to vector<16xf32>
        %get3A_319 = arith.index_cast %while3A_189 : i32 to index
        %get3A_320 = arith.constant 144 : index
        %get3A_321 = tpu.vector_load %arg13[%get3A_319, %get3A_320] {strides = array<i32>} : memref<32x512xf32, #tpu.memory_space<vmem>>, vector<1x16xf32>,
        %get3A_322 = vector.shape_cast %get3A_321 : vector<1x16xf32> to vector<16xf32>
        %add3A_323 = arith.addf %get3A_318, %get3A_322 : vector<16xf32>
        %swap3A_324 = arith.index_cast %while3A_189 : i32 to index
        %swap3A_325 = arith.constant 144 : index
        %swap3A_326 = tpu.vector_load %arg11[%swap3A_324, %swap3A_325] {strides = array<i32>} : memref<32x512xf32, #tpu.memory_space<vmem>>, vector<1x16xf32>,
        %swap3A_327 = vector.shape_cast %swap3A_326 : vector<1x16xf32> to vector<16xf32>
        %swap3A_328 = vector.shape_cast %add3A_323 : vector<16xf32> to vector<1x16xf32>
        tpu.vector_store %arg11[%swap3A_324, %swap3A_325], %swap3A_328 {add = true, strides = array<i32>} : memref<32x512xf32, #tpu.memory_space<vmem>>, vector<1x16xf32>,
        %get3A_329 = arith.index_cast %while3A_189 : i32 to index
        %get3A_330 = arith.constant 160 : index
        %get3A_331 = tpu.vector_load %arg12[%get3A_329, %get3A_330] {strides = array<i32>} : memref<32x512xf32, #tpu.memory_space<vmem>>, vector<1x16xf32>,
        %get3A_332 = vector.shape_cast %get3A_331 : vector<1x16xf32> to vector<16xf32>
        %get3A_333 = arith.index_cast %while3A_189 : i32 to index
        %get3A_334 = arith.constant 160 : index
        %get3A_335 = tpu.vector_load %arg13[%get3A_333, %get3A_334] {strides = array<i32>} : memref<32x512xf32, #tpu.memory_space<vmem>>, vector<1x16xf32>,
        %get3A_336 = vector.shape_cast %get3A_335 : vector<1x16xf32> to vector<16xf32>
        %add3A_337 = arith.addf %get3A_332, %get3A_336 : vector<16xf32>
        %swap3A_338 = arith.index_cast %while3A_189 : i32 to index
        %swap3A_339 = arith.constant 160 : index
        %swap3A_340 = tpu.vector_load %arg11[%swap3A_338, %swap3A_339] {strides = array<i32>} : memref<32x512xf32, #tpu.memory_space<vmem>>, vector<1x16xf32>,
        %swap3A_341 = vector.shape_cast %swap3A_340 : vector<1x16xf32> to vector<16xf32>
        %swap3A_342 = vector.shape_cast %add3A_337 : vector<16xf32> to vector<1x16xf32>
        tpu.vector_store %arg11[%swap3A_338, %swap3A_339], %swap3A_342 {add = true, strides = array<i32>} : memref<32x512xf32, #tpu.memory_space<vmem>>, vector<1x16xf32>,
        %get3A_343 = arith.index_cast %while3A_189 : i32 to index
        %get3A_344 = arith.constant 176 : index
        %get3A_345 = tpu.vector_load %arg12[%get3A_343, %get3A_344] {strides = array<i32>} : memref<32x512xf32, #tpu.memory_space<vmem>>, vector<1x16xf32>,
        %get3A_346 = vector.shape_cast %get3A_345 : vector<1x16xf32> to vector<16xf32>
        %get3A_347 = arith.index_cast %while3A_189 : i32 to index
        %get3A_348 = arith.constant 176 : index
        %get3A_349 = tpu.vector_load %arg13[%get3A_347, %get3A_348] {strides = array<i32>} : memref<32x512xf32, #tpu.memory_space<vmem>>, vector<1x16xf32>,
        %get3A_350 = vector.shape_cast %get3A_349 : vector<1x16xf32> to vector<16xf32>
        %add3A_351 = arith.addf %get3A_346, %get3A_350 : vector<16xf32>
        %swap3A_352 = arith.index_cast %while3A_189 : i32 to index
        %swap3A_353 = arith.constant 176 : index
        %swap3A_354 = tpu.vector_load %arg11[%swap3A_352, %swap3A_353] {strides = array<i32>} : memref<32x512xf32, #tpu.memory_space<vmem>>, vector<1x16xf32>,
        %swap3A_355 = vector.shape_cast %swap3A_354 : vector<1x16xf32> to vector<16xf32>
        %swap3A_356 = vector.shape_cast %add3A_351 : vector<16xf32> to vector<1x16xf32>
        tpu.vector_store %arg11[%swap3A_352, %swap3A_353], %swap3A_356 {add = true, strides = array<i32>} : memref<32x512xf32, #tpu.memory_space<vmem>>, vector<1x16xf32>,
        %get3A_357 = arith.index_cast %while3A_189 : i32 to index
        %get3A_358 = arith.constant 192 : index
        %get3A_359 = tpu.vector_load %arg12[%get3A_357, %get3A_358] {strides = array<i32>} : memref<32x512xf32, #tpu.memory_space<vmem>>, vector<1x16xf32>,
        %get3A_360 = vector.shape_cast %get3A_359 : vector<1x16xf32> to vector<16xf32>
        %get3A_361 = arith.index_cast %while3A_189 : i32 to index
        %get3A_362 = arith.constant 192 : index
        %get3A_363 = tpu.vector_load %arg13[%get3A_361, %get3A_362] {strides = array<i32>} : memref<32x512xf32, #tpu.memory_space<vmem>>, vector<1x16xf32>,
        %get3A_364 = vector.shape_cast %get3A_363 : vector<1x16xf32> to vector<16xf32>
        %add3A_365 = arith.addf %get3A_360, %get3A_364 : vector<16xf32>
        %swap3A_366 = arith.index_cast %while3A_189 : i32 to index
        %swap3A_367 = arith.constant 192 : index
        %swap3A_368 = tpu.vector_load %arg11[%swap3A_366, %swap3A_367] {strides = array<i32>} : memref<32x512xf32, #tpu.memory_space<vmem>>, vector<1x16xf32>,
        %swap3A_369 = vector.shape_cast %swap3A_368 : vector<1x16xf32> to vector<16xf32>
        %swap3A_370 = vector.shape_cast %add3A_365 : vector<16xf32> to vector<1x16xf32>
        tpu.vector_store %arg11[%swap3A_366, %swap3A_367], %swap3A_370 {add = true, strides = array<i32>} : memref<32x512xf32, #tpu.memory_space<vmem>>, vector<1x16xf32>,
        %get3A_371 = arith.index_cast %while3A_189 : i32 to index
        %get3A_372 = arith.constant 208 : index
        %get3A_373 = tpu.vector_load %arg12[%get3A_371, %get3A_372] {strides = array<i32>} : memref<32x512xf32, #tpu.memory_space<vmem>>, vector<1x16xf32>,
        %get3A_374 = vector.shape_cast %get3A_373 : vector<1x16xf32> to vector<16xf32>
        %get3A_375 = arith.index_cast %while3A_189 : i32 to index
        %get3A_376 = arith.constant 208 : index
        %get3A_377 = tpu.vector_load %arg13[%get3A_375, %get3A_376] {strides = array<i32>} : memref<32x512xf32, #tpu.memory_space<vmem>>, vector<1x16xf32>,
        %get3A_378 = vector.shape_cast %get3A_377 : vector<1x16xf32> to vector<16xf32>
        %add3A_379 = arith.addf %get3A_374, %get3A_378 : vector<16xf32>
        %swap3A_380 = arith.index_cast %while3A_189 : i32 to index
        %swap3A_381 = arith.constant 208 : index
        %swap3A_382 = tpu.vector_load %arg11[%swap3A_380, %swap3A_381] {strides = array<i32>} : memref<32x512xf32, #tpu.memory_space<vmem>>, vector<1x16xf32>,
        %swap3A_383 = vector.shape_cast %swap3A_382 : vector<1x16xf32> to vector<16xf32>
        %swap3A_384 = vector.shape_cast %add3A_379 : vector<16xf32> to vector<1x16xf32>
        tpu.vector_store %arg11[%swap3A_380, %swap3A_381], %swap3A_384 {add = true, strides = array<i32>} : memref<32x512xf32, #tpu.memory_space<vmem>>, vector<1x16xf32>,
        %get3A_385 = arith.index_cast %while3A_189 : i32 to index
        %get3A_386 = arith.constant 224 : index
        %get3A_387 = tpu.vector_load %arg12[%get3A_385, %get3A_386] {strides = array<i32>} : memref<32x512xf32, #tpu.memory_space<vmem>>, vector<1x16xf32>,
        %get3A_388 = vector.shape_cast %get3A_387 : vector<1x16xf32> to vector<16xf32>
        %get3A_389 = arith.index_cast %while3A_189 : i32 to index
        %get3A_390 = arith.constant 224 : index
        %get3A_391 = tpu.vector_load %arg13[%get3A_389, %get3A_390] {strides = array<i32>} : memref<32x512xf32, #tpu.memory_space<vmem>>, vector<1x16xf32>,
        %get3A_392 = vector.shape_cast %get3A_391 : vector<1x16xf32> to vector<16xf32>
        %add3A_393 = arith.addf %get3A_388, %get3A_392 : vector<16xf32>
        %swap3A_394 = arith.index_cast %while3A_189 : i32 to index
        %swap3A_395 = arith.constant 224 : index
        %swap3A_396 = tpu.vector_load %arg11[%swap3A_394, %swap3A_395] {strides = array<i32>} : memref<32x512xf32, #tpu.memory_space<vmem>>, vector<1x16xf32>,
        %swap3A_397 = vector.shape_cast %swap3A_396 : vector<1x16xf32> to vector<16xf32>
        %swap3A_398 = vector.shape_cast %add3A_393 : vector<16xf32> to vector<1x16xf32>
        tpu.vector_store %arg11[%swap3A_394, %swap3A_395], %swap3A_398 {add = true, strides = array<i32>} : memref<32x512xf32, #tpu.memory_space<vmem>>, vector<1x16xf32>,
        %get3A_399 = arith.index_cast %while3A_189 : i32 to index
        %get3A_400 = arith.constant 240 : index
        %get3A_401 = tpu.vector_load %arg12[%get3A_399, %get3A_400] {strides = array<i32>} : memref<32x512xf32, #tpu.memory_space<vmem>>, vector<1x16xf32>,
        %get3A_402 = vector.shape_cast %get3A_401 : vector<1x16xf32> to vector<16xf32>
        %get3A_403 = arith.index_cast %while3A_189 : i32 to index
        %get3A_404 = arith.constant 240 : index
        %get3A_405 = tpu.vector_load %arg13[%get3A_403, %get3A_404] {strides = array<i32>} : memref<32x512xf32, #tpu.memory_space<vmem>>, vector<1x16xf32>,
        %get3A_406 = vector.shape_cast %get3A_405 : vector<1x16xf32> to vector<16xf32>
        %add3A_407 = arith.addf %get3A_402, %get3A_406 : vector<16xf32>
        %swap3A_408 = arith.index_cast %while3A_189 : i32 to index
        %swap3A_409 = arith.constant 240 : index
        %swap3A_410 = tpu.vector_load %arg11[%swap3A_408, %swap3A_409] {strides = array<i32>} : memref<32x512xf32, #tpu.memory_space<vmem>>, vector<1x16xf32>,
        %swap3A_411 = vector.shape_cast %swap3A_410 : vector<1x16xf32> to vector<16xf32>
        %swap3A_412 = vector.shape_cast %add3A_407 : vector<16xf32> to vector<1x16xf32>
        tpu.vector_store %arg11[%swap3A_408, %swap3A_409], %swap3A_412 {add = true, strides = array<i32>} : memref<32x512xf32, #tpu.memory_space<vmem>>, vector<1x16xf32>,
        %get3A_413 = arith.index_cast %while3A_189 : i32 to index
        %get3A_414 = arith.constant 256 : index
        %get3A_415 = tpu.vector_load %arg12[%get3A_413, %get3A_414] {strides = array<i32>} : memref<32x512xf32, #tpu.memory_space<vmem>>, vector<1x16xf32>,
        %get3A_416 = vector.shape_cast %get3A_415 : vector<1x16xf32> to vector<16xf32>
        %get3A_417 = arith.index_cast %while3A_189 : i32 to index
        %get3A_418 = arith.constant 256 : index
        %get3A_419 = tpu.vector_load %arg13[%get3A_417, %get3A_418] {strides = array<i32>} : memref<32x512xf32, #tpu.memory_space<vmem>>, vector<1x16xf32>,
        %get3A_420 = vector.shape_cast %get3A_419 : vector<1x16xf32> to vector<16xf32>
        %add3A_421 = arith.addf %get3A_416, %get3A_420 : vector<16xf32>
        %swap3A_422 = arith.index_cast %while3A_189 : i32 to index
        %swap3A_423 = arith.constant 256 : index
        %swap3A_424 = tpu.vector_load %arg11[%swap3A_422, %swap3A_423] {strides = array<i32>} : memref<32x512xf32, #tpu.memory_space<vmem>>, vector<1x16xf32>,
        %swap3A_425 = vector.shape_cast %swap3A_424 : vector<1x16xf32> to vector<16xf32>
        %swap3A_426 = vector.shape_cast %add3A_421 : vector<16xf32> to vector<1x16xf32>
        tpu.vector_store %arg11[%swap3A_422, %swap3A_423], %swap3A_426 {add = true, strides = array<i32>} : memref<32x512xf32, #tpu.memory_space<vmem>>, vector<1x16xf32>,
        %get3A_427 = arith.index_cast %while3A_189 : i32 to index
        %get3A_428 = arith.constant 272 : index
        %get3A_429 = tpu.vector_load %arg12[%get3A_427, %get3A_428] {strides = array<i32>} : memref<32x512xf32, #tpu.memory_space<vmem>>, vector<1x16xf32>,
        %get3A_430 = vector.shape_cast %get3A_429 : vector<1x16xf32> to vector<16xf32>
        %get3A_431 = arith.index_cast %while3A_189 : i32 to index
        %get3A_432 = arith.constant 272 : index
        %get3A_433 = tpu.vector_load %arg13[%get3A_431, %get3A_432] {strides = array<i32>} : memref<32x512xf32, #tpu.memory_space<vmem>>, vector<1x16xf32>,
        %get3A_434 = vector.shape_cast %get3A_433 : vector<1x16xf32> to vector<16xf32>
        %add3A_435 = arith.addf %get3A_430, %get3A_434 : vector<16xf32>
        %swap3A_436 = arith.index_cast %while3A_189 : i32 to index
        %swap3A_437 = arith.constant 272 : index
        %swap3A_438 = tpu.vector_load %arg11[%swap3A_436, %swap3A_437] {strides = array<i32>} : memref<32x512xf32, #tpu.memory_space<vmem>>, vector<1x16xf32>,
        %swap3A_439 = vector.shape_cast %swap3A_438 : vector<1x16xf32> to vector<16xf32>
        %swap3A_440 = vector.shape_cast %add3A_435 : vector<16xf32> to vector<1x16xf32>
        tpu.vector_store %arg11[%swap3A_436, %swap3A_437], %swap3A_440 {add = true, strides = array<i32>} : memref<32x512xf32, #tpu.memory_space<vmem>>, vector<1x16xf32>,
        %get3A_441 = arith.index_cast %while3A_189 : i32 to index
        %get3A_442 = arith.constant 288 : index
        %get3A_443 = tpu.vector_load %arg12[%get3A_441, %get3A_442] {strides = array<i32>} : memref<32x512xf32, #tpu.memory_space<vmem>>, vector<1x16xf32>,
        %get3A_444 = vector.shape_cast %get3A_443 : vector<1x16xf32> to vector<16xf32>
        %get3A_445 = arith.index_cast %while3A_189 : i32 to index
        %get3A_446 = arith.constant 288 : index
        %get3A_447 = tpu.vector_load %arg13[%get3A_445, %get3A_446] {strides = array<i32>} : memref<32x512xf32, #tpu.memory_space<vmem>>, vector<1x16xf32>,
        %get3A_448 = vector.shape_cast %get3A_447 : vector<1x16xf32> to vector<16xf32>
        %add3A_449 = arith.addf %get3A_444, %get3A_448 : vector<16xf32>
        %swap3A_450 = arith.index_cast %while3A_189 : i32 to index
        %swap3A_451 = arith.constant 288 : index
        %swap3A_452 = tpu.vector_load %arg11[%swap3A_450, %swap3A_451] {strides = array<i32>} : memref<32x512xf32, #tpu.memory_space<vmem>>, vector<1x16xf32>,
        %swap3A_453 = vector.shape_cast %swap3A_452 : vector<1x16xf32> to vector<16xf32>
        %swap3A_454 = vector.shape_cast %add3A_449 : vector<16xf32> to vector<1x16xf32>
        tpu.vector_store %arg11[%swap3A_450, %swap3A_451], %swap3A_454 {add = true, strides = array<i32>} : memref<32x512xf32, #tpu.memory_space<vmem>>, vector<1x16xf32>,
        %get3A_455 = arith.index_cast %while3A_189 : i32 to index
        %get3A_456 = arith.constant 304 : index
        %get3A_457 = tpu.vector_load %arg12[%get3A_455, %get3A_456] {strides = array<i32>} : memref<32x512xf32, #tpu.memory_space<vmem>>, vector<1x16xf32>,
        %get3A_458 = vector.shape_cast %get3A_457 : vector<1x16xf32> to vector<16xf32>
        %get3A_459 = arith.index_cast %while3A_189 : i32 to index
        %get3A_460 = arith.constant 304 : index
        %get3A_461 = tpu.vector_load %arg13[%get3A_459, %get3A_460] {strides = array<i32>} : memref<32x512xf32, #tpu.memory_space<vmem>>, vector<1x16xf32>,
        %get3A_462 = vector.shape_cast %get3A_461 : vector<1x16xf32> to vector<16xf32>
        %add3A_463 = arith.addf %get3A_458, %get3A_462 : vector<16xf32>
        %swap3A_464 = arith.index_cast %while3A_189 : i32 to index
        %swap3A_465 = arith.constant 304 : index
        %swap3A_466 = tpu.vector_load %arg11[%swap3A_464, %swap3A_465] {strides = array<i32>} : memref<32x512xf32, #tpu.memory_space<vmem>>, vector<1x16xf32>,
        %swap3A_467 = vector.shape_cast %swap3A_466 : vector<1x16xf32> to vector<16xf32>
        %swap3A_468 = vector.shape_cast %add3A_463 : vector<16xf32> to vector<1x16xf32>
        tpu.vector_store %arg11[%swap3A_464, %swap3A_465], %swap3A_468 {add = true, strides = array<i32>} : memref<32x512xf32, #tpu.memory_space<vmem>>, vector<1x16xf32>,
        %get3A_469 = arith.index_cast %while3A_189 : i32 to index
        %get3A_470 = arith.constant 320 : index
        %get3A_471 = tpu.vector_load %arg12[%get3A_469, %get3A_470] {strides = array<i32>} : memref<32x512xf32, #tpu.memory_space<vmem>>, vector<1x16xf32>,
        %get3A_472 = vector.shape_cast %get3A_471 : vector<1x16xf32> to vector<16xf32>
        %get3A_473 = arith.index_cast %while3A_189 : i32 to index
        %get3A_474 = arith.constant 320 : index
        %get3A_475 = tpu.vector_load %arg13[%get3A_473, %get3A_474] {strides = array<i32>} : memref<32x512xf32, #tpu.memory_space<vmem>>, vector<1x16xf32>,
        %get3A_476 = vector.shape_cast %get3A_475 : vector<1x16xf32> to vector<16xf32>
        %add3A_477 = arith.addf %get3A_472, %get3A_476 : vector<16xf32>
        %swap3A_478 = arith.index_cast %while3A_189 : i32 to index
        %swap3A_479 = arith.constant 320 : index
        %swap3A_480 = tpu.vector_load %arg11[%swap3A_478, %swap3A_479] {strides = array<i32>} : memref<32x512xf32, #tpu.memory_space<vmem>>, vector<1x16xf32>,
        %swap3A_481 = vector.shape_cast %swap3A_480 : vector<1x16xf32> to vector<16xf32>
        %swap3A_482 = vector.shape_cast %add3A_477 : vector<16xf32> to vector<1x16xf32>
        tpu.vector_store %arg11[%swap3A_478, %swap3A_479], %swap3A_482 {add = true, strides = array<i32>} : memref<32x512xf32, #tpu.memory_space<vmem>>, vector<1x16xf32>,
        %get3A_483 = arith.index_cast %while3A_189 : i32 to index
        %get3A_484 = arith.constant 336 : index
        %get3A_485 = tpu.vector_load %arg12[%get3A_483, %get3A_484] {strides = array<i32>} : memref<32x512xf32, #tpu.memory_space<vmem>>, vector<1x16xf32>,
        %get3A_486 = vector.shape_cast %get3A_485 : vector<1x16xf32> to vector<16xf32>
        %get3A_487 = arith.index_cast %while3A_189 : i32 to index
        %get3A_488 = arith.constant 336 : index
        %get3A_489 = tpu.vector_load %arg13[%get3A_487, %get3A_488] {strides = array<i32>} : memref<32x512xf32, #tpu.memory_space<vmem>>, vector<1x16xf32>,
        %get3A_490 = vector.shape_cast %get3A_489 : vector<1x16xf32> to vector<16xf32>
        %add3A_491 = arith.addf %get3A_486, %get3A_490 : vector<16xf32>
        %swap3A_492 = arith.index_cast %while3A_189 : i32 to index
        %swap3A_493 = arith.constant 336 : index
        %swap3A_494 = tpu.vector_load %arg11[%swap3A_492, %swap3A_493] {strides = array<i32>} : memref<32x512xf32, #tpu.memory_space<vmem>>, vector<1x16xf32>,
        %swap3A_495 = vector.shape_cast %swap3A_494 : vector<1x16xf32> to vector<16xf32>
        %swap3A_496 = vector.shape_cast %add3A_491 : vector<16xf32> to vector<1x16xf32>
        tpu.vector_store %arg11[%swap3A_492, %swap3A_493], %swap3A_496 {add = true, strides = array<i32>} : memref<32x512xf32, #tpu.memory_space<vmem>>, vector<1x16xf32>,
        %get3A_497 = arith.index_cast %while3A_189 : i32 to index
        %get3A_498 = arith.constant 352 : index
        %get3A_499 = tpu.vector_load %arg12[%get3A_497, %get3A_498] {strides = array<i32>} : memref<32x512xf32, #tpu.memory_space<vmem>>, vector<1x16xf32>,
        %get3A_500 = vector.shape_cast %get3A_499 : vector<1x16xf32> to vector<16xf32>
        %get3A_501 = arith.index_cast %while3A_189 : i32 to index
        %get3A_502 = arith.constant 352 : index
        %get3A_503 = tpu.vector_load %arg13[%get3A_501, %get3A_502] {strides = array<i32>} : memref<32x512xf32, #tpu.memory_space<vmem>>, vector<1x16xf32>,
        %get3A_504 = vector.shape_cast %get3A_503 : vector<1x16xf32> to vector<16xf32>
        %add3A_505 = arith.addf %get3A_500, %get3A_504 : vector<16xf32>
        %swap3A_506 = arith.index_cast %while3A_189 : i32 to index
        %swap3A_507 = arith.constant 352 : index
        %swap3A_508 = tpu.vector_load %arg11[%swap3A_506, %swap3A_507] {strides = array<i32>} : memref<32x512xf32, #tpu.memory_space<vmem>>, vector<1x16xf32>,
        %swap3A_509 = vector.shape_cast %swap3A_508 : vector<1x16xf32> to vector<16xf32>
        %swap3A_510 = vector.shape_cast %add3A_505 : vector<16xf32> to vector<1x16xf32>
        tpu.vector_store %arg11[%swap3A_506, %swap3A_507], %swap3A_510 {add = true, strides = array<i32>} : memref<32x512xf32, #tpu.memory_space<vmem>>, vector<1x16xf32>,
        %get3A_511 = arith.index_cast %while3A_189 : i32 to index
        %get3A_512 = arith.constant 368 : index
        %get3A_513 = tpu.vector_load %arg12[%get3A_511, %get3A_512] {strides = array<i32>} : memref<32x512xf32, #tpu.memory_space<vmem>>, vector<1x16xf32>,
        %get3A_514 = vector.shape_cast %get3A_513 : vector<1x16xf32> to vector<16xf32>
        %get3A_515 = arith.index_cast %while3A_189 : i32 to index
        %get3A_516 = arith.constant 368 : index
        %get3A_517 = tpu.vector_load %arg13[%get3A_515, %get3A_516] {strides = array<i32>} : memref<32x512xf32, #tpu.memory_space<vmem>>, vector<1x16xf32>,
        %get3A_518 = vector.shape_cast %get3A_517 : vector<1x16xf32> to vector<16xf32>
        %add3A_519 = arith.addf %get3A_514, %get3A_518 : vector<16xf32>
        %swap3A_520 = arith.index_cast %while3A_189 : i32 to index
        %swap3A_521 = arith.constant 368 : index
        %swap3A_522 = tpu.vector_load %arg11[%swap3A_520, %swap3A_521] {strides = array<i32>} : memref<32x512xf32, #tpu.memory_space<vmem>>, vector<1x16xf32>,
        %swap3A_523 = vector.shape_cast %swap3A_522 : vector<1x16xf32> to vector<16xf32>
        %swap3A_524 = vector.shape_cast %add3A_519 : vector<16xf32> to vector<1x16xf32>
        tpu.vector_store %arg11[%swap3A_520, %swap3A_521], %swap3A_524 {add = true, strides = array<i32>} : memref<32x512xf32, #tpu.memory_space<vmem>>, vector<1x16xf32>,
        %get3A_525 = arith.index_cast %while3A_189 : i32 to index
        %get3A_526 = arith.constant 384 : index
        %get3A_527 = tpu.vector_load %arg12[%get3A_525, %get3A_526] {strides = array<i32>} : memref<32x512xf32, #tpu.memory_space<vmem>>, vector<1x16xf32>,
        %get3A_528 = vector.shape_cast %get3A_527 : vector<1x16xf32> to vector<16xf32>
        %get3A_529 = arith.index_cast %while3A_189 : i32 to index
        %get3A_530 = arith.constant 384 : index
        %get3A_531 = tpu.vector_load %arg13[%get3A_529, %get3A_530] {strides = array<i32>} : memref<32x512xf32, #tpu.memory_space<vmem>>, vector<1x16xf32>,
        %get3A_532 = vector.shape_cast %get3A_531 : vector<1x16xf32> to vector<16xf32>
        %add3A_533 = arith.addf %get3A_528, %get3A_532 : vector<16xf32>
        %swap3A_534 = arith.index_cast %while3A_189 : i32 to index
        %swap3A_535 = arith.constant 384 : index
        %swap3A_536 = tpu.vector_load %arg11[%swap3A_534, %swap3A_535] {strides = array<i32>} : memref<32x512xf32, #tpu.memory_space<vmem>>, vector<1x16xf32>,
        %swap3A_537 = vector.shape_cast %swap3A_536 : vector<1x16xf32> to vector<16xf32>
        %swap3A_538 = vector.shape_cast %add3A_533 : vector<16xf32> to vector<1x16xf32>
        tpu.vector_store %arg11[%swap3A_534, %swap3A_535], %swap3A_538 {add = true, strides = array<i32>} : memref<32x512xf32, #tpu.memory_space<vmem>>, vector<1x16xf32>,
        %get3A_539 = arith.index_cast %while3A_189 : i32 to index
        %get3A_540 = arith.constant 400 : index
        %get3A_541 = tpu.vector_load %arg12[%get3A_539, %get3A_540] {strides = array<i32>} : memref<32x512xf32, #tpu.memory_space<vmem>>, vector<1x16xf32>,
        %get3A_542 = vector.shape_cast %get3A_541 : vector<1x16xf32> to vector<16xf32>
        %get3A_543 = arith.index_cast %while3A_189 : i32 to index
        %get3A_544 = arith.constant 400 : index
        %get3A_545 = tpu.vector_load %arg13[%get3A_543, %get3A_544] {strides = array<i32>} : memref<32x512xf32, #tpu.memory_space<vmem>>, vector<1x16xf32>,
        %get3A_546 = vector.shape_cast %get3A_545 : vector<1x16xf32> to vector<16xf32>
        %add3A_547 = arith.addf %get3A_542, %get3A_546 : vector<16xf32>
        %swap3A_548 = arith.index_cast %while3A_189 : i32 to index
        %swap3A_549 = arith.constant 400 : index
        %swap3A_550 = tpu.vector_load %arg11[%swap3A_548, %swap3A_549] {strides = array<i32>} : memref<32x512xf32, #tpu.memory_space<vmem>>, vector<1x16xf32>,
        %swap3A_551 = vector.shape_cast %swap3A_550 : vector<1x16xf32> to vector<16xf32>
        %swap3A_552 = vector.shape_cast %add3A_547 : vector<16xf32> to vector<1x16xf32>
        tpu.vector_store %arg11[%swap3A_548, %swap3A_549], %swap3A_552 {add = true, strides = array<i32>} : memref<32x512xf32, #tpu.memory_space<vmem>>, vector<1x16xf32>,
        %get3A_553 = arith.index_cast %while3A_189 : i32 to index
        %get3A_554 = arith.constant 416 : index
        %get3A_555 = tpu.vector_load %arg12[%get3A_553, %get3A_554] {strides = array<i32>} : memref<32x512xf32, #tpu.memory_space<vmem>>, vector<1x16xf32>,
        %get3A_556 = vector.shape_cast %get3A_555 : vector<1x16xf32> to vector<16xf32>
        %get3A_557 = arith.index_cast %while3A_189 : i32 to index
        %get3A_558 = arith.constant 416 : index
        %get3A_559 = tpu.vector_load %arg13[%get3A_557, %get3A_558] {strides = array<i32>} : memref<32x512xf32, #tpu.memory_space<vmem>>, vector<1x16xf32>,
        %get3A_560 = vector.shape_cast %get3A_559 : vector<1x16xf32> to vector<16xf32>
        %add3A_561 = arith.addf %get3A_556, %get3A_560 : vector<16xf32>
        %swap3A_562 = arith.index_cast %while3A_189 : i32 to index
        %swap3A_563 = arith.constant 416 : index
        %swap3A_564 = tpu.vector_load %arg11[%swap3A_562, %swap3A_563] {strides = array<i32>} : memref<32x512xf32, #tpu.memory_space<vmem>>, vector<1x16xf32>,
        %swap3A_565 = vector.shape_cast %swap3A_564 : vector<1x16xf32> to vector<16xf32>
        %swap3A_566 = vector.shape_cast %add3A_561 : vector<16xf32> to vector<1x16xf32>
        tpu.vector_store %arg11[%swap3A_562, %swap3A_563], %swap3A_566 {add = true, strides = array<i32>} : memref<32x512xf32, #tpu.memory_space<vmem>>, vector<1x16xf32>,
        %get3A_567 = arith.index_cast %while3A_189 : i32 to index
        %get3A_568 = arith.constant 432 : index
        %get3A_569 = tpu.vector_load %arg12[%get3A_567, %get3A_568] {strides = array<i32>} : memref<32x512xf32, #tpu.memory_space<vmem>>, vector<1x16xf32>,
        %get3A_570 = vector.shape_cast %get3A_569 : vector<1x16xf32> to vector<16xf32>
        %get3A_571 = arith.index_cast %while3A_189 : i32 to index
        %get3A_572 = arith.constant 432 : index
        %get3A_573 = tpu.vector_load %arg13[%get3A_571, %get3A_572] {strides = array<i32>} : memref<32x512xf32, #tpu.memory_space<vmem>>, vector<1x16xf32>,
        %get3A_574 = vector.shape_cast %get3A_573 : vector<1x16xf32> to vector<16xf32>
        %add3A_575 = arith.addf %get3A_570, %get3A_574 : vector<16xf32>
        %swap3A_576 = arith.index_cast %while3A_189 : i32 to index
        %swap3A_577 = arith.constant 432 : index
        %swap3A_578 = tpu.vector_load %arg11[%swap3A_576, %swap3A_577] {strides = array<i32>} : memref<32x512xf32, #tpu.memory_space<vmem>>, vector<1x16xf32>,
        %swap3A_579 = vector.shape_cast %swap3A_578 : vector<1x16xf32> to vector<16xf32>
        %swap3A_580 = vector.shape_cast %add3A_575 : vector<16xf32> to vector<1x16xf32>
        tpu.vector_store %arg11[%swap3A_576, %swap3A_577], %swap3A_580 {add = true, strides = array<i32>} : memref<32x512xf32, #tpu.memory_space<vmem>>, vector<1x16xf32>,
        %get3A_581 = arith.index_cast %while3A_189 : i32 to index
        %get3A_582 = arith.constant 448 : index
        %get3A_583 = tpu.vector_load %arg12[%get3A_581, %get3A_582] {strides = array<i32>} : memref<32x512xf32, #tpu.memory_space<vmem>>, vector<1x16xf32>,
        %get3A_584 = vector.shape_cast %get3A_583 : vector<1x16xf32> to vector<16xf32>
        %get3A_585 = arith.index_cast %while3A_189 : i32 to index
        %get3A_586 = arith.constant 448 : index
        %get3A_587 = tpu.vector_load %arg13[%get3A_585, %get3A_586] {strides = array<i32>} : memref<32x512xf32, #tpu.memory_space<vmem>>, vector<1x16xf32>,
        %get3A_588 = vector.shape_cast %get3A_587 : vector<1x16xf32> to vector<16xf32>
        %add3A_589 = arith.addf %get3A_584, %get3A_588 : vector<16xf32>
        %swap3A_590 = arith.index_cast %while3A_189 : i32 to index
        %swap3A_591 = arith.constant 448 : index
        %swap3A_592 = tpu.vector_load %arg11[%swap3A_590, %swap3A_591] {strides = array<i32>} : memref<32x512xf32, #tpu.memory_space<vmem>>, vector<1x16xf32>,
        %swap3A_593 = vector.shape_cast %swap3A_592 : vector<1x16xf32> to vector<16xf32>
        %swap3A_594 = vector.shape_cast %add3A_589 : vector<16xf32> to vector<1x16xf32>
        tpu.vector_store %arg11[%swap3A_590, %swap3A_591], %swap3A_594 {add = true, strides = array<i32>} : memref<32x512xf32, #tpu.memory_space<vmem>>, vector<1x16xf32>,
        %get3A_595 = arith.index_cast %while3A_189 : i32 to index
        %get3A_596 = arith.constant 464 : index
        %get3A_597 = tpu.vector_load %arg12[%get3A_595, %get3A_596] {strides = array<i32>} : memref<32x512xf32, #tpu.memory_space<vmem>>, vector<1x16xf32>,
        %get3A_598 = vector.shape_cast %get3A_597 : vector<1x16xf32> to vector<16xf32>
        %get3A_599 = arith.index_cast %while3A_189 : i32 to index
        %get3A_600 = arith.constant 464 : index
        %get3A_601 = tpu.vector_load %arg13[%get3A_599, %get3A_600] {strides = array<i32>} : memref<32x512xf32, #tpu.memory_space<vmem>>, vector<1x16xf32>,
        %get3A_602 = vector.shape_cast %get3A_601 : vector<1x16xf32> to vector<16xf32>
        %add3A_603 = arith.addf %get3A_598, %get3A_602 : vector<16xf32>
        %swap3A_604 = arith.index_cast %while3A_189 : i32 to index
        %swap3A_605 = arith.constant 464 : index
        %swap3A_606 = tpu.vector_load %arg11[%swap3A_604, %swap3A_605] {strides = array<i32>} : memref<32x512xf32, #tpu.memory_space<vmem>>, vector<1x16xf32>,
        %swap3A_607 = vector.shape_cast %swap3A_606 : vector<1x16xf32> to vector<16xf32>
        %swap3A_608 = vector.shape_cast %add3A_603 : vector<16xf32> to vector<1x16xf32>
        tpu.vector_store %arg11[%swap3A_604, %swap3A_605], %swap3A_608 {add = true, strides = array<i32>} : memref<32x512xf32, #tpu.memory_space<vmem>>, vector<1x16xf32>,
        %get3A_609 = arith.index_cast %while3A_189 : i32 to index
        %get3A_610 = arith.constant 480 : index
        %get3A_611 = tpu.vector_load %arg12[%get3A_609, %get3A_610] {strides = array<i32>} : memref<32x512xf32, #tpu.memory_space<vmem>>, vector<1x16xf32>,
        %get3A_612 = vector.shape_cast %get3A_611 : vector<1x16xf32> to vector<16xf32>
        %get3A_613 = arith.index_cast %while3A_189 : i32 to index
        %get3A_614 = arith.constant 480 : index
        %get3A_615 = tpu.vector_load %arg13[%get3A_613, %get3A_614] {strides = array<i32>} : memref<32x512xf32, #tpu.memory_space<vmem>>, vector<1x16xf32>,
        %get3A_616 = vector.shape_cast %get3A_615 : vector<1x16xf32> to vector<16xf32>
        %add3A_617 = arith.addf %get3A_612, %get3A_616 : vector<16xf32>
        %swap3A_618 = arith.index_cast %while3A_189 : i32 to index
        %swap3A_619 = arith.constant 480 : index
        %swap3A_620 = tpu.vector_load %arg11[%swap3A_618, %swap3A_619] {strides = array<i32>} : memref<32x512xf32, #tpu.memory_space<vmem>>, vector<1x16xf32>,
        %swap3A_621 = vector.shape_cast %swap3A_620 : vector<1x16xf32> to vector<16xf32>
        %swap3A_622 = vector.shape_cast %add3A_617 : vector<16xf32> to vector<1x16xf32>
        tpu.vector_store %arg11[%swap3A_618, %swap3A_619], %swap3A_622 {add = true, strides = array<i32>} : memref<32x512xf32, #tpu.memory_space<vmem>>, vector<1x16xf32>,
        %get3A_623 = arith.index_cast %while3A_189 : i32 to index
        %get3A_624 = arith.constant 496 : index
        %get3A_625 = tpu.vector_load %arg12[%get3A_623, %get3A_624] {strides = array<i32>} : memref<32x512xf32, #tpu.memory_space<vmem>>, vector<1x16xf32>,
        %get3A_626 = vector.shape_cast %get3A_625 : vector<1x16xf32> to vector<16xf32>
        %get3A_627 = arith.index_cast %while3A_189 : i32 to index
        %get3A_628 = arith.constant 496 : index
        %get3A_629 = tpu.vector_load %arg13[%get3A_627, %get3A_628] {strides = array<i32>} : memref<32x512xf32, #tpu.memory_space<vmem>>, vector<1x16xf32>,
        %get3A_630 = vector.shape_cast %get3A_629 : vector<1x16xf32> to vector<16xf32>
        %add3A_631 = arith.addf %get3A_626, %get3A_630 : vector<16xf32>
        %swap3A_632 = arith.index_cast %while3A_189 : i32 to index
        %swap3A_633 = arith.constant 496 : index
        %swap3A_634 = tpu.vector_load %arg11[%swap3A_632, %swap3A_633] {strides = array<i32>} : memref<32x512xf32, #tpu.memory_space<vmem>>, vector<1x16xf32>,
        %swap3A_635 = vector.shape_cast %swap3A_634 : vector<1x16xf32> to vector<16xf32>
        %swap3A_636 = vector.shape_cast %add3A_631 : vector<16xf32> to vector<1x16xf32>
        tpu.vector_store %arg11[%swap3A_632, %swap3A_633], %swap3A_636 {add = true, strides = array<i32>} : memref<32x512xf32, #tpu.memory_space<vmem>>, vector<1x16xf32>,
        %while3A_637 = arith.constant 0 : i32
        scf.yield %while3A_637 : i32
      }
      %add3A_141 = arith.addi %mul3A_49, %mul3A_96 : i32
      %dma_start3A_142 = arith.constant 0 : i32
      %dma_start3A_143 = tpu.memref_slice %arg6[%add3A_141, %dma_start3A_142] : memref<32768x512xf32, #tpu.memory_space<hbm>> -> memref<32x512xf32, #tpu.memory_space<hbm>>
      %dma_start3A_144 = arith.constant 0 : i32
      %dma_start3A_145 = tpu.memref_slice %arg6[%add3A_141, %dma_start3A_144] : memref<32768x512xf32, #tpu.memory_space<hbm>> -> memref<32x512xf32, #tpu.memory_space<hbm>>
      tpu.enqueue_dma source(%arg11 : memref<32x512xf32, #tpu.memory_space<vmem>>) target(%dma_start3A_145 : memref<32x512xf32, #tpu.memory_space<hbm>>) target_semaphore(%arg19 : memref<!tpu.dma_semaphore, #tpu.memory_space<semaphore_mem>>)
      %dma_wait3A_146 = arith.constant 0 : i32
      %dma_wait3A_147 = tpu.memref_slice %arg6[%mul3A_49, %dma_wait3A_146] : memref<32768x512xf32, #tpu.memory_space<hbm>> -> memref<32x512xf32, #tpu.memory_space<hbm>>
      %dma_wait3A_148 = arith.constant 0 : i32
      %dma_wait3A_149 = tpu.memref_slice %arg6[%mul3A_49, %dma_wait3A_148] : memref<32768x512xf32, #tpu.memory_space<hbm>> -> memref<32x512xf32, #tpu.memory_space<hbm>>
      tpu.wait_dma2 semaphore(%arg19 : memref<!tpu.dma_semaphore, #tpu.memory_space<semaphore_mem>>) src(%arg11 : memref<32x512xf32, #tpu.memory_space<vmem>>) dst(%dma_wait3A_149 : memref<32x512xf32, #tpu.memory_space<hbm>>)
      %lt3A_150 = arith.constant 15 : i32
      %lt3A_151 = arith.cmpi slt, %while3A_93, %lt3A_150 : i32
      %convert_element_type3A_152 = arith.extui %lt3A_151 : i1 to i32
      %cond3A_153 = arith.constant 0 : i32
      %cond3A_154 = arith.cmpi ne, %convert_element_type3A_152, %cond3A_153 : i32
      scf.if %cond3A_154 {
        %add3A_189 = arith.constant 64 : i32
        %add3A_190 = arith.addi %mul3A_96, %add3A_189 : i32
        %dma_start3A_191 = tpu.memref_slice %arg8[%add3A_190] : memref<1024xi32, #tpu.memory_space<vmem>> -> memref<32xi32, #tpu.memory_space<vmem>>
        %dma_start3A_192 = arith.constant 0 : i32
        %dma_start3A_193 = arith.constant 0 : i32
        %dma_start3A_194 = tpu.memref_slice %arg3[%dma_start3A_192, %dma_start3A_193] : memref<32768x512xf32, #tpu.memory_space<hbm>> -> memref<32768x512xf32, #tpu.memory_space<hbm>>
        tpu.enqueue_indirect_dma source(%dma_start3A_194 : memref<32768x512xf32, #tpu.memory_space<hbm>>) target(%arg11 : memref<32x512xf32, #tpu.memory_space<vmem>>) offsets(%dma_start3A_191 : memref<32xi32, #tpu.memory_space<vmem>>) semaphore(%arg17 : memref<!tpu.dma_semaphore, #tpu.memory_space<semaphore_mem>>)
        %dma_start3A_195 = tpu.memref_slice %arg9[%add3A_190] : memref<1024xi32, #tpu.memory_space<vmem>> -> memref<32xi32, #tpu.memory_space<vmem>>
        %dma_start3A_196 = arith.constant 0 : i32
        %dma_start3A_197 = arith.constant 0 : i32
        %dma_start3A_198 = tpu.memref_slice %arg4[%dma_start3A_196, %dma_start3A_197] : memref<32768x512xf32, #tpu.memory_space<hbm>> -> memref<32768x512xf32, #tpu.memory_space<hbm>>
        tpu.enqueue_indirect_dma source(%dma_start3A_198 : memref<32768x512xf32, #tpu.memory_space<hbm>>) target(%arg12 : memref<32x512xf32, #tpu.memory_space<vmem>>) offsets(%dma_start3A_195 : memref<32xi32, #tpu.memory_space<vmem>>) semaphore(%arg17 : memref<!tpu.dma_semaphore, #tpu.memory_space<semaphore_mem>>)
        %dma_start3A_199 = tpu.memref_slice %arg10[%add3A_190] : memref<1024xi32, #tpu.memory_space<vmem>> -> memref<32xi32, #tpu.memory_space<vmem>>
        %dma_start3A_200 = arith.constant 0 : i32
        %dma_start3A_201 = arith.constant 0 : i32
        %dma_start3A_202 = tpu.memref_slice %arg5[%dma_start3A_200, %dma_start3A_201] : memref<32768x512xf32, #tpu.memory_space<hbm>> -> memref<32768x512xf32, #tpu.memory_space<hbm>>
        tpu.enqueue_indirect_dma source(%dma_start3A_202 : memref<32768x512xf32, #tpu.memory_space<hbm>>) target(%arg13 : memref<32x512xf32, #tpu.memory_space<vmem>>) offsets(%dma_start3A_199 : memref<32xi32, #tpu.memory_space<vmem>>) semaphore(%arg17 : memref<!tpu.dma_semaphore, #tpu.memory_space<semaphore_mem>>)
      } else {
      }
      %dma_wait3A_155 = arith.constant 0 : i32
      %dma_wait3A_156 = tpu.memref_slice %arg8[%dma_wait3A_155] : memref<1024xi32, #tpu.memory_space<vmem>> -> memref<32xi32, #tpu.memory_space<vmem>>
      %dma_wait3A_157 = arith.constant 0 : i32
      %dma_wait3A_158 = arith.constant 0 : i32
      %dma_wait3A_159 = tpu.memref_slice %arg3[%dma_wait3A_157, %dma_wait3A_158] : memref<32768x512xf32, #tpu.memory_space<hbm>> -> memref<32768x512xf32, #tpu.memory_space<hbm>>
      tpu.wait_indirect_dma semaphore(%arg18 : memref<!tpu.dma_semaphore, #tpu.memory_space<semaphore_mem>>) src(%dma_wait3A_159 : memref<32768x512xf32, #tpu.memory_space<hbm>>) dst(%arg14 : memref<32x512xf32, #tpu.memory_space<vmem>>)
      %dma_wait3A_160 = arith.constant 0 : i32
      %dma_wait3A_161 = tpu.memref_slice %arg8[%dma_wait3A_160] : memref<1024xi32, #tpu.memory_space<vmem>> -> memref<32xi32, #tpu.memory_space<vmem>>
      %dma_wait3A_162 = arith.constant 0 : i32
      %dma_wait3A_163 = arith.constant 0 : i32
      %dma_wait3A_164 = tpu.memref_slice %arg4[%dma_wait3A_162, %dma_wait3A_163] : memref<32768x512xf32, #tpu.memory_space<hbm>> -> memref<32768x512xf32, #tpu.memory_space<hbm>>
      tpu.wait_indirect_dma semaphore(%arg18 : memref<!tpu.dma_semaphore, #tpu.memory_space<semaphore_mem>>) src(%dma_wait3A_164 : memref<32768x512xf32, #tpu.memory_space<hbm>>) dst(%arg15 : memref<32x512xf32, #tpu.memory_space<vmem>>)
      %dma_wait3A_165 = arith.constant 0 : i32
      %dma_wait3A_166 = tpu.memref_slice %arg8[%dma_wait3A_165] : memref<1024xi32, #tpu.memory_space<vmem>> -> memref<32xi32, #tpu.memory_space<vmem>>
      %dma_wait3A_167 = arith.constant 0 : i32
      %dma_wait3A_168 = arith.constant 0 : i32
      %dma_wait3A_169 = tpu.memref_slice %arg5[%dma_wait3A_167, %dma_wait3A_168] : memref<32768x512xf32, #tpu.memory_space<hbm>> -> memref<32768x512xf32, #tpu.memory_space<hbm>>
      tpu.wait_indirect_dma semaphore(%arg18 : memref<!tpu.dma_semaphore, #tpu.memory_space<semaphore_mem>>) src(%dma_wait3A_169 : memref<32768x512xf32, #tpu.memory_space<hbm>>) dst(%arg16 : memref<32x512xf32, #tpu.memory_space<vmem>>)
      %while3A_170 = arith.constant 0 : i32
      %while3A_171 = arith.constant 32 : i32
      %while3A_172 = arith.constant 0 : i32
      %while3A_173 = arith.subi %while3A_171, %while3A_170 : i32
      %while3A_174 = arith.addi %while3A_170, %while3A_173 : i32
      %while3A_175 = arith.constant 1 : i32
      %while3A_176 = arith.divsi %while3A_173, %while3A_175 : i32
      %while3A_177 = arith.muli %while3A_176, %while3A_175 : i32
      %while3A_178 = arith.addi %while3A_170, %while3A_177 : i32
      %while3A_179 = arith.constant 1 : i32
      %while3A_180 = scf.for %while3A_189 = %while3A_170 to %while3A_178 step %while3A_179 iter_args(%while3A_190 = %while3A_172) -> (i32)  : i32 {
        %get3A = arith.index_cast %while3A_189 : i32 to index
        %get3A_191 = arith.constant 0 : index
        %get3A_192 = tpu.vector_load %arg15[%get3A, %get3A_191] {strides = array<i32>} : memref<32x512xf32, #tpu.memory_space<vmem>>, vector<1x16xf32>,
        %get3A_193 = vector.shape_cast %get3A_192 : vector<1x16xf32> to vector<16xf32>
        %get3A_194 = arith.index_cast %while3A_189 : i32 to index
        %get3A_195 = arith.constant 0 : index
        %get3A_196 = tpu.vector_load %arg16[%get3A_194, %get3A_195] {strides = array<i32>} : memref<32x512xf32, #tpu.memory_space<vmem>>, vector<1x16xf32>,
        %get3A_197 = vector.shape_cast %get3A_196 : vector<1x16xf32> to vector<16xf32>
        %add3A_198 = arith.addf %get3A_193, %get3A_197 : vector<16xf32>
        %swap3A = arith.index_cast %while3A_189 : i32 to index
        %swap3A_199 = arith.constant 0 : index
        %swap3A_200 = tpu.vector_load %arg14[%swap3A, %swap3A_199] {strides = array<i32>} : memref<32x512xf32, #tpu.memory_space<vmem>>, vector<1x16xf32>,
        %swap3A_201 = vector.shape_cast %swap3A_200 : vector<1x16xf32> to vector<16xf32>
        %swap3A_202 = vector.shape_cast %add3A_198 : vector<16xf32> to vector<1x16xf32>
        tpu.vector_store %arg14[%swap3A, %swap3A_199], %swap3A_202 {add = true, strides = array<i32>} : memref<32x512xf32, #tpu.memory_space<vmem>>, vector<1x16xf32>,
        %get3A_203 = arith.index_cast %while3A_189 : i32 to index
        %get3A_204 = arith.constant 16 : index
        %get3A_205 = tpu.vector_load %arg15[%get3A_203, %get3A_204] {strides = array<i32>} : memref<32x512xf32, #tpu.memory_space<vmem>>, vector<1x16xf32>,
        %get3A_206 = vector.shape_cast %get3A_205 : vector<1x16xf32> to vector<16xf32>
        %get3A_207 = arith.index_cast %while3A_189 : i32 to index
        %get3A_208 = arith.constant 16 : index
        %get3A_209 = tpu.vector_load %arg16[%get3A_207, %get3A_208] {strides = array<i32>} : memref<32x512xf32, #tpu.memory_space<vmem>>, vector<1x16xf32>,
        %get3A_210 = vector.shape_cast %get3A_209 : vector<1x16xf32> to vector<16xf32>
        %add3A_211 = arith.addf %get3A_206, %get3A_210 : vector<16xf32>
        %swap3A_212 = arith.index_cast %while3A_189 : i32 to index
        %swap3A_213 = arith.constant 16 : index
        %swap3A_214 = tpu.vector_load %arg14[%swap3A_212, %swap3A_213] {strides = array<i32>} : memref<32x512xf32, #tpu.memory_space<vmem>>, vector<1x16xf32>,
        %swap3A_215 = vector.shape_cast %swap3A_214 : vector<1x16xf32> to vector<16xf32>
        %swap3A_216 = vector.shape_cast %add3A_211 : vector<16xf32> to vector<1x16xf32>
        tpu.vector_store %arg14[%swap3A_212, %swap3A_213], %swap3A_216 {add = true, strides = array<i32>} : memref<32x512xf32, #tpu.memory_space<vmem>>, vector<1x16xf32>,
        %get3A_217 = arith.index_cast %while3A_189 : i32 to index
        %get3A_218 = arith.constant 32 : index
        %get3A_219 = tpu.vector_load %arg15[%get3A_217, %get3A_218] {strides = array<i32>} : memref<32x512xf32, #tpu.memory_space<vmem>>, vector<1x16xf32>,
        %get3A_220 = vector.shape_cast %get3A_219 : vector<1x16xf32> to vector<16xf32>
        %get3A_221 = arith.index_cast %while3A_189 : i32 to index
        %get3A_222 = arith.constant 32 : index
        %get3A_223 = tpu.vector_load %arg16[%get3A_221, %get3A_222] {strides = array<i32>} : memref<32x512xf32, #tpu.memory_space<vmem>>, vector<1x16xf32>,
        %get3A_224 = vector.shape_cast %get3A_223 : vector<1x16xf32> to vector<16xf32>
        %add3A_225 = arith.addf %get3A_220, %get3A_224 : vector<16xf32>
        %swap3A_226 = arith.index_cast %while3A_189 : i32 to index
        %swap3A_227 = arith.constant 32 : index
        %swap3A_228 = tpu.vector_load %arg14[%swap3A_226, %swap3A_227] {strides = array<i32>} : memref<32x512xf32, #tpu.memory_space<vmem>>, vector<1x16xf32>,
        %swap3A_229 = vector.shape_cast %swap3A_228 : vector<1x16xf32> to vector<16xf32>
        %swap3A_230 = vector.shape_cast %add3A_225 : vector<16xf32> to vector<1x16xf32>
        tpu.vector_store %arg14[%swap3A_226, %swap3A_227], %swap3A_230 {add = true, strides = array<i32>} : memref<32x512xf32, #tpu.memory_space<vmem>>, vector<1x16xf32>,
        %get3A_231 = arith.index_cast %while3A_189 : i32 to index
        %get3A_232 = arith.constant 48 : index
        %get3A_233 = tpu.vector_load %arg15[%get3A_231, %get3A_232] {strides = array<i32>} : memref<32x512xf32, #tpu.memory_space<vmem>>, vector<1x16xf32>,
        %get3A_234 = vector.shape_cast %get3A_233 : vector<1x16xf32> to vector<16xf32>
        %get3A_235 = arith.index_cast %while3A_189 : i32 to index
        %get3A_236 = arith.constant 48 : index
        %get3A_237 = tpu.vector_load %arg16[%get3A_235, %get3A_236] {strides = array<i32>} : memref<32x512xf32, #tpu.memory_space<vmem>>, vector<1x16xf32>,
        %get3A_238 = vector.shape_cast %get3A_237 : vector<1x16xf32> to vector<16xf32>
        %add3A_239 = arith.addf %get3A_234, %get3A_238 : vector<16xf32>
        %swap3A_240 = arith.index_cast %while3A_189 : i32 to index
        %swap3A_241 = arith.constant 48 : index
        %swap3A_242 = tpu.vector_load %arg14[%swap3A_240, %swap3A_241] {strides = array<i32>} : memref<32x512xf32, #tpu.memory_space<vmem>>, vector<1x16xf32>,
        %swap3A_243 = vector.shape_cast %swap3A_242 : vector<1x16xf32> to vector<16xf32>
        %swap3A_244 = vector.shape_cast %add3A_239 : vector<16xf32> to vector<1x16xf32>
        tpu.vector_store %arg14[%swap3A_240, %swap3A_241], %swap3A_244 {add = true, strides = array<i32>} : memref<32x512xf32, #tpu.memory_space<vmem>>, vector<1x16xf32>,
        %get3A_245 = arith.index_cast %while3A_189 : i32 to index
        %get3A_246 = arith.constant 64 : index
        %get3A_247 = tpu.vector_load %arg15[%get3A_245, %get3A_246] {strides = array<i32>} : memref<32x512xf32, #tpu.memory_space<vmem>>, vector<1x16xf32>,
        %get3A_248 = vector.shape_cast %get3A_247 : vector<1x16xf32> to vector<16xf32>
        %get3A_249 = arith.index_cast %while3A_189 : i32 to index
        %get3A_250 = arith.constant 64 : index
        %get3A_251 = tpu.vector_load %arg16[%get3A_249, %get3A_250] {strides = array<i32>} : memref<32x512xf32, #tpu.memory_space<vmem>>, vector<1x16xf32>,
        %get3A_252 = vector.shape_cast %get3A_251 : vector<1x16xf32> to vector<16xf32>
        %add3A_253 = arith.addf %get3A_248, %get3A_252 : vector<16xf32>
        %swap3A_254 = arith.index_cast %while3A_189 : i32 to index
        %swap3A_255 = arith.constant 64 : index
        %swap3A_256 = tpu.vector_load %arg14[%swap3A_254, %swap3A_255] {strides = array<i32>} : memref<32x512xf32, #tpu.memory_space<vmem>>, vector<1x16xf32>,
        %swap3A_257 = vector.shape_cast %swap3A_256 : vector<1x16xf32> to vector<16xf32>
        %swap3A_258 = vector.shape_cast %add3A_253 : vector<16xf32> to vector<1x16xf32>
        tpu.vector_store %arg14[%swap3A_254, %swap3A_255], %swap3A_258 {add = true, strides = array<i32>} : memref<32x512xf32, #tpu.memory_space<vmem>>, vector<1x16xf32>,
        %get3A_259 = arith.index_cast %while3A_189 : i32 to index
        %get3A_260 = arith.constant 80 : index
        %get3A_261 = tpu.vector_load %arg15[%get3A_259, %get3A_260] {strides = array<i32>} : memref<32x512xf32, #tpu.memory_space<vmem>>, vector<1x16xf32>,
        %get3A_262 = vector.shape_cast %get3A_261 : vector<1x16xf32> to vector<16xf32>
        %get3A_263 = arith.index_cast %while3A_189 : i32 to index
        %get3A_264 = arith.constant 80 : index
        %get3A_265 = tpu.vector_load %arg16[%get3A_263, %get3A_264] {strides = array<i32>} : memref<32x512xf32, #tpu.memory_space<vmem>>, vector<1x16xf32>,
        %get3A_266 = vector.shape_cast %get3A_265 : vector<1x16xf32> to vector<16xf32>
        %add3A_267 = arith.addf %get3A_262, %get3A_266 : vector<16xf32>
        %swap3A_268 = arith.index_cast %while3A_189 : i32 to index
        %swap3A_269 = arith.constant 80 : index
        %swap3A_270 = tpu.vector_load %arg14[%swap3A_268, %swap3A_269] {strides = array<i32>} : memref<32x512xf32, #tpu.memory_space<vmem>>, vector<1x16xf32>,
        %swap3A_271 = vector.shape_cast %swap3A_270 : vector<1x16xf32> to vector<16xf32>
        %swap3A_272 = vector.shape_cast %add3A_267 : vector<16xf32> to vector<1x16xf32>
        tpu.vector_store %arg14[%swap3A_268, %swap3A_269], %swap3A_272 {add = true, strides = array<i32>} : memref<32x512xf32, #tpu.memory_space<vmem>>, vector<1x16xf32>,
        %get3A_273 = arith.index_cast %while3A_189 : i32 to index
        %get3A_274 = arith.constant 96 : index
        %get3A_275 = tpu.vector_load %arg15[%get3A_273, %get3A_274] {strides = array<i32>} : memref<32x512xf32, #tpu.memory_space<vmem>>, vector<1x16xf32>,
        %get3A_276 = vector.shape_cast %get3A_275 : vector<1x16xf32> to vector<16xf32>
        %get3A_277 = arith.index_cast %while3A_189 : i32 to index
        %get3A_278 = arith.constant 96 : index
        %get3A_279 = tpu.vector_load %arg16[%get3A_277, %get3A_278] {strides = array<i32>} : memref<32x512xf32, #tpu.memory_space<vmem>>, vector<1x16xf32>,
        %get3A_280 = vector.shape_cast %get3A_279 : vector<1x16xf32> to vector<16xf32>
        %add3A_281 = arith.addf %get3A_276, %get3A_280 : vector<16xf32>
        %swap3A_282 = arith.index_cast %while3A_189 : i32 to index
        %swap3A_283 = arith.constant 96 : index
        %swap3A_284 = tpu.vector_load %arg14[%swap3A_282, %swap3A_283] {strides = array<i32>} : memref<32x512xf32, #tpu.memory_space<vmem>>, vector<1x16xf32>,
        %swap3A_285 = vector.shape_cast %swap3A_284 : vector<1x16xf32> to vector<16xf32>
        %swap3A_286 = vector.shape_cast %add3A_281 : vector<16xf32> to vector<1x16xf32>
        tpu.vector_store %arg14[%swap3A_282, %swap3A_283], %swap3A_286 {add = true, strides = array<i32>} : memref<32x512xf32, #tpu.memory_space<vmem>>, vector<1x16xf32>,
        %get3A_287 = arith.index_cast %while3A_189 : i32 to index
        %get3A_288 = arith.constant 112 : index
        %get3A_289 = tpu.vector_load %arg15[%get3A_287, %get3A_288] {strides = array<i32>} : memref<32x512xf32, #tpu.memory_space<vmem>>, vector<1x16xf32>,
        %get3A_290 = vector.shape_cast %get3A_289 : vector<1x16xf32> to vector<16xf32>
        %get3A_291 = arith.index_cast %while3A_189 : i32 to index
        %get3A_292 = arith.constant 112 : index
        %get3A_293 = tpu.vector_load %arg16[%get3A_291, %get3A_292] {strides = array<i32>} : memref<32x512xf32, #tpu.memory_space<vmem>>, vector<1x16xf32>,
        %get3A_294 = vector.shape_cast %get3A_293 : vector<1x16xf32> to vector<16xf32>
        %add3A_295 = arith.addf %get3A_290, %get3A_294 : vector<16xf32>
        %swap3A_296 = arith.index_cast %while3A_189 : i32 to index
        %swap3A_297 = arith.constant 112 : index
        %swap3A_298 = tpu.vector_load %arg14[%swap3A_296, %swap3A_297] {strides = array<i32>} : memref<32x512xf32, #tpu.memory_space<vmem>>, vector<1x16xf32>,
        %swap3A_299 = vector.shape_cast %swap3A_298 : vector<1x16xf32> to vector<16xf32>
        %swap3A_300 = vector.shape_cast %add3A_295 : vector<16xf32> to vector<1x16xf32>
        tpu.vector_store %arg14[%swap3A_296, %swap3A_297], %swap3A_300 {add = true, strides = array<i32>} : memref<32x512xf32, #tpu.memory_space<vmem>>, vector<1x16xf32>,
        %get3A_301 = arith.index_cast %while3A_189 : i32 to index
        %get3A_302 = arith.constant 128 : index
        %get3A_303 = tpu.vector_load %arg15[%get3A_301, %get3A_302] {strides = array<i32>} : memref<32x512xf32, #tpu.memory_space<vmem>>, vector<1x16xf32>,
        %get3A_304 = vector.shape_cast %get3A_303 : vector<1x16xf32> to vector<16xf32>
        %get3A_305 = arith.index_cast %while3A_189 : i32 to index
        %get3A_306 = arith.constant 128 : index
        %get3A_307 = tpu.vector_load %arg16[%get3A_305, %get3A_306] {strides = array<i32>} : memref<32x512xf32, #tpu.memory_space<vmem>>, vector<1x16xf32>,
        %get3A_308 = vector.shape_cast %get3A_307 : vector<1x16xf32> to vector<16xf32>
        %add3A_309 = arith.addf %get3A_304, %get3A_308 : vector<16xf32>
        %swap3A_310 = arith.index_cast %while3A_189 : i32 to index
        %swap3A_311 = arith.constant 128 : index
        %swap3A_312 = tpu.vector_load %arg14[%swap3A_310, %swap3A_311] {strides = array<i32>} : memref<32x512xf32, #tpu.memory_space<vmem>>, vector<1x16xf32>,
        %swap3A_313 = vector.shape_cast %swap3A_312 : vector<1x16xf32> to vector<16xf32>
        %swap3A_314 = vector.shape_cast %add3A_309 : vector<16xf32> to vector<1x16xf32>
        tpu.vector_store %arg14[%swap3A_310, %swap3A_311], %swap3A_314 {add = true, strides = array<i32>} : memref<32x512xf32, #tpu.memory_space<vmem>>, vector<1x16xf32>,
        %get3A_315 = arith.index_cast %while3A_189 : i32 to index
        %get3A_316 = arith.constant 144 : index
        %get3A_317 = tpu.vector_load %arg15[%get3A_315, %get3A_316] {strides = array<i32>} : memref<32x512xf32, #tpu.memory_space<vmem>>, vector<1x16xf32>,
        %get3A_318 = vector.shape_cast %get3A_317 : vector<1x16xf32> to vector<16xf32>
        %get3A_319 = arith.index_cast %while3A_189 : i32 to index
        %get3A_320 = arith.constant 144 : index
        %get3A_321 = tpu.vector_load %arg16[%get3A_319, %get3A_320] {strides = array<i32>} : memref<32x512xf32, #tpu.memory_space<vmem>>, vector<1x16xf32>,
        %get3A_322 = vector.shape_cast %get3A_321 : vector<1x16xf32> to vector<16xf32>
        %add3A_323 = arith.addf %get3A_318, %get3A_322 : vector<16xf32>
        %swap3A_324 = arith.index_cast %while3A_189 : i32 to index
        %swap3A_325 = arith.constant 144 : index
        %swap3A_326 = tpu.vector_load %arg14[%swap3A_324, %swap3A_325] {strides = array<i32>} : memref<32x512xf32, #tpu.memory_space<vmem>>, vector<1x16xf32>,
        %swap3A_327 = vector.shape_cast %swap3A_326 : vector<1x16xf32> to vector<16xf32>
        %swap3A_328 = vector.shape_cast %add3A_323 : vector<16xf32> to vector<1x16xf32>
        tpu.vector_store %arg14[%swap3A_324, %swap3A_325], %swap3A_328 {add = true, strides = array<i32>} : memref<32x512xf32, #tpu.memory_space<vmem>>, vector<1x16xf32>,
        %get3A_329 = arith.index_cast %while3A_189 : i32 to index
        %get3A_330 = arith.constant 160 : index
        %get3A_331 = tpu.vector_load %arg15[%get3A_329, %get3A_330] {strides = array<i32>} : memref<32x512xf32, #tpu.memory_space<vmem>>, vector<1x16xf32>,
        %get3A_332 = vector.shape_cast %get3A_331 : vector<1x16xf32> to vector<16xf32>
        %get3A_333 = arith.index_cast %while3A_189 : i32 to index
        %get3A_334 = arith.constant 160 : index
        %get3A_335 = tpu.vector_load %arg16[%get3A_333, %get3A_334] {strides = array<i32>} : memref<32x512xf32, #tpu.memory_space<vmem>>, vector<1x16xf32>,
        %get3A_336 = vector.shape_cast %get3A_335 : vector<1x16xf32> to vector<16xf32>
        %add3A_337 = arith.addf %get3A_332, %get3A_336 : vector<16xf32>
        %swap3A_338 = arith.index_cast %while3A_189 : i32 to index
        %swap3A_339 = arith.constant 160 : index
        %swap3A_340 = tpu.vector_load %arg14[%swap3A_338, %swap3A_339] {strides = array<i32>} : memref<32x512xf32, #tpu.memory_space<vmem>>, vector<1x16xf32>,
        %swap3A_341 = vector.shape_cast %swap3A_340 : vector<1x16xf32> to vector<16xf32>
        %swap3A_342 = vector.shape_cast %add3A_337 : vector<16xf32> to vector<1x16xf32>
        tpu.vector_store %arg14[%swap3A_338, %swap3A_339], %swap3A_342 {add = true, strides = array<i32>} : memref<32x512xf32, #tpu.memory_space<vmem>>, vector<1x16xf32>,
        %get3A_343 = arith.index_cast %while3A_189 : i32 to index
        %get3A_344 = arith.constant 176 : index
        %get3A_345 = tpu.vector_load %arg15[%get3A_343, %get3A_344] {strides = array<i32>} : memref<32x512xf32, #tpu.memory_space<vmem>>, vector<1x16xf32>,
        %get3A_346 = vector.shape_cast %get3A_345 : vector<1x16xf32> to vector<16xf32>
        %get3A_347 = arith.index_cast %while3A_189 : i32 to index
        %get3A_348 = arith.constant 176 : index
        %get3A_349 = tpu.vector_load %arg16[%get3A_347, %get3A_348] {strides = array<i32>} : memref<32x512xf32, #tpu.memory_space<vmem>>, vector<1x16xf32>,
        %get3A_350 = vector.shape_cast %get3A_349 : vector<1x16xf32> to vector<16xf32>
        %add3A_351 = arith.addf %get3A_346, %get3A_350 : vector<16xf32>
        %swap3A_352 = arith.index_cast %while3A_189 : i32 to index
        %swap3A_353 = arith.constant 176 : index
        %swap3A_354 = tpu.vector_load %arg14[%swap3A_352, %swap3A_353] {strides = array<i32>} : memref<32x512xf32, #tpu.memory_space<vmem>>, vector<1x16xf32>,
        %swap3A_355 = vector.shape_cast %swap3A_354 : vector<1x16xf32> to vector<16xf32>
        %swap3A_356 = vector.shape_cast %add3A_351 : vector<16xf32> to vector<1x16xf32>
        tpu.vector_store %arg14[%swap3A_352, %swap3A_353], %swap3A_356 {add = true, strides = array<i32>} : memref<32x512xf32, #tpu.memory_space<vmem>>, vector<1x16xf32>,
        %get3A_357 = arith.index_cast %while3A_189 : i32 to index
        %get3A_358 = arith.constant 192 : index
        %get3A_359 = tpu.vector_load %arg15[%get3A_357, %get3A_358] {strides = array<i32>} : memref<32x512xf32, #tpu.memory_space<vmem>>, vector<1x16xf32>,
        %get3A_360 = vector.shape_cast %get3A_359 : vector<1x16xf32> to vector<16xf32>
        %get3A_361 = arith.index_cast %while3A_189 : i32 to index
        %get3A_362 = arith.constant 192 : index
        %get3A_363 = tpu.vector_load %arg16[%get3A_361, %get3A_362] {strides = array<i32>} : memref<32x512xf32, #tpu.memory_space<vmem>>, vector<1x16xf32>,
        %get3A_364 = vector.shape_cast %get3A_363 : vector<1x16xf32> to vector<16xf32>
        %add3A_365 = arith.addf %get3A_360, %get3A_364 : vector<16xf32>
        %swap3A_366 = arith.index_cast %while3A_189 : i32 to index
        %swap3A_367 = arith.constant 192 : index
        %swap3A_368 = tpu.vector_load %arg14[%swap3A_366, %swap3A_367] {strides = array<i32>} : memref<32x512xf32, #tpu.memory_space<vmem>>, vector<1x16xf32>,
        %swap3A_369 = vector.shape_cast %swap3A_368 : vector<1x16xf32> to vector<16xf32>
        %swap3A_370 = vector.shape_cast %add3A_365 : vector<16xf32> to vector<1x16xf32>
        tpu.vector_store %arg14[%swap3A_366, %swap3A_367], %swap3A_370 {add = true, strides = array<i32>} : memref<32x512xf32, #tpu.memory_space<vmem>>, vector<1x16xf32>,
        %get3A_371 = arith.index_cast %while3A_189 : i32 to index
        %get3A_372 = arith.constant 208 : index
        %get3A_373 = tpu.vector_load %arg15[%get3A_371, %get3A_372] {strides = array<i32>} : memref<32x512xf32, #tpu.memory_space<vmem>>, vector<1x16xf32>,
        %get3A_374 = vector.shape_cast %get3A_373 : vector<1x16xf32> to vector<16xf32>
        %get3A_375 = arith.index_cast %while3A_189 : i32 to index
        %get3A_376 = arith.constant 208 : index
        %get3A_377 = tpu.vector_load %arg16[%get3A_375, %get3A_376] {strides = array<i32>} : memref<32x512xf32, #tpu.memory_space<vmem>>, vector<1x16xf32>,
        %get3A_378 = vector.shape_cast %get3A_377 : vector<1x16xf32> to vector<16xf32>
        %add3A_379 = arith.addf %get3A_374, %get3A_378 : vector<16xf32>
        %swap3A_380 = arith.index_cast %while3A_189 : i32 to index
        %swap3A_381 = arith.constant 208 : index
        %swap3A_382 = tpu.vector_load %arg14[%swap3A_380, %swap3A_381] {strides = array<i32>} : memref<32x512xf32, #tpu.memory_space<vmem>>, vector<1x16xf32>,
        %swap3A_383 = vector.shape_cast %swap3A_382 : vector<1x16xf32> to vector<16xf32>
        %swap3A_384 = vector.shape_cast %add3A_379 : vector<16xf32> to vector<1x16xf32>
        tpu.vector_store %arg14[%swap3A_380, %swap3A_381], %swap3A_384 {add = true, strides = array<i32>} : memref<32x512xf32, #tpu.memory_space<vmem>>, vector<1x16xf32>,
        %get3A_385 = arith.index_cast %while3A_189 : i32 to index
        %get3A_386 = arith.constant 224 : index
        %get3A_387 = tpu.vector_load %arg15[%get3A_385, %get3A_386] {strides = array<i32>} : memref<32x512xf32, #tpu.memory_space<vmem>>, vector<1x16xf32>,
        %get3A_388 = vector.shape_cast %get3A_387 : vector<1x16xf32> to vector<16xf32>
        %get3A_389 = arith.index_cast %while3A_189 : i32 to index
        %get3A_390 = arith.constant 224 : index
        %get3A_391 = tpu.vector_load %arg16[%get3A_389, %get3A_390] {strides = array<i32>} : memref<32x512xf32, #tpu.memory_space<vmem>>, vector<1x16xf32>,
        %get3A_392 = vector.shape_cast %get3A_391 : vector<1x16xf32> to vector<16xf32>
        %add3A_393 = arith.addf %get3A_388, %get3A_392 : vector<16xf32>
        %swap3A_394 = arith.index_cast %while3A_189 : i32 to index
        %swap3A_395 = arith.constant 224 : index
        %swap3A_396 = tpu.vector_load %arg14[%swap3A_394, %swap3A_395] {strides = array<i32>} : memref<32x512xf32, #tpu.memory_space<vmem>>, vector<1x16xf32>,
        %swap3A_397 = vector.shape_cast %swap3A_396 : vector<1x16xf32> to vector<16xf32>
        %swap3A_398 = vector.shape_cast %add3A_393 : vector<16xf32> to vector<1x16xf32>
        tpu.vector_store %arg14[%swap3A_394, %swap3A_395], %swap3A_398 {add = true, strides = array<i32>} : memref<32x512xf32, #tpu.memory_space<vmem>>, vector<1x16xf32>,
        %get3A_399 = arith.index_cast %while3A_189 : i32 to index
        %get3A_400 = arith.constant 240 : index
        %get3A_401 = tpu.vector_load %arg15[%get3A_399, %get3A_400] {strides = array<i32>} : memref<32x512xf32, #tpu.memory_space<vmem>>, vector<1x16xf32>,
        %get3A_402 = vector.shape_cast %get3A_401 : vector<1x16xf32> to vector<16xf32>
        %get3A_403 = arith.index_cast %while3A_189 : i32 to index
        %get3A_404 = arith.constant 240 : index
        %get3A_405 = tpu.vector_load %arg16[%get3A_403, %get3A_404] {strides = array<i32>} : memref<32x512xf32, #tpu.memory_space<vmem>>, vector<1x16xf32>,
        %get3A_406 = vector.shape_cast %get3A_405 : vector<1x16xf32> to vector<16xf32>
        %add3A_407 = arith.addf %get3A_402, %get3A_406 : vector<16xf32>
        %swap3A_408 = arith.index_cast %while3A_189 : i32 to index
        %swap3A_409 = arith.constant 240 : index
        %swap3A_410 = tpu.vector_load %arg14[%swap3A_408, %swap3A_409] {strides = array<i32>} : memref<32x512xf32, #tpu.memory_space<vmem>>, vector<1x16xf32>,
        %swap3A_411 = vector.shape_cast %swap3A_410 : vector<1x16xf32> to vector<16xf32>
        %swap3A_412 = vector.shape_cast %add3A_407 : vector<16xf32> to vector<1x16xf32>
        tpu.vector_store %arg14[%swap3A_408, %swap3A_409], %swap3A_412 {add = true, strides = array<i32>} : memref<32x512xf32, #tpu.memory_space<vmem>>, vector<1x16xf32>,
        %get3A_413 = arith.index_cast %while3A_189 : i32 to index
        %get3A_414 = arith.constant 256 : index
        %get3A_415 = tpu.vector_load %arg15[%get3A_413, %get3A_414] {strides = array<i32>} : memref<32x512xf32, #tpu.memory_space<vmem>>, vector<1x16xf32>,
        %get3A_416 = vector.shape_cast %get3A_415 : vector<1x16xf32> to vector<16xf32>
        %get3A_417 = arith.index_cast %while3A_189 : i32 to index
        %get3A_418 = arith.constant 256 : index
        %get3A_419 = tpu.vector_load %arg16[%get3A_417, %get3A_418] {strides = array<i32>} : memref<32x512xf32, #tpu.memory_space<vmem>>, vector<1x16xf32>,
        %get3A_420 = vector.shape_cast %get3A_419 : vector<1x16xf32> to vector<16xf32>
        %add3A_421 = arith.addf %get3A_416, %get3A_420 : vector<16xf32>
        %swap3A_422 = arith.index_cast %while3A_189 : i32 to index
        %swap3A_423 = arith.constant 256 : index
        %swap3A_424 = tpu.vector_load %arg14[%swap3A_422, %swap3A_423] {strides = array<i32>} : memref<32x512xf32, #tpu.memory_space<vmem>>, vector<1x16xf32>,
        %swap3A_425 = vector.shape_cast %swap3A_424 : vector<1x16xf32> to vector<16xf32>
        %swap3A_426 = vector.shape_cast %add3A_421 : vector<16xf32> to vector<1x16xf32>
        tpu.vector_store %arg14[%swap3A_422, %swap3A_423], %swap3A_426 {add = true, strides = array<i32>} : memref<32x512xf32, #tpu.memory_space<vmem>>, vector<1x16xf32>,
        %get3A_427 = arith.index_cast %while3A_189 : i32 to index
        %get3A_428 = arith.constant 272 : index
        %get3A_429 = tpu.vector_load %arg15[%get3A_427, %get3A_428] {strides = array<i32>} : memref<32x512xf32, #tpu.memory_space<vmem>>, vector<1x16xf32>,
        %get3A_430 = vector.shape_cast %get3A_429 : vector<1x16xf32> to vector<16xf32>
        %get3A_431 = arith.index_cast %while3A_189 : i32 to index
        %get3A_432 = arith.constant 272 : index
        %get3A_433 = tpu.vector_load %arg16[%get3A_431, %get3A_432] {strides = array<i32>} : memref<32x512xf32, #tpu.memory_space<vmem>>, vector<1x16xf32>,
        %get3A_434 = vector.shape_cast %get3A_433 : vector<1x16xf32> to vector<16xf32>
        %add3A_435 = arith.addf %get3A_430, %get3A_434 : vector<16xf32>
        %swap3A_436 = arith.index_cast %while3A_189 : i32 to index
        %swap3A_437 = arith.constant 272 : index
        %swap3A_438 = tpu.vector_load %arg14[%swap3A_436, %swap3A_437] {strides = array<i32>} : memref<32x512xf32, #tpu.memory_space<vmem>>, vector<1x16xf32>,
        %swap3A_439 = vector.shape_cast %swap3A_438 : vector<1x16xf32> to vector<16xf32>
        %swap3A_440 = vector.shape_cast %add3A_435 : vector<16xf32> to vector<1x16xf32>
        tpu.vector_store %arg14[%swap3A_436, %swap3A_437], %swap3A_440 {add = true, strides = array<i32>} : memref<32x512xf32, #tpu.memory_space<vmem>>, vector<1x16xf32>,
        %get3A_441 = arith.index_cast %while3A_189 : i32 to index
        %get3A_442 = arith.constant 288 : index
        %get3A_443 = tpu.vector_load %arg15[%get3A_441, %get3A_442] {strides = array<i32>} : memref<32x512xf32, #tpu.memory_space<vmem>>, vector<1x16xf32>,
        %get3A_444 = vector.shape_cast %get3A_443 : vector<1x16xf32> to vector<16xf32>
        %get3A_445 = arith.index_cast %while3A_189 : i32 to index
        %get3A_446 = arith.constant 288 : index
        %get3A_447 = tpu.vector_load %arg16[%get3A_445, %get3A_446] {strides = array<i32>} : memref<32x512xf32, #tpu.memory_space<vmem>>, vector<1x16xf32>,
        %get3A_448 = vector.shape_cast %get3A_447 : vector<1x16xf32> to vector<16xf32>
        %add3A_449 = arith.addf %get3A_444, %get3A_448 : vector<16xf32>
        %swap3A_450 = arith.index_cast %while3A_189 : i32 to index
        %swap3A_451 = arith.constant 288 : index
        %swap3A_452 = tpu.vector_load %arg14[%swap3A_450, %swap3A_451] {strides = array<i32>} : memref<32x512xf32, #tpu.memory_space<vmem>>, vector<1x16xf32>,
        %swap3A_453 = vector.shape_cast %swap3A_452 : vector<1x16xf32> to vector<16xf32>
        %swap3A_454 = vector.shape_cast %add3A_449 : vector<16xf32> to vector<1x16xf32>
        tpu.vector_store %arg14[%swap3A_450, %swap3A_451], %swap3A_454 {add = true, strides = array<i32>} : memref<32x512xf32, #tpu.memory_space<vmem>>, vector<1x16xf32>,
        %get3A_455 = arith.index_cast %while3A_189 : i32 to index
        %get3A_456 = arith.constant 304 : index
        %get3A_457 = tpu.vector_load %arg15[%get3A_455, %get3A_456] {strides = array<i32>} : memref<32x512xf32, #tpu.memory_space<vmem>>, vector<1x16xf32>,
        %get3A_458 = vector.shape_cast %get3A_457 : vector<1x16xf32> to vector<16xf32>
        %get3A_459 = arith.index_cast %while3A_189 : i32 to index
        %get3A_460 = arith.constant 304 : index
        %get3A_461 = tpu.vector_load %arg16[%get3A_459, %get3A_460] {strides = array<i32>} : memref<32x512xf32, #tpu.memory_space<vmem>>, vector<1x16xf32>,
        %get3A_462 = vector.shape_cast %get3A_461 : vector<1x16xf32> to vector<16xf32>
        %add3A_463 = arith.addf %get3A_458, %get3A_462 : vector<16xf32>
        %swap3A_464 = arith.index_cast %while3A_189 : i32 to index
        %swap3A_465 = arith.constant 304 : index
        %swap3A_466 = tpu.vector_load %arg14[%swap3A_464, %swap3A_465] {strides = array<i32>} : memref<32x512xf32, #tpu.memory_space<vmem>>, vector<1x16xf32>,
        %swap3A_467 = vector.shape_cast %swap3A_466 : vector<1x16xf32> to vector<16xf32>
        %swap3A_468 = vector.shape_cast %add3A_463 : vector<16xf32> to vector<1x16xf32>
        tpu.vector_store %arg14[%swap3A_464, %swap3A_465], %swap3A_468 {add = true, strides = array<i32>} : memref<32x512xf32, #tpu.memory_space<vmem>>, vector<1x16xf32>,
        %get3A_469 = arith.index_cast %while3A_189 : i32 to index
        %get3A_470 = arith.constant 320 : index
        %get3A_471 = tpu.vector_load %arg15[%get3A_469, %get3A_470] {strides = array<i32>} : memref<32x512xf32, #tpu.memory_space<vmem>>, vector<1x16xf32>,
        %get3A_472 = vector.shape_cast %get3A_471 : vector<1x16xf32> to vector<16xf32>
        %get3A_473 = arith.index_cast %while3A_189 : i32 to index
        %get3A_474 = arith.constant 320 : index
        %get3A_475 = tpu.vector_load %arg16[%get3A_473, %get3A_474] {strides = array<i32>} : memref<32x512xf32, #tpu.memory_space<vmem>>, vector<1x16xf32>,
        %get3A_476 = vector.shape_cast %get3A_475 : vector<1x16xf32> to vector<16xf32>
        %add3A_477 = arith.addf %get3A_472, %get3A_476 : vector<16xf32>
        %swap3A_478 = arith.index_cast %while3A_189 : i32 to index
        %swap3A_479 = arith.constant 320 : index
        %swap3A_480 = tpu.vector_load %arg14[%swap3A_478, %swap3A_479] {strides = array<i32>} : memref<32x512xf32, #tpu.memory_space<vmem>>, vector<1x16xf32>,
        %swap3A_481 = vector.shape_cast %swap3A_480 : vector<1x16xf32> to vector<16xf32>
        %swap3A_482 = vector.shape_cast %add3A_477 : vector<16xf32> to vector<1x16xf32>
        tpu.vector_store %arg14[%swap3A_478, %swap3A_479], %swap3A_482 {add = true, strides = array<i32>} : memref<32x512xf32, #tpu.memory_space<vmem>>, vector<1x16xf32>,
        %get3A_483 = arith.index_cast %while3A_189 : i32 to index
        %get3A_484 = arith.constant 336 : index
        %get3A_485 = tpu.vector_load %arg15[%get3A_483, %get3A_484] {strides = array<i32>} : memref<32x512xf32, #tpu.memory_space<vmem>>, vector<1x16xf32>,
        %get3A_486 = vector.shape_cast %get3A_485 : vector<1x16xf32> to vector<16xf32>
        %get3A_487 = arith.index_cast %while3A_189 : i32 to index
        %get3A_488 = arith.constant 336 : index
        %get3A_489 = tpu.vector_load %arg16[%get3A_487, %get3A_488] {strides = array<i32>} : memref<32x512xf32, #tpu.memory_space<vmem>>, vector<1x16xf32>,
        %get3A_490 = vector.shape_cast %get3A_489 : vector<1x16xf32> to vector<16xf32>
        %add3A_491 = arith.addf %get3A_486, %get3A_490 : vector<16xf32>
        %swap3A_492 = arith.index_cast %while3A_189 : i32 to index
        %swap3A_493 = arith.constant 336 : index
        %swap3A_494 = tpu.vector_load %arg14[%swap3A_492, %swap3A_493] {strides = array<i32>} : memref<32x512xf32, #tpu.memory_space<vmem>>, vector<1x16xf32>,
        %swap3A_495 = vector.shape_cast %swap3A_494 : vector<1x16xf32> to vector<16xf32>
        %swap3A_496 = vector.shape_cast %add3A_491 : vector<16xf32> to vector<1x16xf32>
        tpu.vector_store %arg14[%swap3A_492, %swap3A_493], %swap3A_496 {add = true, strides = array<i32>} : memref<32x512xf32, #tpu.memory_space<vmem>>, vector<1x16xf32>,
        %get3A_497 = arith.index_cast %while3A_189 : i32 to index
        %get3A_498 = arith.constant 352 : index
        %get3A_499 = tpu.vector_load %arg15[%get3A_497, %get3A_498] {strides = array<i32>} : memref<32x512xf32, #tpu.memory_space<vmem>>, vector<1x16xf32>,
        %get3A_500 = vector.shape_cast %get3A_499 : vector<1x16xf32> to vector<16xf32>
        %get3A_501 = arith.index_cast %while3A_189 : i32 to index
        %get3A_502 = arith.constant 352 : index
        %get3A_503 = tpu.vector_load %arg16[%get3A_501, %get3A_502] {strides = array<i32>} : memref<32x512xf32, #tpu.memory_space<vmem>>, vector<1x16xf32>,
        %get3A_504 = vector.shape_cast %get3A_503 : vector<1x16xf32> to vector<16xf32>
        %add3A_505 = arith.addf %get3A_500, %get3A_504 : vector<16xf32>
        %swap3A_506 = arith.index_cast %while3A_189 : i32 to index
        %swap3A_507 = arith.constant 352 : index
        %swap3A_508 = tpu.vector_load %arg14[%swap3A_506, %swap3A_507] {strides = array<i32>} : memref<32x512xf32, #tpu.memory_space<vmem>>, vector<1x16xf32>,
        %swap3A_509 = vector.shape_cast %swap3A_508 : vector<1x16xf32> to vector<16xf32>
        %swap3A_510 = vector.shape_cast %add3A_505 : vector<16xf32> to vector<1x16xf32>
        tpu.vector_store %arg14[%swap3A_506, %swap3A_507], %swap3A_510 {add = true, strides = array<i32>} : memref<32x512xf32, #tpu.memory_space<vmem>>, vector<1x16xf32>,
        %get3A_511 = arith.index_cast %while3A_189 : i32 to index
        %get3A_512 = arith.constant 368 : index
        %get3A_513 = tpu.vector_load %arg15[%get3A_511, %get3A_512] {strides = array<i32>} : memref<32x512xf32, #tpu.memory_space<vmem>>, vector<1x16xf32>,
        %get3A_514 = vector.shape_cast %get3A_513 : vector<1x16xf32> to vector<16xf32>
        %get3A_515 = arith.index_cast %while3A_189 : i32 to index
        %get3A_516 = arith.constant 368 : index
        %get3A_517 = tpu.vector_load %arg16[%get3A_515, %get3A_516] {strides = array<i32>} : memref<32x512xf32, #tpu.memory_space<vmem>>, vector<1x16xf32>,
        %get3A_518 = vector.shape_cast %get3A_517 : vector<1x16xf32> to vector<16xf32>
        %add3A_519 = arith.addf %get3A_514, %get3A_518 : vector<16xf32>
        %swap3A_520 = arith.index_cast %while3A_189 : i32 to index
        %swap3A_521 = arith.constant 368 : index
        %swap3A_522 = tpu.vector_load %arg14[%swap3A_520, %swap3A_521] {strides = array<i32>} : memref<32x512xf32, #tpu.memory_space<vmem>>, vector<1x16xf32>,
        %swap3A_523 = vector.shape_cast %swap3A_522 : vector<1x16xf32> to vector<16xf32>
        %swap3A_524 = vector.shape_cast %add3A_519 : vector<16xf32> to vector<1x16xf32>
        tpu.vector_store %arg14[%swap3A_520, %swap3A_521], %swap3A_524 {add = true, strides = array<i32>} : memref<32x512xf32, #tpu.memory_space<vmem>>, vector<1x16xf32>,
        %get3A_525 = arith.index_cast %while3A_189 : i32 to index
        %get3A_526 = arith.constant 384 : index
        %get3A_527 = tpu.vector_load %arg15[%get3A_525, %get3A_526] {strides = array<i32>} : memref<32x512xf32, #tpu.memory_space<vmem>>, vector<1x16xf32>,
        %get3A_528 = vector.shape_cast %get3A_527 : vector<1x16xf32> to vector<16xf32>
        %get3A_529 = arith.index_cast %while3A_189 : i32 to index
        %get3A_530 = arith.constant 384 : index
        %get3A_531 = tpu.vector_load %arg16[%get3A_529, %get3A_530] {strides = array<i32>} : memref<32x512xf32, #tpu.memory_space<vmem>>, vector<1x16xf32>,
        %get3A_532 = vector.shape_cast %get3A_531 : vector<1x16xf32> to vector<16xf32>
        %add3A_533 = arith.addf %get3A_528, %get3A_532 : vector<16xf32>
        %swap3A_534 = arith.index_cast %while3A_189 : i32 to index
        %swap3A_535 = arith.constant 384 : index
        %swap3A_536 = tpu.vector_load %arg14[%swap3A_534, %swap3A_535] {strides = array<i32>} : memref<32x512xf32, #tpu.memory_space<vmem>>, vector<1x16xf32>,
        %swap3A_537 = vector.shape_cast %swap3A_536 : vector<1x16xf32> to vector<16xf32>
        %swap3A_538 = vector.shape_cast %add3A_533 : vector<16xf32> to vector<1x16xf32>
        tpu.vector_store %arg14[%swap3A_534, %swap3A_535], %swap3A_538 {add = true, strides = array<i32>} : memref<32x512xf32, #tpu.memory_space<vmem>>, vector<1x16xf32>,
        %get3A_539 = arith.index_cast %while3A_189 : i32 to index
        %get3A_540 = arith.constant 400 : index
        %get3A_541 = tpu.vector_load %arg15[%get3A_539, %get3A_540] {strides = array<i32>} : memref<32x512xf32, #tpu.memory_space<vmem>>, vector<1x16xf32>,
        %get3A_542 = vector.shape_cast %get3A_541 : vector<1x16xf32> to vector<16xf32>
        %get3A_543 = arith.index_cast %while3A_189 : i32 to index
        %get3A_544 = arith.constant 400 : index
        %get3A_545 = tpu.vector_load %arg16[%get3A_543, %get3A_544] {strides = array<i32>} : memref<32x512xf32, #tpu.memory_space<vmem>>, vector<1x16xf32>,
        %get3A_546 = vector.shape_cast %get3A_545 : vector<1x16xf32> to vector<16xf32>
        %add3A_547 = arith.addf %get3A_542, %get3A_546 : vector<16xf32>
        %swap3A_548 = arith.index_cast %while3A_189 : i32 to index
        %swap3A_549 = arith.constant 400 : index
        %swap3A_550 = tpu.vector_load %arg14[%swap3A_548, %swap3A_549] {strides = array<i32>} : memref<32x512xf32, #tpu.memory_space<vmem>>, vector<1x16xf32>,
        %swap3A_551 = vector.shape_cast %swap3A_550 : vector<1x16xf32> to vector<16xf32>
        %swap3A_552 = vector.shape_cast %add3A_547 : vector<16xf32> to vector<1x16xf32>
        tpu.vector_store %arg14[%swap3A_548, %swap3A_549], %swap3A_552 {add = true, strides = array<i32>} : memref<32x512xf32, #tpu.memory_space<vmem>>, vector<1x16xf32>,
        %get3A_553 = arith.index_cast %while3A_189 : i32 to index
        %get3A_554 = arith.constant 416 : index
        %get3A_555 = tpu.vector_load %arg15[%get3A_553, %get3A_554] {strides = array<i32>} : memref<32x512xf32, #tpu.memory_space<vmem>>, vector<1x16xf32>,
        %get3A_556 = vector.shape_cast %get3A_555 : vector<1x16xf32> to vector<16xf32>
        %get3A_557 = arith.index_cast %while3A_189 : i32 to index
        %get3A_558 = arith.constant 416 : index
        %get3A_559 = tpu.vector_load %arg16[%get3A_557, %get3A_558] {strides = array<i32>} : memref<32x512xf32, #tpu.memory_space<vmem>>, vector<1x16xf32>,
        %get3A_560 = vector.shape_cast %get3A_559 : vector<1x16xf32> to vector<16xf32>
        %add3A_561 = arith.addf %get3A_556, %get3A_560 : vector<16xf32>
        %swap3A_562 = arith.index_cast %while3A_189 : i32 to index
        %swap3A_563 = arith.constant 416 : index
        %swap3A_564 = tpu.vector_load %arg14[%swap3A_562, %swap3A_563] {strides = array<i32>} : memref<32x512xf32, #tpu.memory_space<vmem>>, vector<1x16xf32>,
        %swap3A_565 = vector.shape_cast %swap3A_564 : vector<1x16xf32> to vector<16xf32>
        %swap3A_566 = vector.shape_cast %add3A_561 : vector<16xf32> to vector<1x16xf32>
        tpu.vector_store %arg14[%swap3A_562, %swap3A_563], %swap3A_566 {add = true, strides = array<i32>} : memref<32x512xf32, #tpu.memory_space<vmem>>, vector<1x16xf32>,
        %get3A_567 = arith.index_cast %while3A_189 : i32 to index
        %get3A_568 = arith.constant 432 : index
        %get3A_569 = tpu.vector_load %arg15[%get3A_567, %get3A_568] {strides = array<i32>} : memref<32x512xf32, #tpu.memory_space<vmem>>, vector<1x16xf32>,
        %get3A_570 = vector.shape_cast %get3A_569 : vector<1x16xf32> to vector<16xf32>
        %get3A_571 = arith.index_cast %while3A_189 : i32 to index
        %get3A_572 = arith.constant 432 : index
        %get3A_573 = tpu.vector_load %arg16[%get3A_571, %get3A_572] {strides = array<i32>} : memref<32x512xf32, #tpu.memory_space<vmem>>, vector<1x16xf32>,
        %get3A_574 = vector.shape_cast %get3A_573 : vector<1x16xf32> to vector<16xf32>
        %add3A_575 = arith.addf %get3A_570, %get3A_574 : vector<16xf32>
        %swap3A_576 = arith.index_cast %while3A_189 : i32 to index
        %swap3A_577 = arith.constant 432 : index
        %swap3A_578 = tpu.vector_load %arg14[%swap3A_576, %swap3A_577] {strides = array<i32>} : memref<32x512xf32, #tpu.memory_space<vmem>>, vector<1x16xf32>,
        %swap3A_579 = vector.shape_cast %swap3A_578 : vector<1x16xf32> to vector<16xf32>
        %swap3A_580 = vector.shape_cast %add3A_575 : vector<16xf32> to vector<1x16xf32>
        tpu.vector_store %arg14[%swap3A_576, %swap3A_577], %swap3A_580 {add = true, strides = array<i32>} : memref<32x512xf32, #tpu.memory_space<vmem>>, vector<1x16xf32>,
        %get3A_581 = arith.index_cast %while3A_189 : i32 to index
        %get3A_582 = arith.constant 448 : index
        %get3A_583 = tpu.vector_load %arg15[%get3A_581, %get3A_582] {strides = array<i32>} : memref<32x512xf32, #tpu.memory_space<vmem>>, vector<1x16xf32>,
        %get3A_584 = vector.shape_cast %get3A_583 : vector<1x16xf32> to vector<16xf32>
        %get3A_585 = arith.index_cast %while3A_189 : i32 to index
        %get3A_586 = arith.constant 448 : index
        %get3A_587 = tpu.vector_load %arg16[%get3A_585, %get3A_586] {strides = array<i32>} : memref<32x512xf32, #tpu.memory_space<vmem>>, vector<1x16xf32>,
        %get3A_588 = vector.shape_cast %get3A_587 : vector<1x16xf32> to vector<16xf32>
        %add3A_589 = arith.addf %get3A_584, %get3A_588 : vector<16xf32>
        %swap3A_590 = arith.index_cast %while3A_189 : i32 to index
        %swap3A_591 = arith.constant 448 : index
        %swap3A_592 = tpu.vector_load %arg14[%swap3A_590, %swap3A_591] {strides = array<i32>} : memref<32x512xf32, #tpu.memory_space<vmem>>, vector<1x16xf32>,
        %swap3A_593 = vector.shape_cast %swap3A_592 : vector<1x16xf32> to vector<16xf32>
        %swap3A_594 = vector.shape_cast %add3A_589 : vector<16xf32> to vector<1x16xf32>
        tpu.vector_store %arg14[%swap3A_590, %swap3A_591], %swap3A_594 {add = true, strides = array<i32>} : memref<32x512xf32, #tpu.memory_space<vmem>>, vector<1x16xf32>,
        %get3A_595 = arith.index_cast %while3A_189 : i32 to index
        %get3A_596 = arith.constant 464 : index
        %get3A_597 = tpu.vector_load %arg15[%get3A_595, %get3A_596] {strides = array<i32>} : memref<32x512xf32, #tpu.memory_space<vmem>>, vector<1x16xf32>,
        %get3A_598 = vector.shape_cast %get3A_597 : vector<1x16xf32> to vector<16xf32>
        %get3A_599 = arith.index_cast %while3A_189 : i32 to index
        %get3A_600 = arith.constant 464 : index
        %get3A_601 = tpu.vector_load %arg16[%get3A_599, %get3A_600] {strides = array<i32>} : memref<32x512xf32, #tpu.memory_space<vmem>>, vector<1x16xf32>,
        %get3A_602 = vector.shape_cast %get3A_601 : vector<1x16xf32> to vector<16xf32>
        %add3A_603 = arith.addf %get3A_598, %get3A_602 : vector<16xf32>
        %swap3A_604 = arith.index_cast %while3A_189 : i32 to index
        %swap3A_605 = arith.constant 464 : index
        %swap3A_606 = tpu.vector_load %arg14[%swap3A_604, %swap3A_605] {strides = array<i32>} : memref<32x512xf32, #tpu.memory_space<vmem>>, vector<1x16xf32>,
        %swap3A_607 = vector.shape_cast %swap3A_606 : vector<1x16xf32> to vector<16xf32>
        %swap3A_608 = vector.shape_cast %add3A_603 : vector<16xf32> to vector<1x16xf32>
        tpu.vector_store %arg14[%swap3A_604, %swap3A_605], %swap3A_608 {add = true, strides = array<i32>} : memref<32x512xf32, #tpu.memory_space<vmem>>, vector<1x16xf32>,
        %get3A_609 = arith.index_cast %while3A_189 : i32 to index
        %get3A_610 = arith.constant 480 : index
        %get3A_611 = tpu.vector_load %arg15[%get3A_609, %get3A_610] {strides = array<i32>} : memref<32x512xf32, #tpu.memory_space<vmem>>, vector<1x16xf32>,
        %get3A_612 = vector.shape_cast %get3A_611 : vector<1x16xf32> to vector<16xf32>
        %get3A_613 = arith.index_cast %while3A_189 : i32 to index
        %get3A_614 = arith.constant 480 : index
        %get3A_615 = tpu.vector_load %arg16[%get3A_613, %get3A_614] {strides = array<i32>} : memref<32x512xf32, #tpu.memory_space<vmem>>, vector<1x16xf32>,
        %get3A_616 = vector.shape_cast %get3A_615 : vector<1x16xf32> to vector<16xf32>
        %add3A_617 = arith.addf %get3A_612, %get3A_616 : vector<16xf32>
        %swap3A_618 = arith.index_cast %while3A_189 : i32 to index
        %swap3A_619 = arith.constant 480 : index
        %swap3A_620 = tpu.vector_load %arg14[%swap3A_618, %swap3A_619] {strides = array<i32>} : memref<32x512xf32, #tpu.memory_space<vmem>>, vector<1x16xf32>,
        %swap3A_621 = vector.shape_cast %swap3A_620 : vector<1x16xf32> to vector<16xf32>
        %swap3A_622 = vector.shape_cast %add3A_617 : vector<16xf32> to vector<1x16xf32>
        tpu.vector_store %arg14[%swap3A_618, %swap3A_619], %swap3A_622 {add = true, strides = array<i32>} : memref<32x512xf32, #tpu.memory_space<vmem>>, vector<1x16xf32>,
        %get3A_623 = arith.index_cast %while3A_189 : i32 to index
        %get3A_624 = arith.constant 496 : index
        %get3A_625 = tpu.vector_load %arg15[%get3A_623, %get3A_624] {strides = array<i32>} : memref<32x512xf32, #tpu.memory_space<vmem>>, vector<1x16xf32>,
        %get3A_626 = vector.shape_cast %get3A_625 : vector<1x16xf32> to vector<16xf32>
        %get3A_627 = arith.index_cast %while3A_189 : i32 to index
        %get3A_628 = arith.constant 496 : index
        %get3A_629 = tpu.vector_load %arg16[%get3A_627, %get3A_628] {strides = array<i32>} : memref<32x512xf32, #tpu.memory_space<vmem>>, vector<1x16xf32>,
        %get3A_630 = vector.shape_cast %get3A_629 : vector<1x16xf32> to vector<16xf32>
        %add3A_631 = arith.addf %get3A_626, %get3A_630 : vector<16xf32>
        %swap3A_632 = arith.index_cast %while3A_189 : i32 to index
        %swap3A_633 = arith.constant 496 : index
        %swap3A_634 = tpu.vector_load %arg14[%swap3A_632, %swap3A_633] {strides = array<i32>} : memref<32x512xf32, #tpu.memory_space<vmem>>, vector<1x16xf32>,
        %swap3A_635 = vector.shape_cast %swap3A_634 : vector<1x16xf32> to vector<16xf32>
        %swap3A_636 = vector.shape_cast %add3A_631 : vector<16xf32> to vector<1x16xf32>
        tpu.vector_store %arg14[%swap3A_632, %swap3A_633], %swap3A_636 {add = true, strides = array<i32>} : memref<32x512xf32, #tpu.memory_space<vmem>>, vector<1x16xf32>,
        %while3A_637 = arith.constant 0 : i32
        scf.yield %while3A_637 : i32
      }
      %while3A_181 = arith.constant 1 : i32
      %while3A_182 = scf.for %while3A_189 = %while3A_178 to %while3A_174 step %while3A_181 iter_args(%while3A_190 = %while3A_180) -> (i32)  : i32 {
        %get3A = arith.index_cast %while3A_189 : i32 to index
        %get3A_191 = arith.constant 0 : index
        %get3A_192 = tpu.vector_load %arg15[%get3A, %get3A_191] {strides = array<i32>} : memref<32x512xf32, #tpu.memory_space<vmem>>, vector<1x16xf32>,
        %get3A_193 = vector.shape_cast %get3A_192 : vector<1x16xf32> to vector<16xf32>
        %get3A_194 = arith.index_cast %while3A_189 : i32 to index
        %get3A_195 = arith.constant 0 : index
        %get3A_196 = tpu.vector_load %arg16[%get3A_194, %get3A_195] {strides = array<i32>} : memref<32x512xf32, #tpu.memory_space<vmem>>, vector<1x16xf32>,
        %get3A_197 = vector.shape_cast %get3A_196 : vector<1x16xf32> to vector<16xf32>
        %add3A_198 = arith.addf %get3A_193, %get3A_197 : vector<16xf32>
        %swap3A = arith.index_cast %while3A_189 : i32 to index
        %swap3A_199 = arith.constant 0 : index
        %swap3A_200 = tpu.vector_load %arg14[%swap3A, %swap3A_199] {strides = array<i32>} : memref<32x512xf32, #tpu.memory_space<vmem>>, vector<1x16xf32>,
        %swap3A_201 = vector.shape_cast %swap3A_200 : vector<1x16xf32> to vector<16xf32>
        %swap3A_202 = vector.shape_cast %add3A_198 : vector<16xf32> to vector<1x16xf32>
        tpu.vector_store %arg14[%swap3A, %swap3A_199], %swap3A_202 {add = true, strides = array<i32>} : memref<32x512xf32, #tpu.memory_space<vmem>>, vector<1x16xf32>,
        %get3A_203 = arith.index_cast %while3A_189 : i32 to index
        %get3A_204 = arith.constant 16 : index
        %get3A_205 = tpu.vector_load %arg15[%get3A_203, %get3A_204] {strides = array<i32>} : memref<32x512xf32, #tpu.memory_space<vmem>>, vector<1x16xf32>,
        %get3A_206 = vector.shape_cast %get3A_205 : vector<1x16xf32> to vector<16xf32>
        %get3A_207 = arith.index_cast %while3A_189 : i32 to index
        %get3A_208 = arith.constant 16 : index
        %get3A_209 = tpu.vector_load %arg16[%get3A_207, %get3A_208] {strides = array<i32>} : memref<32x512xf32, #tpu.memory_space<vmem>>, vector<1x16xf32>,
        %get3A_210 = vector.shape_cast %get3A_209 : vector<1x16xf32> to vector<16xf32>
        %add3A_211 = arith.addf %get3A_206, %get3A_210 : vector<16xf32>
        %swap3A_212 = arith.index_cast %while3A_189 : i32 to index
        %swap3A_213 = arith.constant 16 : index
        %swap3A_214 = tpu.vector_load %arg14[%swap3A_212, %swap3A_213] {strides = array<i32>} : memref<32x512xf32, #tpu.memory_space<vmem>>, vector<1x16xf32>,
        %swap3A_215 = vector.shape_cast %swap3A_214 : vector<1x16xf32> to vector<16xf32>
        %swap3A_216 = vector.shape_cast %add3A_211 : vector<16xf32> to vector<1x16xf32>
        tpu.vector_store %arg14[%swap3A_212, %swap3A_213], %swap3A_216 {add = true, strides = array<i32>} : memref<32x512xf32, #tpu.memory_space<vmem>>, vector<1x16xf32>,
        %get3A_217 = arith.index_cast %while3A_189 : i32 to index
        %get3A_218 = arith.constant 32 : index
        %get3A_219 = tpu.vector_load %arg15[%get3A_217, %get3A_218] {strides = array<i32>} : memref<32x512xf32, #tpu.memory_space<vmem>>, vector<1x16xf32>,
        %get3A_220 = vector.shape_cast %get3A_219 : vector<1x16xf32> to vector<16xf32>
        %get3A_221 = arith.index_cast %while3A_189 : i32 to index
        %get3A_222 = arith.constant 32 : index
        %get3A_223 = tpu.vector_load %arg16[%get3A_221, %get3A_222] {strides = array<i32>} : memref<32x512xf32, #tpu.memory_space<vmem>>, vector<1x16xf32>,
        %get3A_224 = vector.shape_cast %get3A_223 : vector<1x16xf32> to vector<16xf32>
        %add3A_225 = arith.addf %get3A_220, %get3A_224 : vector<16xf32>
        %swap3A_226 = arith.index_cast %while3A_189 : i32 to index
        %swap3A_227 = arith.constant 32 : index
        %swap3A_228 = tpu.vector_load %arg14[%swap3A_226, %swap3A_227] {strides = array<i32>} : memref<32x512xf32, #tpu.memory_space<vmem>>, vector<1x16xf32>,
        %swap3A_229 = vector.shape_cast %swap3A_228 : vector<1x16xf32> to vector<16xf32>
        %swap3A_230 = vector.shape_cast %add3A_225 : vector<16xf32> to vector<1x16xf32>
        tpu.vector_store %arg14[%swap3A_226, %swap3A_227], %swap3A_230 {add = true, strides = array<i32>} : memref<32x512xf32, #tpu.memory_space<vmem>>, vector<1x16xf32>,
        %get3A_231 = arith.index_cast %while3A_189 : i32 to index
        %get3A_232 = arith.constant 48 : index
        %get3A_233 = tpu.vector_load %arg15[%get3A_231, %get3A_232] {strides = array<i32>} : memref<32x512xf32, #tpu.memory_space<vmem>>, vector<1x16xf32>,
        %get3A_234 = vector.shape_cast %get3A_233 : vector<1x16xf32> to vector<16xf32>
        %get3A_235 = arith.index_cast %while3A_189 : i32 to index
        %get3A_236 = arith.constant 48 : index
        %get3A_237 = tpu.vector_load %arg16[%get3A_235, %get3A_236] {strides = array<i32>} : memref<32x512xf32, #tpu.memory_space<vmem>>, vector<1x16xf32>,
        %get3A_238 = vector.shape_cast %get3A_237 : vector<1x16xf32> to vector<16xf32>
        %add3A_239 = arith.addf %get3A_234, %get3A_238 : vector<16xf32>
        %swap3A_240 = arith.index_cast %while3A_189 : i32 to index
        %swap3A_241 = arith.constant 48 : index
        %swap3A_242 = tpu.vector_load %arg14[%swap3A_240, %swap3A_241] {strides = array<i32>} : memref<32x512xf32, #tpu.memory_space<vmem>>, vector<1x16xf32>,
        %swap3A_243 = vector.shape_cast %swap3A_242 : vector<1x16xf32> to vector<16xf32>
        %swap3A_244 = vector.shape_cast %add3A_239 : vector<16xf32> to vector<1x16xf32>
        tpu.vector_store %arg14[%swap3A_240, %swap3A_241], %swap3A_244 {add = true, strides = array<i32>} : memref<32x512xf32, #tpu.memory_space<vmem>>, vector<1x16xf32>,
        %get3A_245 = arith.index_cast %while3A_189 : i32 to index
        %get3A_246 = arith.constant 64 : index
        %get3A_247 = tpu.vector_load %arg15[%get3A_245, %get3A_246] {strides = array<i32>} : memref<32x512xf32, #tpu.memory_space<vmem>>, vector<1x16xf32>,
        %get3A_248 = vector.shape_cast %get3A_247 : vector<1x16xf32> to vector<16xf32>
        %get3A_249 = arith.index_cast %while3A_189 : i32 to index
        %get3A_250 = arith.constant 64 : index
        %get3A_251 = tpu.vector_load %arg16[%get3A_249, %get3A_250] {strides = array<i32>} : memref<32x512xf32, #tpu.memory_space<vmem>>, vector<1x16xf32>,
        %get3A_252 = vector.shape_cast %get3A_251 : vector<1x16xf32> to vector<16xf32>
        %add3A_253 = arith.addf %get3A_248, %get3A_252 : vector<16xf32>
        %swap3A_254 = arith.index_cast %while3A_189 : i32 to index
        %swap3A_255 = arith.constant 64 : index
        %swap3A_256 = tpu.vector_load %arg14[%swap3A_254, %swap3A_255] {strides = array<i32>} : memref<32x512xf32, #tpu.memory_space<vmem>>, vector<1x16xf32>,
        %swap3A_257 = vector.shape_cast %swap3A_256 : vector<1x16xf32> to vector<16xf32>
        %swap3A_258 = vector.shape_cast %add3A_253 : vector<16xf32> to vector<1x16xf32>
        tpu.vector_store %arg14[%swap3A_254, %swap3A_255], %swap3A_258 {add = true, strides = array<i32>} : memref<32x512xf32, #tpu.memory_space<vmem>>, vector<1x16xf32>,
        %get3A_259 = arith.index_cast %while3A_189 : i32 to index
        %get3A_260 = arith.constant 80 : index
        %get3A_261 = tpu.vector_load %arg15[%get3A_259, %get3A_260] {strides = array<i32>} : memref<32x512xf32, #tpu.memory_space<vmem>>, vector<1x16xf32>,
        %get3A_262 = vector.shape_cast %get3A_261 : vector<1x16xf32> to vector<16xf32>
        %get3A_263 = arith.index_cast %while3A_189 : i32 to index
        %get3A_264 = arith.constant 80 : index
        %get3A_265 = tpu.vector_load %arg16[%get3A_263, %get3A_264] {strides = array<i32>} : memref<32x512xf32, #tpu.memory_space<vmem>>, vector<1x16xf32>,
        %get3A_266 = vector.shape_cast %get3A_265 : vector<1x16xf32> to vector<16xf32>
        %add3A_267 = arith.addf %get3A_262, %get3A_266 : vector<16xf32>
        %swap3A_268 = arith.index_cast %while3A_189 : i32 to index
        %swap3A_269 = arith.constant 80 : index
        %swap3A_270 = tpu.vector_load %arg14[%swap3A_268, %swap3A_269] {strides = array<i32>} : memref<32x512xf32, #tpu.memory_space<vmem>>, vector<1x16xf32>,
        %swap3A_271 = vector.shape_cast %swap3A_270 : vector<1x16xf32> to vector<16xf32>
        %swap3A_272 = vector.shape_cast %add3A_267 : vector<16xf32> to vector<1x16xf32>
        tpu.vector_store %arg14[%swap3A_268, %swap3A_269], %swap3A_272 {add = true, strides = array<i32>} : memref<32x512xf32, #tpu.memory_space<vmem>>, vector<1x16xf32>,
        %get3A_273 = arith.index_cast %while3A_189 : i32 to index
        %get3A_274 = arith.constant 96 : index
        %get3A_275 = tpu.vector_load %arg15[%get3A_273, %get3A_274] {strides = array<i32>} : memref<32x512xf32, #tpu.memory_space<vmem>>, vector<1x16xf32>,
        %get3A_276 = vector.shape_cast %get3A_275 : vector<1x16xf32> to vector<16xf32>
        %get3A_277 = arith.index_cast %while3A_189 : i32 to index
        %get3A_278 = arith.constant 96 : index
        %get3A_279 = tpu.vector_load %arg16[%get3A_277, %get3A_278] {strides = array<i32>} : memref<32x512xf32, #tpu.memory_space<vmem>>, vector<1x16xf32>,
        %get3A_280 = vector.shape_cast %get3A_279 : vector<1x16xf32> to vector<16xf32>
        %add3A_281 = arith.addf %get3A_276, %get3A_280 : vector<16xf32>
        %swap3A_282 = arith.index_cast %while3A_189 : i32 to index
        %swap3A_283 = arith.constant 96 : index
        %swap3A_284 = tpu.vector_load %arg14[%swap3A_282, %swap3A_283] {strides = array<i32>} : memref<32x512xf32, #tpu.memory_space<vmem>>, vector<1x16xf32>,
        %swap3A_285 = vector.shape_cast %swap3A_284 : vector<1x16xf32> to vector<16xf32>
        %swap3A_286 = vector.shape_cast %add3A_281 : vector<16xf32> to vector<1x16xf32>
        tpu.vector_store %arg14[%swap3A_282, %swap3A_283], %swap3A_286 {add = true, strides = array<i32>} : memref<32x512xf32, #tpu.memory_space<vmem>>, vector<1x16xf32>,
        %get3A_287 = arith.index_cast %while3A_189 : i32 to index
        %get3A_288 = arith.constant 112 : index
        %get3A_289 = tpu.vector_load %arg15[%get3A_287, %get3A_288] {strides = array<i32>} : memref<32x512xf32, #tpu.memory_space<vmem>>, vector<1x16xf32>,
        %get3A_290 = vector.shape_cast %get3A_289 : vector<1x16xf32> to vector<16xf32>
        %get3A_291 = arith.index_cast %while3A_189 : i32 to index
        %get3A_292 = arith.constant 112 : index
        %get3A_293 = tpu.vector_load %arg16[%get3A_291, %get3A_292] {strides = array<i32>} : memref<32x512xf32, #tpu.memory_space<vmem>>, vector<1x16xf32>,
        %get3A_294 = vector.shape_cast %get3A_293 : vector<1x16xf32> to vector<16xf32>
        %add3A_295 = arith.addf %get3A_290, %get3A_294 : vector<16xf32>
        %swap3A_296 = arith.index_cast %while3A_189 : i32 to index
        %swap3A_297 = arith.constant 112 : index
        %swap3A_298 = tpu.vector_load %arg14[%swap3A_296, %swap3A_297] {strides = array<i32>} : memref<32x512xf32, #tpu.memory_space<vmem>>, vector<1x16xf32>,
        %swap3A_299 = vector.shape_cast %swap3A_298 : vector<1x16xf32> to vector<16xf32>
        %swap3A_300 = vector.shape_cast %add3A_295 : vector<16xf32> to vector<1x16xf32>
        tpu.vector_store %arg14[%swap3A_296, %swap3A_297], %swap3A_300 {add = true, strides = array<i32>} : memref<32x512xf32, #tpu.memory_space<vmem>>, vector<1x16xf32>,
        %get3A_301 = arith.index_cast %while3A_189 : i32 to index
        %get3A_302 = arith.constant 128 : index
        %get3A_303 = tpu.vector_load %arg15[%get3A_301, %get3A_302] {strides = array<i32>} : memref<32x512xf32, #tpu.memory_space<vmem>>, vector<1x16xf32>,
        %get3A_304 = vector.shape_cast %get3A_303 : vector<1x16xf32> to vector<16xf32>
        %get3A_305 = arith.index_cast %while3A_189 : i32 to index
        %get3A_306 = arith.constant 128 : index
        %get3A_307 = tpu.vector_load %arg16[%get3A_305, %get3A_306] {strides = array<i32>} : memref<32x512xf32, #tpu.memory_space<vmem>>, vector<1x16xf32>,
        %get3A_308 = vector.shape_cast %get3A_307 : vector<1x16xf32> to vector<16xf32>
        %add3A_309 = arith.addf %get3A_304, %get3A_308 : vector<16xf32>
        %swap3A_310 = arith.index_cast %while3A_189 : i32 to index
        %swap3A_311 = arith.constant 128 : index
        %swap3A_312 = tpu.vector_load %arg14[%swap3A_310, %swap3A_311] {strides = array<i32>} : memref<32x512xf32, #tpu.memory_space<vmem>>, vector<1x16xf32>,
        %swap3A_313 = vector.shape_cast %swap3A_312 : vector<1x16xf32> to vector<16xf32>
        %swap3A_314 = vector.shape_cast %add3A_309 : vector<16xf32> to vector<1x16xf32>
        tpu.vector_store %arg14[%swap3A_310, %swap3A_311], %swap3A_314 {add = true, strides = array<i32>} : memref<32x512xf32, #tpu.memory_space<vmem>>, vector<1x16xf32>,
        %get3A_315 = arith.index_cast %while3A_189 : i32 to index
        %get3A_316 = arith.constant 144 : index
        %get3A_317 = tpu.vector_load %arg15[%get3A_315, %get3A_316] {strides = array<i32>} : memref<32x512xf32, #tpu.memory_space<vmem>>, vector<1x16xf32>,
        %get3A_318 = vector.shape_cast %get3A_317 : vector<1x16xf32> to vector<16xf32>
        %get3A_319 = arith.index_cast %while3A_189 : i32 to index
        %get3A_320 = arith.constant 144 : index
        %get3A_321 = tpu.vector_load %arg16[%get3A_319, %get3A_320] {strides = array<i32>} : memref<32x512xf32, #tpu.memory_space<vmem>>, vector<1x16xf32>,
        %get3A_322 = vector.shape_cast %get3A_321 : vector<1x16xf32> to vector<16xf32>
        %add3A_323 = arith.addf %get3A_318, %get3A_322 : vector<16xf32>
        %swap3A_324 = arith.index_cast %while3A_189 : i32 to index
        %swap3A_325 = arith.constant 144 : index
        %swap3A_326 = tpu.vector_load %arg14[%swap3A_324, %swap3A_325] {strides = array<i32>} : memref<32x512xf32, #tpu.memory_space<vmem>>, vector<1x16xf32>,
        %swap3A_327 = vector.shape_cast %swap3A_326 : vector<1x16xf32> to vector<16xf32>
        %swap3A_328 = vector.shape_cast %add3A_323 : vector<16xf32> to vector<1x16xf32>
        tpu.vector_store %arg14[%swap3A_324, %swap3A_325], %swap3A_328 {add = true, strides = array<i32>} : memref<32x512xf32, #tpu.memory_space<vmem>>, vector<1x16xf32>,
        %get3A_329 = arith.index_cast %while3A_189 : i32 to index
        %get3A_330 = arith.constant 160 : index
        %get3A_331 = tpu.vector_load %arg15[%get3A_329, %get3A_330] {strides = array<i32>} : memref<32x512xf32, #tpu.memory_space<vmem>>, vector<1x16xf32>,
        %get3A_332 = vector.shape_cast %get3A_331 : vector<1x16xf32> to vector<16xf32>
        %get3A_333 = arith.index_cast %while3A_189 : i32 to index
        %get3A_334 = arith.constant 160 : index
        %get3A_335 = tpu.vector_load %arg16[%get3A_333, %get3A_334] {strides = array<i32>} : memref<32x512xf32, #tpu.memory_space<vmem>>, vector<1x16xf32>,
        %get3A_336 = vector.shape_cast %get3A_335 : vector<1x16xf32> to vector<16xf32>
        %add3A_337 = arith.addf %get3A_332, %get3A_336 : vector<16xf32>
        %swap3A_338 = arith.index_cast %while3A_189 : i32 to index
        %swap3A_339 = arith.constant 160 : index
        %swap3A_340 = tpu.vector_load %arg14[%swap3A_338, %swap3A_339] {strides = array<i32>} : memref<32x512xf32, #tpu.memory_space<vmem>>, vector<1x16xf32>,
        %swap3A_341 = vector.shape_cast %swap3A_340 : vector<1x16xf32> to vector<16xf32>
        %swap3A_342 = vector.shape_cast %add3A_337 : vector<16xf32> to vector<1x16xf32>
        tpu.vector_store %arg14[%swap3A_338, %swap3A_339], %swap3A_342 {add = true, strides = array<i32>} : memref<32x512xf32, #tpu.memory_space<vmem>>, vector<1x16xf32>,
        %get3A_343 = arith.index_cast %while3A_189 : i32 to index
        %get3A_344 = arith.constant 176 : index
        %get3A_345 = tpu.vector_load %arg15[%get3A_343, %get3A_344] {strides = array<i32>} : memref<32x512xf32, #tpu.memory_space<vmem>>, vector<1x16xf32>,
        %get3A_346 = vector.shape_cast %get3A_345 : vector<1x16xf32> to vector<16xf32>
        %get3A_347 = arith.index_cast %while3A_189 : i32 to index
        %get3A_348 = arith.constant 176 : index
        %get3A_349 = tpu.vector_load %arg16[%get3A_347, %get3A_348] {strides = array<i32>} : memref<32x512xf32, #tpu.memory_space<vmem>>, vector<1x16xf32>,
        %get3A_350 = vector.shape_cast %get3A_349 : vector<1x16xf32> to vector<16xf32>
        %add3A_351 = arith.addf %get3A_346, %get3A_350 : vector<16xf32>
        %swap3A_352 = arith.index_cast %while3A_189 : i32 to index
        %swap3A_353 = arith.constant 176 : index
        %swap3A_354 = tpu.vector_load %arg14[%swap3A_352, %swap3A_353] {strides = array<i32>} : memref<32x512xf32, #tpu.memory_space<vmem>>, vector<1x16xf32>,
        %swap3A_355 = vector.shape_cast %swap3A_354 : vector<1x16xf32> to vector<16xf32>
        %swap3A_356 = vector.shape_cast %add3A_351 : vector<16xf32> to vector<1x16xf32>
        tpu.vector_store %arg14[%swap3A_352, %swap3A_353], %swap3A_356 {add = true, strides = array<i32>} : memref<32x512xf32, #tpu.memory_space<vmem>>, vector<1x16xf32>,
        %get3A_357 = arith.index_cast %while3A_189 : i32 to index
        %get3A_358 = arith.constant 192 : index
        %get3A_359 = tpu.vector_load %arg15[%get3A_357, %get3A_358] {strides = array<i32>} : memref<32x512xf32, #tpu.memory_space<vmem>>, vector<1x16xf32>,
        %get3A_360 = vector.shape_cast %get3A_359 : vector<1x16xf32> to vector<16xf32>
        %get3A_361 = arith.index_cast %while3A_189 : i32 to index
        %get3A_362 = arith.constant 192 : index
        %get3A_363 = tpu.vector_load %arg16[%get3A_361, %get3A_362] {strides = array<i32>} : memref<32x512xf32, #tpu.memory_space<vmem>>, vector<1x16xf32>,
        %get3A_364 = vector.shape_cast %get3A_363 : vector<1x16xf32> to vector<16xf32>
        %add3A_365 = arith.addf %get3A_360, %get3A_364 : vector<16xf32>
        %swap3A_366 = arith.index_cast %while3A_189 : i32 to index
        %swap3A_367 = arith.constant 192 : index
        %swap3A_368 = tpu.vector_load %arg14[%swap3A_366, %swap3A_367] {strides = array<i32>} : memref<32x512xf32, #tpu.memory_space<vmem>>, vector<1x16xf32>,
        %swap3A_369 = vector.shape_cast %swap3A_368 : vector<1x16xf32> to vector<16xf32>
        %swap3A_370 = vector.shape_cast %add3A_365 : vector<16xf32> to vector<1x16xf32>
        tpu.vector_store %arg14[%swap3A_366, %swap3A_367], %swap3A_370 {add = true, strides = array<i32>} : memref<32x512xf32, #tpu.memory_space<vmem>>, vector<1x16xf32>,
        %get3A_371 = arith.index_cast %while3A_189 : i32 to index
        %get3A_372 = arith.constant 208 : index
        %get3A_373 = tpu.vector_load %arg15[%get3A_371, %get3A_372] {strides = array<i32>} : memref<32x512xf32, #tpu.memory_space<vmem>>, vector<1x16xf32>,
        %get3A_374 = vector.shape_cast %get3A_373 : vector<1x16xf32> to vector<16xf32>
        %get3A_375 = arith.index_cast %while3A_189 : i32 to index
        %get3A_376 = arith.constant 208 : index
        %get3A_377 = tpu.vector_load %arg16[%get3A_375, %get3A_376] {strides = array<i32>} : memref<32x512xf32, #tpu.memory_space<vmem>>, vector<1x16xf32>,
        %get3A_378 = vector.shape_cast %get3A_377 : vector<1x16xf32> to vector<16xf32>
        %add3A_379 = arith.addf %get3A_374, %get3A_378 : vector<16xf32>
        %swap3A_380 = arith.index_cast %while3A_189 : i32 to index
        %swap3A_381 = arith.constant 208 : index
        %swap3A_382 = tpu.vector_load %arg14[%swap3A_380, %swap3A_381] {strides = array<i32>} : memref<32x512xf32, #tpu.memory_space<vmem>>, vector<1x16xf32>,
        %swap3A_383 = vector.shape_cast %swap3A_382 : vector<1x16xf32> to vector<16xf32>
        %swap3A_384 = vector.shape_cast %add3A_379 : vector<16xf32> to vector<1x16xf32>
        tpu.vector_store %arg14[%swap3A_380, %swap3A_381], %swap3A_384 {add = true, strides = array<i32>} : memref<32x512xf32, #tpu.memory_space<vmem>>, vector<1x16xf32>,
        %get3A_385 = arith.index_cast %while3A_189 : i32 to index
        %get3A_386 = arith.constant 224 : index
        %get3A_387 = tpu.vector_load %arg15[%get3A_385, %get3A_386] {strides = array<i32>} : memref<32x512xf32, #tpu.memory_space<vmem>>, vector<1x16xf32>,
        %get3A_388 = vector.shape_cast %get3A_387 : vector<1x16xf32> to vector<16xf32>
        %get3A_389 = arith.index_cast %while3A_189 : i32 to index
        %get3A_390 = arith.constant 224 : index
        %get3A_391 = tpu.vector_load %arg16[%get3A_389, %get3A_390] {strides = array<i32>} : memref<32x512xf32, #tpu.memory_space<vmem>>, vector<1x16xf32>,
        %get3A_392 = vector.shape_cast %get3A_391 : vector<1x16xf32> to vector<16xf32>
        %add3A_393 = arith.addf %get3A_388, %get3A_392 : vector<16xf32>
        %swap3A_394 = arith.index_cast %while3A_189 : i32 to index
        %swap3A_395 = arith.constant 224 : index
        %swap3A_396 = tpu.vector_load %arg14[%swap3A_394, %swap3A_395] {strides = array<i32>} : memref<32x512xf32, #tpu.memory_space<vmem>>, vector<1x16xf32>,
        %swap3A_397 = vector.shape_cast %swap3A_396 : vector<1x16xf32> to vector<16xf32>
        %swap3A_398 = vector.shape_cast %add3A_393 : vector<16xf32> to vector<1x16xf32>
        tpu.vector_store %arg14[%swap3A_394, %swap3A_395], %swap3A_398 {add = true, strides = array<i32>} : memref<32x512xf32, #tpu.memory_space<vmem>>, vector<1x16xf32>,
        %get3A_399 = arith.index_cast %while3A_189 : i32 to index
        %get3A_400 = arith.constant 240 : index
        %get3A_401 = tpu.vector_load %arg15[%get3A_399, %get3A_400] {strides = array<i32>} : memref<32x512xf32, #tpu.memory_space<vmem>>, vector<1x16xf32>,
        %get3A_402 = vector.shape_cast %get3A_401 : vector<1x16xf32> to vector<16xf32>
        %get3A_403 = arith.index_cast %while3A_189 : i32 to index
        %get3A_404 = arith.constant 240 : index
        %get3A_405 = tpu.vector_load %arg16[%get3A_403, %get3A_404] {strides = array<i32>} : memref<32x512xf32, #tpu.memory_space<vmem>>, vector<1x16xf32>,
        %get3A_406 = vector.shape_cast %get3A_405 : vector<1x16xf32> to vector<16xf32>
        %add3A_407 = arith.addf %get3A_402, %get3A_406 : vector<16xf32>
        %swap3A_408 = arith.index_cast %while3A_189 : i32 to index
        %swap3A_409 = arith.constant 240 : index
        %swap3A_410 = tpu.vector_load %arg14[%swap3A_408, %swap3A_409] {strides = array<i32>} : memref<32x512xf32, #tpu.memory_space<vmem>>, vector<1x16xf32>,
        %swap3A_411 = vector.shape_cast %swap3A_410 : vector<1x16xf32> to vector<16xf32>
        %swap3A_412 = vector.shape_cast %add3A_407 : vector<16xf32> to vector<1x16xf32>
        tpu.vector_store %arg14[%swap3A_408, %swap3A_409], %swap3A_412 {add = true, strides = array<i32>} : memref<32x512xf32, #tpu.memory_space<vmem>>, vector<1x16xf32>,
        %get3A_413 = arith.index_cast %while3A_189 : i32 to index
        %get3A_414 = arith.constant 256 : index
        %get3A_415 = tpu.vector_load %arg15[%get3A_413, %get3A_414] {strides = array<i32>} : memref<32x512xf32, #tpu.memory_space<vmem>>, vector<1x16xf32>,
        %get3A_416 = vector.shape_cast %get3A_415 : vector<1x16xf32> to vector<16xf32>
        %get3A_417 = arith.index_cast %while3A_189 : i32 to index
        %get3A_418 = arith.constant 256 : index
        %get3A_419 = tpu.vector_load %arg16[%get3A_417, %get3A_418] {strides = array<i32>} : memref<32x512xf32, #tpu.memory_space<vmem>>, vector<1x16xf32>,
        %get3A_420 = vector.shape_cast %get3A_419 : vector<1x16xf32> to vector<16xf32>
        %add3A_421 = arith.addf %get3A_416, %get3A_420 : vector<16xf32>
        %swap3A_422 = arith.index_cast %while3A_189 : i32 to index
        %swap3A_423 = arith.constant 256 : index
        %swap3A_424 = tpu.vector_load %arg14[%swap3A_422, %swap3A_423] {strides = array<i32>} : memref<32x512xf32, #tpu.memory_space<vmem>>, vector<1x16xf32>,
        %swap3A_425 = vector.shape_cast %swap3A_424 : vector<1x16xf32> to vector<16xf32>
        %swap3A_426 = vector.shape_cast %add3A_421 : vector<16xf32> to vector<1x16xf32>
        tpu.vector_store %arg14[%swap3A_422, %swap3A_423], %swap3A_426 {add = true, strides = array<i32>} : memref<32x512xf32, #tpu.memory_space<vmem>>, vector<1x16xf32>,
        %get3A_427 = arith.index_cast %while3A_189 : i32 to index
        %get3A_428 = arith.constant 272 : index
        %get3A_429 = tpu.vector_load %arg15[%get3A_427, %get3A_428] {strides = array<i32>} : memref<32x512xf32, #tpu.memory_space<vmem>>, vector<1x16xf32>,
        %get3A_430 = vector.shape_cast %get3A_429 : vector<1x16xf32> to vector<16xf32>
        %get3A_431 = arith.index_cast %while3A_189 : i32 to index
        %get3A_432 = arith.constant 272 : index
        %get3A_433 = tpu.vector_load %arg16[%get3A_431, %get3A_432] {strides = array<i32>} : memref<32x512xf32, #tpu.memory_space<vmem>>, vector<1x16xf32>,
        %get3A_434 = vector.shape_cast %get3A_433 : vector<1x16xf32> to vector<16xf32>
        %add3A_435 = arith.addf %get3A_430, %get3A_434 : vector<16xf32>
        %swap3A_436 = arith.index_cast %while3A_189 : i32 to index
        %swap3A_437 = arith.constant 272 : index
        %swap3A_438 = tpu.vector_load %arg14[%swap3A_436, %swap3A_437] {strides = array<i32>} : memref<32x512xf32, #tpu.memory_space<vmem>>, vector<1x16xf32>,
        %swap3A_439 = vector.shape_cast %swap3A_438 : vector<1x16xf32> to vector<16xf32>
        %swap3A_440 = vector.shape_cast %add3A_435 : vector<16xf32> to vector<1x16xf32>
        tpu.vector_store %arg14[%swap3A_436, %swap3A_437], %swap3A_440 {add = true, strides = array<i32>} : memref<32x512xf32, #tpu.memory_space<vmem>>, vector<1x16xf32>,
        %get3A_441 = arith.index_cast %while3A_189 : i32 to index
        %get3A_442 = arith.constant 288 : index
        %get3A_443 = tpu.vector_load %arg15[%get3A_441, %get3A_442] {strides = array<i32>} : memref<32x512xf32, #tpu.memory_space<vmem>>, vector<1x16xf32>,
        %get3A_444 = vector.shape_cast %get3A_443 : vector<1x16xf32> to vector<16xf32>
        %get3A_445 = arith.index_cast %while3A_189 : i32 to index
        %get3A_446 = arith.constant 288 : index
        %get3A_447 = tpu.vector_load %arg16[%get3A_445, %get3A_446] {strides = array<i32>} : memref<32x512xf32, #tpu.memory_space<vmem>>, vector<1x16xf32>,
        %get3A_448 = vector.shape_cast %get3A_447 : vector<1x16xf32> to vector<16xf32>
        %add3A_449 = arith.addf %get3A_444, %get3A_448 : vector<16xf32>
        %swap3A_450 = arith.index_cast %while3A_189 : i32 to index
        %swap3A_451 = arith.constant 288 : index
        %swap3A_452 = tpu.vector_load %arg14[%swap3A_450, %swap3A_451] {strides = array<i32>} : memref<32x512xf32, #tpu.memory_space<vmem>>, vector<1x16xf32>,
        %swap3A_453 = vector.shape_cast %swap3A_452 : vector<1x16xf32> to vector<16xf32>
        %swap3A_454 = vector.shape_cast %add3A_449 : vector<16xf32> to vector<1x16xf32>
        tpu.vector_store %arg14[%swap3A_450, %swap3A_451], %swap3A_454 {add = true, strides = array<i32>} : memref<32x512xf32, #tpu.memory_space<vmem>>, vector<1x16xf32>,
        %get3A_455 = arith.index_cast %while3A_189 : i32 to index
        %get3A_456 = arith.constant 304 : index
        %get3A_457 = tpu.vector_load %arg15[%get3A_455, %get3A_456] {strides = array<i32>} : memref<32x512xf32, #tpu.memory_space<vmem>>, vector<1x16xf32>,
        %get3A_458 = vector.shape_cast %get3A_457 : vector<1x16xf32> to vector<16xf32>
        %get3A_459 = arith.index_cast %while3A_189 : i32 to index
        %get3A_460 = arith.constant 304 : index
        %get3A_461 = tpu.vector_load %arg16[%get3A_459, %get3A_460] {strides = array<i32>} : memref<32x512xf32, #tpu.memory_space<vmem>>, vector<1x16xf32>,
        %get3A_462 = vector.shape_cast %get3A_461 : vector<1x16xf32> to vector<16xf32>
        %add3A_463 = arith.addf %get3A_458, %get3A_462 : vector<16xf32>
        %swap3A_464 = arith.index_cast %while3A_189 : i32 to index
        %swap3A_465 = arith.constant 304 : index
        %swap3A_466 = tpu.vector_load %arg14[%swap3A_464, %swap3A_465] {strides = array<i32>} : memref<32x512xf32, #tpu.memory_space<vmem>>, vector<1x16xf32>,
        %swap3A_467 = vector.shape_cast %swap3A_466 : vector<1x16xf32> to vector<16xf32>
        %swap3A_468 = vector.shape_cast %add3A_463 : vector<16xf32> to vector<1x16xf32>
        tpu.vector_store %arg14[%swap3A_464, %swap3A_465], %swap3A_468 {add = true, strides = array<i32>} : memref<32x512xf32, #tpu.memory_space<vmem>>, vector<1x16xf32>,
        %get3A_469 = arith.index_cast %while3A_189 : i32 to index
        %get3A_470 = arith.constant 320 : index
        %get3A_471 = tpu.vector_load %arg15[%get3A_469, %get3A_470] {strides = array<i32>} : memref<32x512xf32, #tpu.memory_space<vmem>>, vector<1x16xf32>,
        %get3A_472 = vector.shape_cast %get3A_471 : vector<1x16xf32> to vector<16xf32>
        %get3A_473 = arith.index_cast %while3A_189 : i32 to index
        %get3A_474 = arith.constant 320 : index
        %get3A_475 = tpu.vector_load %arg16[%get3A_473, %get3A_474] {strides = array<i32>} : memref<32x512xf32, #tpu.memory_space<vmem>>, vector<1x16xf32>,
        %get3A_476 = vector.shape_cast %get3A_475 : vector<1x16xf32> to vector<16xf32>
        %add3A_477 = arith.addf %get3A_472, %get3A_476 : vector<16xf32>
        %swap3A_478 = arith.index_cast %while3A_189 : i32 to index
        %swap3A_479 = arith.constant 320 : index
        %swap3A_480 = tpu.vector_load %arg14[%swap3A_478, %swap3A_479] {strides = array<i32>} : memref<32x512xf32, #tpu.memory_space<vmem>>, vector<1x16xf32>,
        %swap3A_481 = vector.shape_cast %swap3A_480 : vector<1x16xf32> to vector<16xf32>
        %swap3A_482 = vector.shape_cast %add3A_477 : vector<16xf32> to vector<1x16xf32>
        tpu.vector_store %arg14[%swap3A_478, %swap3A_479], %swap3A_482 {add = true, strides = array<i32>} : memref<32x512xf32, #tpu.memory_space<vmem>>, vector<1x16xf32>,
        %get3A_483 = arith.index_cast %while3A_189 : i32 to index
        %get3A_484 = arith.constant 336 : index
        %get3A_485 = tpu.vector_load %arg15[%get3A_483, %get3A_484] {strides = array<i32>} : memref<32x512xf32, #tpu.memory_space<vmem>>, vector<1x16xf32>,
        %get3A_486 = vector.shape_cast %get3A_485 : vector<1x16xf32> to vector<16xf32>
        %get3A_487 = arith.index_cast %while3A_189 : i32 to index
        %get3A_488 = arith.constant 336 : index
        %get3A_489 = tpu.vector_load %arg16[%get3A_487, %get3A_488] {strides = array<i32>} : memref<32x512xf32, #tpu.memory_space<vmem>>, vector<1x16xf32>,
        %get3A_490 = vector.shape_cast %get3A_489 : vector<1x16xf32> to vector<16xf32>
        %add3A_491 = arith.addf %get3A_486, %get3A_490 : vector<16xf32>
        %swap3A_492 = arith.index_cast %while3A_189 : i32 to index
        %swap3A_493 = arith.constant 336 : index
        %swap3A_494 = tpu.vector_load %arg14[%swap3A_492, %swap3A_493] {strides = array<i32>} : memref<32x512xf32, #tpu.memory_space<vmem>>, vector<1x16xf32>,
        %swap3A_495 = vector.shape_cast %swap3A_494 : vector<1x16xf32> to vector<16xf32>
        %swap3A_496 = vector.shape_cast %add3A_491 : vector<16xf32> to vector<1x16xf32>
        tpu.vector_store %arg14[%swap3A_492, %swap3A_493], %swap3A_496 {add = true, strides = array<i32>} : memref<32x512xf32, #tpu.memory_space<vmem>>, vector<1x16xf32>,
        %get3A_497 = arith.index_cast %while3A_189 : i32 to index
        %get3A_498 = arith.constant 352 : index
        %get3A_499 = tpu.vector_load %arg15[%get3A_497, %get3A_498] {strides = array<i32>} : memref<32x512xf32, #tpu.memory_space<vmem>>, vector<1x16xf32>,
        %get3A_500 = vector.shape_cast %get3A_499 : vector<1x16xf32> to vector<16xf32>
        %get3A_501 = arith.index_cast %while3A_189 : i32 to index
        %get3A_502 = arith.constant 352 : index
        %get3A_503 = tpu.vector_load %arg16[%get3A_501, %get3A_502] {strides = array<i32>} : memref<32x512xf32, #tpu.memory_space<vmem>>, vector<1x16xf32>,
        %get3A_504 = vector.shape_cast %get3A_503 : vector<1x16xf32> to vector<16xf32>
        %add3A_505 = arith.addf %get3A_500, %get3A_504 : vector<16xf32>
        %swap3A_506 = arith.index_cast %while3A_189 : i32 to index
        %swap3A_507 = arith.constant 352 : index
        %swap3A_508 = tpu.vector_load %arg14[%swap3A_506, %swap3A_507] {strides = array<i32>} : memref<32x512xf32, #tpu.memory_space<vmem>>, vector<1x16xf32>,
        %swap3A_509 = vector.shape_cast %swap3A_508 : vector<1x16xf32> to vector<16xf32>
        %swap3A_510 = vector.shape_cast %add3A_505 : vector<16xf32> to vector<1x16xf32>
        tpu.vector_store %arg14[%swap3A_506, %swap3A_507], %swap3A_510 {add = true, strides = array<i32>} : memref<32x512xf32, #tpu.memory_space<vmem>>, vector<1x16xf32>,
        %get3A_511 = arith.index_cast %while3A_189 : i32 to index
        %get3A_512 = arith.constant 368 : index
        %get3A_513 = tpu.vector_load %arg15[%get3A_511, %get3A_512] {strides = array<i32>} : memref<32x512xf32, #tpu.memory_space<vmem>>, vector<1x16xf32>,
        %get3A_514 = vector.shape_cast %get3A_513 : vector<1x16xf32> to vector<16xf32>
        %get3A_515 = arith.index_cast %while3A_189 : i32 to index
        %get3A_516 = arith.constant 368 : index
        %get3A_517 = tpu.vector_load %arg16[%get3A_515, %get3A_516] {strides = array<i32>} : memref<32x512xf32, #tpu.memory_space<vmem>>, vector<1x16xf32>,
        %get3A_518 = vector.shape_cast %get3A_517 : vector<1x16xf32> to vector<16xf32>
        %add3A_519 = arith.addf %get3A_514, %get3A_518 : vector<16xf32>
        %swap3A_520 = arith.index_cast %while3A_189 : i32 to index
        %swap3A_521 = arith.constant 368 : index
        %swap3A_522 = tpu.vector_load %arg14[%swap3A_520, %swap3A_521] {strides = array<i32>} : memref<32x512xf32, #tpu.memory_space<vmem>>, vector<1x16xf32>,
        %swap3A_523 = vector.shape_cast %swap3A_522 : vector<1x16xf32> to vector<16xf32>
        %swap3A_524 = vector.shape_cast %add3A_519 : vector<16xf32> to vector<1x16xf32>
        tpu.vector_store %arg14[%swap3A_520, %swap3A_521], %swap3A_524 {add = true, strides = array<i32>} : memref<32x512xf32, #tpu.memory_space<vmem>>, vector<1x16xf32>,
        %get3A_525 = arith.index_cast %while3A_189 : i32 to index
        %get3A_526 = arith.constant 384 : index
        %get3A_527 = tpu.vector_load %arg15[%get3A_525, %get3A_526] {strides = array<i32>} : memref<32x512xf32, #tpu.memory_space<vmem>>, vector<1x16xf32>,
        %get3A_528 = vector.shape_cast %get3A_527 : vector<1x16xf32> to vector<16xf32>
        %get3A_529 = arith.index_cast %while3A_189 : i32 to index
        %get3A_530 = arith.constant 384 : index
        %get3A_531 = tpu.vector_load %arg16[%get3A_529, %get3A_530] {strides = array<i32>} : memref<32x512xf32, #tpu.memory_space<vmem>>, vector<1x16xf32>,
        %get3A_532 = vector.shape_cast %get3A_531 : vector<1x16xf32> to vector<16xf32>
        %add3A_533 = arith.addf %get3A_528, %get3A_532 : vector<16xf32>
        %swap3A_534 = arith.index_cast %while3A_189 : i32 to index
        %swap3A_535 = arith.constant 384 : index
        %swap3A_536 = tpu.vector_load %arg14[%swap3A_534, %swap3A_535] {strides = array<i32>} : memref<32x512xf32, #tpu.memory_space<vmem>>, vector<1x16xf32>,
        %swap3A_537 = vector.shape_cast %swap3A_536 : vector<1x16xf32> to vector<16xf32>
        %swap3A_538 = vector.shape_cast %add3A_533 : vector<16xf32> to vector<1x16xf32>
        tpu.vector_store %arg14[%swap3A_534, %swap3A_535], %swap3A_538 {add = true, strides = array<i32>} : memref<32x512xf32, #tpu.memory_space<vmem>>, vector<1x16xf32>,
        %get3A_539 = arith.index_cast %while3A_189 : i32 to index
        %get3A_540 = arith.constant 400 : index
        %get3A_541 = tpu.vector_load %arg15[%get3A_539, %get3A_540] {strides = array<i32>} : memref<32x512xf32, #tpu.memory_space<vmem>>, vector<1x16xf32>,
        %get3A_542 = vector.shape_cast %get3A_541 : vector<1x16xf32> to vector<16xf32>
        %get3A_543 = arith.index_cast %while3A_189 : i32 to index
        %get3A_544 = arith.constant 400 : index
        %get3A_545 = tpu.vector_load %arg16[%get3A_543, %get3A_544] {strides = array<i32>} : memref<32x512xf32, #tpu.memory_space<vmem>>, vector<1x16xf32>,
        %get3A_546 = vector.shape_cast %get3A_545 : vector<1x16xf32> to vector<16xf32>
        %add3A_547 = arith.addf %get3A_542, %get3A_546 : vector<16xf32>
        %swap3A_548 = arith.index_cast %while3A_189 : i32 to index
        %swap3A_549 = arith.constant 400 : index
        %swap3A_550 = tpu.vector_load %arg14[%swap3A_548, %swap3A_549] {strides = array<i32>} : memref<32x512xf32, #tpu.memory_space<vmem>>, vector<1x16xf32>,
        %swap3A_551 = vector.shape_cast %swap3A_550 : vector<1x16xf32> to vector<16xf32>
        %swap3A_552 = vector.shape_cast %add3A_547 : vector<16xf32> to vector<1x16xf32>
        tpu.vector_store %arg14[%swap3A_548, %swap3A_549], %swap3A_552 {add = true, strides = array<i32>} : memref<32x512xf32, #tpu.memory_space<vmem>>, vector<1x16xf32>,
        %get3A_553 = arith.index_cast %while3A_189 : i32 to index
        %get3A_554 = arith.constant 416 : index
        %get3A_555 = tpu.vector_load %arg15[%get3A_553, %get3A_554] {strides = array<i32>} : memref<32x512xf32, #tpu.memory_space<vmem>>, vector<1x16xf32>,
        %get3A_556 = vector.shape_cast %get3A_555 : vector<1x16xf32> to vector<16xf32>
        %get3A_557 = arith.index_cast %while3A_189 : i32 to index
        %get3A_558 = arith.constant 416 : index
        %get3A_559 = tpu.vector_load %arg16[%get3A_557, %get3A_558] {strides = array<i32>} : memref<32x512xf32, #tpu.memory_space<vmem>>, vector<1x16xf32>,
        %get3A_560 = vector.shape_cast %get3A_559 : vector<1x16xf32> to vector<16xf32>
        %add3A_561 = arith.addf %get3A_556, %get3A_560 : vector<16xf32>
        %swap3A_562 = arith.index_cast %while3A_189 : i32 to index
        %swap3A_563 = arith.constant 416 : index
        %swap3A_564 = tpu.vector_load %arg14[%swap3A_562, %swap3A_563] {strides = array<i32>} : memref<32x512xf32, #tpu.memory_space<vmem>>, vector<1x16xf32>,
        %swap3A_565 = vector.shape_cast %swap3A_564 : vector<1x16xf32> to vector<16xf32>
        %swap3A_566 = vector.shape_cast %add3A_561 : vector<16xf32> to vector<1x16xf32>
        tpu.vector_store %arg14[%swap3A_562, %swap3A_563], %swap3A_566 {add = true, strides = array<i32>} : memref<32x512xf32, #tpu.memory_space<vmem>>, vector<1x16xf32>,
        %get3A_567 = arith.index_cast %while3A_189 : i32 to index
        %get3A_568 = arith.constant 432 : index
        %get3A_569 = tpu.vector_load %arg15[%get3A_567, %get3A_568] {strides = array<i32>} : memref<32x512xf32, #tpu.memory_space<vmem>>, vector<1x16xf32>,
        %get3A_570 = vector.shape_cast %get3A_569 : vector<1x16xf32> to vector<16xf32>
        %get3A_571 = arith.index_cast %while3A_189 : i32 to index
        %get3A_572 = arith.constant 432 : index
        %get3A_573 = tpu.vector_load %arg16[%get3A_571, %get3A_572] {strides = array<i32>} : memref<32x512xf32, #tpu.memory_space<vmem>>, vector<1x16xf32>,
        %get3A_574 = vector.shape_cast %get3A_573 : vector<1x16xf32> to vector<16xf32>
        %add3A_575 = arith.addf %get3A_570, %get3A_574 : vector<16xf32>
        %swap3A_576 = arith.index_cast %while3A_189 : i32 to index
        %swap3A_577 = arith.constant 432 : index
        %swap3A_578 = tpu.vector_load %arg14[%swap3A_576, %swap3A_577] {strides = array<i32>} : memref<32x512xf32, #tpu.memory_space<vmem>>, vector<1x16xf32>,
        %swap3A_579 = vector.shape_cast %swap3A_578 : vector<1x16xf32> to vector<16xf32>
        %swap3A_580 = vector.shape_cast %add3A_575 : vector<16xf32> to vector<1x16xf32>
        tpu.vector_store %arg14[%swap3A_576, %swap3A_577], %swap3A_580 {add = true, strides = array<i32>} : memref<32x512xf32, #tpu.memory_space<vmem>>, vector<1x16xf32>,
        %get3A_581 = arith.index_cast %while3A_189 : i32 to index
        %get3A_582 = arith.constant 448 : index
        %get3A_583 = tpu.vector_load %arg15[%get3A_581, %get3A_582] {strides = array<i32>} : memref<32x512xf32, #tpu.memory_space<vmem>>, vector<1x16xf32>,
        %get3A_584 = vector.shape_cast %get3A_583 : vector<1x16xf32> to vector<16xf32>
        %get3A_585 = arith.index_cast %while3A_189 : i32 to index
        %get3A_586 = arith.constant 448 : index
        %get3A_587 = tpu.vector_load %arg16[%get3A_585, %get3A_586] {strides = array<i32>} : memref<32x512xf32, #tpu.memory_space<vmem>>, vector<1x16xf32>,
        %get3A_588 = vector.shape_cast %get3A_587 : vector<1x16xf32> to vector<16xf32>
        %add3A_589 = arith.addf %get3A_584, %get3A_588 : vector<16xf32>
        %swap3A_590 = arith.index_cast %while3A_189 : i32 to index
        %swap3A_591 = arith.constant 448 : index
        %swap3A_592 = tpu.vector_load %arg14[%swap3A_590, %swap3A_591] {strides = array<i32>} : memref<32x512xf32, #tpu.memory_space<vmem>>, vector<1x16xf32>,
        %swap3A_593 = vector.shape_cast %swap3A_592 : vector<1x16xf32> to vector<16xf32>
        %swap3A_594 = vector.shape_cast %add3A_589 : vector<16xf32> to vector<1x16xf32>
        tpu.vector_store %arg14[%swap3A_590, %swap3A_591], %swap3A_594 {add = true, strides = array<i32>} : memref<32x512xf32, #tpu.memory_space<vmem>>, vector<1x16xf32>,
        %get3A_595 = arith.index_cast %while3A_189 : i32 to index
        %get3A_596 = arith.constant 464 : index
        %get3A_597 = tpu.vector_load %arg15[%get3A_595, %get3A_596] {strides = array<i32>} : memref<32x512xf32, #tpu.memory_space<vmem>>, vector<1x16xf32>,
        %get3A_598 = vector.shape_cast %get3A_597 : vector<1x16xf32> to vector<16xf32>
        %get3A_599 = arith.index_cast %while3A_189 : i32 to index
        %get3A_600 = arith.constant 464 : index
        %get3A_601 = tpu.vector_load %arg16[%get3A_599, %get3A_600] {strides = array<i32>} : memref<32x512xf32, #tpu.memory_space<vmem>>, vector<1x16xf32>,
        %get3A_602 = vector.shape_cast %get3A_601 : vector<1x16xf32> to vector<16xf32>
        %add3A_603 = arith.addf %get3A_598, %get3A_602 : vector<16xf32>
        %swap3A_604 = arith.index_cast %while3A_189 : i32 to index
        %swap3A_605 = arith.constant 464 : index
        %swap3A_606 = tpu.vector_load %arg14[%swap3A_604, %swap3A_605] {strides = array<i32>} : memref<32x512xf32, #tpu.memory_space<vmem>>, vector<1x16xf32>,
        %swap3A_607 = vector.shape_cast %swap3A_606 : vector<1x16xf32> to vector<16xf32>
        %swap3A_608 = vector.shape_cast %add3A_603 : vector<16xf32> to vector<1x16xf32>
        tpu.vector_store %arg14[%swap3A_604, %swap3A_605], %swap3A_608 {add = true, strides = array<i32>} : memref<32x512xf32, #tpu.memory_space<vmem>>, vector<1x16xf32>,
        %get3A_609 = arith.index_cast %while3A_189 : i32 to index
        %get3A_610 = arith.constant 480 : index
        %get3A_611 = tpu.vector_load %arg15[%get3A_609, %get3A_610] {strides = array<i32>} : memref<32x512xf32, #tpu.memory_space<vmem>>, vector<1x16xf32>,
        %get3A_612 = vector.shape_cast %get3A_611 : vector<1x16xf32> to vector<16xf32>
        %get3A_613 = arith.index_cast %while3A_189 : i32 to index
        %get3A_614 = arith.constant 480 : index
        %get3A_615 = tpu.vector_load %arg16[%get3A_613, %get3A_614] {strides = array<i32>} : memref<32x512xf32, #tpu.memory_space<vmem>>, vector<1x16xf32>,
        %get3A_616 = vector.shape_cast %get3A_615 : vector<1x16xf32> to vector<16xf32>
        %add3A_617 = arith.addf %get3A_612, %get3A_616 : vector<16xf32>
        %swap3A_618 = arith.index_cast %while3A_189 : i32 to index
        %swap3A_619 = arith.constant 480 : index
        %swap3A_620 = tpu.vector_load %arg14[%swap3A_618, %swap3A_619] {strides = array<i32>} : memref<32x512xf32, #tpu.memory_space<vmem>>, vector<1x16xf32>,
        %swap3A_621 = vector.shape_cast %swap3A_620 : vector<1x16xf32> to vector<16xf32>
        %swap3A_622 = vector.shape_cast %add3A_617 : vector<16xf32> to vector<1x16xf32>
        tpu.vector_store %arg14[%swap3A_618, %swap3A_619], %swap3A_622 {add = true, strides = array<i32>} : memref<32x512xf32, #tpu.memory_space<vmem>>, vector<1x16xf32>,
        %get3A_623 = arith.index_cast %while3A_189 : i32 to index
        %get3A_624 = arith.constant 496 : index
        %get3A_625 = tpu.vector_load %arg15[%get3A_623, %get3A_624] {strides = array<i32>} : memref<32x512xf32, #tpu.memory_space<vmem>>, vector<1x16xf32>,
        %get3A_626 = vector.shape_cast %get3A_625 : vector<1x16xf32> to vector<16xf32>
        %get3A_627 = arith.index_cast %while3A_189 : i32 to index
        %get3A_628 = arith.constant 496 : index
        %get3A_629 = tpu.vector_load %arg16[%get3A_627, %get3A_628] {strides = array<i32>} : memref<32x512xf32, #tpu.memory_space<vmem>>, vector<1x16xf32>,
        %get3A_630 = vector.shape_cast %get3A_629 : vector<1x16xf32> to vector<16xf32>
        %add3A_631 = arith.addf %get3A_626, %get3A_630 : vector<16xf32>
        %swap3A_632 = arith.index_cast %while3A_189 : i32 to index
        %swap3A_633 = arith.constant 496 : index
        %swap3A_634 = tpu.vector_load %arg14[%swap3A_632, %swap3A_633] {strides = array<i32>} : memref<32x512xf32, #tpu.memory_space<vmem>>, vector<1x16xf32>,
        %swap3A_635 = vector.shape_cast %swap3A_634 : vector<1x16xf32> to vector<16xf32>
        %swap3A_636 = vector.shape_cast %add3A_631 : vector<16xf32> to vector<1x16xf32>
        tpu.vector_store %arg14[%swap3A_632, %swap3A_633], %swap3A_636 {add = true, strides = array<i32>} : memref<32x512xf32, #tpu.memory_space<vmem>>, vector<1x16xf32>,
        %while3A_637 = arith.constant 0 : i32
        scf.yield %while3A_637 : i32
      }
      %add3A_183 = arith.addi %mul3A_49, %add3A_98 : i32
      %dma_start3A_184 = arith.constant 0 : i32
      %dma_start3A_185 = tpu.memref_slice %arg6[%add3A_183, %dma_start3A_184] : memref<32768x512xf32, #tpu.memory_space<hbm>> -> memref<32x512xf32, #tpu.memory_space<hbm>>
      %dma_start3A_186 = arith.constant 0 : i32
      %dma_start3A_187 = tpu.memref_slice %arg6[%add3A_183, %dma_start3A_186] : memref<32768x512xf32, #tpu.memory_space<hbm>> -> memref<32x512xf32, #tpu.memory_space<hbm>>
      tpu.enqueue_dma source(%arg14 : memref<32x512xf32, #tpu.memory_space<vmem>>) target(%dma_start3A_187 : memref<32x512xf32, #tpu.memory_space<hbm>>) target_semaphore(%arg20 : memref<!tpu.dma_semaphore, #tpu.memory_space<semaphore_mem>>)
      %while3A_188 = arith.constant 0 : i32
      scf.yield %while3A_188 : i32
    }
    %while3A_88 = arith.constant 1 : i32
    %while3A_89 = scf.for %while3A_93 = %while3A_85 to %while3A_81 step %while3A_88 iter_args(%while3A_94 = %while3A_87) -> (i32)  : i32 {
      %mul3A_95 = arith.constant 64 : i32
      %mul3A_96 = arith.muli %while3A_93, %mul3A_95 : i32
      %add3A_97 = arith.constant 32 : i32
      %add3A_98 = arith.addi %mul3A_96, %add3A_97 : i32
      %gt3A = arith.constant 0 : i32
      %gt3A_99 = arith.cmpi sgt, %while3A_93, %gt3A : i32
      %convert_element_type3A = arith.extui %gt3A_99 : i1 to i32
      %cond3A = arith.constant 0 : i32
      %cond3A_100 = arith.cmpi ne, %convert_element_type3A, %cond3A : i32
      scf.if %cond3A_100 {
        %dma_wait3A_189 = arith.constant 0 : i32
        %dma_wait3A_190 = tpu.memref_slice %arg6[%mul3A_49, %dma_wait3A_189] : memref<32768x512xf32, #tpu.memory_space<hbm>> -> memref<32x512xf32, #tpu.memory_space<hbm>>
        %dma_wait3A_191 = arith.constant 0 : i32
        %dma_wait3A_192 = tpu.memref_slice %arg6[%mul3A_49, %dma_wait3A_191] : memref<32768x512xf32, #tpu.memory_space<hbm>> -> memref<32x512xf32, #tpu.memory_space<hbm>>
        tpu.wait_dma2 semaphore(%arg20 : memref<!tpu.dma_semaphore, #tpu.memory_space<semaphore_mem>>) src(%arg14 : memref<32x512xf32, #tpu.memory_space<vmem>>) dst(%dma_wait3A_192 : memref<32x512xf32, #tpu.memory_space<hbm>>)
      } else {
      }
      %dma_start3A_101 = tpu.memref_slice %arg8[%add3A_98] : memref<1024xi32, #tpu.memory_space<vmem>> -> memref<32xi32, #tpu.memory_space<vmem>>
      %dma_start3A_102 = arith.constant 0 : i32
      %dma_start3A_103 = arith.constant 0 : i32
      %dma_start3A_104 = tpu.memref_slice %arg3[%dma_start3A_102, %dma_start3A_103] : memref<32768x512xf32, #tpu.memory_space<hbm>> -> memref<32768x512xf32, #tpu.memory_space<hbm>>
      tpu.enqueue_indirect_dma source(%dma_start3A_104 : memref<32768x512xf32, #tpu.memory_space<hbm>>) target(%arg14 : memref<32x512xf32, #tpu.memory_space<vmem>>) offsets(%dma_start3A_101 : memref<32xi32, #tpu.memory_space<vmem>>) semaphore(%arg18 : memref<!tpu.dma_semaphore, #tpu.memory_space<semaphore_mem>>)
      %dma_start3A_105 = tpu.memref_slice %arg9[%add3A_98] : memref<1024xi32, #tpu.memory_space<vmem>> -> memref<32xi32, #tpu.memory_space<vmem>>
      %dma_start3A_106 = arith.constant 0 : i32
      %dma_start3A_107 = arith.constant 0 : i32
      %dma_start3A_108 = tpu.memref_slice %arg4[%dma_start3A_106, %dma_start3A_107] : memref<32768x512xf32, #tpu.memory_space<hbm>> -> memref<32768x512xf32, #tpu.memory_space<hbm>>
      tpu.enqueue_indirect_dma source(%dma_start3A_108 : memref<32768x512xf32, #tpu.memory_space<hbm>>) target(%arg15 : memref<32x512xf32, #tpu.memory_space<vmem>>) offsets(%dma_start3A_105 : memref<32xi32, #tpu.memory_space<vmem>>) semaphore(%arg18 : memref<!tpu.dma_semaphore, #tpu.memory_space<semaphore_mem>>)
      %dma_start3A_109 = tpu.memref_slice %arg10[%add3A_98] : memref<1024xi32, #tpu.memory_space<vmem>> -> memref<32xi32, #tpu.memory_space<vmem>>
      %dma_start3A_110 = arith.constant 0 : i32
      %dma_start3A_111 = arith.constant 0 : i32
      %dma_start3A_112 = tpu.memref_slice %arg5[%dma_start3A_110, %dma_start3A_111] : memref<32768x512xf32, #tpu.memory_space<hbm>> -> memref<32768x512xf32, #tpu.memory_space<hbm>>
      tpu.enqueue_indirect_dma source(%dma_start3A_112 : memref<32768x512xf32, #tpu.memory_space<hbm>>) target(%arg16 : memref<32x512xf32, #tpu.memory_space<vmem>>) offsets(%dma_start3A_109 : memref<32xi32, #tpu.memory_space<vmem>>) semaphore(%arg18 : memref<!tpu.dma_semaphore, #tpu.memory_space<semaphore_mem>>)
      %dma_wait3A_113 = arith.constant 0 : i32
      %dma_wait3A_114 = tpu.memref_slice %arg8[%dma_wait3A_113] : memref<1024xi32, #tpu.memory_space<vmem>> -> memref<32xi32, #tpu.memory_space<vmem>>
      %dma_wait3A_115 = arith.constant 0 : i32
      %dma_wait3A_116 = arith.constant 0 : i32
      %dma_wait3A_117 = tpu.memref_slice %arg3[%dma_wait3A_115, %dma_wait3A_116] : memref<32768x512xf32, #tpu.memory_space<hbm>> -> memref<32768x512xf32, #tpu.memory_space<hbm>>
      tpu.wait_indirect_dma semaphore(%arg17 : memref<!tpu.dma_semaphore, #tpu.memory_space<semaphore_mem>>) src(%dma_wait3A_117 : memref<32768x512xf32, #tpu.memory_space<hbm>>) dst(%arg11 : memref<32x512xf32, #tpu.memory_space<vmem>>)
      %dma_wait3A_118 = arith.constant 0 : i32
      %dma_wait3A_119 = tpu.memref_slice %arg8[%dma_wait3A_118] : memref<1024xi32, #tpu.memory_space<vmem>> -> memref<32xi32, #tpu.memory_space<vmem>>
      %dma_wait3A_120 = arith.constant 0 : i32
      %dma_wait3A_121 = arith.constant 0 : i32
      %dma_wait3A_122 = tpu.memref_slice %arg4[%dma_wait3A_120, %dma_wait3A_121] : memref<32768x512xf32, #tpu.memory_space<hbm>> -> memref<32768x512xf32, #tpu.memory_space<hbm>>
      tpu.wait_indirect_dma semaphore(%arg17 : memref<!tpu.dma_semaphore, #tpu.memory_space<semaphore_mem>>) src(%dma_wait3A_122 : memref<32768x512xf32, #tpu.memory_space<hbm>>) dst(%arg12 : memref<32x512xf32, #tpu.memory_space<vmem>>)
      %dma_wait3A_123 = arith.constant 0 : i32
      %dma_wait3A_124 = tpu.memref_slice %arg8[%dma_wait3A_123] : memref<1024xi32, #tpu.memory_space<vmem>> -> memref<32xi32, #tpu.memory_space<vmem>>
      %dma_wait3A_125 = arith.constant 0 : i32
      %dma_wait3A_126 = arith.constant 0 : i32
      %dma_wait3A_127 = tpu.memref_slice %arg5[%dma_wait3A_125, %dma_wait3A_126] : memref<32768x512xf32, #tpu.memory_space<hbm>> -> memref<32768x512xf32, #tpu.memory_space<hbm>>
      tpu.wait_indirect_dma semaphore(%arg17 : memref<!tpu.dma_semaphore, #tpu.memory_space<semaphore_mem>>) src(%dma_wait3A_127 : memref<32768x512xf32, #tpu.memory_space<hbm>>) dst(%arg13 : memref<32x512xf32, #tpu.memory_space<vmem>>)
      %while3A_128 = arith.constant 0 : i32
      %while3A_129 = arith.constant 32 : i32
      %while3A_130 = arith.constant 0 : i32
      %while3A_131 = arith.subi %while3A_129, %while3A_128 : i32
      %while3A_132 = arith.addi %while3A_128, %while3A_131 : i32
      %while3A_133 = arith.constant 1 : i32
      %while3A_134 = arith.divsi %while3A_131, %while3A_133 : i32
      %while3A_135 = arith.muli %while3A_134, %while3A_133 : i32
      %while3A_136 = arith.addi %while3A_128, %while3A_135 : i32
      %while3A_137 = arith.constant 1 : i32
      %while3A_138 = scf.for %while3A_189 = %while3A_128 to %while3A_136 step %while3A_137 iter_args(%while3A_190 = %while3A_130) -> (i32)  : i32 {
        %get3A = arith.index_cast %while3A_189 : i32 to index
        %get3A_191 = arith.constant 0 : index
        %get3A_192 = tpu.vector_load %arg12[%get3A, %get3A_191] {strides = array<i32>} : memref<32x512xf32, #tpu.memory_space<vmem>>, vector<1x16xf32>,
        %get3A_193 = vector.shape_cast %get3A_192 : vector<1x16xf32> to vector<16xf32>
        %get3A_194 = arith.index_cast %while3A_189 : i32 to index
        %get3A_195 = arith.constant 0 : index
        %get3A_196 = tpu.vector_load %arg13[%get3A_194, %get3A_195] {strides = array<i32>} : memref<32x512xf32, #tpu.memory_space<vmem>>, vector<1x16xf32>,
        %get3A_197 = vector.shape_cast %get3A_196 : vector<1x16xf32> to vector<16xf32>
        %add3A_198 = arith.addf %get3A_193, %get3A_197 : vector<16xf32>
        %swap3A = arith.index_cast %while3A_189 : i32 to index
        %swap3A_199 = arith.constant 0 : index
        %swap3A_200 = tpu.vector_load %arg11[%swap3A, %swap3A_199] {strides = array<i32>} : memref<32x512xf32, #tpu.memory_space<vmem>>, vector<1x16xf32>,
        %swap3A_201 = vector.shape_cast %swap3A_200 : vector<1x16xf32> to vector<16xf32>
        %swap3A_202 = vector.shape_cast %add3A_198 : vector<16xf32> to vector<1x16xf32>
        tpu.vector_store %arg11[%swap3A, %swap3A_199], %swap3A_202 {add = true, strides = array<i32>} : memref<32x512xf32, #tpu.memory_space<vmem>>, vector<1x16xf32>,
        %get3A_203 = arith.index_cast %while3A_189 : i32 to index
        %get3A_204 = arith.constant 16 : index
        %get3A_205 = tpu.vector_load %arg12[%get3A_203, %get3A_204] {strides = array<i32>} : memref<32x512xf32, #tpu.memory_space<vmem>>, vector<1x16xf32>,
        %get3A_206 = vector.shape_cast %get3A_205 : vector<1x16xf32> to vector<16xf32>
        %get3A_207 = arith.index_cast %while3A_189 : i32 to index
        %get3A_208 = arith.constant 16 : index
        %get3A_209 = tpu.vector_load %arg13[%get3A_207, %get3A_208] {strides = array<i32>} : memref<32x512xf32, #tpu.memory_space<vmem>>, vector<1x16xf32>,
        %get3A_210 = vector.shape_cast %get3A_209 : vector<1x16xf32> to vector<16xf32>
        %add3A_211 = arith.addf %get3A_206, %get3A_210 : vector<16xf32>
        %swap3A_212 = arith.index_cast %while3A_189 : i32 to index
        %swap3A_213 = arith.constant 16 : index
        %swap3A_214 = tpu.vector_load %arg11[%swap3A_212, %swap3A_213] {strides = array<i32>} : memref<32x512xf32, #tpu.memory_space<vmem>>, vector<1x16xf32>,
        %swap3A_215 = vector.shape_cast %swap3A_214 : vector<1x16xf32> to vector<16xf32>
        %swap3A_216 = vector.shape_cast %add3A_211 : vector<16xf32> to vector<1x16xf32>
        tpu.vector_store %arg11[%swap3A_212, %swap3A_213], %swap3A_216 {add = true, strides = array<i32>} : memref<32x512xf32, #tpu.memory_space<vmem>>, vector<1x16xf32>,
        %get3A_217 = arith.index_cast %while3A_189 : i32 to index
        %get3A_218 = arith.constant 32 : index
        %get3A_219 = tpu.vector_load %arg12[%get3A_217, %get3A_218] {strides = array<i32>} : memref<32x512xf32, #tpu.memory_space<vmem>>, vector<1x16xf32>,
        %get3A_220 = vector.shape_cast %get3A_219 : vector<1x16xf32> to vector<16xf32>
        %get3A_221 = arith.index_cast %while3A_189 : i32 to index
        %get3A_222 = arith.constant 32 : index
        %get3A_223 = tpu.vector_load %arg13[%get3A_221, %get3A_222] {strides = array<i32>} : memref<32x512xf32, #tpu.memory_space<vmem>>, vector<1x16xf32>,
        %get3A_224 = vector.shape_cast %get3A_223 : vector<1x16xf32> to vector<16xf32>
        %add3A_225 = arith.addf %get3A_220, %get3A_224 : vector<16xf32>
        %swap3A_226 = arith.index_cast %while3A_189 : i32 to index
        %swap3A_227 = arith.constant 32 : index
        %swap3A_228 = tpu.vector_load %arg11[%swap3A_226, %swap3A_227] {strides = array<i32>} : memref<32x512xf32, #tpu.memory_space<vmem>>, vector<1x16xf32>,
        %swap3A_229 = vector.shape_cast %swap3A_228 : vector<1x16xf32> to vector<16xf32>
        %swap3A_230 = vector.shape_cast %add3A_225 : vector<16xf32> to vector<1x16xf32>
        tpu.vector_store %arg11[%swap3A_226, %swap3A_227], %swap3A_230 {add = true, strides = array<i32>} : memref<32x512xf32, #tpu.memory_space<vmem>>, vector<1x16xf32>,
        %get3A_231 = arith.index_cast %while3A_189 : i32 to index
        %get3A_232 = arith.constant 48 : index
        %get3A_233 = tpu.vector_load %arg12[%get3A_231, %get3A_232] {strides = array<i32>} : memref<32x512xf32, #tpu.memory_space<vmem>>, vector<1x16xf32>,
        %get3A_234 = vector.shape_cast %get3A_233 : vector<1x16xf32> to vector<16xf32>
        %get3A_235 = arith.index_cast %while3A_189 : i32 to index
        %get3A_236 = arith.constant 48 : index
        %get3A_237 = tpu.vector_load %arg13[%get3A_235, %get3A_236] {strides = array<i32>} : memref<32x512xf32, #tpu.memory_space<vmem>>, vector<1x16xf32>,
        %get3A_238 = vector.shape_cast %get3A_237 : vector<1x16xf32> to vector<16xf32>
        %add3A_239 = arith.addf %get3A_234, %get3A_238 : vector<16xf32>
        %swap3A_240 = arith.index_cast %while3A_189 : i32 to index
        %swap3A_241 = arith.constant 48 : index
        %swap3A_242 = tpu.vector_load %arg11[%swap3A_240, %swap3A_241] {strides = array<i32>} : memref<32x512xf32, #tpu.memory_space<vmem>>, vector<1x16xf32>,
        %swap3A_243 = vector.shape_cast %swap3A_242 : vector<1x16xf32> to vector<16xf32>
        %swap3A_244 = vector.shape_cast %add3A_239 : vector<16xf32> to vector<1x16xf32>
        tpu.vector_store %arg11[%swap3A_240, %swap3A_241], %swap3A_244 {add = true, strides = array<i32>} : memref<32x512xf32, #tpu.memory_space<vmem>>, vector<1x16xf32>,
        %get3A_245 = arith.index_cast %while3A_189 : i32 to index
        %get3A_246 = arith.constant 64 : index
        %get3A_247 = tpu.vector_load %arg12[%get3A_245, %get3A_246] {strides = array<i32>} : memref<32x512xf32, #tpu.memory_space<vmem>>, vector<1x16xf32>,
        %get3A_248 = vector.shape_cast %get3A_247 : vector<1x16xf32> to vector<16xf32>
        %get3A_249 = arith.index_cast %while3A_189 : i32 to index
        %get3A_250 = arith.constant 64 : index
        %get3A_251 = tpu.vector_load %arg13[%get3A_249, %get3A_250] {strides = array<i32>} : memref<32x512xf32, #tpu.memory_space<vmem>>, vector<1x16xf32>,
        %get3A_252 = vector.shape_cast %get3A_251 : vector<1x16xf32> to vector<16xf32>
        %add3A_253 = arith.addf %get3A_248, %get3A_252 : vector<16xf32>
        %swap3A_254 = arith.index_cast %while3A_189 : i32 to index
        %swap3A_255 = arith.constant 64 : index
        %swap3A_256 = tpu.vector_load %arg11[%swap3A_254, %swap3A_255] {strides = array<i32>} : memref<32x512xf32, #tpu.memory_space<vmem>>, vector<1x16xf32>,
        %swap3A_257 = vector.shape_cast %swap3A_256 : vector<1x16xf32> to vector<16xf32>
        %swap3A_258 = vector.shape_cast %add3A_253 : vector<16xf32> to vector<1x16xf32>
        tpu.vector_store %arg11[%swap3A_254, %swap3A_255], %swap3A_258 {add = true, strides = array<i32>} : memref<32x512xf32, #tpu.memory_space<vmem>>, vector<1x16xf32>,
        %get3A_259 = arith.index_cast %while3A_189 : i32 to index
        %get3A_260 = arith.constant 80 : index
        %get3A_261 = tpu.vector_load %arg12[%get3A_259, %get3A_260] {strides = array<i32>} : memref<32x512xf32, #tpu.memory_space<vmem>>, vector<1x16xf32>,
        %get3A_262 = vector.shape_cast %get3A_261 : vector<1x16xf32> to vector<16xf32>
        %get3A_263 = arith.index_cast %while3A_189 : i32 to index
        %get3A_264 = arith.constant 80 : index
        %get3A_265 = tpu.vector_load %arg13[%get3A_263, %get3A_264] {strides = array<i32>} : memref<32x512xf32, #tpu.memory_space<vmem>>, vector<1x16xf32>,
        %get3A_266 = vector.shape_cast %get3A_265 : vector<1x16xf32> to vector<16xf32>
        %add3A_267 = arith.addf %get3A_262, %get3A_266 : vector<16xf32>
        %swap3A_268 = arith.index_cast %while3A_189 : i32 to index
        %swap3A_269 = arith.constant 80 : index
        %swap3A_270 = tpu.vector_load %arg11[%swap3A_268, %swap3A_269] {strides = array<i32>} : memref<32x512xf32, #tpu.memory_space<vmem>>, vector<1x16xf32>,
        %swap3A_271 = vector.shape_cast %swap3A_270 : vector<1x16xf32> to vector<16xf32>
        %swap3A_272 = vector.shape_cast %add3A_267 : vector<16xf32> to vector<1x16xf32>
        tpu.vector_store %arg11[%swap3A_268, %swap3A_269], %swap3A_272 {add = true, strides = array<i32>} : memref<32x512xf32, #tpu.memory_space<vmem>>, vector<1x16xf32>,
        %get3A_273 = arith.index_cast %while3A_189 : i32 to index
        %get3A_274 = arith.constant 96 : index
        %get3A_275 = tpu.vector_load %arg12[%get3A_273, %get3A_274] {strides = array<i32>} : memref<32x512xf32, #tpu.memory_space<vmem>>, vector<1x16xf32>,
        %get3A_276 = vector.shape_cast %get3A_275 : vector<1x16xf32> to vector<16xf32>
        %get3A_277 = arith.index_cast %while3A_189 : i32 to index
        %get3A_278 = arith.constant 96 : index
        %get3A_279 = tpu.vector_load %arg13[%get3A_277, %get3A_278] {strides = array<i32>} : memref<32x512xf32, #tpu.memory_space<vmem>>, vector<1x16xf32>,
        %get3A_280 = vector.shape_cast %get3A_279 : vector<1x16xf32> to vector<16xf32>
        %add3A_281 = arith.addf %get3A_276, %get3A_280 : vector<16xf32>
        %swap3A_282 = arith.index_cast %while3A_189 : i32 to index
        %swap3A_283 = arith.constant 96 : index
        %swap3A_284 = tpu.vector_load %arg11[%swap3A_282, %swap3A_283] {strides = array<i32>} : memref<32x512xf32, #tpu.memory_space<vmem>>, vector<1x16xf32>,
        %swap3A_285 = vector.shape_cast %swap3A_284 : vector<1x16xf32> to vector<16xf32>
        %swap3A_286 = vector.shape_cast %add3A_281 : vector<16xf32> to vector<1x16xf32>
        tpu.vector_store %arg11[%swap3A_282, %swap3A_283], %swap3A_286 {add = true, strides = array<i32>} : memref<32x512xf32, #tpu.memory_space<vmem>>, vector<1x16xf32>,
        %get3A_287 = arith.index_cast %while3A_189 : i32 to index
        %get3A_288 = arith.constant 112 : index
        %get3A_289 = tpu.vector_load %arg12[%get3A_287, %get3A_288] {strides = array<i32>} : memref<32x512xf32, #tpu.memory_space<vmem>>, vector<1x16xf32>,
        %get3A_290 = vector.shape_cast %get3A_289 : vector<1x16xf32> to vector<16xf32>
        %get3A_291 = arith.index_cast %while3A_189 : i32 to index
        %get3A_292 = arith.constant 112 : index
        %get3A_293 = tpu.vector_load %arg13[%get3A_291, %get3A_292] {strides = array<i32>} : memref<32x512xf32, #tpu.memory_space<vmem>>, vector<1x16xf32>,
        %get3A_294 = vector.shape_cast %get3A_293 : vector<1x16xf32> to vector<16xf32>
        %add3A_295 = arith.addf %get3A_290, %get3A_294 : vector<16xf32>
        %swap3A_296 = arith.index_cast %while3A_189 : i32 to index
        %swap3A_297 = arith.constant 112 : index
        %swap3A_298 = tpu.vector_load %arg11[%swap3A_296, %swap3A_297] {strides = array<i32>} : memref<32x512xf32, #tpu.memory_space<vmem>>, vector<1x16xf32>,
        %swap3A_299 = vector.shape_cast %swap3A_298 : vector<1x16xf32> to vector<16xf32>
        %swap3A_300 = vector.shape_cast %add3A_295 : vector<16xf32> to vector<1x16xf32>
        tpu.vector_store %arg11[%swap3A_296, %swap3A_297], %swap3A_300 {add = true, strides = array<i32>} : memref<32x512xf32, #tpu.memory_space<vmem>>, vector<1x16xf32>,
        %get3A_301 = arith.index_cast %while3A_189 : i32 to index
        %get3A_302 = arith.constant 128 : index
        %get3A_303 = tpu.vector_load %arg12[%get3A_301, %get3A_302] {strides = array<i32>} : memref<32x512xf32, #tpu.memory_space<vmem>>, vector<1x16xf32>,
        %get3A_304 = vector.shape_cast %get3A_303 : vector<1x16xf32> to vector<16xf32>
        %get3A_305 = arith.index_cast %while3A_189 : i32 to index
        %get3A_306 = arith.constant 128 : index
        %get3A_307 = tpu.vector_load %arg13[%get3A_305, %get3A_306] {strides = array<i32>} : memref<32x512xf32, #tpu.memory_space<vmem>>, vector<1x16xf32>,
        %get3A_308 = vector.shape_cast %get3A_307 : vector<1x16xf32> to vector<16xf32>
        %add3A_309 = arith.addf %get3A_304, %get3A_308 : vector<16xf32>
        %swap3A_310 = arith.index_cast %while3A_189 : i32 to index
        %swap3A_311 = arith.constant 128 : index
        %swap3A_312 = tpu.vector_load %arg11[%swap3A_310, %swap3A_311] {strides = array<i32>} : memref<32x512xf32, #tpu.memory_space<vmem>>, vector<1x16xf32>,
        %swap3A_313 = vector.shape_cast %swap3A_312 : vector<1x16xf32> to vector<16xf32>
        %swap3A_314 = vector.shape_cast %add3A_309 : vector<16xf32> to vector<1x16xf32>
        tpu.vector_store %arg11[%swap3A_310, %swap3A_311], %swap3A_314 {add = true, strides = array<i32>} : memref<32x512xf32, #tpu.memory_space<vmem>>, vector<1x16xf32>,
        %get3A_315 = arith.index_cast %while3A_189 : i32 to index
        %get3A_316 = arith.constant 144 : index
        %get3A_317 = tpu.vector_load %arg12[%get3A_315, %get3A_316] {strides = array<i32>} : memref<32x512xf32, #tpu.memory_space<vmem>>, vector<1x16xf32>,
        %get3A_318 = vector.shape_cast %get3A_317 : vector<1x16xf32> to vector<16xf32>
        %get3A_319 = arith.index_cast %while3A_189 : i32 to index
        %get3A_320 = arith.constant 144 : index
        %get3A_321 = tpu.vector_load %arg13[%get3A_319, %get3A_320] {strides = array<i32>} : memref<32x512xf32, #tpu.memory_space<vmem>>, vector<1x16xf32>,
        %get3A_322 = vector.shape_cast %get3A_321 : vector<1x16xf32> to vector<16xf32>
        %add3A_323 = arith.addf %get3A_318, %get3A_322 : vector<16xf32>
        %swap3A_324 = arith.index_cast %while3A_189 : i32 to index
        %swap3A_325 = arith.constant 144 : index
        %swap3A_326 = tpu.vector_load %arg11[%swap3A_324, %swap3A_325] {strides = array<i32>} : memref<32x512xf32, #tpu.memory_space<vmem>>, vector<1x16xf32>,
        %swap3A_327 = vector.shape_cast %swap3A_326 : vector<1x16xf32> to vector<16xf32>
        %swap3A_328 = vector.shape_cast %add3A_323 : vector<16xf32> to vector<1x16xf32>
        tpu.vector_store %arg11[%swap3A_324, %swap3A_325], %swap3A_328 {add = true, strides = array<i32>} : memref<32x512xf32, #tpu.memory_space<vmem>>, vector<1x16xf32>,
        %get3A_329 = arith.index_cast %while3A_189 : i32 to index
        %get3A_330 = arith.constant 160 : index
        %get3A_331 = tpu.vector_load %arg12[%get3A_329, %get3A_330] {strides = array<i32>} : memref<32x512xf32, #tpu.memory_space<vmem>>, vector<1x16xf32>,
        %get3A_332 = vector.shape_cast %get3A_331 : vector<1x16xf32> to vector<16xf32>
        %get3A_333 = arith.index_cast %while3A_189 : i32 to index
        %get3A_334 = arith.constant 160 : index
        %get3A_335 = tpu.vector_load %arg13[%get3A_333, %get3A_334] {strides = array<i32>} : memref<32x512xf32, #tpu.memory_space<vmem>>, vector<1x16xf32>,
        %get3A_336 = vector.shape_cast %get3A_335 : vector<1x16xf32> to vector<16xf32>
        %add3A_337 = arith.addf %get3A_332, %get3A_336 : vector<16xf32>
        %swap3A_338 = arith.index_cast %while3A_189 : i32 to index
        %swap3A_339 = arith.constant 160 : index
        %swap3A_340 = tpu.vector_load %arg11[%swap3A_338, %swap3A_339] {strides = array<i32>} : memref<32x512xf32, #tpu.memory_space<vmem>>, vector<1x16xf32>,
        %swap3A_341 = vector.shape_cast %swap3A_340 : vector<1x16xf32> to vector<16xf32>
        %swap3A_342 = vector.shape_cast %add3A_337 : vector<16xf32> to vector<1x16xf32>
        tpu.vector_store %arg11[%swap3A_338, %swap3A_339], %swap3A_342 {add = true, strides = array<i32>} : memref<32x512xf32, #tpu.memory_space<vmem>>, vector<1x16xf32>,
        %get3A_343 = arith.index_cast %while3A_189 : i32 to index
        %get3A_344 = arith.constant 176 : index
        %get3A_345 = tpu.vector_load %arg12[%get3A_343, %get3A_344] {strides = array<i32>} : memref<32x512xf32, #tpu.memory_space<vmem>>, vector<1x16xf32>,
        %get3A_346 = vector.shape_cast %get3A_345 : vector<1x16xf32> to vector<16xf32>
        %get3A_347 = arith.index_cast %while3A_189 : i32 to index
        %get3A_348 = arith.constant 176 : index
        %get3A_349 = tpu.vector_load %arg13[%get3A_347, %get3A_348] {strides = array<i32>} : memref<32x512xf32, #tpu.memory_space<vmem>>, vector<1x16xf32>,
        %get3A_350 = vector.shape_cast %get3A_349 : vector<1x16xf32> to vector<16xf32>
        %add3A_351 = arith.addf %get3A_346, %get3A_350 : vector<16xf32>
        %swap3A_352 = arith.index_cast %while3A_189 : i32 to index
        %swap3A_353 = arith.constant 176 : index
        %swap3A_354 = tpu.vector_load %arg11[%swap3A_352, %swap3A_353] {strides = array<i32>} : memref<32x512xf32, #tpu.memory_space<vmem>>, vector<1x16xf32>,
        %swap3A_355 = vector.shape_cast %swap3A_354 : vector<1x16xf32> to vector<16xf32>
        %swap3A_356 = vector.shape_cast %add3A_351 : vector<16xf32> to vector<1x16xf32>
        tpu.vector_store %arg11[%swap3A_352, %swap3A_353], %swap3A_356 {add = true, strides = array<i32>} : memref<32x512xf32, #tpu.memory_space<vmem>>, vector<1x16xf32>,
        %get3A_357 = arith.index_cast %while3A_189 : i32 to index
        %get3A_358 = arith.constant 192 : index
        %get3A_359 = tpu.vector_load %arg12[%get3A_357, %get3A_358] {strides = array<i32>} : memref<32x512xf32, #tpu.memory_space<vmem>>, vector<1x16xf32>,
        %get3A_360 = vector.shape_cast %get3A_359 : vector<1x16xf32> to vector<16xf32>
        %get3A_361 = arith.index_cast %while3A_189 : i32 to index
        %get3A_362 = arith.constant 192 : index
        %get3A_363 = tpu.vector_load %arg13[%get3A_361, %get3A_362] {strides = array<i32>} : memref<32x512xf32, #tpu.memory_space<vmem>>, vector<1x16xf32>,
        %get3A_364 = vector.shape_cast %get3A_363 : vector<1x16xf32> to vector<16xf32>
        %add3A_365 = arith.addf %get3A_360, %get3A_364 : vector<16xf32>
        %swap3A_366 = arith.index_cast %while3A_189 : i32 to index
        %swap3A_367 = arith.constant 192 : index
        %swap3A_368 = tpu.vector_load %arg11[%swap3A_366, %swap3A_367] {strides = array<i32>} : memref<32x512xf32, #tpu.memory_space<vmem>>, vector<1x16xf32>,
        %swap3A_369 = vector.shape_cast %swap3A_368 : vector<1x16xf32> to vector<16xf32>
        %swap3A_370 = vector.shape_cast %add3A_365 : vector<16xf32> to vector<1x16xf32>
        tpu.vector_store %arg11[%swap3A_366, %swap3A_367], %swap3A_370 {add = true, strides = array<i32>} : memref<32x512xf32, #tpu.memory_space<vmem>>, vector<1x16xf32>,
        %get3A_371 = arith.index_cast %while3A_189 : i32 to index
        %get3A_372 = arith.constant 208 : index
        %get3A_373 = tpu.vector_load %arg12[%get3A_371, %get3A_372] {strides = array<i32>} : memref<32x512xf32, #tpu.memory_space<vmem>>, vector<1x16xf32>,
        %get3A_374 = vector.shape_cast %get3A_373 : vector<1x16xf32> to vector<16xf32>
        %get3A_375 = arith.index_cast %while3A_189 : i32 to index
        %get3A_376 = arith.constant 208 : index
        %get3A_377 = tpu.vector_load %arg13[%get3A_375, %get3A_376] {strides = array<i32>} : memref<32x512xf32, #tpu.memory_space<vmem>>, vector<1x16xf32>,
        %get3A_378 = vector.shape_cast %get3A_377 : vector<1x16xf32> to vector<16xf32>
        %add3A_379 = arith.addf %get3A_374, %get3A_378 : vector<16xf32>
        %swap3A_380 = arith.index_cast %while3A_189 : i32 to index
        %swap3A_381 = arith.constant 208 : index
        %swap3A_382 = tpu.vector_load %arg11[%swap3A_380, %swap3A_381] {strides = array<i32>} : memref<32x512xf32, #tpu.memory_space<vmem>>, vector<1x16xf32>,
        %swap3A_383 = vector.shape_cast %swap3A_382 : vector<1x16xf32> to vector<16xf32>
        %swap3A_384 = vector.shape_cast %add3A_379 : vector<16xf32> to vector<1x16xf32>
        tpu.vector_store %arg11[%swap3A_380, %swap3A_381], %swap3A_384 {add = true, strides = array<i32>} : memref<32x512xf32, #tpu.memory_space<vmem>>, vector<1x16xf32>,
        %get3A_385 = arith.index_cast %while3A_189 : i32 to index
        %get3A_386 = arith.constant 224 : index
        %get3A_387 = tpu.vector_load %arg12[%get3A_385, %get3A_386] {strides = array<i32>} : memref<32x512xf32, #tpu.memory_space<vmem>>, vector<1x16xf32>,
        %get3A_388 = vector.shape_cast %get3A_387 : vector<1x16xf32> to vector<16xf32>
        %get3A_389 = arith.index_cast %while3A_189 : i32 to index
        %get3A_390 = arith.constant 224 : index
        %get3A_391 = tpu.vector_load %arg13[%get3A_389, %get3A_390] {strides = array<i32>} : memref<32x512xf32, #tpu.memory_space<vmem>>, vector<1x16xf32>,
        %get3A_392 = vector.shape_cast %get3A_391 : vector<1x16xf32> to vector<16xf32>
        %add3A_393 = arith.addf %get3A_388, %get3A_392 : vector<16xf32>
        %swap3A_394 = arith.index_cast %while3A_189 : i32 to index
        %swap3A_395 = arith.constant 224 : index
        %swap3A_396 = tpu.vector_load %arg11[%swap3A_394, %swap3A_395] {strides = array<i32>} : memref<32x512xf32, #tpu.memory_space<vmem>>, vector<1x16xf32>,
        %swap3A_397 = vector.shape_cast %swap3A_396 : vector<1x16xf32> to vector<16xf32>
        %swap3A_398 = vector.shape_cast %add3A_393 : vector<16xf32> to vector<1x16xf32>
        tpu.vector_store %arg11[%swap3A_394, %swap3A_395], %swap3A_398 {add = true, strides = array<i32>} : memref<32x512xf32, #tpu.memory_space<vmem>>, vector<1x16xf32>,
        %get3A_399 = arith.index_cast %while3A_189 : i32 to index
        %get3A_400 = arith.constant 240 : index
        %get3A_401 = tpu.vector_load %arg12[%get3A_399, %get3A_400] {strides = array<i32>} : memref<32x512xf32, #tpu.memory_space<vmem>>, vector<1x16xf32>,
        %get3A_402 = vector.shape_cast %get3A_401 : vector<1x16xf32> to vector<16xf32>
        %get3A_403 = arith.index_cast %while3A_189 : i32 to index
        %get3A_404 = arith.constant 240 : index
        %get3A_405 = tpu.vector_load %arg13[%get3A_403, %get3A_404] {strides = array<i32>} : memref<32x512xf32, #tpu.memory_space<vmem>>, vector<1x16xf32>,
        %get3A_406 = vector.shape_cast %get3A_405 : vector<1x16xf32> to vector<16xf32>
        %add3A_407 = arith.addf %get3A_402, %get3A_406 : vector<16xf32>
        %swap3A_408 = arith.index_cast %while3A_189 : i32 to index
        %swap3A_409 = arith.constant 240 : index
        %swap3A_410 = tpu.vector_load %arg11[%swap3A_408, %swap3A_409] {strides = array<i32>} : memref<32x512xf32, #tpu.memory_space<vmem>>, vector<1x16xf32>,
        %swap3A_411 = vector.shape_cast %swap3A_410 : vector<1x16xf32> to vector<16xf32>
        %swap3A_412 = vector.shape_cast %add3A_407 : vector<16xf32> to vector<1x16xf32>
        tpu.vector_store %arg11[%swap3A_408, %swap3A_409], %swap3A_412 {add = true, strides = array<i32>} : memref<32x512xf32, #tpu.memory_space<vmem>>, vector<1x16xf32>,
        %get3A_413 = arith.index_cast %while3A_189 : i32 to index
        %get3A_414 = arith.constant 256 : index
        %get3A_415 = tpu.vector_load %arg12[%get3A_413, %get3A_414] {strides = array<i32>} : memref<32x512xf32, #tpu.memory_space<vmem>>, vector<1x16xf32>,
        %get3A_416 = vector.shape_cast %get3A_415 : vector<1x16xf32> to vector<16xf32>
        %get3A_417 = arith.index_cast %while3A_189 : i32 to index
        %get3A_418 = arith.constant 256 : index
        %get3A_419 = tpu.vector_load %arg13[%get3A_417, %get3A_418] {strides = array<i32>} : memref<32x512xf32, #tpu.memory_space<vmem>>, vector<1x16xf32>,
        %get3A_420 = vector.shape_cast %get3A_419 : vector<1x16xf32> to vector<16xf32>
        %add3A_421 = arith.addf %get3A_416, %get3A_420 : vector<16xf32>
        %swap3A_422 = arith.index_cast %while3A_189 : i32 to index
        %swap3A_423 = arith.constant 256 : index
        %swap3A_424 = tpu.vector_load %arg11[%swap3A_422, %swap3A_423] {strides = array<i32>} : memref<32x512xf32, #tpu.memory_space<vmem>>, vector<1x16xf32>,
        %swap3A_425 = vector.shape_cast %swap3A_424 : vector<1x16xf32> to vector<16xf32>
        %swap3A_426 = vector.shape_cast %add3A_421 : vector<16xf32> to vector<1x16xf32>
        tpu.vector_store %arg11[%swap3A_422, %swap3A_423], %swap3A_426 {add = true, strides = array<i32>} : memref<32x512xf32, #tpu.memory_space<vmem>>, vector<1x16xf32>,
        %get3A_427 = arith.index_cast %while3A_189 : i32 to index
        %get3A_428 = arith.constant 272 : index
        %get3A_429 = tpu.vector_load %arg12[%get3A_427, %get3A_428] {strides = array<i32>} : memref<32x512xf32, #tpu.memory_space<vmem>>, vector<1x16xf32>,
        %get3A_430 = vector.shape_cast %get3A_429 : vector<1x16xf32> to vector<16xf32>
        %get3A_431 = arith.index_cast %while3A_189 : i32 to index
        %get3A_432 = arith.constant 272 : index
        %get3A_433 = tpu.vector_load %arg13[%get3A_431, %get3A_432] {strides = array<i32>} : memref<32x512xf32, #tpu.memory_space<vmem>>, vector<1x16xf32>,
        %get3A_434 = vector.shape_cast %get3A_433 : vector<1x16xf32> to vector<16xf32>
        %add3A_435 = arith.addf %get3A_430, %get3A_434 : vector<16xf32>
        %swap3A_436 = arith.index_cast %while3A_189 : i32 to index
        %swap3A_437 = arith.constant 272 : index
        %swap3A_438 = tpu.vector_load %arg11[%swap3A_436, %swap3A_437] {strides = array<i32>} : memref<32x512xf32, #tpu.memory_space<vmem>>, vector<1x16xf32>,
        %swap3A_439 = vector.shape_cast %swap3A_438 : vector<1x16xf32> to vector<16xf32>
        %swap3A_440 = vector.shape_cast %add3A_435 : vector<16xf32> to vector<1x16xf32>
        tpu.vector_store %arg11[%swap3A_436, %swap3A_437], %swap3A_440 {add = true, strides = array<i32>} : memref<32x512xf32, #tpu.memory_space<vmem>>, vector<1x16xf32>,
        %get3A_441 = arith.index_cast %while3A_189 : i32 to index
        %get3A_442 = arith.constant 288 : index
        %get3A_443 = tpu.vector_load %arg12[%get3A_441, %get3A_442] {strides = array<i32>} : memref<32x512xf32, #tpu.memory_space<vmem>>, vector<1x16xf32>,
        %get3A_444 = vector.shape_cast %get3A_443 : vector<1x16xf32> to vector<16xf32>
        %get3A_445 = arith.index_cast %while3A_189 : i32 to index
        %get3A_446 = arith.constant 288 : index
        %get3A_447 = tpu.vector_load %arg13[%get3A_445, %get3A_446] {strides = array<i32>} : memref<32x512xf32, #tpu.memory_space<vmem>>, vector<1x16xf32>,
        %get3A_448 = vector.shape_cast %get3A_447 : vector<1x16xf32> to vector<16xf32>
        %add3A_449 = arith.addf %get3A_444, %get3A_448 : vector<16xf32>
        %swap3A_450 = arith.index_cast %while3A_189 : i32 to index
        %swap3A_451 = arith.constant 288 : index
        %swap3A_452 = tpu.vector_load %arg11[%swap3A_450, %swap3A_451] {strides = array<i32>} : memref<32x512xf32, #tpu.memory_space<vmem>>, vector<1x16xf32>,
        %swap3A_453 = vector.shape_cast %swap3A_452 : vector<1x16xf32> to vector<16xf32>
        %swap3A_454 = vector.shape_cast %add3A_449 : vector<16xf32> to vector<1x16xf32>
        tpu.vector_store %arg11[%swap3A_450, %swap3A_451], %swap3A_454 {add = true, strides = array<i32>} : memref<32x512xf32, #tpu.memory_space<vmem>>, vector<1x16xf32>,
        %get3A_455 = arith.index_cast %while3A_189 : i32 to index
        %get3A_456 = arith.constant 304 : index
        %get3A_457 = tpu.vector_load %arg12[%get3A_455, %get3A_456] {strides = array<i32>} : memref<32x512xf32, #tpu.memory_space<vmem>>, vector<1x16xf32>,
        %get3A_458 = vector.shape_cast %get3A_457 : vector<1x16xf32> to vector<16xf32>
        %get3A_459 = arith.index_cast %while3A_189 : i32 to index
        %get3A_460 = arith.constant 304 : index
        %get3A_461 = tpu.vector_load %arg13[%get3A_459, %get3A_460] {strides = array<i32>} : memref<32x512xf32, #tpu.memory_space<vmem>>, vector<1x16xf32>,
        %get3A_462 = vector.shape_cast %get3A_461 : vector<1x16xf32> to vector<16xf32>
        %add3A_463 = arith.addf %get3A_458, %get3A_462 : vector<16xf32>
        %swap3A_464 = arith.index_cast %while3A_189 : i32 to index
        %swap3A_465 = arith.constant 304 : index
        %swap3A_466 = tpu.vector_load %arg11[%swap3A_464, %swap3A_465] {strides = array<i32>} : memref<32x512xf32, #tpu.memory_space<vmem>>, vector<1x16xf32>,
        %swap3A_467 = vector.shape_cast %swap3A_466 : vector<1x16xf32> to vector<16xf32>
        %swap3A_468 = vector.shape_cast %add3A_463 : vector<16xf32> to vector<1x16xf32>
        tpu.vector_store %arg11[%swap3A_464, %swap3A_465], %swap3A_468 {add = true, strides = array<i32>} : memref<32x512xf32, #tpu.memory_space<vmem>>, vector<1x16xf32>,
        %get3A_469 = arith.index_cast %while3A_189 : i32 to index
        %get3A_470 = arith.constant 320 : index
        %get3A_471 = tpu.vector_load %arg12[%get3A_469, %get3A_470] {strides = array<i32>} : memref<32x512xf32, #tpu.memory_space<vmem>>, vector<1x16xf32>,
        %get3A_472 = vector.shape_cast %get3A_471 : vector<1x16xf32> to vector<16xf32>
        %get3A_473 = arith.index_cast %while3A_189 : i32 to index
        %get3A_474 = arith.constant 320 : index
        %get3A_475 = tpu.vector_load %arg13[%get3A_473, %get3A_474] {strides = array<i32>} : memref<32x512xf32, #tpu.memory_space<vmem>>, vector<1x16xf32>,
        %get3A_476 = vector.shape_cast %get3A_475 : vector<1x16xf32> to vector<16xf32>
        %add3A_477 = arith.addf %get3A_472, %get3A_476 : vector<16xf32>
        %swap3A_478 = arith.index_cast %while3A_189 : i32 to index
        %swap3A_479 = arith.constant 320 : index
        %swap3A_480 = tpu.vector_load %arg11[%swap3A_478, %swap3A_479] {strides = array<i32>} : memref<32x512xf32, #tpu.memory_space<vmem>>, vector<1x16xf32>,
        %swap3A_481 = vector.shape_cast %swap3A_480 : vector<1x16xf32> to vector<16xf32>
        %swap3A_482 = vector.shape_cast %add3A_477 : vector<16xf32> to vector<1x16xf32>
        tpu.vector_store %arg11[%swap3A_478, %swap3A_479], %swap3A_482 {add = true, strides = array<i32>} : memref<32x512xf32, #tpu.memory_space<vmem>>, vector<1x16xf32>,
        %get3A_483 = arith.index_cast %while3A_189 : i32 to index
        %get3A_484 = arith.constant 336 : index
        %get3A_485 = tpu.vector_load %arg12[%get3A_483, %get3A_484] {strides = array<i32>} : memref<32x512xf32, #tpu.memory_space<vmem>>, vector<1x16xf32>,
        %get3A_486 = vector.shape_cast %get3A_485 : vector<1x16xf32> to vector<16xf32>
        %get3A_487 = arith.index_cast %while3A_189 : i32 to index
        %get3A_488 = arith.constant 336 : index
        %get3A_489 = tpu.vector_load %arg13[%get3A_487, %get3A_488] {strides = array<i32>} : memref<32x512xf32, #tpu.memory_space<vmem>>, vector<1x16xf32>,
        %get3A_490 = vector.shape_cast %get3A_489 : vector<1x16xf32> to vector<16xf32>
        %add3A_491 = arith.addf %get3A_486, %get3A_490 : vector<16xf32>
        %swap3A_492 = arith.index_cast %while3A_189 : i32 to index
        %swap3A_493 = arith.constant 336 : index
        %swap3A_494 = tpu.vector_load %arg11[%swap3A_492, %swap3A_493] {strides = array<i32>} : memref<32x512xf32, #tpu.memory_space<vmem>>, vector<1x16xf32>,
        %swap3A_495 = vector.shape_cast %swap3A_494 : vector<1x16xf32> to vector<16xf32>
        %swap3A_496 = vector.shape_cast %add3A_491 : vector<16xf32> to vector<1x16xf32>
        tpu.vector_store %arg11[%swap3A_492, %swap3A_493], %swap3A_496 {add = true, strides = array<i32>} : memref<32x512xf32, #tpu.memory_space<vmem>>, vector<1x16xf32>,
        %get3A_497 = arith.index_cast %while3A_189 : i32 to index
        %get3A_498 = arith.constant 352 : index
        %get3A_499 = tpu.vector_load %arg12[%get3A_497, %get3A_498] {strides = array<i32>} : memref<32x512xf32, #tpu.memory_space<vmem>>, vector<1x16xf32>,
        %get3A_500 = vector.shape_cast %get3A_499 : vector<1x16xf32> to vector<16xf32>
        %get3A_501 = arith.index_cast %while3A_189 : i32 to index
        %get3A_502 = arith.constant 352 : index
        %get3A_503 = tpu.vector_load %arg13[%get3A_501, %get3A_502] {strides = array<i32>} : memref<32x512xf32, #tpu.memory_space<vmem>>, vector<1x16xf32>,
        %get3A_504 = vector.shape_cast %get3A_503 : vector<1x16xf32> to vector<16xf32>
        %add3A_505 = arith.addf %get3A_500, %get3A_504 : vector<16xf32>
        %swap3A_506 = arith.index_cast %while3A_189 : i32 to index
        %swap3A_507 = arith.constant 352 : index
        %swap3A_508 = tpu.vector_load %arg11[%swap3A_506, %swap3A_507] {strides = array<i32>} : memref<32x512xf32, #tpu.memory_space<vmem>>, vector<1x16xf32>,
        %swap3A_509 = vector.shape_cast %swap3A_508 : vector<1x16xf32> to vector<16xf32>
        %swap3A_510 = vector.shape_cast %add3A_505 : vector<16xf32> to vector<1x16xf32>
        tpu.vector_store %arg11[%swap3A_506, %swap3A_507], %swap3A_510 {add = true, strides = array<i32>} : memref<32x512xf32, #tpu.memory_space<vmem>>, vector<1x16xf32>,
        %get3A_511 = arith.index_cast %while3A_189 : i32 to index
        %get3A_512 = arith.constant 368 : index
        %get3A_513 = tpu.vector_load %arg12[%get3A_511, %get3A_512] {strides = array<i32>} : memref<32x512xf32, #tpu.memory_space<vmem>>, vector<1x16xf32>,
        %get3A_514 = vector.shape_cast %get3A_513 : vector<1x16xf32> to vector<16xf32>
        %get3A_515 = arith.index_cast %while3A_189 : i32 to index
        %get3A_516 = arith.constant 368 : index
        %get3A_517 = tpu.vector_load %arg13[%get3A_515, %get3A_516] {strides = array<i32>} : memref<32x512xf32, #tpu.memory_space<vmem>>, vector<1x16xf32>,
        %get3A_518 = vector.shape_cast %get3A_517 : vector<1x16xf32> to vector<16xf32>
        %add3A_519 = arith.addf %get3A_514, %get3A_518 : vector<16xf32>
        %swap3A_520 = arith.index_cast %while3A_189 : i32 to index
        %swap3A_521 = arith.constant 368 : index
        %swap3A_522 = tpu.vector_load %arg11[%swap3A_520, %swap3A_521] {strides = array<i32>} : memref<32x512xf32, #tpu.memory_space<vmem>>, vector<1x16xf32>,
        %swap3A_523 = vector.shape_cast %swap3A_522 : vector<1x16xf32> to vector<16xf32>
        %swap3A_524 = vector.shape_cast %add3A_519 : vector<16xf32> to vector<1x16xf32>
        tpu.vector_store %arg11[%swap3A_520, %swap3A_521], %swap3A_524 {add = true, strides = array<i32>} : memref<32x512xf32, #tpu.memory_space<vmem>>, vector<1x16xf32>,
        %get3A_525 = arith.index_cast %while3A_189 : i32 to index
        %get3A_526 = arith.constant 384 : index
        %get3A_527 = tpu.vector_load %arg12[%get3A_525, %get3A_526] {strides = array<i32>} : memref<32x512xf32, #tpu.memory_space<vmem>>, vector<1x16xf32>,
        %get3A_528 = vector.shape_cast %get3A_527 : vector<1x16xf32> to vector<16xf32>
        %get3A_529 = arith.index_cast %while3A_189 : i32 to index
        %get3A_530 = arith.constant 384 : index
        %get3A_531 = tpu.vector_load %arg13[%get3A_529, %get3A_530] {strides = array<i32>} : memref<32x512xf32, #tpu.memory_space<vmem>>, vector<1x16xf32>,
        %get3A_532 = vector.shape_cast %get3A_531 : vector<1x16xf32> to vector<16xf32>
        %add3A_533 = arith.addf %get3A_528, %get3A_532 : vector<16xf32>
        %swap3A_534 = arith.index_cast %while3A_189 : i32 to index
        %swap3A_535 = arith.constant 384 : index
        %swap3A_536 = tpu.vector_load %arg11[%swap3A_534, %swap3A_535] {strides = array<i32>} : memref<32x512xf32, #tpu.memory_space<vmem>>, vector<1x16xf32>,
        %swap3A_537 = vector.shape_cast %swap3A_536 : vector<1x16xf32> to vector<16xf32>
        %swap3A_538 = vector.shape_cast %add3A_533 : vector<16xf32> to vector<1x16xf32>
        tpu.vector_store %arg11[%swap3A_534, %swap3A_535], %swap3A_538 {add = true, strides = array<i32>} : memref<32x512xf32, #tpu.memory_space<vmem>>, vector<1x16xf32>,
        %get3A_539 = arith.index_cast %while3A_189 : i32 to index
        %get3A_540 = arith.constant 400 : index
        %get3A_541 = tpu.vector_load %arg12[%get3A_539, %get3A_540] {strides = array<i32>} : memref<32x512xf32, #tpu.memory_space<vmem>>, vector<1x16xf32>,
        %get3A_542 = vector.shape_cast %get3A_541 : vector<1x16xf32> to vector<16xf32>
        %get3A_543 = arith.index_cast %while3A_189 : i32 to index
        %get3A_544 = arith.constant 400 : index
        %get3A_545 = tpu.vector_load %arg13[%get3A_543, %get3A_544] {strides = array<i32>} : memref<32x512xf32, #tpu.memory_space<vmem>>, vector<1x16xf32>,
        %get3A_546 = vector.shape_cast %get3A_545 : vector<1x16xf32> to vector<16xf32>
        %add3A_547 = arith.addf %get3A_542, %get3A_546 : vector<16xf32>
        %swap3A_548 = arith.index_cast %while3A_189 : i32 to index
        %swap3A_549 = arith.constant 400 : index
        %swap3A_550 = tpu.vector_load %arg11[%swap3A_548, %swap3A_549] {strides = array<i32>} : memref<32x512xf32, #tpu.memory_space<vmem>>, vector<1x16xf32>,
        %swap3A_551 = vector.shape_cast %swap3A_550 : vector<1x16xf32> to vector<16xf32>
        %swap3A_552 = vector.shape_cast %add3A_547 : vector<16xf32> to vector<1x16xf32>
        tpu.vector_store %arg11[%swap3A_548, %swap3A_549], %swap3A_552 {add = true, strides = array<i32>} : memref<32x512xf32, #tpu.memory_space<vmem>>, vector<1x16xf32>,
        %get3A_553 = arith.index_cast %while3A_189 : i32 to index
        %get3A_554 = arith.constant 416 : index
        %get3A_555 = tpu.vector_load %arg12[%get3A_553, %get3A_554] {strides = array<i32>} : memref<32x512xf32, #tpu.memory_space<vmem>>, vector<1x16xf32>,
        %get3A_556 = vector.shape_cast %get3A_555 : vector<1x16xf32> to vector<16xf32>
        %get3A_557 = arith.index_cast %while3A_189 : i32 to index
        %get3A_558 = arith.constant 416 : index
        %get3A_559 = tpu.vector_load %arg13[%get3A_557, %get3A_558] {strides = array<i32>} : memref<32x512xf32, #tpu.memory_space<vmem>>, vector<1x16xf32>,
        %get3A_560 = vector.shape_cast %get3A_559 : vector<1x16xf32> to vector<16xf32>
        %add3A_561 = arith.addf %get3A_556, %get3A_560 : vector<16xf32>
        %swap3A_562 = arith.index_cast %while3A_189 : i32 to index
        %swap3A_563 = arith.constant 416 : index
        %swap3A_564 = tpu.vector_load %arg11[%swap3A_562, %swap3A_563] {strides = array<i32>} : memref<32x512xf32, #tpu.memory_space<vmem>>, vector<1x16xf32>,
        %swap3A_565 = vector.shape_cast %swap3A_564 : vector<1x16xf32> to vector<16xf32>
        %swap3A_566 = vector.shape_cast %add3A_561 : vector<16xf32> to vector<1x16xf32>
        tpu.vector_store %arg11[%swap3A_562, %swap3A_563], %swap3A_566 {add = true, strides = array<i32>} : memref<32x512xf32, #tpu.memory_space<vmem>>, vector<1x16xf32>,
        %get3A_567 = arith.index_cast %while3A_189 : i32 to index
        %get3A_568 = arith.constant 432 : index
        %get3A_569 = tpu.vector_load %arg12[%get3A_567, %get3A_568] {strides = array<i32>} : memref<32x512xf32, #tpu.memory_space<vmem>>, vector<1x16xf32>,
        %get3A_570 = vector.shape_cast %get3A_569 : vector<1x16xf32> to vector<16xf32>
        %get3A_571 = arith.index_cast %while3A_189 : i32 to index
        %get3A_572 = arith.constant 432 : index
        %get3A_573 = tpu.vector_load %arg13[%get3A_571, %get3A_572] {strides = array<i32>} : memref<32x512xf32, #tpu.memory_space<vmem>>, vector<1x16xf32>,
        %get3A_574 = vector.shape_cast %get3A_573 : vector<1x16xf32> to vector<16xf32>
        %add3A_575 = arith.addf %get3A_570, %get3A_574 : vector<16xf32>
        %swap3A_576 = arith.index_cast %while3A_189 : i32 to index
        %swap3A_577 = arith.constant 432 : index
        %swap3A_578 = tpu.vector_load %arg11[%swap3A_576, %swap3A_577] {strides = array<i32>} : memref<32x512xf32, #tpu.memory_space<vmem>>, vector<1x16xf32>,
        %swap3A_579 = vector.shape_cast %swap3A_578 : vector<1x16xf32> to vector<16xf32>
        %swap3A_580 = vector.shape_cast %add3A_575 : vector<16xf32> to vector<1x16xf32>
        tpu.vector_store %arg11[%swap3A_576, %swap3A_577], %swap3A_580 {add = true, strides = array<i32>} : memref<32x512xf32, #tpu.memory_space<vmem>>, vector<1x16xf32>,
        %get3A_581 = arith.index_cast %while3A_189 : i32 to index
        %get3A_582 = arith.constant 448 : index
        %get3A_583 = tpu.vector_load %arg12[%get3A_581, %get3A_582] {strides = array<i32>} : memref<32x512xf32, #tpu.memory_space<vmem>>, vector<1x16xf32>,
        %get3A_584 = vector.shape_cast %get3A_583 : vector<1x16xf32> to vector<16xf32>
        %get3A_585 = arith.index_cast %while3A_189 : i32 to index
        %get3A_586 = arith.constant 448 : index
        %get3A_587 = tpu.vector_load %arg13[%get3A_585, %get3A_586] {strides = array<i32>} : memref<32x512xf32, #tpu.memory_space<vmem>>, vector<1x16xf32>,
        %get3A_588 = vector.shape_cast %get3A_587 : vector<1x16xf32> to vector<16xf32>
        %add3A_589 = arith.addf %get3A_584, %get3A_588 : vector<16xf32>
        %swap3A_590 = arith.index_cast %while3A_189 : i32 to index
        %swap3A_591 = arith.constant 448 : index
        %swap3A_592 = tpu.vector_load %arg11[%swap3A_590, %swap3A_591] {strides = array<i32>} : memref<32x512xf32, #tpu.memory_space<vmem>>, vector<1x16xf32>,
        %swap3A_593 = vector.shape_cast %swap3A_592 : vector<1x16xf32> to vector<16xf32>
        %swap3A_594 = vector.shape_cast %add3A_589 : vector<16xf32> to vector<1x16xf32>
        tpu.vector_store %arg11[%swap3A_590, %swap3A_591], %swap3A_594 {add = true, strides = array<i32>} : memref<32x512xf32, #tpu.memory_space<vmem>>, vector<1x16xf32>,
        %get3A_595 = arith.index_cast %while3A_189 : i32 to index
        %get3A_596 = arith.constant 464 : index
        %get3A_597 = tpu.vector_load %arg12[%get3A_595, %get3A_596] {strides = array<i32>} : memref<32x512xf32, #tpu.memory_space<vmem>>, vector<1x16xf32>,
        %get3A_598 = vector.shape_cast %get3A_597 : vector<1x16xf32> to vector<16xf32>
        %get3A_599 = arith.index_cast %while3A_189 : i32 to index
        %get3A_600 = arith.constant 464 : index
        %get3A_601 = tpu.vector_load %arg13[%get3A_599, %get3A_600] {strides = array<i32>} : memref<32x512xf32, #tpu.memory_space<vmem>>, vector<1x16xf32>,
        %get3A_602 = vector.shape_cast %get3A_601 : vector<1x16xf32> to vector<16xf32>
        %add3A_603 = arith.addf %get3A_598, %get3A_602 : vector<16xf32>
        %swap3A_604 = arith.index_cast %while3A_189 : i32 to index
        %swap3A_605 = arith.constant 464 : index
        %swap3A_606 = tpu.vector_load %arg11[%swap3A_604, %swap3A_605] {strides = array<i32>} : memref<32x512xf32, #tpu.memory_space<vmem>>, vector<1x16xf32>,
        %swap3A_607 = vector.shape_cast %swap3A_606 : vector<1x16xf32> to vector<16xf32>
        %swap3A_608 = vector.shape_cast %add3A_603 : vector<16xf32> to vector<1x16xf32>
        tpu.vector_store %arg11[%swap3A_604, %swap3A_605], %swap3A_608 {add = true, strides = array<i32>} : memref<32x512xf32, #tpu.memory_space<vmem>>, vector<1x16xf32>,
        %get3A_609 = arith.index_cast %while3A_189 : i32 to index
        %get3A_610 = arith.constant 480 : index
        %get3A_611 = tpu.vector_load %arg12[%get3A_609, %get3A_610] {strides = array<i32>} : memref<32x512xf32, #tpu.memory_space<vmem>>, vector<1x16xf32>,
        %get3A_612 = vector.shape_cast %get3A_611 : vector<1x16xf32> to vector<16xf32>
        %get3A_613 = arith.index_cast %while3A_189 : i32 to index
        %get3A_614 = arith.constant 480 : index
        %get3A_615 = tpu.vector_load %arg13[%get3A_613, %get3A_614] {strides = array<i32>} : memref<32x512xf32, #tpu.memory_space<vmem>>, vector<1x16xf32>,
        %get3A_616 = vector.shape_cast %get3A_615 : vector<1x16xf32> to vector<16xf32>
        %add3A_617 = arith.addf %get3A_612, %get3A_616 : vector<16xf32>
        %swap3A_618 = arith.index_cast %while3A_189 : i32 to index
        %swap3A_619 = arith.constant 480 : index
        %swap3A_620 = tpu.vector_load %arg11[%swap3A_618, %swap3A_619] {strides = array<i32>} : memref<32x512xf32, #tpu.memory_space<vmem>>, vector<1x16xf32>,
        %swap3A_621 = vector.shape_cast %swap3A_620 : vector<1x16xf32> to vector<16xf32>
        %swap3A_622 = vector.shape_cast %add3A_617 : vector<16xf32> to vector<1x16xf32>
        tpu.vector_store %arg11[%swap3A_618, %swap3A_619], %swap3A_622 {add = true, strides = array<i32>} : memref<32x512xf32, #tpu.memory_space<vmem>>, vector<1x16xf32>,
        %get3A_623 = arith.index_cast %while3A_189 : i32 to index
        %get3A_624 = arith.constant 496 : index
        %get3A_625 = tpu.vector_load %arg12[%get3A_623, %get3A_624] {strides = array<i32>} : memref<32x512xf32, #tpu.memory_space<vmem>>, vector<1x16xf32>,
        %get3A_626 = vector.shape_cast %get3A_625 : vector<1x16xf32> to vector<16xf32>
        %get3A_627 = arith.index_cast %while3A_189 : i32 to index
        %get3A_628 = arith.constant 496 : index
        %get3A_629 = tpu.vector_load %arg13[%get3A_627, %get3A_628] {strides = array<i32>} : memref<32x512xf32, #tpu.memory_space<vmem>>, vector<1x16xf32>,
        %get3A_630 = vector.shape_cast %get3A_629 : vector<1x16xf32> to vector<16xf32>
        %add3A_631 = arith.addf %get3A_626, %get3A_630 : vector<16xf32>
        %swap3A_632 = arith.index_cast %while3A_189 : i32 to index
        %swap3A_633 = arith.constant 496 : index
        %swap3A_634 = tpu.vector_load %arg11[%swap3A_632, %swap3A_633] {strides = array<i32>} : memref<32x512xf32, #tpu.memory_space<vmem>>, vector<1x16xf32>,
        %swap3A_635 = vector.shape_cast %swap3A_634 : vector<1x16xf32> to vector<16xf32>
        %swap3A_636 = vector.shape_cast %add3A_631 : vector<16xf32> to vector<1x16xf32>
        tpu.vector_store %arg11[%swap3A_632, %swap3A_633], %swap3A_636 {add = true, strides = array<i32>} : memref<32x512xf32, #tpu.memory_space<vmem>>, vector<1x16xf32>,
        %while3A_637 = arith.constant 0 : i32
        scf.yield %while3A_637 : i32
      }
      %while3A_139 = arith.constant 1 : i32
      %while3A_140 = scf.for %while3A_189 = %while3A_136 to %while3A_132 step %while3A_139 iter_args(%while3A_190 = %while3A_138) -> (i32)  : i32 {
        %get3A = arith.index_cast %while3A_189 : i32 to index
        %get3A_191 = arith.constant 0 : index
        %get3A_192 = tpu.vector_load %arg12[%get3A, %get3A_191] {strides = array<i32>} : memref<32x512xf32, #tpu.memory_space<vmem>>, vector<1x16xf32>,
        %get3A_193 = vector.shape_cast %get3A_192 : vector<1x16xf32> to vector<16xf32>
        %get3A_194 = arith.index_cast %while3A_189 : i32 to index
        %get3A_195 = arith.constant 0 : index
        %get3A_196 = tpu.vector_load %arg13[%get3A_194, %get3A_195] {strides = array<i32>} : memref<32x512xf32, #tpu.memory_space<vmem>>, vector<1x16xf32>,
        %get3A_197 = vector.shape_cast %get3A_196 : vector<1x16xf32> to vector<16xf32>
        %add3A_198 = arith.addf %get3A_193, %get3A_197 : vector<16xf32>
        %swap3A = arith.index_cast %while3A_189 : i32 to index
        %swap3A_199 = arith.constant 0 : index
        %swap3A_200 = tpu.vector_load %arg11[%swap3A, %swap3A_199] {strides = array<i32>} : memref<32x512xf32, #tpu.memory_space<vmem>>, vector<1x16xf32>,
        %swap3A_201 = vector.shape_cast %swap3A_200 : vector<1x16xf32> to vector<16xf32>
        %swap3A_202 = vector.shape_cast %add3A_198 : vector<16xf32> to vector<1x16xf32>
        tpu.vector_store %arg11[%swap3A, %swap3A_199], %swap3A_202 {add = true, strides = array<i32>} : memref<32x512xf32, #tpu.memory_space<vmem>>, vector<1x16xf32>,
        %get3A_203 = arith.index_cast %while3A_189 : i32 to index
        %get3A_204 = arith.constant 16 : index
        %get3A_205 = tpu.vector_load %arg12[%get3A_203, %get3A_204] {strides = array<i32>} : memref<32x512xf32, #tpu.memory_space<vmem>>, vector<1x16xf32>,
        %get3A_206 = vector.shape_cast %get3A_205 : vector<1x16xf32> to vector<16xf32>
        %get3A_207 = arith.index_cast %while3A_189 : i32 to index
        %get3A_208 = arith.constant 16 : index
        %get3A_209 = tpu.vector_load %arg13[%get3A_207, %get3A_208] {strides = array<i32>} : memref<32x512xf32, #tpu.memory_space<vmem>>, vector<1x16xf32>,
        %get3A_210 = vector.shape_cast %get3A_209 : vector<1x16xf32> to vector<16xf32>
        %add3A_211 = arith.addf %get3A_206, %get3A_210 : vector<16xf32>
        %swap3A_212 = arith.index_cast %while3A_189 : i32 to index
        %swap3A_213 = arith.constant 16 : index
        %swap3A_214 = tpu.vector_load %arg11[%swap3A_212, %swap3A_213] {strides = array<i32>} : memref<32x512xf32, #tpu.memory_space<vmem>>, vector<1x16xf32>,
        %swap3A_215 = vector.shape_cast %swap3A_214 : vector<1x16xf32> to vector<16xf32>
        %swap3A_216 = vector.shape_cast %add3A_211 : vector<16xf32> to vector<1x16xf32>
        tpu.vector_store %arg11[%swap3A_212, %swap3A_213], %swap3A_216 {add = true, strides = array<i32>} : memref<32x512xf32, #tpu.memory_space<vmem>>, vector<1x16xf32>,
        %get3A_217 = arith.index_cast %while3A_189 : i32 to index
        %get3A_218 = arith.constant 32 : index
        %get3A_219 = tpu.vector_load %arg12[%get3A_217, %get3A_218] {strides = array<i32>} : memref<32x512xf32, #tpu.memory_space<vmem>>, vector<1x16xf32>,
        %get3A_220 = vector.shape_cast %get3A_219 : vector<1x16xf32> to vector<16xf32>
        %get3A_221 = arith.index_cast %while3A_189 : i32 to index
        %get3A_222 = arith.constant 32 : index
        %get3A_223 = tpu.vector_load %arg13[%get3A_221, %get3A_222] {strides = array<i32>} : memref<32x512xf32, #tpu.memory_space<vmem>>, vector<1x16xf32>,
        %get3A_224 = vector.shape_cast %get3A_223 : vector<1x16xf32> to vector<16xf32>
        %add3A_225 = arith.addf %get3A_220, %get3A_224 : vector<16xf32>
        %swap3A_226 = arith.index_cast %while3A_189 : i32 to index
        %swap3A_227 = arith.constant 32 : index
        %swap3A_228 = tpu.vector_load %arg11[%swap3A_226, %swap3A_227] {strides = array<i32>} : memref<32x512xf32, #tpu.memory_space<vmem>>, vector<1x16xf32>,
        %swap3A_229 = vector.shape_cast %swap3A_228 : vector<1x16xf32> to vector<16xf32>
        %swap3A_230 = vector.shape_cast %add3A_225 : vector<16xf32> to vector<1x16xf32>
        tpu.vector_store %arg11[%swap3A_226, %swap3A_227], %swap3A_230 {add = true, strides = array<i32>} : memref<32x512xf32, #tpu.memory_space<vmem>>, vector<1x16xf32>,
        %get3A_231 = arith.index_cast %while3A_189 : i32 to index
        %get3A_232 = arith.constant 48 : index
        %get3A_233 = tpu.vector_load %arg12[%get3A_231, %get3A_232] {strides = array<i32>} : memref<32x512xf32, #tpu.memory_space<vmem>>, vector<1x16xf32>,
        %get3A_234 = vector.shape_cast %get3A_233 : vector<1x16xf32> to vector<16xf32>
        %get3A_235 = arith.index_cast %while3A_189 : i32 to index
        %get3A_236 = arith.constant 48 : index
        %get3A_237 = tpu.vector_load %arg13[%get3A_235, %get3A_236] {strides = array<i32>} : memref<32x512xf32, #tpu.memory_space<vmem>>, vector<1x16xf32>,
        %get3A_238 = vector.shape_cast %get3A_237 : vector<1x16xf32> to vector<16xf32>
        %add3A_239 = arith.addf %get3A_234, %get3A_238 : vector<16xf32>
        %swap3A_240 = arith.index_cast %while3A_189 : i32 to index
        %swap3A_241 = arith.constant 48 : index
        %swap3A_242 = tpu.vector_load %arg11[%swap3A_240, %swap3A_241] {strides = array<i32>} : memref<32x512xf32, #tpu.memory_space<vmem>>, vector<1x16xf32>,
        %swap3A_243 = vector.shape_cast %swap3A_242 : vector<1x16xf32> to vector<16xf32>
        %swap3A_244 = vector.shape_cast %add3A_239 : vector<16xf32> to vector<1x16xf32>
        tpu.vector_store %arg11[%swap3A_240, %swap3A_241], %swap3A_244 {add = true, strides = array<i32>} : memref<32x512xf32, #tpu.memory_space<vmem>>, vector<1x16xf32>,
        %get3A_245 = arith.index_cast %while3A_189 : i32 to index
        %get3A_246 = arith.constant 64 : index
        %get3A_247 = tpu.vector_load %arg12[%get3A_245, %get3A_246] {strides = array<i32>} : memref<32x512xf32, #tpu.memory_space<vmem>>, vector<1x16xf32>,
        %get3A_248 = vector.shape_cast %get3A_247 : vector<1x16xf32> to vector<16xf32>
        %get3A_249 = arith.index_cast %while3A_189 : i32 to index
        %get3A_250 = arith.constant 64 : index
        %get3A_251 = tpu.vector_load %arg13[%get3A_249, %get3A_250] {strides = array<i32>} : memref<32x512xf32, #tpu.memory_space<vmem>>, vector<1x16xf32>,
        %get3A_252 = vector.shape_cast %get3A_251 : vector<1x16xf32> to vector<16xf32>
        %add3A_253 = arith.addf %get3A_248, %get3A_252 : vector<16xf32>
        %swap3A_254 = arith.index_cast %while3A_189 : i32 to index
        %swap3A_255 = arith.constant 64 : index
        %swap3A_256 = tpu.vector_load %arg11[%swap3A_254, %swap3A_255] {strides = array<i32>} : memref<32x512xf32, #tpu.memory_space<vmem>>, vector<1x16xf32>,
        %swap3A_257 = vector.shape_cast %swap3A_256 : vector<1x16xf32> to vector<16xf32>
        %swap3A_258 = vector.shape_cast %add3A_253 : vector<16xf32> to vector<1x16xf32>
        tpu.vector_store %arg11[%swap3A_254, %swap3A_255], %swap3A_258 {add = true, strides = array<i32>} : memref<32x512xf32, #tpu.memory_space<vmem>>, vector<1x16xf32>,
        %get3A_259 = arith.index_cast %while3A_189 : i32 to index
        %get3A_260 = arith.constant 80 : index
        %get3A_261 = tpu.vector_load %arg12[%get3A_259, %get3A_260] {strides = array<i32>} : memref<32x512xf32, #tpu.memory_space<vmem>>, vector<1x16xf32>,
        %get3A_262 = vector.shape_cast %get3A_261 : vector<1x16xf32> to vector<16xf32>
        %get3A_263 = arith.index_cast %while3A_189 : i32 to index
        %get3A_264 = arith.constant 80 : index
        %get3A_265 = tpu.vector_load %arg13[%get3A_263, %get3A_264] {strides = array<i32>} : memref<32x512xf32, #tpu.memory_space<vmem>>, vector<1x16xf32>,
        %get3A_266 = vector.shape_cast %get3A_265 : vector<1x16xf32> to vector<16xf32>
        %add3A_267 = arith.addf %get3A_262, %get3A_266 : vector<16xf32>
        %swap3A_268 = arith.index_cast %while3A_189 : i32 to index
        %swap3A_269 = arith.constant 80 : index
        %swap3A_270 = tpu.vector_load %arg11[%swap3A_268, %swap3A_269] {strides = array<i32>} : memref<32x512xf32, #tpu.memory_space<vmem>>, vector<1x16xf32>,
        %swap3A_271 = vector.shape_cast %swap3A_270 : vector<1x16xf32> to vector<16xf32>
        %swap3A_272 = vector.shape_cast %add3A_267 : vector<16xf32> to vector<1x16xf32>
        tpu.vector_store %arg11[%swap3A_268, %swap3A_269], %swap3A_272 {add = true, strides = array<i32>} : memref<32x512xf32, #tpu.memory_space<vmem>>, vector<1x16xf32>,
        %get3A_273 = arith.index_cast %while3A_189 : i32 to index
        %get3A_274 = arith.constant 96 : index
        %get3A_275 = tpu.vector_load %arg12[%get3A_273, %get3A_274] {strides = array<i32>} : memref<32x512xf32, #tpu.memory_space<vmem>>, vector<1x16xf32>,
        %get3A_276 = vector.shape_cast %get3A_275 : vector<1x16xf32> to vector<16xf32>
        %get3A_277 = arith.index_cast %while3A_189 : i32 to index
        %get3A_278 = arith.constant 96 : index
        %get3A_279 = tpu.vector_load %arg13[%get3A_277, %get3A_278] {strides = array<i32>} : memref<32x512xf32, #tpu.memory_space<vmem>>, vector<1x16xf32>,
        %get3A_280 = vector.shape_cast %get3A_279 : vector<1x16xf32> to vector<16xf32>
        %add3A_281 = arith.addf %get3A_276, %get3A_280 : vector<16xf32>
        %swap3A_282 = arith.index_cast %while3A_189 : i32 to index
        %swap3A_283 = arith.constant 96 : index
        %swap3A_284 = tpu.vector_load %arg11[%swap3A_282, %swap3A_283] {strides = array<i32>} : memref<32x512xf32, #tpu.memory_space<vmem>>, vector<1x16xf32>,
        %swap3A_285 = vector.shape_cast %swap3A_284 : vector<1x16xf32> to vector<16xf32>
        %swap3A_286 = vector.shape_cast %add3A_281 : vector<16xf32> to vector<1x16xf32>
        tpu.vector_store %arg11[%swap3A_282, %swap3A_283], %swap3A_286 {add = true, strides = array<i32>} : memref<32x512xf32, #tpu.memory_space<vmem>>, vector<1x16xf32>,
        %get3A_287 = arith.index_cast %while3A_189 : i32 to index
        %get3A_288 = arith.constant 112 : index
        %get3A_289 = tpu.vector_load %arg12[%get3A_287, %get3A_288] {strides = array<i32>} : memref<32x512xf32, #tpu.memory_space<vmem>>, vector<1x16xf32>,
        %get3A_290 = vector.shape_cast %get3A_289 : vector<1x16xf32> to vector<16xf32>
        %get3A_291 = arith.index_cast %while3A_189 : i32 to index
        %get3A_292 = arith.constant 112 : index
        %get3A_293 = tpu.vector_load %arg13[%get3A_291, %get3A_292] {strides = array<i32>} : memref<32x512xf32, #tpu.memory_space<vmem>>, vector<1x16xf32>,
        %get3A_294 = vector.shape_cast %get3A_293 : vector<1x16xf32> to vector<16xf32>
        %add3A_295 = arith.addf %get3A_290, %get3A_294 : vector<16xf32>
        %swap3A_296 = arith.index_cast %while3A_189 : i32 to index
        %swap3A_297 = arith.constant 112 : index
        %swap3A_298 = tpu.vector_load %arg11[%swap3A_296, %swap3A_297] {strides = array<i32>} : memref<32x512xf32, #tpu.memory_space<vmem>>, vector<1x16xf32>,
        %swap3A_299 = vector.shape_cast %swap3A_298 : vector<1x16xf32> to vector<16xf32>
        %swap3A_300 = vector.shape_cast %add3A_295 : vector<16xf32> to vector<1x16xf32>
        tpu.vector_store %arg11[%swap3A_296, %swap3A_297], %swap3A_300 {add = true, strides = array<i32>} : memref<32x512xf32, #tpu.memory_space<vmem>>, vector<1x16xf32>,
        %get3A_301 = arith.index_cast %while3A_189 : i32 to index
        %get3A_302 = arith.constant 128 : index
        %get3A_303 = tpu.vector_load %arg12[%get3A_301, %get3A_302] {strides = array<i32>} : memref<32x512xf32, #tpu.memory_space<vmem>>, vector<1x16xf32>,
        %get3A_304 = vector.shape_cast %get3A_303 : vector<1x16xf32> to vector<16xf32>
        %get3A_305 = arith.index_cast %while3A_189 : i32 to index
        %get3A_306 = arith.constant 128 : index
        %get3A_307 = tpu.vector_load %arg13[%get3A_305, %get3A_306] {strides = array<i32>} : memref<32x512xf32, #tpu.memory_space<vmem>>, vector<1x16xf32>,
        %get3A_308 = vector.shape_cast %get3A_307 : vector<1x16xf32> to vector<16xf32>
        %add3A_309 = arith.addf %get3A_304, %get3A_308 : vector<16xf32>
        %swap3A_310 = arith.index_cast %while3A_189 : i32 to index
        %swap3A_311 = arith.constant 128 : index
        %swap3A_312 = tpu.vector_load %arg11[%swap3A_310, %swap3A_311] {strides = array<i32>} : memref<32x512xf32, #tpu.memory_space<vmem>>, vector<1x16xf32>,
        %swap3A_313 = vector.shape_cast %swap3A_312 : vector<1x16xf32> to vector<16xf32>
        %swap3A_314 = vector.shape_cast %add3A_309 : vector<16xf32> to vector<1x16xf32>
        tpu.vector_store %arg11[%swap3A_310, %swap3A_311], %swap3A_314 {add = true, strides = array<i32>} : memref<32x512xf32, #tpu.memory_space<vmem>>, vector<1x16xf32>,
        %get3A_315 = arith.index_cast %while3A_189 : i32 to index
        %get3A_316 = arith.constant 144 : index
        %get3A_317 = tpu.vector_load %arg12[%get3A_315, %get3A_316] {strides = array<i32>} : memref<32x512xf32, #tpu.memory_space<vmem>>, vector<1x16xf32>,
        %get3A_318 = vector.shape_cast %get3A_317 : vector<1x16xf32> to vector<16xf32>
        %get3A_319 = arith.index_cast %while3A_189 : i32 to index
        %get3A_320 = arith.constant 144 : index
        %get3A_321 = tpu.vector_load %arg13[%get3A_319, %get3A_320] {strides = array<i32>} : memref<32x512xf32, #tpu.memory_space<vmem>>, vector<1x16xf32>,
        %get3A_322 = vector.shape_cast %get3A_321 : vector<1x16xf32> to vector<16xf32>
        %add3A_323 = arith.addf %get3A_318, %get3A_322 : vector<16xf32>
        %swap3A_324 = arith.index_cast %while3A_189 : i32 to index
        %swap3A_325 = arith.constant 144 : index
        %swap3A_326 = tpu.vector_load %arg11[%swap3A_324, %swap3A_325] {strides = array<i32>} : memref<32x512xf32, #tpu.memory_space<vmem>>, vector<1x16xf32>,
        %swap3A_327 = vector.shape_cast %swap3A_326 : vector<1x16xf32> to vector<16xf32>
        %swap3A_328 = vector.shape_cast %add3A_323 : vector<16xf32> to vector<1x16xf32>
        tpu.vector_store %arg11[%swap3A_324, %swap3A_325], %swap3A_328 {add = true, strides = array<i32>} : memref<32x512xf32, #tpu.memory_space<vmem>>, vector<1x16xf32>,
        %get3A_329 = arith.index_cast %while3A_189 : i32 to index
        %get3A_330 = arith.constant 160 : index
        %get3A_331 = tpu.vector_load %arg12[%get3A_329, %get3A_330] {strides = array<i32>} : memref<32x512xf32, #tpu.memory_space<vmem>>, vector<1x16xf32>,
        %get3A_332 = vector.shape_cast %get3A_331 : vector<1x16xf32> to vector<16xf32>
        %get3A_333 = arith.index_cast %while3A_189 : i32 to index
        %get3A_334 = arith.constant 160 : index
        %get3A_335 = tpu.vector_load %arg13[%get3A_333, %get3A_334] {strides = array<i32>} : memref<32x512xf32, #tpu.memory_space<vmem>>, vector<1x16xf32>,
        %get3A_336 = vector.shape_cast %get3A_335 : vector<1x16xf32> to vector<16xf32>
        %add3A_337 = arith.addf %get3A_332, %get3A_336 : vector<16xf32>
        %swap3A_338 = arith.index_cast %while3A_189 : i32 to index
        %swap3A_339 = arith.constant 160 : index
        %swap3A_340 = tpu.vector_load %arg11[%swap3A_338, %swap3A_339] {strides = array<i32>} : memref<32x512xf32, #tpu.memory_space<vmem>>, vector<1x16xf32>,
        %swap3A_341 = vector.shape_cast %swap3A_340 : vector<1x16xf32> to vector<16xf32>
        %swap3A_342 = vector.shape_cast %add3A_337 : vector<16xf32> to vector<1x16xf32>
        tpu.vector_store %arg11[%swap3A_338, %swap3A_339], %swap3A_342 {add = true, strides = array<i32>} : memref<32x512xf32, #tpu.memory_space<vmem>>, vector<1x16xf32>,
        %get3A_343 = arith.index_cast %while3A_189 : i32 to index
        %get3A_344 = arith.constant 176 : index
        %get3A_345 = tpu.vector_load %arg12[%get3A_343, %get3A_344] {strides = array<i32>} : memref<32x512xf32, #tpu.memory_space<vmem>>, vector<1x16xf32>,
        %get3A_346 = vector.shape_cast %get3A_345 : vector<1x16xf32> to vector<16xf32>
        %get3A_347 = arith.index_cast %while3A_189 : i32 to index
        %get3A_348 = arith.constant 176 : index
        %get3A_349 = tpu.vector_load %arg13[%get3A_347, %get3A_348] {strides = array<i32>} : memref<32x512xf32, #tpu.memory_space<vmem>>, vector<1x16xf32>,
        %get3A_350 = vector.shape_cast %get3A_349 : vector<1x16xf32> to vector<16xf32>
        %add3A_351 = arith.addf %get3A_346, %get3A_350 : vector<16xf32>
        %swap3A_352 = arith.index_cast %while3A_189 : i32 to index
        %swap3A_353 = arith.constant 176 : index
        %swap3A_354 = tpu.vector_load %arg11[%swap3A_352, %swap3A_353] {strides = array<i32>} : memref<32x512xf32, #tpu.memory_space<vmem>>, vector<1x16xf32>,
        %swap3A_355 = vector.shape_cast %swap3A_354 : vector<1x16xf32> to vector<16xf32>
        %swap3A_356 = vector.shape_cast %add3A_351 : vector<16xf32> to vector<1x16xf32>
        tpu.vector_store %arg11[%swap3A_352, %swap3A_353], %swap3A_356 {add = true, strides = array<i32>} : memref<32x512xf32, #tpu.memory_space<vmem>>, vector<1x16xf32>,
        %get3A_357 = arith.index_cast %while3A_189 : i32 to index
        %get3A_358 = arith.constant 192 : index
        %get3A_359 = tpu.vector_load %arg12[%get3A_357, %get3A_358] {strides = array<i32>} : memref<32x512xf32, #tpu.memory_space<vmem>>, vector<1x16xf32>,
        %get3A_360 = vector.shape_cast %get3A_359 : vector<1x16xf32> to vector<16xf32>
        %get3A_361 = arith.index_cast %while3A_189 : i32 to index
        %get3A_362 = arith.constant 192 : index
        %get3A_363 = tpu.vector_load %arg13[%get3A_361, %get3A_362] {strides = array<i32>} : memref<32x512xf32, #tpu.memory_space<vmem>>, vector<1x16xf32>,
        %get3A_364 = vector.shape_cast %get3A_363 : vector<1x16xf32> to vector<16xf32>
        %add3A_365 = arith.addf %get3A_360, %get3A_364 : vector<16xf32>
        %swap3A_366 = arith.index_cast %while3A_189 : i32 to index
        %swap3A_367 = arith.constant 192 : index
        %swap3A_368 = tpu.vector_load %arg11[%swap3A_366, %swap3A_367] {strides = array<i32>} : memref<32x512xf32, #tpu.memory_space<vmem>>, vector<1x16xf32>,
        %swap3A_369 = vector.shape_cast %swap3A_368 : vector<1x16xf32> to vector<16xf32>
        %swap3A_370 = vector.shape_cast %add3A_365 : vector<16xf32> to vector<1x16xf32>
        tpu.vector_store %arg11[%swap3A_366, %swap3A_367], %swap3A_370 {add = true, strides = array<i32>} : memref<32x512xf32, #tpu.memory_space<vmem>>, vector<1x16xf32>,
        %get3A_371 = arith.index_cast %while3A_189 : i32 to index
        %get3A_372 = arith.constant 208 : index
        %get3A_373 = tpu.vector_load %arg12[%get3A_371, %get3A_372] {strides = array<i32>} : memref<32x512xf32, #tpu.memory_space<vmem>>, vector<1x16xf32>,
        %get3A_374 = vector.shape_cast %get3A_373 : vector<1x16xf32> to vector<16xf32>
        %get3A_375 = arith.index_cast %while3A_189 : i32 to index
        %get3A_376 = arith.constant 208 : index
        %get3A_377 = tpu.vector_load %arg13[%get3A_375, %get3A_376] {strides = array<i32>} : memref<32x512xf32, #tpu.memory_space<vmem>>, vector<1x16xf32>,
        %get3A_378 = vector.shape_cast %get3A_377 : vector<1x16xf32> to vector<16xf32>
        %add3A_379 = arith.addf %get3A_374, %get3A_378 : vector<16xf32>
        %swap3A_380 = arith.index_cast %while3A_189 : i32 to index
        %swap3A_381 = arith.constant 208 : index
        %swap3A_382 = tpu.vector_load %arg11[%swap3A_380, %swap3A_381] {strides = array<i32>} : memref<32x512xf32, #tpu.memory_space<vmem>>, vector<1x16xf32>,
        %swap3A_383 = vector.shape_cast %swap3A_382 : vector<1x16xf32> to vector<16xf32>
        %swap3A_384 = vector.shape_cast %add3A_379 : vector<16xf32> to vector<1x16xf32>
        tpu.vector_store %arg11[%swap3A_380, %swap3A_381], %swap3A_384 {add = true, strides = array<i32>} : memref<32x512xf32, #tpu.memory_space<vmem>>, vector<1x16xf32>,
        %get3A_385 = arith.index_cast %while3A_189 : i32 to index
        %get3A_386 = arith.constant 224 : index
        %get3A_387 = tpu.vector_load %arg12[%get3A_385, %get3A_386] {strides = array<i32>} : memref<32x512xf32, #tpu.memory_space<vmem>>, vector<1x16xf32>,
        %get3A_388 = vector.shape_cast %get3A_387 : vector<1x16xf32> to vector<16xf32>
        %get3A_389 = arith.index_cast %while3A_189 : i32 to index
        %get3A_390 = arith.constant 224 : index
        %get3A_391 = tpu.vector_load %arg13[%get3A_389, %get3A_390] {strides = array<i32>} : memref<32x512xf32, #tpu.memory_space<vmem>>, vector<1x16xf32>,
        %get3A_392 = vector.shape_cast %get3A_391 : vector<1x16xf32> to vector<16xf32>
        %add3A_393 = arith.addf %get3A_388, %get3A_392 : vector<16xf32>
        %swap3A_394 = arith.index_cast %while3A_189 : i32 to index
        %swap3A_395 = arith.constant 224 : index
        %swap3A_396 = tpu.vector_load %arg11[%swap3A_394, %swap3A_395] {strides = array<i32>} : memref<32x512xf32, #tpu.memory_space<vmem>>, vector<1x16xf32>,
        %swap3A_397 = vector.shape_cast %swap3A_396 : vector<1x16xf32> to vector<16xf32>
        %swap3A_398 = vector.shape_cast %add3A_393 : vector<16xf32> to vector<1x16xf32>
        tpu.vector_store %arg11[%swap3A_394, %swap3A_395], %swap3A_398 {add = true, strides = array<i32>} : memref<32x512xf32, #tpu.memory_space<vmem>>, vector<1x16xf32>,
        %get3A_399 = arith.index_cast %while3A_189 : i32 to index
        %get3A_400 = arith.constant 240 : index
        %get3A_401 = tpu.vector_load %arg12[%get3A_399, %get3A_400] {strides = array<i32>} : memref<32x512xf32, #tpu.memory_space<vmem>>, vector<1x16xf32>,
        %get3A_402 = vector.shape_cast %get3A_401 : vector<1x16xf32> to vector<16xf32>
        %get3A_403 = arith.index_cast %while3A_189 : i32 to index
        %get3A_404 = arith.constant 240 : index
        %get3A_405 = tpu.vector_load %arg13[%get3A_403, %get3A_404] {strides = array<i32>} : memref<32x512xf32, #tpu.memory_space<vmem>>, vector<1x16xf32>,
        %get3A_406 = vector.shape_cast %get3A_405 : vector<1x16xf32> to vector<16xf32>
        %add3A_407 = arith.addf %get3A_402, %get3A_406 : vector<16xf32>
        %swap3A_408 = arith.index_cast %while3A_189 : i32 to index
        %swap3A_409 = arith.constant 240 : index
        %swap3A_410 = tpu.vector_load %arg11[%swap3A_408, %swap3A_409] {strides = array<i32>} : memref<32x512xf32, #tpu.memory_space<vmem>>, vector<1x16xf32>,
        %swap3A_411 = vector.shape_cast %swap3A_410 : vector<1x16xf32> to vector<16xf32>
        %swap3A_412 = vector.shape_cast %add3A_407 : vector<16xf32> to vector<1x16xf32>
        tpu.vector_store %arg11[%swap3A_408, %swap3A_409], %swap3A_412 {add = true, strides = array<i32>} : memref<32x512xf32, #tpu.memory_space<vmem>>, vector<1x16xf32>,
        %get3A_413 = arith.index_cast %while3A_189 : i32 to index
        %get3A_414 = arith.constant 256 : index
        %get3A_415 = tpu.vector_load %arg12[%get3A_413, %get3A_414] {strides = array<i32>} : memref<32x512xf32, #tpu.memory_space<vmem>>, vector<1x16xf32>,
        %get3A_416 = vector.shape_cast %get3A_415 : vector<1x16xf32> to vector<16xf32>
        %get3A_417 = arith.index_cast %while3A_189 : i32 to index
        %get3A_418 = arith.constant 256 : index
        %get3A_419 = tpu.vector_load %arg13[%get3A_417, %get3A_418] {strides = array<i32>} : memref<32x512xf32, #tpu.memory_space<vmem>>, vector<1x16xf32>,
        %get3A_420 = vector.shape_cast %get3A_419 : vector<1x16xf32> to vector<16xf32>
        %add3A_421 = arith.addf %get3A_416, %get3A_420 : vector<16xf32>
        %swap3A_422 = arith.index_cast %while3A_189 : i32 to index
        %swap3A_423 = arith.constant 256 : index
        %swap3A_424 = tpu.vector_load %arg11[%swap3A_422, %swap3A_423] {strides = array<i32>} : memref<32x512xf32, #tpu.memory_space<vmem>>, vector<1x16xf32>,
        %swap3A_425 = vector.shape_cast %swap3A_424 : vector<1x16xf32> to vector<16xf32>
        %swap3A_426 = vector.shape_cast %add3A_421 : vector<16xf32> to vector<1x16xf32>
        tpu.vector_store %arg11[%swap3A_422, %swap3A_423], %swap3A_426 {add = true, strides = array<i32>} : memref<32x512xf32, #tpu.memory_space<vmem>>, vector<1x16xf32>,
        %get3A_427 = arith.index_cast %while3A_189 : i32 to index
        %get3A_428 = arith.constant 272 : index
        %get3A_429 = tpu.vector_load %arg12[%get3A_427, %get3A_428] {strides = array<i32>} : memref<32x512xf32, #tpu.memory_space<vmem>>, vector<1x16xf32>,
        %get3A_430 = vector.shape_cast %get3A_429 : vector<1x16xf32> to vector<16xf32>
        %get3A_431 = arith.index_cast %while3A_189 : i32 to index
        %get3A_432 = arith.constant 272 : index
        %get3A_433 = tpu.vector_load %arg13[%get3A_431, %get3A_432] {strides = array<i32>} : memref<32x512xf32, #tpu.memory_space<vmem>>, vector<1x16xf32>,
        %get3A_434 = vector.shape_cast %get3A_433 : vector<1x16xf32> to vector<16xf32>
        %add3A_435 = arith.addf %get3A_430, %get3A_434 : vector<16xf32>
        %swap3A_436 = arith.index_cast %while3A_189 : i32 to index
        %swap3A_437 = arith.constant 272 : index
        %swap3A_438 = tpu.vector_load %arg11[%swap3A_436, %swap3A_437] {strides = array<i32>} : memref<32x512xf32, #tpu.memory_space<vmem>>, vector<1x16xf32>,
        %swap3A_439 = vector.shape_cast %swap3A_438 : vector<1x16xf32> to vector<16xf32>
        %swap3A_440 = vector.shape_cast %add3A_435 : vector<16xf32> to vector<1x16xf32>
        tpu.vector_store %arg11[%swap3A_436, %swap3A_437], %swap3A_440 {add = true, strides = array<i32>} : memref<32x512xf32, #tpu.memory_space<vmem>>, vector<1x16xf32>,
        %get3A_441 = arith.index_cast %while3A_189 : i32 to index
        %get3A_442 = arith.constant 288 : index
        %get3A_443 = tpu.vector_load %arg12[%get3A_441, %get3A_442] {strides = array<i32>} : memref<32x512xf32, #tpu.memory_space<vmem>>, vector<1x16xf32>,
        %get3A_444 = vector.shape_cast %get3A_443 : vector<1x16xf32> to vector<16xf32>
        %get3A_445 = arith.index_cast %while3A_189 : i32 to index
        %get3A_446 = arith.constant 288 : index
        %get3A_447 = tpu.vector_load %arg13[%get3A_445, %get3A_446] {strides = array<i32>} : memref<32x512xf32, #tpu.memory_space<vmem>>, vector<1x16xf32>,
        %get3A_448 = vector.shape_cast %get3A_447 : vector<1x16xf32> to vector<16xf32>
        %add3A_449 = arith.addf %get3A_444, %get3A_448 : vector<16xf32>
        %swap3A_450 = arith.index_cast %while3A_189 : i32 to index
        %swap3A_451 = arith.constant 288 : index
        %swap3A_452 = tpu.vector_load %arg11[%swap3A_450, %swap3A_451] {strides = array<i32>} : memref<32x512xf32, #tpu.memory_space<vmem>>, vector<1x16xf32>,
        %swap3A_453 = vector.shape_cast %swap3A_452 : vector<1x16xf32> to vector<16xf32>
        %swap3A_454 = vector.shape_cast %add3A_449 : vector<16xf32> to vector<1x16xf32>
        tpu.vector_store %arg11[%swap3A_450, %swap3A_451], %swap3A_454 {add = true, strides = array<i32>} : memref<32x512xf32, #tpu.memory_space<vmem>>, vector<1x16xf32>,
        %get3A_455 = arith.index_cast %while3A_189 : i32 to index
        %get3A_456 = arith.constant 304 : index
        %get3A_457 = tpu.vector_load %arg12[%get3A_455, %get3A_456] {strides = array<i32>} : memref<32x512xf32, #tpu.memory_space<vmem>>, vector<1x16xf32>,
        %get3A_458 = vector.shape_cast %get3A_457 : vector<1x16xf32> to vector<16xf32>
        %get3A_459 = arith.index_cast %while3A_189 : i32 to index
        %get3A_460 = arith.constant 304 : index
        %get3A_461 = tpu.vector_load %arg13[%get3A_459, %get3A_460] {strides = array<i32>} : memref<32x512xf32, #tpu.memory_space<vmem>>, vector<1x16xf32>,
        %get3A_462 = vector.shape_cast %get3A_461 : vector<1x16xf32> to vector<16xf32>
        %add3A_463 = arith.addf %get3A_458, %get3A_462 : vector<16xf32>
        %swap3A_464 = arith.index_cast %while3A_189 : i32 to index
        %swap3A_465 = arith.constant 304 : index
        %swap3A_466 = tpu.vector_load %arg11[%swap3A_464, %swap3A_465] {strides = array<i32>} : memref<32x512xf32, #tpu.memory_space<vmem>>, vector<1x16xf32>,
        %swap3A_467 = vector.shape_cast %swap3A_466 : vector<1x16xf32> to vector<16xf32>
        %swap3A_468 = vector.shape_cast %add3A_463 : vector<16xf32> to vector<1x16xf32>
        tpu.vector_store %arg11[%swap3A_464, %swap3A_465], %swap3A_468 {add = true, strides = array<i32>} : memref<32x512xf32, #tpu.memory_space<vmem>>, vector<1x16xf32>,
        %get3A_469 = arith.index_cast %while3A_189 : i32 to index
        %get3A_470 = arith.constant 320 : index
        %get3A_471 = tpu.vector_load %arg12[%get3A_469, %get3A_470] {strides = array<i32>} : memref<32x512xf32, #tpu.memory_space<vmem>>, vector<1x16xf32>,
        %get3A_472 = vector.shape_cast %get3A_471 : vector<1x16xf32> to vector<16xf32>
        %get3A_473 = arith.index_cast %while3A_189 : i32 to index
        %get3A_474 = arith.constant 320 : index
        %get3A_475 = tpu.vector_load %arg13[%get3A_473, %get3A_474] {strides = array<i32>} : memref<32x512xf32, #tpu.memory_space<vmem>>, vector<1x16xf32>,
        %get3A_476 = vector.shape_cast %get3A_475 : vector<1x16xf32> to vector<16xf32>
        %add3A_477 = arith.addf %get3A_472, %get3A_476 : vector<16xf32>
        %swap3A_478 = arith.index_cast %while3A_189 : i32 to index
        %swap3A_479 = arith.constant 320 : index
        %swap3A_480 = tpu.vector_load %arg11[%swap3A_478, %swap3A_479] {strides = array<i32>} : memref<32x512xf32, #tpu.memory_space<vmem>>, vector<1x16xf32>,
        %swap3A_481 = vector.shape_cast %swap3A_480 : vector<1x16xf32> to vector<16xf32>
        %swap3A_482 = vector.shape_cast %add3A_477 : vector<16xf32> to vector<1x16xf32>
        tpu.vector_store %arg11[%swap3A_478, %swap3A_479], %swap3A_482 {add = true, strides = array<i32>} : memref<32x512xf32, #tpu.memory_space<vmem>>, vector<1x16xf32>,
        %get3A_483 = arith.index_cast %while3A_189 : i32 to index
        %get3A_484 = arith.constant 336 : index
        %get3A_485 = tpu.vector_load %arg12[%get3A_483, %get3A_484] {strides = array<i32>} : memref<32x512xf32, #tpu.memory_space<vmem>>, vector<1x16xf32>,
        %get3A_486 = vector.shape_cast %get3A_485 : vector<1x16xf32> to vector<16xf32>
        %get3A_487 = arith.index_cast %while3A_189 : i32 to index
        %get3A_488 = arith.constant 336 : index
        %get3A_489 = tpu.vector_load %arg13[%get3A_487, %get3A_488] {strides = array<i32>} : memref<32x512xf32, #tpu.memory_space<vmem>>, vector<1x16xf32>,
        %get3A_490 = vector.shape_cast %get3A_489 : vector<1x16xf32> to vector<16xf32>
        %add3A_491 = arith.addf %get3A_486, %get3A_490 : vector<16xf32>
        %swap3A_492 = arith.index_cast %while3A_189 : i32 to index
        %swap3A_493 = arith.constant 336 : index
        %swap3A_494 = tpu.vector_load %arg11[%swap3A_492, %swap3A_493] {strides = array<i32>} : memref<32x512xf32, #tpu.memory_space<vmem>>, vector<1x16xf32>,
        %swap3A_495 = vector.shape_cast %swap3A_494 : vector<1x16xf32> to vector<16xf32>
        %swap3A_496 = vector.shape_cast %add3A_491 : vector<16xf32> to vector<1x16xf32>
        tpu.vector_store %arg11[%swap3A_492, %swap3A_493], %swap3A_496 {add = true, strides = array<i32>} : memref<32x512xf32, #tpu.memory_space<vmem>>, vector<1x16xf32>,
        %get3A_497 = arith.index_cast %while3A_189 : i32 to index
        %get3A_498 = arith.constant 352 : index
        %get3A_499 = tpu.vector_load %arg12[%get3A_497, %get3A_498] {strides = array<i32>} : memref<32x512xf32, #tpu.memory_space<vmem>>, vector<1x16xf32>,
        %get3A_500 = vector.shape_cast %get3A_499 : vector<1x16xf32> to vector<16xf32>
        %get3A_501 = arith.index_cast %while3A_189 : i32 to index
        %get3A_502 = arith.constant 352 : index
        %get3A_503 = tpu.vector_load %arg13[%get3A_501, %get3A_502] {strides = array<i32>} : memref<32x512xf32, #tpu.memory_space<vmem>>, vector<1x16xf32>,
        %get3A_504 = vector.shape_cast %get3A_503 : vector<1x16xf32> to vector<16xf32>
        %add3A_505 = arith.addf %get3A_500, %get3A_504 : vector<16xf32>
        %swap3A_506 = arith.index_cast %while3A_189 : i32 to index
        %swap3A_507 = arith.constant 352 : index
        %swap3A_508 = tpu.vector_load %arg11[%swap3A_506, %swap3A_507] {strides = array<i32>} : memref<32x512xf32, #tpu.memory_space<vmem>>, vector<1x16xf32>,
        %swap3A_509 = vector.shape_cast %swap3A_508 : vector<1x16xf32> to vector<16xf32>
        %swap3A_510 = vector.shape_cast %add3A_505 : vector<16xf32> to vector<1x16xf32>
        tpu.vector_store %arg11[%swap3A_506, %swap3A_507], %swap3A_510 {add = true, strides = array<i32>} : memref<32x512xf32, #tpu.memory_space<vmem>>, vector<1x16xf32>,
        %get3A_511 = arith.index_cast %while3A_189 : i32 to index
        %get3A_512 = arith.constant 368 : index
        %get3A_513 = tpu.vector_load %arg12[%get3A_511, %get3A_512] {strides = array<i32>} : memref<32x512xf32, #tpu.memory_space<vmem>>, vector<1x16xf32>,
        %get3A_514 = vector.shape_cast %get3A_513 : vector<1x16xf32> to vector<16xf32>
        %get3A_515 = arith.index_cast %while3A_189 : i32 to index
        %get3A_516 = arith.constant 368 : index
        %get3A_517 = tpu.vector_load %arg13[%get3A_515, %get3A_516] {strides = array<i32>} : memref<32x512xf32, #tpu.memory_space<vmem>>, vector<1x16xf32>,
        %get3A_518 = vector.shape_cast %get3A_517 : vector<1x16xf32> to vector<16xf32>
        %add3A_519 = arith.addf %get3A_514, %get3A_518 : vector<16xf32>
        %swap3A_520 = arith.index_cast %while3A_189 : i32 to index
        %swap3A_521 = arith.constant 368 : index
        %swap3A_522 = tpu.vector_load %arg11[%swap3A_520, %swap3A_521] {strides = array<i32>} : memref<32x512xf32, #tpu.memory_space<vmem>>, vector<1x16xf32>,
        %swap3A_523 = vector.shape_cast %swap3A_522 : vector<1x16xf32> to vector<16xf32>
        %swap3A_524 = vector.shape_cast %add3A_519 : vector<16xf32> to vector<1x16xf32>
        tpu.vector_store %arg11[%swap3A_520, %swap3A_521], %swap3A_524 {add = true, strides = array<i32>} : memref<32x512xf32, #tpu.memory_space<vmem>>, vector<1x16xf32>,
        %get3A_525 = arith.index_cast %while3A_189 : i32 to index
        %get3A_526 = arith.constant 384 : index
        %get3A_527 = tpu.vector_load %arg12[%get3A_525, %get3A_526] {strides = array<i32>} : memref<32x512xf32, #tpu.memory_space<vmem>>, vector<1x16xf32>,
        %get3A_528 = vector.shape_cast %get3A_527 : vector<1x16xf32> to vector<16xf32>
        %get3A_529 = arith.index_cast %while3A_189 : i32 to index
        %get3A_530 = arith.constant 384 : index
        %get3A_531 = tpu.vector_load %arg13[%get3A_529, %get3A_530] {strides = array<i32>} : memref<32x512xf32, #tpu.memory_space<vmem>>, vector<1x16xf32>,
        %get3A_532 = vector.shape_cast %get3A_531 : vector<1x16xf32> to vector<16xf32>
        %add3A_533 = arith.addf %get3A_528, %get3A_532 : vector<16xf32>
        %swap3A_534 = arith.index_cast %while3A_189 : i32 to index
        %swap3A_535 = arith.constant 384 : index
        %swap3A_536 = tpu.vector_load %arg11[%swap3A_534, %swap3A_535] {strides = array<i32>} : memref<32x512xf32, #tpu.memory_space<vmem>>, vector<1x16xf32>,
        %swap3A_537 = vector.shape_cast %swap3A_536 : vector<1x16xf32> to vector<16xf32>
        %swap3A_538 = vector.shape_cast %add3A_533 : vector<16xf32> to vector<1x16xf32>
        tpu.vector_store %arg11[%swap3A_534, %swap3A_535], %swap3A_538 {add = true, strides = array<i32>} : memref<32x512xf32, #tpu.memory_space<vmem>>, vector<1x16xf32>,
        %get3A_539 = arith.index_cast %while3A_189 : i32 to index
        %get3A_540 = arith.constant 400 : index
        %get3A_541 = tpu.vector_load %arg12[%get3A_539, %get3A_540] {strides = array<i32>} : memref<32x512xf32, #tpu.memory_space<vmem>>, vector<1x16xf32>,
        %get3A_542 = vector.shape_cast %get3A_541 : vector<1x16xf32> to vector<16xf32>
        %get3A_543 = arith.index_cast %while3A_189 : i32 to index
        %get3A_544 = arith.constant 400 : index
        %get3A_545 = tpu.vector_load %arg13[%get3A_543, %get3A_544] {strides = array<i32>} : memref<32x512xf32, #tpu.memory_space<vmem>>, vector<1x16xf32>,
        %get3A_546 = vector.shape_cast %get3A_545 : vector<1x16xf32> to vector<16xf32>
        %add3A_547 = arith.addf %get3A_542, %get3A_546 : vector<16xf32>
        %swap3A_548 = arith.index_cast %while3A_189 : i32 to index
        %swap3A_549 = arith.constant 400 : index
        %swap3A_550 = tpu.vector_load %arg11[%swap3A_548, %swap3A_549] {strides = array<i32>} : memref<32x512xf32, #tpu.memory_space<vmem>>, vector<1x16xf32>,
        %swap3A_551 = vector.shape_cast %swap3A_550 : vector<1x16xf32> to vector<16xf32>
        %swap3A_552 = vector.shape_cast %add3A_547 : vector<16xf32> to vector<1x16xf32>
        tpu.vector_store %arg11[%swap3A_548, %swap3A_549], %swap3A_552 {add = true, strides = array<i32>} : memref<32x512xf32, #tpu.memory_space<vmem>>, vector<1x16xf32>,
        %get3A_553 = arith.index_cast %while3A_189 : i32 to index
        %get3A_554 = arith.constant 416 : index
        %get3A_555 = tpu.vector_load %arg12[%get3A_553, %get3A_554] {strides = array<i32>} : memref<32x512xf32, #tpu.memory_space<vmem>>, vector<1x16xf32>,
        %get3A_556 = vector.shape_cast %get3A_555 : vector<1x16xf32> to vector<16xf32>
        %get3A_557 = arith.index_cast %while3A_189 : i32 to index
        %get3A_558 = arith.constant 416 : index
        %get3A_559 = tpu.vector_load %arg13[%get3A_557, %get3A_558] {strides = array<i32>} : memref<32x512xf32, #tpu.memory_space<vmem>>, vector<1x16xf32>,
        %get3A_560 = vector.shape_cast %get3A_559 : vector<1x16xf32> to vector<16xf32>
        %add3A_561 = arith.addf %get3A_556, %get3A_560 : vector<16xf32>
        %swap3A_562 = arith.index_cast %while3A_189 : i32 to index
        %swap3A_563 = arith.constant 416 : index
        %swap3A_564 = tpu.vector_load %arg11[%swap3A_562, %swap3A_563] {strides = array<i32>} : memref<32x512xf32, #tpu.memory_space<vmem>>, vector<1x16xf32>,
        %swap3A_565 = vector.shape_cast %swap3A_564 : vector<1x16xf32> to vector<16xf32>
        %swap3A_566 = vector.shape_cast %add3A_561 : vector<16xf32> to vector<1x16xf32>
        tpu.vector_store %arg11[%swap3A_562, %swap3A_563], %swap3A_566 {add = true, strides = array<i32>} : memref<32x512xf32, #tpu.memory_space<vmem>>, vector<1x16xf32>,
        %get3A_567 = arith.index_cast %while3A_189 : i32 to index
        %get3A_568 = arith.constant 432 : index
        %get3A_569 = tpu.vector_load %arg12[%get3A_567, %get3A_568] {strides = array<i32>} : memref<32x512xf32, #tpu.memory_space<vmem>>, vector<1x16xf32>,
        %get3A_570 = vector.shape_cast %get3A_569 : vector<1x16xf32> to vector<16xf32>
        %get3A_571 = arith.index_cast %while3A_189 : i32 to index
        %get3A_572 = arith.constant 432 : index
        %get3A_573 = tpu.vector_load %arg13[%get3A_571, %get3A_572] {strides = array<i32>} : memref<32x512xf32, #tpu.memory_space<vmem>>, vector<1x16xf32>,
        %get3A_574 = vector.shape_cast %get3A_573 : vector<1x16xf32> to vector<16xf32>
        %add3A_575 = arith.addf %get3A_570, %get3A_574 : vector<16xf32>
        %swap3A_576 = arith.index_cast %while3A_189 : i32 to index
        %swap3A_577 = arith.constant 432 : index
        %swap3A_578 = tpu.vector_load %arg11[%swap3A_576, %swap3A_577] {strides = array<i32>} : memref<32x512xf32, #tpu.memory_space<vmem>>, vector<1x16xf32>,
        %swap3A_579 = vector.shape_cast %swap3A_578 : vector<1x16xf32> to vector<16xf32>
        %swap3A_580 = vector.shape_cast %add3A_575 : vector<16xf32> to vector<1x16xf32>
        tpu.vector_store %arg11[%swap3A_576, %swap3A_577], %swap3A_580 {add = true, strides = array<i32>} : memref<32x512xf32, #tpu.memory_space<vmem>>, vector<1x16xf32>,
        %get3A_581 = arith.index_cast %while3A_189 : i32 to index
        %get3A_582 = arith.constant 448 : index
        %get3A_583 = tpu.vector_load %arg12[%get3A_581, %get3A_582] {strides = array<i32>} : memref<32x512xf32, #tpu.memory_space<vmem>>, vector<1x16xf32>,
        %get3A_584 = vector.shape_cast %get3A_583 : vector<1x16xf32> to vector<16xf32>
        %get3A_585 = arith.index_cast %while3A_189 : i32 to index
        %get3A_586 = arith.constant 448 : index
        %get3A_587 = tpu.vector_load %arg13[%get3A_585, %get3A_586] {strides = array<i32>} : memref<32x512xf32, #tpu.memory_space<vmem>>, vector<1x16xf32>,
        %get3A_588 = vector.shape_cast %get3A_587 : vector<1x16xf32> to vector<16xf32>
        %add3A_589 = arith.addf %get3A_584, %get3A_588 : vector<16xf32>
        %swap3A_590 = arith.index_cast %while3A_189 : i32 to index
        %swap3A_591 = arith.constant 448 : index
        %swap3A_592 = tpu.vector_load %arg11[%swap3A_590, %swap3A_591] {strides = array<i32>} : memref<32x512xf32, #tpu.memory_space<vmem>>, vector<1x16xf32>,
        %swap3A_593 = vector.shape_cast %swap3A_592 : vector<1x16xf32> to vector<16xf32>
        %swap3A_594 = vector.shape_cast %add3A_589 : vector<16xf32> to vector<1x16xf32>
        tpu.vector_store %arg11[%swap3A_590, %swap3A_591], %swap3A_594 {add = true, strides = array<i32>} : memref<32x512xf32, #tpu.memory_space<vmem>>, vector<1x16xf32>,
        %get3A_595 = arith.index_cast %while3A_189 : i32 to index
        %get3A_596 = arith.constant 464 : index
        %get3A_597 = tpu.vector_load %arg12[%get3A_595, %get3A_596] {strides = array<i32>} : memref<32x512xf32, #tpu.memory_space<vmem>>, vector<1x16xf32>,
        %get3A_598 = vector.shape_cast %get3A_597 : vector<1x16xf32> to vector<16xf32>
        %get3A_599 = arith.index_cast %while3A_189 : i32 to index
        %get3A_600 = arith.constant 464 : index
        %get3A_601 = tpu.vector_load %arg13[%get3A_599, %get3A_600] {strides = array<i32>} : memref<32x512xf32, #tpu.memory_space<vmem>>, vector<1x16xf32>,
        %get3A_602 = vector.shape_cast %get3A_601 : vector<1x16xf32> to vector<16xf32>
        %add3A_603 = arith.addf %get3A_598, %get3A_602 : vector<16xf32>
        %swap3A_604 = arith.index_cast %while3A_189 : i32 to index
        %swap3A_605 = arith.constant 464 : index
        %swap3A_606 = tpu.vector_load %arg11[%swap3A_604, %swap3A_605] {strides = array<i32>} : memref<32x512xf32, #tpu.memory_space<vmem>>, vector<1x16xf32>,
        %swap3A_607 = vector.shape_cast %swap3A_606 : vector<1x16xf32> to vector<16xf32>
        %swap3A_608 = vector.shape_cast %add3A_603 : vector<16xf32> to vector<1x16xf32>
        tpu.vector_store %arg11[%swap3A_604, %swap3A_605], %swap3A_608 {add = true, strides = array<i32>} : memref<32x512xf32, #tpu.memory_space<vmem>>, vector<1x16xf32>,
        %get3A_609 = arith.index_cast %while3A_189 : i32 to index
        %get3A_610 = arith.constant 480 : index
        %get3A_611 = tpu.vector_load %arg12[%get3A_609, %get3A_610] {strides = array<i32>} : memref<32x512xf32, #tpu.memory_space<vmem>>, vector<1x16xf32>,
        %get3A_612 = vector.shape_cast %get3A_611 : vector<1x16xf32> to vector<16xf32>
        %get3A_613 = arith.index_cast %while3A_189 : i32 to index
        %get3A_614 = arith.constant 480 : index
        %get3A_615 = tpu.vector_load %arg13[%get3A_613, %get3A_614] {strides = array<i32>} : memref<32x512xf32, #tpu.memory_space<vmem>>, vector<1x16xf32>,
        %get3A_616 = vector.shape_cast %get3A_615 : vector<1x16xf32> to vector<16xf32>
        %add3A_617 = arith.addf %get3A_612, %get3A_616 : vector<16xf32>
        %swap3A_618 = arith.index_cast %while3A_189 : i32 to index
        %swap3A_619 = arith.constant 480 : index
        %swap3A_620 = tpu.vector_load %arg11[%swap3A_618, %swap3A_619] {strides = array<i32>} : memref<32x512xf32, #tpu.memory_space<vmem>>, vector<1x16xf32>,
        %swap3A_621 = vector.shape_cast %swap3A_620 : vector<1x16xf32> to vector<16xf32>
        %swap3A_622 = vector.shape_cast %add3A_617 : vector<16xf32> to vector<1x16xf32>
        tpu.vector_store %arg11[%swap3A_618, %swap3A_619], %swap3A_622 {add = true, strides = array<i32>} : memref<32x512xf32, #tpu.memory_space<vmem>>, vector<1x16xf32>,
        %get3A_623 = arith.index_cast %while3A_189 : i32 to index
        %get3A_624 = arith.constant 496 : index
        %get3A_625 = tpu.vector_load %arg12[%get3A_623, %get3A_624] {strides = array<i32>} : memref<32x512xf32, #tpu.memory_space<vmem>>, vector<1x16xf32>,
        %get3A_626 = vector.shape_cast %get3A_625 : vector<1x16xf32> to vector<16xf32>
        %get3A_627 = arith.index_cast %while3A_189 : i32 to index
        %get3A_628 = arith.constant 496 : index
        %get3A_629 = tpu.vector_load %arg13[%get3A_627, %get3A_628] {strides = array<i32>} : memref<32x512xf32, #tpu.memory_space<vmem>>, vector<1x16xf32>,
        %get3A_630 = vector.shape_cast %get3A_629 : vector<1x16xf32> to vector<16xf32>
        %add3A_631 = arith.addf %get3A_626, %get3A_630 : vector<16xf32>
        %swap3A_632 = arith.index_cast %while3A_189 : i32 to index
        %swap3A_633 = arith.constant 496 : index
        %swap3A_634 = tpu.vector_load %arg11[%swap3A_632, %swap3A_633] {strides = array<i32>} : memref<32x512xf32, #tpu.memory_space<vmem>>, vector<1x16xf32>,
        %swap3A_635 = vector.shape_cast %swap3A_634 : vector<1x16xf32> to vector<16xf32>
        %swap3A_636 = vector.shape_cast %add3A_631 : vector<16xf32> to vector<1x16xf32>
        tpu.vector_store %arg11[%swap3A_632, %swap3A_633], %swap3A_636 {add = true, strides = array<i32>} : memref<32x512xf32, #tpu.memory_space<vmem>>, vector<1x16xf32>,
        %while3A_637 = arith.constant 0 : i32
        scf.yield %while3A_637 : i32
      }
      %add3A_141 = arith.addi %mul3A_49, %mul3A_96 : i32
      %dma_start3A_142 = arith.constant 0 : i32
      %dma_start3A_143 = tpu.memref_slice %arg6[%add3A_141, %dma_start3A_142] : memref<32768x512xf32, #tpu.memory_space<hbm>> -> memref<32x512xf32, #tpu.memory_space<hbm>>
      %dma_start3A_144 = arith.constant 0 : i32
      %dma_start3A_145 = tpu.memref_slice %arg6[%add3A_141, %dma_start3A_144] : memref<32768x512xf32, #tpu.memory_space<hbm>> -> memref<32x512xf32, #tpu.memory_space<hbm>>
      tpu.enqueue_dma source(%arg11 : memref<32x512xf32, #tpu.memory_space<vmem>>) target(%dma_start3A_145 : memref<32x512xf32, #tpu.memory_space<hbm>>) target_semaphore(%arg19 : memref<!tpu.dma_semaphore, #tpu.memory_space<semaphore_mem>>)
      %dma_wait3A_146 = arith.constant 0 : i32
      %dma_wait3A_147 = tpu.memref_slice %arg6[%mul3A_49, %dma_wait3A_146] : memref<32768x512xf32, #tpu.memory_space<hbm>> -> memref<32x512xf32, #tpu.memory_space<hbm>>
      %dma_wait3A_148 = arith.constant 0 : i32
      %dma_wait3A_149 = tpu.memref_slice %arg6[%mul3A_49, %dma_wait3A_148] : memref<32768x512xf32, #tpu.memory_space<hbm>> -> memref<32x512xf32, #tpu.memory_space<hbm>>
      tpu.wait_dma2 semaphore(%arg19 : memref<!tpu.dma_semaphore, #tpu.memory_space<semaphore_mem>>) src(%arg11 : memref<32x512xf32, #tpu.memory_space<vmem>>) dst(%dma_wait3A_149 : memref<32x512xf32, #tpu.memory_space<hbm>>)
      %lt3A_150 = arith.constant 15 : i32
      %lt3A_151 = arith.cmpi slt, %while3A_93, %lt3A_150 : i32
      %convert_element_type3A_152 = arith.extui %lt3A_151 : i1 to i32
      %cond3A_153 = arith.constant 0 : i32
      %cond3A_154 = arith.cmpi ne, %convert_element_type3A_152, %cond3A_153 : i32
      scf.if %cond3A_154 {
        %add3A_189 = arith.constant 64 : i32
        %add3A_190 = arith.addi %mul3A_96, %add3A_189 : i32
        %dma_start3A_191 = tpu.memref_slice %arg8[%add3A_190] : memref<1024xi32, #tpu.memory_space<vmem>> -> memref<32xi32, #tpu.memory_space<vmem>>
        %dma_start3A_192 = arith.constant 0 : i32
        %dma_start3A_193 = arith.constant 0 : i32
        %dma_start3A_194 = tpu.memref_slice %arg3[%dma_start3A_192, %dma_start3A_193] : memref<32768x512xf32, #tpu.memory_space<hbm>> -> memref<32768x512xf32, #tpu.memory_space<hbm>>
        tpu.enqueue_indirect_dma source(%dma_start3A_194 : memref<32768x512xf32, #tpu.memory_space<hbm>>) target(%arg11 : memref<32x512xf32, #tpu.memory_space<vmem>>) offsets(%dma_start3A_191 : memref<32xi32, #tpu.memory_space<vmem>>) semaphore(%arg17 : memref<!tpu.dma_semaphore, #tpu.memory_space<semaphore_mem>>)
        %dma_start3A_195 = tpu.memref_slice %arg9[%add3A_190] : memref<1024xi32, #tpu.memory_space<vmem>> -> memref<32xi32, #tpu.memory_space<vmem>>
        %dma_start3A_196 = arith.constant 0 : i32
        %dma_start3A_197 = arith.constant 0 : i32
        %dma_start3A_198 = tpu.memref_slice %arg4[%dma_start3A_196, %dma_start3A_197] : memref<32768x512xf32, #tpu.memory_space<hbm>> -> memref<32768x512xf32, #tpu.memory_space<hbm>>
        tpu.enqueue_indirect_dma source(%dma_start3A_198 : memref<32768x512xf32, #tpu.memory_space<hbm>>) target(%arg12 : memref<32x512xf32, #tpu.memory_space<vmem>>) offsets(%dma_start3A_195 : memref<32xi32, #tpu.memory_space<vmem>>) semaphore(%arg17 : memref<!tpu.dma_semaphore, #tpu.memory_space<semaphore_mem>>)
        %dma_start3A_199 = tpu.memref_slice %arg10[%add3A_190] : memref<1024xi32, #tpu.memory_space<vmem>> -> memref<32xi32, #tpu.memory_space<vmem>>
        %dma_start3A_200 = arith.constant 0 : i32
        %dma_start3A_201 = arith.constant 0 : i32
        %dma_start3A_202 = tpu.memref_slice %arg5[%dma_start3A_200, %dma_start3A_201] : memref<32768x512xf32, #tpu.memory_space<hbm>> -> memref<32768x512xf32, #tpu.memory_space<hbm>>
        tpu.enqueue_indirect_dma source(%dma_start3A_202 : memref<32768x512xf32, #tpu.memory_space<hbm>>) target(%arg13 : memref<32x512xf32, #tpu.memory_space<vmem>>) offsets(%dma_start3A_199 : memref<32xi32, #tpu.memory_space<vmem>>) semaphore(%arg17 : memref<!tpu.dma_semaphore, #tpu.memory_space<semaphore_mem>>)
      } else {
      }
      %dma_wait3A_155 = arith.constant 0 : i32
      %dma_wait3A_156 = tpu.memref_slice %arg8[%dma_wait3A_155] : memref<1024xi32, #tpu.memory_space<vmem>> -> memref<32xi32, #tpu.memory_space<vmem>>
      %dma_wait3A_157 = arith.constant 0 : i32
      %dma_wait3A_158 = arith.constant 0 : i32
      %dma_wait3A_159 = tpu.memref_slice %arg3[%dma_wait3A_157, %dma_wait3A_158] : memref<32768x512xf32, #tpu.memory_space<hbm>> -> memref<32768x512xf32, #tpu.memory_space<hbm>>
      tpu.wait_indirect_dma semaphore(%arg18 : memref<!tpu.dma_semaphore, #tpu.memory_space<semaphore_mem>>) src(%dma_wait3A_159 : memref<32768x512xf32, #tpu.memory_space<hbm>>) dst(%arg14 : memref<32x512xf32, #tpu.memory_space<vmem>>)
      %dma_wait3A_160 = arith.constant 0 : i32
      %dma_wait3A_161 = tpu.memref_slice %arg8[%dma_wait3A_160] : memref<1024xi32, #tpu.memory_space<vmem>> -> memref<32xi32, #tpu.memory_space<vmem>>
      %dma_wait3A_162 = arith.constant 0 : i32
      %dma_wait3A_163 = arith.constant 0 : i32
      %dma_wait3A_164 = tpu.memref_slice %arg4[%dma_wait3A_162, %dma_wait3A_163] : memref<32768x512xf32, #tpu.memory_space<hbm>> -> memref<32768x512xf32, #tpu.memory_space<hbm>>
      tpu.wait_indirect_dma semaphore(%arg18 : memref<!tpu.dma_semaphore, #tpu.memory_space<semaphore_mem>>) src(%dma_wait3A_164 : memref<32768x512xf32, #tpu.memory_space<hbm>>) dst(%arg15 : memref<32x512xf32, #tpu.memory_space<vmem>>)
      %dma_wait3A_165 = arith.constant 0 : i32
      %dma_wait3A_166 = tpu.memref_slice %arg8[%dma_wait3A_165] : memref<1024xi32, #tpu.memory_space<vmem>> -> memref<32xi32, #tpu.memory_space<vmem>>
      %dma_wait3A_167 = arith.constant 0 : i32
      %dma_wait3A_168 = arith.constant 0 : i32
      %dma_wait3A_169 = tpu.memref_slice %arg5[%dma_wait3A_167, %dma_wait3A_168] : memref<32768x512xf32, #tpu.memory_space<hbm>> -> memref<32768x512xf32, #tpu.memory_space<hbm>>
      tpu.wait_indirect_dma semaphore(%arg18 : memref<!tpu.dma_semaphore, #tpu.memory_space<semaphore_mem>>) src(%dma_wait3A_169 : memref<32768x512xf32, #tpu.memory_space<hbm>>) dst(%arg16 : memref<32x512xf32, #tpu.memory_space<vmem>>)
      %while3A_170 = arith.constant 0 : i32
      %while3A_171 = arith.constant 32 : i32
      %while3A_172 = arith.constant 0 : i32
      %while3A_173 = arith.subi %while3A_171, %while3A_170 : i32
      %while3A_174 = arith.addi %while3A_170, %while3A_173 : i32
      %while3A_175 = arith.constant 1 : i32
      %while3A_176 = arith.divsi %while3A_173, %while3A_175 : i32
      %while3A_177 = arith.muli %while3A_176, %while3A_175 : i32
      %while3A_178 = arith.addi %while3A_170, %while3A_177 : i32
      %while3A_179 = arith.constant 1 : i32
      %while3A_180 = scf.for %while3A_189 = %while3A_170 to %while3A_178 step %while3A_179 iter_args(%while3A_190 = %while3A_172) -> (i32)  : i32 {
        %get3A = arith.index_cast %while3A_189 : i32 to index
        %get3A_191 = arith.constant 0 : index
        %get3A_192 = tpu.vector_load %arg15[%get3A, %get3A_191] {strides = array<i32>} : memref<32x512xf32, #tpu.memory_space<vmem>>, vector<1x16xf32>,
        %get3A_193 = vector.shape_cast %get3A_192 : vector<1x16xf32> to vector<16xf32>
        %get3A_194 = arith.index_cast %while3A_189 : i32 to index
        %get3A_195 = arith.constant 0 : index
        %get3A_196 = tpu.vector_load %arg16[%get3A_194, %get3A_195] {strides = array<i32>} : memref<32x512xf32, #tpu.memory_space<vmem>>, vector<1x16xf32>,
        %get3A_197 = vector.shape_cast %get3A_196 : vector<1x16xf32> to vector<16xf32>
        %add3A_198 = arith.addf %get3A_193, %get3A_197 : vector<16xf32>
        %swap3A = arith.index_cast %while3A_189 : i32 to index
        %swap3A_199 = arith.constant 0 : index
        %swap3A_200 = tpu.vector_load %arg14[%swap3A, %swap3A_199] {strides = array<i32>} : memref<32x512xf32, #tpu.memory_space<vmem>>, vector<1x16xf32>,
        %swap3A_201 = vector.shape_cast %swap3A_200 : vector<1x16xf32> to vector<16xf32>
        %swap3A_202 = vector.shape_cast %add3A_198 : vector<16xf32> to vector<1x16xf32>
        tpu.vector_store %arg14[%swap3A, %swap3A_199], %swap3A_202 {add = true, strides = array<i32>} : memref<32x512xf32, #tpu.memory_space<vmem>>, vector<1x16xf32>,
        %get3A_203 = arith.index_cast %while3A_189 : i32 to index
        %get3A_204 = arith.constant 16 : index
        %get3A_205 = tpu.vector_load %arg15[%get3A_203, %get3A_204] {strides = array<i32>} : memref<32x512xf32, #tpu.memory_space<vmem>>, vector<1x16xf32>,
        %get3A_206 = vector.shape_cast %get3A_205 : vector<1x16xf32> to vector<16xf32>
        %get3A_207 = arith.index_cast %while3A_189 : i32 to index
        %get3A_208 = arith.constant 16 : index
        %get3A_209 = tpu.vector_load %arg16[%get3A_207, %get3A_208] {strides = array<i32>} : memref<32x512xf32, #tpu.memory_space<vmem>>, vector<1x16xf32>,
        %get3A_210 = vector.shape_cast %get3A_209 : vector<1x16xf32> to vector<16xf32>
        %add3A_211 = arith.addf %get3A_206, %get3A_210 : vector<16xf32>
        %swap3A_212 = arith.index_cast %while3A_189 : i32 to index
        %swap3A_213 = arith.constant 16 : index
        %swap3A_214 = tpu.vector_load %arg14[%swap3A_212, %swap3A_213] {strides = array<i32>} : memref<32x512xf32, #tpu.memory_space<vmem>>, vector<1x16xf32>,
        %swap3A_215 = vector.shape_cast %swap3A_214 : vector<1x16xf32> to vector<16xf32>
        %swap3A_216 = vector.shape_cast %add3A_211 : vector<16xf32> to vector<1x16xf32>
        tpu.vector_store %arg14[%swap3A_212, %swap3A_213], %swap3A_216 {add = true, strides = array<i32>} : memref<32x512xf32, #tpu.memory_space<vmem>>, vector<1x16xf32>,
        %get3A_217 = arith.index_cast %while3A_189 : i32 to index
        %get3A_218 = arith.constant 32 : index
        %get3A_219 = tpu.vector_load %arg15[%get3A_217, %get3A_218] {strides = array<i32>} : memref<32x512xf32, #tpu.memory_space<vmem>>, vector<1x16xf32>,
        %get3A_220 = vector.shape_cast %get3A_219 : vector<1x16xf32> to vector<16xf32>
        %get3A_221 = arith.index_cast %while3A_189 : i32 to index
        %get3A_222 = arith.constant 32 : index
        %get3A_223 = tpu.vector_load %arg16[%get3A_221, %get3A_222] {strides = array<i32>} : memref<32x512xf32, #tpu.memory_space<vmem>>, vector<1x16xf32>,
        %get3A_224 = vector.shape_cast %get3A_223 : vector<1x16xf32> to vector<16xf32>
        %add3A_225 = arith.addf %get3A_220, %get3A_224 : vector<16xf32>
        %swap3A_226 = arith.index_cast %while3A_189 : i32 to index
        %swap3A_227 = arith.constant 32 : index
        %swap3A_228 = tpu.vector_load %arg14[%swap3A_226, %swap3A_227] {strides = array<i32>} : memref<32x512xf32, #tpu.memory_space<vmem>>, vector<1x16xf32>,
        %swap3A_229 = vector.shape_cast %swap3A_228 : vector<1x16xf32> to vector<16xf32>
        %swap3A_230 = vector.shape_cast %add3A_225 : vector<16xf32> to vector<1x16xf32>
        tpu.vector_store %arg14[%swap3A_226, %swap3A_227], %swap3A_230 {add = true, strides = array<i32>} : memref<32x512xf32, #tpu.memory_space<vmem>>, vector<1x16xf32>,
        %get3A_231 = arith.index_cast %while3A_189 : i32 to index
        %get3A_232 = arith.constant 48 : index
        %get3A_233 = tpu.vector_load %arg15[%get3A_231, %get3A_232] {strides = array<i32>} : memref<32x512xf32, #tpu.memory_space<vmem>>, vector<1x16xf32>,
        %get3A_234 = vector.shape_cast %get3A_233 : vector<1x16xf32> to vector<16xf32>
        %get3A_235 = arith.index_cast %while3A_189 : i32 to index
        %get3A_236 = arith.constant 48 : index
        %get3A_237 = tpu.vector_load %arg16[%get3A_235, %get3A_236] {strides = array<i32>} : memref<32x512xf32, #tpu.memory_space<vmem>>, vector<1x16xf32>,
        %get3A_238 = vector.shape_cast %get3A_237 : vector<1x16xf32> to vector<16xf32>
        %add3A_239 = arith.addf %get3A_234, %get3A_238 : vector<16xf32>
        %swap3A_240 = arith.index_cast %while3A_189 : i32 to index
        %swap3A_241 = arith.constant 48 : index
        %swap3A_242 = tpu.vector_load %arg14[%swap3A_240, %swap3A_241] {strides = array<i32>} : memref<32x512xf32, #tpu.memory_space<vmem>>, vector<1x16xf32>,
        %swap3A_243 = vector.shape_cast %swap3A_242 : vector<1x16xf32> to vector<16xf32>
        %swap3A_244 = vector.shape_cast %add3A_239 : vector<16xf32> to vector<1x16xf32>
        tpu.vector_store %arg14[%swap3A_240, %swap3A_241], %swap3A_244 {add = true, strides = array<i32>} : memref<32x512xf32, #tpu.memory_space<vmem>>, vector<1x16xf32>,
        %get3A_245 = arith.index_cast %while3A_189 : i32 to index
        %get3A_246 = arith.constant 64 : index
        %get3A_247 = tpu.vector_load %arg15[%get3A_245, %get3A_246] {strides = array<i32>} : memref<32x512xf32, #tpu.memory_space<vmem>>, vector<1x16xf32>,
        %get3A_248 = vector.shape_cast %get3A_247 : vector<1x16xf32> to vector<16xf32>
        %get3A_249 = arith.index_cast %while3A_189 : i32 to index
        %get3A_250 = arith.constant 64 : index
        %get3A_251 = tpu.vector_load %arg16[%get3A_249, %get3A_250] {strides = array<i32>} : memref<32x512xf32, #tpu.memory_space<vmem>>, vector<1x16xf32>,
        %get3A_252 = vector.shape_cast %get3A_251 : vector<1x16xf32> to vector<16xf32>
        %add3A_253 = arith.addf %get3A_248, %get3A_252 : vector<16xf32>
        %swap3A_254 = arith.index_cast %while3A_189 : i32 to index
        %swap3A_255 = arith.constant 64 : index
        %swap3A_256 = tpu.vector_load %arg14[%swap3A_254, %swap3A_255] {strides = array<i32>} : memref<32x512xf32, #tpu.memory_space<vmem>>, vector<1x16xf32>,
        %swap3A_257 = vector.shape_cast %swap3A_256 : vector<1x16xf32> to vector<16xf32>
        %swap3A_258 = vector.shape_cast %add3A_253 : vector<16xf32> to vector<1x16xf32>
        tpu.vector_store %arg14[%swap3A_254, %swap3A_255], %swap3A_258 {add = true, strides = array<i32>} : memref<32x512xf32, #tpu.memory_space<vmem>>, vector<1x16xf32>,
        %get3A_259 = arith.index_cast %while3A_189 : i32 to index
        %get3A_260 = arith.constant 80 : index
        %get3A_261 = tpu.vector_load %arg15[%get3A_259, %get3A_260] {strides = array<i32>} : memref<32x512xf32, #tpu.memory_space<vmem>>, vector<1x16xf32>,
        %get3A_262 = vector.shape_cast %get3A_261 : vector<1x16xf32> to vector<16xf32>
        %get3A_263 = arith.index_cast %while3A_189 : i32 to index
        %get3A_264 = arith.constant 80 : index
        %get3A_265 = tpu.vector_load %arg16[%get3A_263, %get3A_264] {strides = array<i32>} : memref<32x512xf32, #tpu.memory_space<vmem>>, vector<1x16xf32>,
        %get3A_266 = vector.shape_cast %get3A_265 : vector<1x16xf32> to vector<16xf32>
        %add3A_267 = arith.addf %get3A_262, %get3A_266 : vector<16xf32>
        %swap3A_268 = arith.index_cast %while3A_189 : i32 to index
        %swap3A_269 = arith.constant 80 : index
        %swap3A_270 = tpu.vector_load %arg14[%swap3A_268, %swap3A_269] {strides = array<i32>} : memref<32x512xf32, #tpu.memory_space<vmem>>, vector<1x16xf32>,
        %swap3A_271 = vector.shape_cast %swap3A_270 : vector<1x16xf32> to vector<16xf32>
        %swap3A_272 = vector.shape_cast %add3A_267 : vector<16xf32> to vector<1x16xf32>
        tpu.vector_store %arg14[%swap3A_268, %swap3A_269], %swap3A_272 {add = true, strides = array<i32>} : memref<32x512xf32, #tpu.memory_space<vmem>>, vector<1x16xf32>,
        %get3A_273 = arith.index_cast %while3A_189 : i32 to index
        %get3A_274 = arith.constant 96 : index
        %get3A_275 = tpu.vector_load %arg15[%get3A_273, %get3A_274] {strides = array<i32>} : memref<32x512xf32, #tpu.memory_space<vmem>>, vector<1x16xf32>,
        %get3A_276 = vector.shape_cast %get3A_275 : vector<1x16xf32> to vector<16xf32>
        %get3A_277 = arith.index_cast %while3A_189 : i32 to index
        %get3A_278 = arith.constant 96 : index
        %get3A_279 = tpu.vector_load %arg16[%get3A_277, %get3A_278] {strides = array<i32>} : memref<32x512xf32, #tpu.memory_space<vmem>>, vector<1x16xf32>,
        %get3A_280 = vector.shape_cast %get3A_279 : vector<1x16xf32> to vector<16xf32>
        %add3A_281 = arith.addf %get3A_276, %get3A_280 : vector<16xf32>
        %swap3A_282 = arith.index_cast %while3A_189 : i32 to index
        %swap3A_283 = arith.constant 96 : index
        %swap3A_284 = tpu.vector_load %arg14[%swap3A_282, %swap3A_283] {strides = array<i32>} : memref<32x512xf32, #tpu.memory_space<vmem>>, vector<1x16xf32>,
        %swap3A_285 = vector.shape_cast %swap3A_284 : vector<1x16xf32> to vector<16xf32>
        %swap3A_286 = vector.shape_cast %add3A_281 : vector<16xf32> to vector<1x16xf32>
        tpu.vector_store %arg14[%swap3A_282, %swap3A_283], %swap3A_286 {add = true, strides = array<i32>} : memref<32x512xf32, #tpu.memory_space<vmem>>, vector<1x16xf32>,
        %get3A_287 = arith.index_cast %while3A_189 : i32 to index
        %get3A_288 = arith.constant 112 : index
        %get3A_289 = tpu.vector_load %arg15[%get3A_287, %get3A_288] {strides = array<i32>} : memref<32x512xf32, #tpu.memory_space<vmem>>, vector<1x16xf32>,
        %get3A_290 = vector.shape_cast %get3A_289 : vector<1x16xf32> to vector<16xf32>
        %get3A_291 = arith.index_cast %while3A_189 : i32 to index
        %get3A_292 = arith.constant 112 : index
        %get3A_293 = tpu.vector_load %arg16[%get3A_291, %get3A_292] {strides = array<i32>} : memref<32x512xf32, #tpu.memory_space<vmem>>, vector<1x16xf32>,
        %get3A_294 = vector.shape_cast %get3A_293 : vector<1x16xf32> to vector<16xf32>
        %add3A_295 = arith.addf %get3A_290, %get3A_294 : vector<16xf32>
        %swap3A_296 = arith.index_cast %while3A_189 : i32 to index
        %swap3A_297 = arith.constant 112 : index
        %swap3A_298 = tpu.vector_load %arg14[%swap3A_296, %swap3A_297] {strides = array<i32>} : memref<32x512xf32, #tpu.memory_space<vmem>>, vector<1x16xf32>,
        %swap3A_299 = vector.shape_cast %swap3A_298 : vector<1x16xf32> to vector<16xf32>
        %swap3A_300 = vector.shape_cast %add3A_295 : vector<16xf32> to vector<1x16xf32>
        tpu.vector_store %arg14[%swap3A_296, %swap3A_297], %swap3A_300 {add = true, strides = array<i32>} : memref<32x512xf32, #tpu.memory_space<vmem>>, vector<1x16xf32>,
        %get3A_301 = arith.index_cast %while3A_189 : i32 to index
        %get3A_302 = arith.constant 128 : index
        %get3A_303 = tpu.vector_load %arg15[%get3A_301, %get3A_302] {strides = array<i32>} : memref<32x512xf32, #tpu.memory_space<vmem>>, vector<1x16xf32>,
        %get3A_304 = vector.shape_cast %get3A_303 : vector<1x16xf32> to vector<16xf32>
        %get3A_305 = arith.index_cast %while3A_189 : i32 to index
        %get3A_306 = arith.constant 128 : index
        %get3A_307 = tpu.vector_load %arg16[%get3A_305, %get3A_306] {strides = array<i32>} : memref<32x512xf32, #tpu.memory_space<vmem>>, vector<1x16xf32>,
        %get3A_308 = vector.shape_cast %get3A_307 : vector<1x16xf32> to vector<16xf32>
        %add3A_309 = arith.addf %get3A_304, %get3A_308 : vector<16xf32>
        %swap3A_310 = arith.index_cast %while3A_189 : i32 to index
        %swap3A_311 = arith.constant 128 : index
        %swap3A_312 = tpu.vector_load %arg14[%swap3A_310, %swap3A_311] {strides = array<i32>} : memref<32x512xf32, #tpu.memory_space<vmem>>, vector<1x16xf32>,
        %swap3A_313 = vector.shape_cast %swap3A_312 : vector<1x16xf32> to vector<16xf32>
        %swap3A_314 = vector.shape_cast %add3A_309 : vector<16xf32> to vector<1x16xf32>
        tpu.vector_store %arg14[%swap3A_310, %swap3A_311], %swap3A_314 {add = true, strides = array<i32>} : memref<32x512xf32, #tpu.memory_space<vmem>>, vector<1x16xf32>,
        %get3A_315 = arith.index_cast %while3A_189 : i32 to index
        %get3A_316 = arith.constant 144 : index
        %get3A_317 = tpu.vector_load %arg15[%get3A_315, %get3A_316] {strides = array<i32>} : memref<32x512xf32, #tpu.memory_space<vmem>>, vector<1x16xf32>,
        %get3A_318 = vector.shape_cast %get3A_317 : vector<1x16xf32> to vector<16xf32>
        %get3A_319 = arith.index_cast %while3A_189 : i32 to index
        %get3A_320 = arith.constant 144 : index
        %get3A_321 = tpu.vector_load %arg16[%get3A_319, %get3A_320] {strides = array<i32>} : memref<32x512xf32, #tpu.memory_space<vmem>>, vector<1x16xf32>,
        %get3A_322 = vector.shape_cast %get3A_321 : vector<1x16xf32> to vector<16xf32>
        %add3A_323 = arith.addf %get3A_318, %get3A_322 : vector<16xf32>
        %swap3A_324 = arith.index_cast %while3A_189 : i32 to index
        %swap3A_325 = arith.constant 144 : index
        %swap3A_326 = tpu.vector_load %arg14[%swap3A_324, %swap3A_325] {strides = array<i32>} : memref<32x512xf32, #tpu.memory_space<vmem>>, vector<1x16xf32>,
        %swap3A_327 = vector.shape_cast %swap3A_326 : vector<1x16xf32> to vector<16xf32>
        %swap3A_328 = vector.shape_cast %add3A_323 : vector<16xf32> to vector<1x16xf32>
        tpu.vector_store %arg14[%swap3A_324, %swap3A_325], %swap3A_328 {add = true, strides = array<i32>} : memref<32x512xf32, #tpu.memory_space<vmem>>, vector<1x16xf32>,
        %get3A_329 = arith.index_cast %while3A_189 : i32 to index
        %get3A_330 = arith.constant 160 : index
        %get3A_331 = tpu.vector_load %arg15[%get3A_329, %get3A_330] {strides = array<i32>} : memref<32x512xf32, #tpu.memory_space<vmem>>, vector<1x16xf32>,
        %get3A_332 = vector.shape_cast %get3A_331 : vector<1x16xf32> to vector<16xf32>
        %get3A_333 = arith.index_cast %while3A_189 : i32 to index
        %get3A_334 = arith.constant 160 : index
        %get3A_335 = tpu.vector_load %arg16[%get3A_333, %get3A_334] {strides = array<i32>} : memref<32x512xf32, #tpu.memory_space<vmem>>, vector<1x16xf32>,
        %get3A_336 = vector.shape_cast %get3A_335 : vector<1x16xf32> to vector<16xf32>
        %add3A_337 = arith.addf %get3A_332, %get3A_336 : vector<16xf32>
        %swap3A_338 = arith.index_cast %while3A_189 : i32 to index
        %swap3A_339 = arith.constant 160 : index
        %swap3A_340 = tpu.vector_load %arg14[%swap3A_338, %swap3A_339] {strides = array<i32>} : memref<32x512xf32, #tpu.memory_space<vmem>>, vector<1x16xf32>,
        %swap3A_341 = vector.shape_cast %swap3A_340 : vector<1x16xf32> to vector<16xf32>
        %swap3A_342 = vector.shape_cast %add3A_337 : vector<16xf32> to vector<1x16xf32>
        tpu.vector_store %arg14[%swap3A_338, %swap3A_339], %swap3A_342 {add = true, strides = array<i32>} : memref<32x512xf32, #tpu.memory_space<vmem>>, vector<1x16xf32>,
        %get3A_343 = arith.index_cast %while3A_189 : i32 to index
        %get3A_344 = arith.constant 176 : index
        %get3A_345 = tpu.vector_load %arg15[%get3A_343, %get3A_344] {strides = array<i32>} : memref<32x512xf32, #tpu.memory_space<vmem>>, vector<1x16xf32>,
        %get3A_346 = vector.shape_cast %get3A_345 : vector<1x16xf32> to vector<16xf32>
        %get3A_347 = arith.index_cast %while3A_189 : i32 to index
        %get3A_348 = arith.constant 176 : index
        %get3A_349 = tpu.vector_load %arg16[%get3A_347, %get3A_348] {strides = array<i32>} : memref<32x512xf32, #tpu.memory_space<vmem>>, vector<1x16xf32>,
        %get3A_350 = vector.shape_cast %get3A_349 : vector<1x16xf32> to vector<16xf32>
        %add3A_351 = arith.addf %get3A_346, %get3A_350 : vector<16xf32>
        %swap3A_352 = arith.index_cast %while3A_189 : i32 to index
        %swap3A_353 = arith.constant 176 : index
        %swap3A_354 = tpu.vector_load %arg14[%swap3A_352, %swap3A_353] {strides = array<i32>} : memref<32x512xf32, #tpu.memory_space<vmem>>, vector<1x16xf32>,
        %swap3A_355 = vector.shape_cast %swap3A_354 : vector<1x16xf32> to vector<16xf32>
        %swap3A_356 = vector.shape_cast %add3A_351 : vector<16xf32> to vector<1x16xf32>
        tpu.vector_store %arg14[%swap3A_352, %swap3A_353], %swap3A_356 {add = true, strides = array<i32>} : memref<32x512xf32, #tpu.memory_space<vmem>>, vector<1x16xf32>,
        %get3A_357 = arith.index_cast %while3A_189 : i32 to index
        %get3A_358 = arith.constant 192 : index
        %get3A_359 = tpu.vector_load %arg15[%get3A_357, %get3A_358] {strides = array<i32>} : memref<32x512xf32, #tpu.memory_space<vmem>>, vector<1x16xf32>,
        %get3A_360 = vector.shape_cast %get3A_359 : vector<1x16xf32> to vector<16xf32>
        %get3A_361 = arith.index_cast %while3A_189 : i32 to index
        %get3A_362 = arith.constant 192 : index
        %get3A_363 = tpu.vector_load %arg16[%get3A_361, %get3A_362] {strides = array<i32>} : memref<32x512xf32, #tpu.memory_space<vmem>>, vector<1x16xf32>,
        %get3A_364 = vector.shape_cast %get3A_363 : vector<1x16xf32> to vector<16xf32>
        %add3A_365 = arith.addf %get3A_360, %get3A_364 : vector<16xf32>
        %swap3A_366 = arith.index_cast %while3A_189 : i32 to index
        %swap3A_367 = arith.constant 192 : index
        %swap3A_368 = tpu.vector_load %arg14[%swap3A_366, %swap3A_367] {strides = array<i32>} : memref<32x512xf32, #tpu.memory_space<vmem>>, vector<1x16xf32>,
        %swap3A_369 = vector.shape_cast %swap3A_368 : vector<1x16xf32> to vector<16xf32>
        %swap3A_370 = vector.shape_cast %add3A_365 : vector<16xf32> to vector<1x16xf32>
        tpu.vector_store %arg14[%swap3A_366, %swap3A_367], %swap3A_370 {add = true, strides = array<i32>} : memref<32x512xf32, #tpu.memory_space<vmem>>, vector<1x16xf32>,
        %get3A_371 = arith.index_cast %while3A_189 : i32 to index
        %get3A_372 = arith.constant 208 : index
        %get3A_373 = tpu.vector_load %arg15[%get3A_371, %get3A_372] {strides = array<i32>} : memref<32x512xf32, #tpu.memory_space<vmem>>, vector<1x16xf32>,
        %get3A_374 = vector.shape_cast %get3A_373 : vector<1x16xf32> to vector<16xf32>
        %get3A_375 = arith.index_cast %while3A_189 : i32 to index
        %get3A_376 = arith.constant 208 : index
        %get3A_377 = tpu.vector_load %arg16[%get3A_375, %get3A_376] {strides = array<i32>} : memref<32x512xf32, #tpu.memory_space<vmem>>, vector<1x16xf32>,
        %get3A_378 = vector.shape_cast %get3A_377 : vector<1x16xf32> to vector<16xf32>
        %add3A_379 = arith.addf %get3A_374, %get3A_378 : vector<16xf32>
        %swap3A_380 = arith.index_cast %while3A_189 : i32 to index
        %swap3A_381 = arith.constant 208 : index
        %swap3A_382 = tpu.vector_load %arg14[%swap3A_380, %swap3A_381] {strides = array<i32>} : memref<32x512xf32, #tpu.memory_space<vmem>>, vector<1x16xf32>,
        %swap3A_383 = vector.shape_cast %swap3A_382 : vector<1x16xf32> to vector<16xf32>
        %swap3A_384 = vector.shape_cast %add3A_379 : vector<16xf32> to vector<1x16xf32>
        tpu.vector_store %arg14[%swap3A_380, %swap3A_381], %swap3A_384 {add = true, strides = array<i32>} : memref<32x512xf32, #tpu.memory_space<vmem>>, vector<1x16xf32>,
        %get3A_385 = arith.index_cast %while3A_189 : i32 to index
        %get3A_386 = arith.constant 224 : index
        %get3A_387 = tpu.vector_load %arg15[%get3A_385, %get3A_386] {strides = array<i32>} : memref<32x512xf32, #tpu.memory_space<vmem>>, vector<1x16xf32>,
        %get3A_388 = vector.shape_cast %get3A_387 : vector<1x16xf32> to vector<16xf32>
        %get3A_389 = arith.index_cast %while3A_189 : i32 to index
        %get3A_390 = arith.constant 224 : index
        %get3A_391 = tpu.vector_load %arg16[%get3A_389, %get3A_390] {strides = array<i32>} : memref<32x512xf32, #tpu.memory_space<vmem>>, vector<1x16xf32>,
        %get3A_392 = vector.shape_cast %get3A_391 : vector<1x16xf32> to vector<16xf32>
        %add3A_393 = arith.addf %get3A_388, %get3A_392 : vector<16xf32>
        %swap3A_394 = arith.index_cast %while3A_189 : i32 to index
        %swap3A_395 = arith.constant 224 : index
        %swap3A_396 = tpu.vector_load %arg14[%swap3A_394, %swap3A_395] {strides = array<i32>} : memref<32x512xf32, #tpu.memory_space<vmem>>, vector<1x16xf32>,
        %swap3A_397 = vector.shape_cast %swap3A_396 : vector<1x16xf32> to vector<16xf32>
        %swap3A_398 = vector.shape_cast %add3A_393 : vector<16xf32> to vector<1x16xf32>
        tpu.vector_store %arg14[%swap3A_394, %swap3A_395], %swap3A_398 {add = true, strides = array<i32>} : memref<32x512xf32, #tpu.memory_space<vmem>>, vector<1x16xf32>,
        %get3A_399 = arith.index_cast %while3A_189 : i32 to index
        %get3A_400 = arith.constant 240 : index
        %get3A_401 = tpu.vector_load %arg15[%get3A_399, %get3A_400] {strides = array<i32>} : memref<32x512xf32, #tpu.memory_space<vmem>>, vector<1x16xf32>,
        %get3A_402 = vector.shape_cast %get3A_401 : vector<1x16xf32> to vector<16xf32>
        %get3A_403 = arith.index_cast %while3A_189 : i32 to index
        %get3A_404 = arith.constant 240 : index
        %get3A_405 = tpu.vector_load %arg16[%get3A_403, %get3A_404] {strides = array<i32>} : memref<32x512xf32, #tpu.memory_space<vmem>>, vector<1x16xf32>,
        %get3A_406 = vector.shape_cast %get3A_405 : vector<1x16xf32> to vector<16xf32>
        %add3A_407 = arith.addf %get3A_402, %get3A_406 : vector<16xf32>
        %swap3A_408 = arith.index_cast %while3A_189 : i32 to index
        %swap3A_409 = arith.constant 240 : index
        %swap3A_410 = tpu.vector_load %arg14[%swap3A_408, %swap3A_409] {strides = array<i32>} : memref<32x512xf32, #tpu.memory_space<vmem>>, vector<1x16xf32>,
        %swap3A_411 = vector.shape_cast %swap3A_410 : vector<1x16xf32> to vector<16xf32>
        %swap3A_412 = vector.shape_cast %add3A_407 : vector<16xf32> to vector<1x16xf32>
        tpu.vector_store %arg14[%swap3A_408, %swap3A_409], %swap3A_412 {add = true, strides = array<i32>} : memref<32x512xf32, #tpu.memory_space<vmem>>, vector<1x16xf32>,
        %get3A_413 = arith.index_cast %while3A_189 : i32 to index
        %get3A_414 = arith.constant 256 : index
        %get3A_415 = tpu.vector_load %arg15[%get3A_413, %get3A_414] {strides = array<i32>} : memref<32x512xf32, #tpu.memory_space<vmem>>, vector<1x16xf32>,
        %get3A_416 = vector.shape_cast %get3A_415 : vector<1x16xf32> to vector<16xf32>
        %get3A_417 = arith.index_cast %while3A_189 : i32 to index
        %get3A_418 = arith.constant 256 : index
        %get3A_419 = tpu.vector_load %arg16[%get3A_417, %get3A_418] {strides = array<i32>} : memref<32x512xf32, #tpu.memory_space<vmem>>, vector<1x16xf32>,
        %get3A_420 = vector.shape_cast %get3A_419 : vector<1x16xf32> to vector<16xf32>
        %add3A_421 = arith.addf %get3A_416, %get3A_420 : vector<16xf32>
        %swap3A_422 = arith.index_cast %while3A_189 : i32 to index
        %swap3A_423 = arith.constant 256 : index
        %swap3A_424 = tpu.vector_load %arg14[%swap3A_422, %swap3A_423] {strides = array<i32>} : memref<32x512xf32, #tpu.memory_space<vmem>>, vector<1x16xf32>,
        %swap3A_425 = vector.shape_cast %swap3A_424 : vector<1x16xf32> to vector<16xf32>
        %swap3A_426 = vector.shape_cast %add3A_421 : vector<16xf32> to vector<1x16xf32>
        tpu.vector_store %arg14[%swap3A_422, %swap3A_423], %swap3A_426 {add = true, strides = array<i32>} : memref<32x512xf32, #tpu.memory_space<vmem>>, vector<1x16xf32>,
        %get3A_427 = arith.index_cast %while3A_189 : i32 to index
        %get3A_428 = arith.constant 272 : index
        %get3A_429 = tpu.vector_load %arg15[%get3A_427, %get3A_428] {strides = array<i32>} : memref<32x512xf32, #tpu.memory_space<vmem>>, vector<1x16xf32>,
        %get3A_430 = vector.shape_cast %get3A_429 : vector<1x16xf32> to vector<16xf32>
        %get3A_431 = arith.index_cast %while3A_189 : i32 to index
        %get3A_432 = arith.constant 272 : index
        %get3A_433 = tpu.vector_load %arg16[%get3A_431, %get3A_432] {strides = array<i32>} : memref<32x512xf32, #tpu.memory_space<vmem>>, vector<1x16xf32>,
        %get3A_434 = vector.shape_cast %get3A_433 : vector<1x16xf32> to vector<16xf32>
        %add3A_435 = arith.addf %get3A_430, %get3A_434 : vector<16xf32>
        %swap3A_436 = arith.index_cast %while3A_189 : i32 to index
        %swap3A_437 = arith.constant 272 : index
        %swap3A_438 = tpu.vector_load %arg14[%swap3A_436, %swap3A_437] {strides = array<i32>} : memref<32x512xf32, #tpu.memory_space<vmem>>, vector<1x16xf32>,
        %swap3A_439 = vector.shape_cast %swap3A_438 : vector<1x16xf32> to vector<16xf32>
        %swap3A_440 = vector.shape_cast %add3A_435 : vector<16xf32> to vector<1x16xf32>
        tpu.vector_store %arg14[%swap3A_436, %swap3A_437], %swap3A_440 {add = true, strides = array<i32>} : memref<32x512xf32, #tpu.memory_space<vmem>>, vector<1x16xf32>,
        %get3A_441 = arith.index_cast %while3A_189 : i32 to index
        %get3A_442 = arith.constant 288 : index
        %get3A_443 = tpu.vector_load %arg15[%get3A_441, %get3A_442] {strides = array<i32>} : memref<32x512xf32, #tpu.memory_space<vmem>>, vector<1x16xf32>,
        %get3A_444 = vector.shape_cast %get3A_443 : vector<1x16xf32> to vector<16xf32>
        %get3A_445 = arith.index_cast %while3A_189 : i32 to index
        %get3A_446 = arith.constant 288 : index
        %get3A_447 = tpu.vector_load %arg16[%get3A_445, %get3A_446] {strides = array<i32>} : memref<32x512xf32, #tpu.memory_space<vmem>>, vector<1x16xf32>,
        %get3A_448 = vector.shape_cast %get3A_447 : vector<1x16xf32> to vector<16xf32>
        %add3A_449 = arith.addf %get3A_444, %get3A_448 : vector<16xf32>
        %swap3A_450 = arith.index_cast %while3A_189 : i32 to index
        %swap3A_451 = arith.constant 288 : index
        %swap3A_452 = tpu.vector_load %arg14[%swap3A_450, %swap3A_451] {strides = array<i32>} : memref<32x512xf32, #tpu.memory_space<vmem>>, vector<1x16xf32>,
        %swap3A_453 = vector.shape_cast %swap3A_452 : vector<1x16xf32> to vector<16xf32>
        %swap3A_454 = vector.shape_cast %add3A_449 : vector<16xf32> to vector<1x16xf32>
        tpu.vector_store %arg14[%swap3A_450, %swap3A_451], %swap3A_454 {add = true, strides = array<i32>} : memref<32x512xf32, #tpu.memory_space<vmem>>, vector<1x16xf32>,
        %get3A_455 = arith.index_cast %while3A_189 : i32 to index
        %get3A_456 = arith.constant 304 : index
        %get3A_457 = tpu.vector_load %arg15[%get3A_455, %get3A_456] {strides = array<i32>} : memref<32x512xf32, #tpu.memory_space<vmem>>, vector<1x16xf32>,
        %get3A_458 = vector.shape_cast %get3A_457 : vector<1x16xf32> to vector<16xf32>
        %get3A_459 = arith.index_cast %while3A_189 : i32 to index
        %get3A_460 = arith.constant 304 : index
        %get3A_461 = tpu.vector_load %arg16[%get3A_459, %get3A_460] {strides = array<i32>} : memref<32x512xf32, #tpu.memory_space<vmem>>, vector<1x16xf32>,
        %get3A_462 = vector.shape_cast %get3A_461 : vector<1x16xf32> to vector<16xf32>
        %add3A_463 = arith.addf %get3A_458, %get3A_462 : vector<16xf32>
        %swap3A_464 = arith.index_cast %while3A_189 : i32 to index
        %swap3A_465 = arith.constant 304 : index
        %swap3A_466 = tpu.vector_load %arg14[%swap3A_464, %swap3A_465] {strides = array<i32>} : memref<32x512xf32, #tpu.memory_space<vmem>>, vector<1x16xf32>,
        %swap3A_467 = vector.shape_cast %swap3A_466 : vector<1x16xf32> to vector<16xf32>
        %swap3A_468 = vector.shape_cast %add3A_463 : vector<16xf32> to vector<1x16xf32>
        tpu.vector_store %arg14[%swap3A_464, %swap3A_465], %swap3A_468 {add = true, strides = array<i32>} : memref<32x512xf32, #tpu.memory_space<vmem>>, vector<1x16xf32>,
        %get3A_469 = arith.index_cast %while3A_189 : i32 to index
        %get3A_470 = arith.constant 320 : index
        %get3A_471 = tpu.vector_load %arg15[%get3A_469, %get3A_470] {strides = array<i32>} : memref<32x512xf32, #tpu.memory_space<vmem>>, vector<1x16xf32>,
        %get3A_472 = vector.shape_cast %get3A_471 : vector<1x16xf32> to vector<16xf32>
        %get3A_473 = arith.index_cast %while3A_189 : i32 to index
        %get3A_474 = arith.constant 320 : index
        %get3A_475 = tpu.vector_load %arg16[%get3A_473, %get3A_474] {strides = array<i32>} : memref<32x512xf32, #tpu.memory_space<vmem>>, vector<1x16xf32>,
        %get3A_476 = vector.shape_cast %get3A_475 : vector<1x16xf32> to vector<16xf32>
        %add3A_477 = arith.addf %get3A_472, %get3A_476 : vector<16xf32>
        %swap3A_478 = arith.index_cast %while3A_189 : i32 to index
        %swap3A_479 = arith.constant 320 : index
        %swap3A_480 = tpu.vector_load %arg14[%swap3A_478, %swap3A_479] {strides = array<i32>} : memref<32x512xf32, #tpu.memory_space<vmem>>, vector<1x16xf32>,
        %swap3A_481 = vector.shape_cast %swap3A_480 : vector<1x16xf32> to vector<16xf32>
        %swap3A_482 = vector.shape_cast %add3A_477 : vector<16xf32> to vector<1x16xf32>
        tpu.vector_store %arg14[%swap3A_478, %swap3A_479], %swap3A_482 {add = true, strides = array<i32>} : memref<32x512xf32, #tpu.memory_space<vmem>>, vector<1x16xf32>,
        %get3A_483 = arith.index_cast %while3A_189 : i32 to index
        %get3A_484 = arith.constant 336 : index
        %get3A_485 = tpu.vector_load %arg15[%get3A_483, %get3A_484] {strides = array<i32>} : memref<32x512xf32, #tpu.memory_space<vmem>>, vector<1x16xf32>,
        %get3A_486 = vector.shape_cast %get3A_485 : vector<1x16xf32> to vector<16xf32>
        %get3A_487 = arith.index_cast %while3A_189 : i32 to index
        %get3A_488 = arith.constant 336 : index
        %get3A_489 = tpu.vector_load %arg16[%get3A_487, %get3A_488] {strides = array<i32>} : memref<32x512xf32, #tpu.memory_space<vmem>>, vector<1x16xf32>,
        %get3A_490 = vector.shape_cast %get3A_489 : vector<1x16xf32> to vector<16xf32>
        %add3A_491 = arith.addf %get3A_486, %get3A_490 : vector<16xf32>
        %swap3A_492 = arith.index_cast %while3A_189 : i32 to index
        %swap3A_493 = arith.constant 336 : index
        %swap3A_494 = tpu.vector_load %arg14[%swap3A_492, %swap3A_493] {strides = array<i32>} : memref<32x512xf32, #tpu.memory_space<vmem>>, vector<1x16xf32>,
        %swap3A_495 = vector.shape_cast %swap3A_494 : vector<1x16xf32> to vector<16xf32>
        %swap3A_496 = vector.shape_cast %add3A_491 : vector<16xf32> to vector<1x16xf32>
        tpu.vector_store %arg14[%swap3A_492, %swap3A_493], %swap3A_496 {add = true, strides = array<i32>} : memref<32x512xf32, #tpu.memory_space<vmem>>, vector<1x16xf32>,
        %get3A_497 = arith.index_cast %while3A_189 : i32 to index
        %get3A_498 = arith.constant 352 : index
        %get3A_499 = tpu.vector_load %arg15[%get3A_497, %get3A_498] {strides = array<i32>} : memref<32x512xf32, #tpu.memory_space<vmem>>, vector<1x16xf32>,
        %get3A_500 = vector.shape_cast %get3A_499 : vector<1x16xf32> to vector<16xf32>
        %get3A_501 = arith.index_cast %while3A_189 : i32 to index
        %get3A_502 = arith.constant 352 : index
        %get3A_503 = tpu.vector_load %arg16[%get3A_501, %get3A_502] {strides = array<i32>} : memref<32x512xf32, #tpu.memory_space<vmem>>, vector<1x16xf32>,
        %get3A_504 = vector.shape_cast %get3A_503 : vector<1x16xf32> to vector<16xf32>
        %add3A_505 = arith.addf %get3A_500, %get3A_504 : vector<16xf32>
        %swap3A_506 = arith.index_cast %while3A_189 : i32 to index
        %swap3A_507 = arith.constant 352 : index
        %swap3A_508 = tpu.vector_load %arg14[%swap3A_506, %swap3A_507] {strides = array<i32>} : memref<32x512xf32, #tpu.memory_space<vmem>>, vector<1x16xf32>,
        %swap3A_509 = vector.shape_cast %swap3A_508 : vector<1x16xf32> to vector<16xf32>
        %swap3A_510 = vector.shape_cast %add3A_505 : vector<16xf32> to vector<1x16xf32>
        tpu.vector_store %arg14[%swap3A_506, %swap3A_507], %swap3A_510 {add = true, strides = array<i32>} : memref<32x512xf32, #tpu.memory_space<vmem>>, vector<1x16xf32>,
        %get3A_511 = arith.index_cast %while3A_189 : i32 to index
        %get3A_512 = arith.constant 368 : index
        %get3A_513 = tpu.vector_load %arg15[%get3A_511, %get3A_512] {strides = array<i32>} : memref<32x512xf32, #tpu.memory_space<vmem>>, vector<1x16xf32>,
        %get3A_514 = vector.shape_cast %get3A_513 : vector<1x16xf32> to vector<16xf32>
        %get3A_515 = arith.index_cast %while3A_189 : i32 to index
        %get3A_516 = arith.constant 368 : index
        %get3A_517 = tpu.vector_load %arg16[%get3A_515, %get3A_516] {strides = array<i32>} : memref<32x512xf32, #tpu.memory_space<vmem>>, vector<1x16xf32>,
        %get3A_518 = vector.shape_cast %get3A_517 : vector<1x16xf32> to vector<16xf32>
        %add3A_519 = arith.addf %get3A_514, %get3A_518 : vector<16xf32>
        %swap3A_520 = arith.index_cast %while3A_189 : i32 to index
        %swap3A_521 = arith.constant 368 : index
        %swap3A_522 = tpu.vector_load %arg14[%swap3A_520, %swap3A_521] {strides = array<i32>} : memref<32x512xf32, #tpu.memory_space<vmem>>, vector<1x16xf32>,
        %swap3A_523 = vector.shape_cast %swap3A_522 : vector<1x16xf32> to vector<16xf32>
        %swap3A_524 = vector.shape_cast %add3A_519 : vector<16xf32> to vector<1x16xf32>
        tpu.vector_store %arg14[%swap3A_520, %swap3A_521], %swap3A_524 {add = true, strides = array<i32>} : memref<32x512xf32, #tpu.memory_space<vmem>>, vector<1x16xf32>,
        %get3A_525 = arith.index_cast %while3A_189 : i32 to index
        %get3A_526 = arith.constant 384 : index
        %get3A_527 = tpu.vector_load %arg15[%get3A_525, %get3A_526] {strides = array<i32>} : memref<32x512xf32, #tpu.memory_space<vmem>>, vector<1x16xf32>,
        %get3A_528 = vector.shape_cast %get3A_527 : vector<1x16xf32> to vector<16xf32>
        %get3A_529 = arith.index_cast %while3A_189 : i32 to index
        %get3A_530 = arith.constant 384 : index
        %get3A_531 = tpu.vector_load %arg16[%get3A_529, %get3A_530] {strides = array<i32>} : memref<32x512xf32, #tpu.memory_space<vmem>>, vector<1x16xf32>,
        %get3A_532 = vector.shape_cast %get3A_531 : vector<1x16xf32> to vector<16xf32>
        %add3A_533 = arith.addf %get3A_528, %get3A_532 : vector<16xf32>
        %swap3A_534 = arith.index_cast %while3A_189 : i32 to index
        %swap3A_535 = arith.constant 384 : index
        %swap3A_536 = tpu.vector_load %arg14[%swap3A_534, %swap3A_535] {strides = array<i32>} : memref<32x512xf32, #tpu.memory_space<vmem>>, vector<1x16xf32>,
        %swap3A_537 = vector.shape_cast %swap3A_536 : vector<1x16xf32> to vector<16xf32>
        %swap3A_538 = vector.shape_cast %add3A_533 : vector<16xf32> to vector<1x16xf32>
        tpu.vector_store %arg14[%swap3A_534, %swap3A_535], %swap3A_538 {add = true, strides = array<i32>} : memref<32x512xf32, #tpu.memory_space<vmem>>, vector<1x16xf32>,
        %get3A_539 = arith.index_cast %while3A_189 : i32 to index
        %get3A_540 = arith.constant 400 : index
        %get3A_541 = tpu.vector_load %arg15[%get3A_539, %get3A_540] {strides = array<i32>} : memref<32x512xf32, #tpu.memory_space<vmem>>, vector<1x16xf32>,
        %get3A_542 = vector.shape_cast %get3A_541 : vector<1x16xf32> to vector<16xf32>
        %get3A_543 = arith.index_cast %while3A_189 : i32 to index
        %get3A_544 = arith.constant 400 : index
        %get3A_545 = tpu.vector_load %arg16[%get3A_543, %get3A_544] {strides = array<i32>} : memref<32x512xf32, #tpu.memory_space<vmem>>, vector<1x16xf32>,
        %get3A_546 = vector.shape_cast %get3A_545 : vector<1x16xf32> to vector<16xf32>
        %add3A_547 = arith.addf %get3A_542, %get3A_546 : vector<16xf32>
        %swap3A_548 = arith.index_cast %while3A_189 : i32 to index
        %swap3A_549 = arith.constant 400 : index
        %swap3A_550 = tpu.vector_load %arg14[%swap3A_548, %swap3A_549] {strides = array<i32>} : memref<32x512xf32, #tpu.memory_space<vmem>>, vector<1x16xf32>,
        %swap3A_551 = vector.shape_cast %swap3A_550 : vector<1x16xf32> to vector<16xf32>
        %swap3A_552 = vector.shape_cast %add3A_547 : vector<16xf32> to vector<1x16xf32>
        tpu.vector_store %arg14[%swap3A_548, %swap3A_549], %swap3A_552 {add = true, strides = array<i32>} : memref<32x512xf32, #tpu.memory_space<vmem>>, vector<1x16xf32>,
        %get3A_553 = arith.index_cast %while3A_189 : i32 to index
        %get3A_554 = arith.constant 416 : index
        %get3A_555 = tpu.vector_load %arg15[%get3A_553, %get3A_554] {strides = array<i32>} : memref<32x512xf32, #tpu.memory_space<vmem>>, vector<1x16xf32>,
        %get3A_556 = vector.shape_cast %get3A_555 : vector<1x16xf32> to vector<16xf32>
        %get3A_557 = arith.index_cast %while3A_189 : i32 to index
        %get3A_558 = arith.constant 416 : index
        %get3A_559 = tpu.vector_load %arg16[%get3A_557, %get3A_558] {strides = array<i32>} : memref<32x512xf32, #tpu.memory_space<vmem>>, vector<1x16xf32>,
        %get3A_560 = vector.shape_cast %get3A_559 : vector<1x16xf32> to vector<16xf32>
        %add3A_561 = arith.addf %get3A_556, %get3A_560 : vector<16xf32>
        %swap3A_562 = arith.index_cast %while3A_189 : i32 to index
        %swap3A_563 = arith.constant 416 : index
        %swap3A_564 = tpu.vector_load %arg14[%swap3A_562, %swap3A_563] {strides = array<i32>} : memref<32x512xf32, #tpu.memory_space<vmem>>, vector<1x16xf32>,
        %swap3A_565 = vector.shape_cast %swap3A_564 : vector<1x16xf32> to vector<16xf32>
        %swap3A_566 = vector.shape_cast %add3A_561 : vector<16xf32> to vector<1x16xf32>
        tpu.vector_store %arg14[%swap3A_562, %swap3A_563], %swap3A_566 {add = true, strides = array<i32>} : memref<32x512xf32, #tpu.memory_space<vmem>>, vector<1x16xf32>,
        %get3A_567 = arith.index_cast %while3A_189 : i32 to index
        %get3A_568 = arith.constant 432 : index
        %get3A_569 = tpu.vector_load %arg15[%get3A_567, %get3A_568] {strides = array<i32>} : memref<32x512xf32, #tpu.memory_space<vmem>>, vector<1x16xf32>,
        %get3A_570 = vector.shape_cast %get3A_569 : vector<1x16xf32> to vector<16xf32>
        %get3A_571 = arith.index_cast %while3A_189 : i32 to index
        %get3A_572 = arith.constant 432 : index
        %get3A_573 = tpu.vector_load %arg16[%get3A_571, %get3A_572] {strides = array<i32>} : memref<32x512xf32, #tpu.memory_space<vmem>>, vector<1x16xf32>,
        %get3A_574 = vector.shape_cast %get3A_573 : vector<1x16xf32> to vector<16xf32>
        %add3A_575 = arith.addf %get3A_570, %get3A_574 : vector<16xf32>
        %swap3A_576 = arith.index_cast %while3A_189 : i32 to index
        %swap3A_577 = arith.constant 432 : index
        %swap3A_578 = tpu.vector_load %arg14[%swap3A_576, %swap3A_577] {strides = array<i32>} : memref<32x512xf32, #tpu.memory_space<vmem>>, vector<1x16xf32>,
        %swap3A_579 = vector.shape_cast %swap3A_578 : vector<1x16xf32> to vector<16xf32>
        %swap3A_580 = vector.shape_cast %add3A_575 : vector<16xf32> to vector<1x16xf32>
        tpu.vector_store %arg14[%swap3A_576, %swap3A_577], %swap3A_580 {add = true, strides = array<i32>} : memref<32x512xf32, #tpu.memory_space<vmem>>, vector<1x16xf32>,
        %get3A_581 = arith.index_cast %while3A_189 : i32 to index
        %get3A_582 = arith.constant 448 : index
        %get3A_583 = tpu.vector_load %arg15[%get3A_581, %get3A_582] {strides = array<i32>} : memref<32x512xf32, #tpu.memory_space<vmem>>, vector<1x16xf32>,
        %get3A_584 = vector.shape_cast %get3A_583 : vector<1x16xf32> to vector<16xf32>
        %get3A_585 = arith.index_cast %while3A_189 : i32 to index
        %get3A_586 = arith.constant 448 : index
        %get3A_587 = tpu.vector_load %arg16[%get3A_585, %get3A_586] {strides = array<i32>} : memref<32x512xf32, #tpu.memory_space<vmem>>, vector<1x16xf32>,
        %get3A_588 = vector.shape_cast %get3A_587 : vector<1x16xf32> to vector<16xf32>
        %add3A_589 = arith.addf %get3A_584, %get3A_588 : vector<16xf32>
        %swap3A_590 = arith.index_cast %while3A_189 : i32 to index
        %swap3A_591 = arith.constant 448 : index
        %swap3A_592 = tpu.vector_load %arg14[%swap3A_590, %swap3A_591] {strides = array<i32>} : memref<32x512xf32, #tpu.memory_space<vmem>>, vector<1x16xf32>,
        %swap3A_593 = vector.shape_cast %swap3A_592 : vector<1x16xf32> to vector<16xf32>
        %swap3A_594 = vector.shape_cast %add3A_589 : vector<16xf32> to vector<1x16xf32>
        tpu.vector_store %arg14[%swap3A_590, %swap3A_591], %swap3A_594 {add = true, strides = array<i32>} : memref<32x512xf32, #tpu.memory_space<vmem>>, vector<1x16xf32>,
        %get3A_595 = arith.index_cast %while3A_189 : i32 to index
        %get3A_596 = arith.constant 464 : index
        %get3A_597 = tpu.vector_load %arg15[%get3A_595, %get3A_596] {strides = array<i32>} : memref<32x512xf32, #tpu.memory_space<vmem>>, vector<1x16xf32>,
        %get3A_598 = vector.shape_cast %get3A_597 : vector<1x16xf32> to vector<16xf32>
        %get3A_599 = arith.index_cast %while3A_189 : i32 to index
        %get3A_600 = arith.constant 464 : index
        %get3A_601 = tpu.vector_load %arg16[%get3A_599, %get3A_600] {strides = array<i32>} : memref<32x512xf32, #tpu.memory_space<vmem>>, vector<1x16xf32>,
        %get3A_602 = vector.shape_cast %get3A_601 : vector<1x16xf32> to vector<16xf32>
        %add3A_603 = arith.addf %get3A_598, %get3A_602 : vector<16xf32>
        %swap3A_604 = arith.index_cast %while3A_189 : i32 to index
        %swap3A_605 = arith.constant 464 : index
        %swap3A_606 = tpu.vector_load %arg14[%swap3A_604, %swap3A_605] {strides = array<i32>} : memref<32x512xf32, #tpu.memory_space<vmem>>, vector<1x16xf32>,
        %swap3A_607 = vector.shape_cast %swap3A_606 : vector<1x16xf32> to vector<16xf32>
        %swap3A_608 = vector.shape_cast %add3A_603 : vector<16xf32> to vector<1x16xf32>
        tpu.vector_store %arg14[%swap3A_604, %swap3A_605], %swap3A_608 {add = true, strides = array<i32>} : memref<32x512xf32, #tpu.memory_space<vmem>>, vector<1x16xf32>,
        %get3A_609 = arith.index_cast %while3A_189 : i32 to index
        %get3A_610 = arith.constant 480 : index
        %get3A_611 = tpu.vector_load %arg15[%get3A_609, %get3A_610] {strides = array<i32>} : memref<32x512xf32, #tpu.memory_space<vmem>>, vector<1x16xf32>,
        %get3A_612 = vector.shape_cast %get3A_611 : vector<1x16xf32> to vector<16xf32>
        %get3A_613 = arith.index_cast %while3A_189 : i32 to index
        %get3A_614 = arith.constant 480 : index
        %get3A_615 = tpu.vector_load %arg16[%get3A_613, %get3A_614] {strides = array<i32>} : memref<32x512xf32, #tpu.memory_space<vmem>>, vector<1x16xf32>,
        %get3A_616 = vector.shape_cast %get3A_615 : vector<1x16xf32> to vector<16xf32>
        %add3A_617 = arith.addf %get3A_612, %get3A_616 : vector<16xf32>
        %swap3A_618 = arith.index_cast %while3A_189 : i32 to index
        %swap3A_619 = arith.constant 480 : index
        %swap3A_620 = tpu.vector_load %arg14[%swap3A_618, %swap3A_619] {strides = array<i32>} : memref<32x512xf32, #tpu.memory_space<vmem>>, vector<1x16xf32>,
        %swap3A_621 = vector.shape_cast %swap3A_620 : vector<1x16xf32> to vector<16xf32>
        %swap3A_622 = vector.shape_cast %add3A_617 : vector<16xf32> to vector<1x16xf32>
        tpu.vector_store %arg14[%swap3A_618, %swap3A_619], %swap3A_622 {add = true, strides = array<i32>} : memref<32x512xf32, #tpu.memory_space<vmem>>, vector<1x16xf32>,
        %get3A_623 = arith.index_cast %while3A_189 : i32 to index
        %get3A_624 = arith.constant 496 : index
        %get3A_625 = tpu.vector_load %arg15[%get3A_623, %get3A_624] {strides = array<i32>} : memref<32x512xf32, #tpu.memory_space<vmem>>, vector<1x16xf32>,
        %get3A_626 = vector.shape_cast %get3A_625 : vector<1x16xf32> to vector<16xf32>
        %get3A_627 = arith.index_cast %while3A_189 : i32 to index
        %get3A_628 = arith.constant 496 : index
        %get3A_629 = tpu.vector_load %arg16[%get3A_627, %get3A_628] {strides = array<i32>} : memref<32x512xf32, #tpu.memory_space<vmem>>, vector<1x16xf32>,
        %get3A_630 = vector.shape_cast %get3A_629 : vector<1x16xf32> to vector<16xf32>
        %add3A_631 = arith.addf %get3A_626, %get3A_630 : vector<16xf32>
        %swap3A_632 = arith.index_cast %while3A_189 : i32 to index
        %swap3A_633 = arith.constant 496 : index
        %swap3A_634 = tpu.vector_load %arg14[%swap3A_632, %swap3A_633] {strides = array<i32>} : memref<32x512xf32, #tpu.memory_space<vmem>>, vector<1x16xf32>,
        %swap3A_635 = vector.shape_cast %swap3A_634 : vector<1x16xf32> to vector<16xf32>
        %swap3A_636 = vector.shape_cast %add3A_631 : vector<16xf32> to vector<1x16xf32>
        tpu.vector_store %arg14[%swap3A_632, %swap3A_633], %swap3A_636 {add = true, strides = array<i32>} : memref<32x512xf32, #tpu.memory_space<vmem>>, vector<1x16xf32>,
        %while3A_637 = arith.constant 0 : i32
        scf.yield %while3A_637 : i32
      }
      %while3A_181 = arith.constant 1 : i32
      %while3A_182 = scf.for %while3A_189 = %while3A_178 to %while3A_174 step %while3A_181 iter_args(%while3A_190 = %while3A_180) -> (i32)  : i32 {
        %get3A = arith.index_cast %while3A_189 : i32 to index
        %get3A_191 = arith.constant 0 : index
        %get3A_192 = tpu.vector_load %arg15[%get3A, %get3A_191] {strides = array<i32>} : memref<32x512xf32, #tpu.memory_space<vmem>>, vector<1x16xf32>,
        %get3A_193 = vector.shape_cast %get3A_192 : vector<1x16xf32> to vector<16xf32>
        %get3A_194 = arith.index_cast %while3A_189 : i32 to index
        %get3A_195 = arith.constant 0 : index
        %get3A_196 = tpu.vector_load %arg16[%get3A_194, %get3A_195] {strides = array<i32>} : memref<32x512xf32, #tpu.memory_space<vmem>>, vector<1x16xf32>,
        %get3A_197 = vector.shape_cast %get3A_196 : vector<1x16xf32> to vector<16xf32>
        %add3A_198 = arith.addf %get3A_193, %get3A_197 : vector<16xf32>
        %swap3A = arith.index_cast %while3A_189 : i32 to index
        %swap3A_199 = arith.constant 0 : index
        %swap3A_200 = tpu.vector_load %arg14[%swap3A, %swap3A_199] {strides = array<i32>} : memref<32x512xf32, #tpu.memory_space<vmem>>, vector<1x16xf32>,
        %swap3A_201 = vector.shape_cast %swap3A_200 : vector<1x16xf32> to vector<16xf32>
        %swap3A_202 = vector.shape_cast %add3A_198 : vector<16xf32> to vector<1x16xf32>
        tpu.vector_store %arg14[%swap3A, %swap3A_199], %swap3A_202 {add = true, strides = array<i32>} : memref<32x512xf32, #tpu.memory_space<vmem>>, vector<1x16xf32>,
        %get3A_203 = arith.index_cast %while3A_189 : i32 to index
        %get3A_204 = arith.constant 16 : index
        %get3A_205 = tpu.vector_load %arg15[%get3A_203, %get3A_204] {strides = array<i32>} : memref<32x512xf32, #tpu.memory_space<vmem>>, vector<1x16xf32>,
        %get3A_206 = vector.shape_cast %get3A_205 : vector<1x16xf32> to vector<16xf32>
        %get3A_207 = arith.index_cast %while3A_189 : i32 to index
        %get3A_208 = arith.constant 16 : index
        %get3A_209 = tpu.vector_load %arg16[%get3A_207, %get3A_208] {strides = array<i32>} : memref<32x512xf32, #tpu.memory_space<vmem>>, vector<1x16xf32>,
        %get3A_210 = vector.shape_cast %get3A_209 : vector<1x16xf32> to vector<16xf32>
        %add3A_211 = arith.addf %get3A_206, %get3A_210 : vector<16xf32>
        %swap3A_212 = arith.index_cast %while3A_189 : i32 to index
        %swap3A_213 = arith.constant 16 : index
        %swap3A_214 = tpu.vector_load %arg14[%swap3A_212, %swap3A_213] {strides = array<i32>} : memref<32x512xf32, #tpu.memory_space<vmem>>, vector<1x16xf32>,
        %swap3A_215 = vector.shape_cast %swap3A_214 : vector<1x16xf32> to vector<16xf32>
        %swap3A_216 = vector.shape_cast %add3A_211 : vector<16xf32> to vector<1x16xf32>
        tpu.vector_store %arg14[%swap3A_212, %swap3A_213], %swap3A_216 {add = true, strides = array<i32>} : memref<32x512xf32, #tpu.memory_space<vmem>>, vector<1x16xf32>,
        %get3A_217 = arith.index_cast %while3A_189 : i32 to index
        %get3A_218 = arith.constant 32 : index
        %get3A_219 = tpu.vector_load %arg15[%get3A_217, %get3A_218] {strides = array<i32>} : memref<32x512xf32, #tpu.memory_space<vmem>>, vector<1x16xf32>,
        %get3A_220 = vector.shape_cast %get3A_219 : vector<1x16xf32> to vector<16xf32>
        %get3A_221 = arith.index_cast %while3A_189 : i32 to index
        %get3A_222 = arith.constant 32 : index
        %get3A_223 = tpu.vector_load %arg16[%get3A_221, %get3A_222] {strides = array<i32>} : memref<32x512xf32, #tpu.memory_space<vmem>>, vector<1x16xf32>,
        %get3A_224 = vector.shape_cast %get3A_223 : vector<1x16xf32> to vector<16xf32>
        %add3A_225 = arith.addf %get3A_220, %get3A_224 : vector<16xf32>
        %swap3A_226 = arith.index_cast %while3A_189 : i32 to index
        %swap3A_227 = arith.constant 32 : index
        %swap3A_228 = tpu.vector_load %arg14[%swap3A_226, %swap3A_227] {strides = array<i32>} : memref<32x512xf32, #tpu.memory_space<vmem>>, vector<1x16xf32>,
        %swap3A_229 = vector.shape_cast %swap3A_228 : vector<1x16xf32> to vector<16xf32>
        %swap3A_230 = vector.shape_cast %add3A_225 : vector<16xf32> to vector<1x16xf32>
        tpu.vector_store %arg14[%swap3A_226, %swap3A_227], %swap3A_230 {add = true, strides = array<i32>} : memref<32x512xf32, #tpu.memory_space<vmem>>, vector<1x16xf32>,
        %get3A_231 = arith.index_cast %while3A_189 : i32 to index
        %get3A_232 = arith.constant 48 : index
        %get3A_233 = tpu.vector_load %arg15[%get3A_231, %get3A_232] {strides = array<i32>} : memref<32x512xf32, #tpu.memory_space<vmem>>, vector<1x16xf32>,
        %get3A_234 = vector.shape_cast %get3A_233 : vector<1x16xf32> to vector<16xf32>
        %get3A_235 = arith.index_cast %while3A_189 : i32 to index
        %get3A_236 = arith.constant 48 : index
        %get3A_237 = tpu.vector_load %arg16[%get3A_235, %get3A_236] {strides = array<i32>} : memref<32x512xf32, #tpu.memory_space<vmem>>, vector<1x16xf32>,
        %get3A_238 = vector.shape_cast %get3A_237 : vector<1x16xf32> to vector<16xf32>
        %add3A_239 = arith.addf %get3A_234, %get3A_238 : vector<16xf32>
        %swap3A_240 = arith.index_cast %while3A_189 : i32 to index
        %swap3A_241 = arith.constant 48 : index
        %swap3A_242 = tpu.vector_load %arg14[%swap3A_240, %swap3A_241] {strides = array<i32>} : memref<32x512xf32, #tpu.memory_space<vmem>>, vector<1x16xf32>,
        %swap3A_243 = vector.shape_cast %swap3A_242 : vector<1x16xf32> to vector<16xf32>
        %swap3A_244 = vector.shape_cast %add3A_239 : vector<16xf32> to vector<1x16xf32>
        tpu.vector_store %arg14[%swap3A_240, %swap3A_241], %swap3A_244 {add = true, strides = array<i32>} : memref<32x512xf32, #tpu.memory_space<vmem>>, vector<1x16xf32>,
        %get3A_245 = arith.index_cast %while3A_189 : i32 to index
        %get3A_246 = arith.constant 64 : index
        %get3A_247 = tpu.vector_load %arg15[%get3A_245, %get3A_246] {strides = array<i32>} : memref<32x512xf32, #tpu.memory_space<vmem>>, vector<1x16xf32>,
        %get3A_248 = vector.shape_cast %get3A_247 : vector<1x16xf32> to vector<16xf32>
        %get3A_249 = arith.index_cast %while3A_189 : i32 to index
        %get3A_250 = arith.constant 64 : index
        %get3A_251 = tpu.vector_load %arg16[%get3A_249, %get3A_250] {strides = array<i32>} : memref<32x512xf32, #tpu.memory_space<vmem>>, vector<1x16xf32>,
        %get3A_252 = vector.shape_cast %get3A_251 : vector<1x16xf32> to vector<16xf32>
        %add3A_253 = arith.addf %get3A_248, %get3A_252 : vector<16xf32>
        %swap3A_254 = arith.index_cast %while3A_189 : i32 to index
        %swap3A_255 = arith.constant 64 : index
        %swap3A_256 = tpu.vector_load %arg14[%swap3A_254, %swap3A_255] {strides = array<i32>} : memref<32x512xf32, #tpu.memory_space<vmem>>, vector<1x16xf32>,
        %swap3A_257 = vector.shape_cast %swap3A_256 : vector<1x16xf32> to vector<16xf32>
        %swap3A_258 = vector.shape_cast %add3A_253 : vector<16xf32> to vector<1x16xf32>
        tpu.vector_store %arg14[%swap3A_254, %swap3A_255], %swap3A_258 {add = true, strides = array<i32>} : memref<32x512xf32, #tpu.memory_space<vmem>>, vector<1x16xf32>,
        %get3A_259 = arith.index_cast %while3A_189 : i32 to index
        %get3A_260 = arith.constant 80 : index
        %get3A_261 = tpu.vector_load %arg15[%get3A_259, %get3A_260] {strides = array<i32>} : memref<32x512xf32, #tpu.memory_space<vmem>>, vector<1x16xf32>,
        %get3A_262 = vector.shape_cast %get3A_261 : vector<1x16xf32> to vector<16xf32>
        %get3A_263 = arith.index_cast %while3A_189 : i32 to index
        %get3A_264 = arith.constant 80 : index
        %get3A_265 = tpu.vector_load %arg16[%get3A_263, %get3A_264] {strides = array<i32>} : memref<32x512xf32, #tpu.memory_space<vmem>>, vector<1x16xf32>,
        %get3A_266 = vector.shape_cast %get3A_265 : vector<1x16xf32> to vector<16xf32>
        %add3A_267 = arith.addf %get3A_262, %get3A_266 : vector<16xf32>
        %swap3A_268 = arith.index_cast %while3A_189 : i32 to index
        %swap3A_269 = arith.constant 80 : index
        %swap3A_270 = tpu.vector_load %arg14[%swap3A_268, %swap3A_269] {strides = array<i32>} : memref<32x512xf32, #tpu.memory_space<vmem>>, vector<1x16xf32>,
        %swap3A_271 = vector.shape_cast %swap3A_270 : vector<1x16xf32> to vector<16xf32>
        %swap3A_272 = vector.shape_cast %add3A_267 : vector<16xf32> to vector<1x16xf32>
        tpu.vector_store %arg14[%swap3A_268, %swap3A_269], %swap3A_272 {add = true, strides = array<i32>} : memref<32x512xf32, #tpu.memory_space<vmem>>, vector<1x16xf32>,
        %get3A_273 = arith.index_cast %while3A_189 : i32 to index
        %get3A_274 = arith.constant 96 : index
        %get3A_275 = tpu.vector_load %arg15[%get3A_273, %get3A_274] {strides = array<i32>} : memref<32x512xf32, #tpu.memory_space<vmem>>, vector<1x16xf32>,
        %get3A_276 = vector.shape_cast %get3A_275 : vector<1x16xf32> to vector<16xf32>
        %get3A_277 = arith.index_cast %while3A_189 : i32 to index
        %get3A_278 = arith.constant 96 : index
        %get3A_279 = tpu.vector_load %arg16[%get3A_277, %get3A_278] {strides = array<i32>} : memref<32x512xf32, #tpu.memory_space<vmem>>, vector<1x16xf32>,
        %get3A_280 = vector.shape_cast %get3A_279 : vector<1x16xf32> to vector<16xf32>
        %add3A_281 = arith.addf %get3A_276, %get3A_280 : vector<16xf32>
        %swap3A_282 = arith.index_cast %while3A_189 : i32 to index
        %swap3A_283 = arith.constant 96 : index
        %swap3A_284 = tpu.vector_load %arg14[%swap3A_282, %swap3A_283] {strides = array<i32>} : memref<32x512xf32, #tpu.memory_space<vmem>>, vector<1x16xf32>,
        %swap3A_285 = vector.shape_cast %swap3A_284 : vector<1x16xf32> to vector<16xf32>
        %swap3A_286 = vector.shape_cast %add3A_281 : vector<16xf32> to vector<1x16xf32>
        tpu.vector_store %arg14[%swap3A_282, %swap3A_283], %swap3A_286 {add = true, strides = array<i32>} : memref<32x512xf32, #tpu.memory_space<vmem>>, vector<1x16xf32>,
        %get3A_287 = arith.index_cast %while3A_189 : i32 to index
        %get3A_288 = arith.constant 112 : index
        %get3A_289 = tpu.vector_load %arg15[%get3A_287, %get3A_288] {strides = array<i32>} : memref<32x512xf32, #tpu.memory_space<vmem>>, vector<1x16xf32>,
        %get3A_290 = vector.shape_cast %get3A_289 : vector<1x16xf32> to vector<16xf32>
        %get3A_291 = arith.index_cast %while3A_189 : i32 to index
        %get3A_292 = arith.constant 112 : index
        %get3A_293 = tpu.vector_load %arg16[%get3A_291, %get3A_292] {strides = array<i32>} : memref<32x512xf32, #tpu.memory_space<vmem>>, vector<1x16xf32>,
        %get3A_294 = vector.shape_cast %get3A_293 : vector<1x16xf32> to vector<16xf32>
        %add3A_295 = arith.addf %get3A_290, %get3A_294 : vector<16xf32>
        %swap3A_296 = arith.index_cast %while3A_189 : i32 to index
        %swap3A_297 = arith.constant 112 : index
        %swap3A_298 = tpu.vector_load %arg14[%swap3A_296, %swap3A_297] {strides = array<i32>} : memref<32x512xf32, #tpu.memory_space<vmem>>, vector<1x16xf32>,
        %swap3A_299 = vector.shape_cast %swap3A_298 : vector<1x16xf32> to vector<16xf32>
        %swap3A_300 = vector.shape_cast %add3A_295 : vector<16xf32> to vector<1x16xf32>
        tpu.vector_store %arg14[%swap3A_296, %swap3A_297], %swap3A_300 {add = true, strides = array<i32>} : memref<32x512xf32, #tpu.memory_space<vmem>>, vector<1x16xf32>,
        %get3A_301 = arith.index_cast %while3A_189 : i32 to index
        %get3A_302 = arith.constant 128 : index
        %get3A_303 = tpu.vector_load %arg15[%get3A_301, %get3A_302] {strides = array<i32>} : memref<32x512xf32, #tpu.memory_space<vmem>>, vector<1x16xf32>,
        %get3A_304 = vector.shape_cast %get3A_303 : vector<1x16xf32> to vector<16xf32>
        %get3A_305 = arith.index_cast %while3A_189 : i32 to index
        %get3A_306 = arith.constant 128 : index
        %get3A_307 = tpu.vector_load %arg16[%get3A_305, %get3A_306] {strides = array<i32>} : memref<32x512xf32, #tpu.memory_space<vmem>>, vector<1x16xf32>,
        %get3A_308 = vector.shape_cast %get3A_307 : vector<1x16xf32> to vector<16xf32>
        %add3A_309 = arith.addf %get3A_304, %get3A_308 : vector<16xf32>
        %swap3A_310 = arith.index_cast %while3A_189 : i32 to index
        %swap3A_311 = arith.constant 128 : index
        %swap3A_312 = tpu.vector_load %arg14[%swap3A_310, %swap3A_311] {strides = array<i32>} : memref<32x512xf32, #tpu.memory_space<vmem>>, vector<1x16xf32>,
        %swap3A_313 = vector.shape_cast %swap3A_312 : vector<1x16xf32> to vector<16xf32>
        %swap3A_314 = vector.shape_cast %add3A_309 : vector<16xf32> to vector<1x16xf32>
        tpu.vector_store %arg14[%swap3A_310, %swap3A_311], %swap3A_314 {add = true, strides = array<i32>} : memref<32x512xf32, #tpu.memory_space<vmem>>, vector<1x16xf32>,
        %get3A_315 = arith.index_cast %while3A_189 : i32 to index
        %get3A_316 = arith.constant 144 : index
        %get3A_317 = tpu.vector_load %arg15[%get3A_315, %get3A_316] {strides = array<i32>} : memref<32x512xf32, #tpu.memory_space<vmem>>, vector<1x16xf32>,
        %get3A_318 = vector.shape_cast %get3A_317 : vector<1x16xf32> to vector<16xf32>
        %get3A_319 = arith.index_cast %while3A_189 : i32 to index
        %get3A_320 = arith.constant 144 : index
        %get3A_321 = tpu.vector_load %arg16[%get3A_319, %get3A_320] {strides = array<i32>} : memref<32x512xf32, #tpu.memory_space<vmem>>, vector<1x16xf32>,
        %get3A_322 = vector.shape_cast %get3A_321 : vector<1x16xf32> to vector<16xf32>
        %add3A_323 = arith.addf %get3A_318, %get3A_322 : vector<16xf32>
        %swap3A_324 = arith.index_cast %while3A_189 : i32 to index
        %swap3A_325 = arith.constant 144 : index
        %swap3A_326 = tpu.vector_load %arg14[%swap3A_324, %swap3A_325] {strides = array<i32>} : memref<32x512xf32, #tpu.memory_space<vmem>>, vector<1x16xf32>,
        %swap3A_327 = vector.shape_cast %swap3A_326 : vector<1x16xf32> to vector<16xf32>
        %swap3A_328 = vector.shape_cast %add3A_323 : vector<16xf32> to vector<1x16xf32>
        tpu.vector_store %arg14[%swap3A_324, %swap3A_325], %swap3A_328 {add = true, strides = array<i32>} : memref<32x512xf32, #tpu.memory_space<vmem>>, vector<1x16xf32>,
        %get3A_329 = arith.index_cast %while3A_189 : i32 to index
        %get3A_330 = arith.constant 160 : index
        %get3A_331 = tpu.vector_load %arg15[%get3A_329, %get3A_330] {strides = array<i32>} : memref<32x512xf32, #tpu.memory_space<vmem>>, vector<1x16xf32>,
        %get3A_332 = vector.shape_cast %get3A_331 : vector<1x16xf32> to vector<16xf32>
        %get3A_333 = arith.index_cast %while3A_189 : i32 to index
        %get3A_334 = arith.constant 160 : index
        %get3A_335 = tpu.vector_load %arg16[%get3A_333, %get3A_334] {strides = array<i32>} : memref<32x512xf32, #tpu.memory_space<vmem>>, vector<1x16xf32>,
        %get3A_336 = vector.shape_cast %get3A_335 : vector<1x16xf32> to vector<16xf32>
        %add3A_337 = arith.addf %get3A_332, %get3A_336 : vector<16xf32>
        %swap3A_338 = arith.index_cast %while3A_189 : i32 to index
        %swap3A_339 = arith.constant 160 : index
        %swap3A_340 = tpu.vector_load %arg14[%swap3A_338, %swap3A_339] {strides = array<i32>} : memref<32x512xf32, #tpu.memory_space<vmem>>, vector<1x16xf32>,
        %swap3A_341 = vector.shape_cast %swap3A_340 : vector<1x16xf32> to vector<16xf32>
        %swap3A_342 = vector.shape_cast %add3A_337 : vector<16xf32> to vector<1x16xf32>
        tpu.vector_store %arg14[%swap3A_338, %swap3A_339], %swap3A_342 {add = true, strides = array<i32>} : memref<32x512xf32, #tpu.memory_space<vmem>>, vector<1x16xf32>,
        %get3A_343 = arith.index_cast %while3A_189 : i32 to index
        %get3A_344 = arith.constant 176 : index
        %get3A_345 = tpu.vector_load %arg15[%get3A_343, %get3A_344] {strides = array<i32>} : memref<32x512xf32, #tpu.memory_space<vmem>>, vector<1x16xf32>,
        %get3A_346 = vector.shape_cast %get3A_345 : vector<1x16xf32> to vector<16xf32>
        %get3A_347 = arith.index_cast %while3A_189 : i32 to index
        %get3A_348 = arith.constant 176 : index
        %get3A_349 = tpu.vector_load %arg16[%get3A_347, %get3A_348] {strides = array<i32>} : memref<32x512xf32, #tpu.memory_space<vmem>>, vector<1x16xf32>,
        %get3A_350 = vector.shape_cast %get3A_349 : vector<1x16xf32> to vector<16xf32>
        %add3A_351 = arith.addf %get3A_346, %get3A_350 : vector<16xf32>
        %swap3A_352 = arith.index_cast %while3A_189 : i32 to index
        %swap3A_353 = arith.constant 176 : index
        %swap3A_354 = tpu.vector_load %arg14[%swap3A_352, %swap3A_353] {strides = array<i32>} : memref<32x512xf32, #tpu.memory_space<vmem>>, vector<1x16xf32>,
        %swap3A_355 = vector.shape_cast %swap3A_354 : vector<1x16xf32> to vector<16xf32>
        %swap3A_356 = vector.shape_cast %add3A_351 : vector<16xf32> to vector<1x16xf32>
        tpu.vector_store %arg14[%swap3A_352, %swap3A_353], %swap3A_356 {add = true, strides = array<i32>} : memref<32x512xf32, #tpu.memory_space<vmem>>, vector<1x16xf32>,
        %get3A_357 = arith.index_cast %while3A_189 : i32 to index
        %get3A_358 = arith.constant 192 : index
        %get3A_359 = tpu.vector_load %arg15[%get3A_357, %get3A_358] {strides = array<i32>} : memref<32x512xf32, #tpu.memory_space<vmem>>, vector<1x16xf32>,
        %get3A_360 = vector.shape_cast %get3A_359 : vector<1x16xf32> to vector<16xf32>
        %get3A_361 = arith.index_cast %while3A_189 : i32 to index
        %get3A_362 = arith.constant 192 : index
        %get3A_363 = tpu.vector_load %arg16[%get3A_361, %get3A_362] {strides = array<i32>} : memref<32x512xf32, #tpu.memory_space<vmem>>, vector<1x16xf32>,
        %get3A_364 = vector.shape_cast %get3A_363 : vector<1x16xf32> to vector<16xf32>
        %add3A_365 = arith.addf %get3A_360, %get3A_364 : vector<16xf32>
        %swap3A_366 = arith.index_cast %while3A_189 : i32 to index
        %swap3A_367 = arith.constant 192 : index
        %swap3A_368 = tpu.vector_load %arg14[%swap3A_366, %swap3A_367] {strides = array<i32>} : memref<32x512xf32, #tpu.memory_space<vmem>>, vector<1x16xf32>,
        %swap3A_369 = vector.shape_cast %swap3A_368 : vector<1x16xf32> to vector<16xf32>
        %swap3A_370 = vector.shape_cast %add3A_365 : vector<16xf32> to vector<1x16xf32>
        tpu.vector_store %arg14[%swap3A_366, %swap3A_367], %swap3A_370 {add = true, strides = array<i32>} : memref<32x512xf32, #tpu.memory_space<vmem>>, vector<1x16xf32>,
        %get3A_371 = arith.index_cast %while3A_189 : i32 to index
        %get3A_372 = arith.constant 208 : index
        %get3A_373 = tpu.vector_load %arg15[%get3A_371, %get3A_372] {strides = array<i32>} : memref<32x512xf32, #tpu.memory_space<vmem>>, vector<1x16xf32>,
        %get3A_374 = vector.shape_cast %get3A_373 : vector<1x16xf32> to vector<16xf32>
        %get3A_375 = arith.index_cast %while3A_189 : i32 to index
        %get3A_376 = arith.constant 208 : index
        %get3A_377 = tpu.vector_load %arg16[%get3A_375, %get3A_376] {strides = array<i32>} : memref<32x512xf32, #tpu.memory_space<vmem>>, vector<1x16xf32>,
        %get3A_378 = vector.shape_cast %get3A_377 : vector<1x16xf32> to vector<16xf32>
        %add3A_379 = arith.addf %get3A_374, %get3A_378 : vector<16xf32>
        %swap3A_380 = arith.index_cast %while3A_189 : i32 to index
        %swap3A_381 = arith.constant 208 : index
        %swap3A_382 = tpu.vector_load %arg14[%swap3A_380, %swap3A_381] {strides = array<i32>} : memref<32x512xf32, #tpu.memory_space<vmem>>, vector<1x16xf32>,
        %swap3A_383 = vector.shape_cast %swap3A_382 : vector<1x16xf32> to vector<16xf32>
        %swap3A_384 = vector.shape_cast %add3A_379 : vector<16xf32> to vector<1x16xf32>
        tpu.vector_store %arg14[%swap3A_380, %swap3A_381], %swap3A_384 {add = true, strides = array<i32>} : memref<32x512xf32, #tpu.memory_space<vmem>>, vector<1x16xf32>,
        %get3A_385 = arith.index_cast %while3A_189 : i32 to index
        %get3A_386 = arith.constant 224 : index
        %get3A_387 = tpu.vector_load %arg15[%get3A_385, %get3A_386] {strides = array<i32>} : memref<32x512xf32, #tpu.memory_space<vmem>>, vector<1x16xf32>,
        %get3A_388 = vector.shape_cast %get3A_387 : vector<1x16xf32> to vector<16xf32>
        %get3A_389 = arith.index_cast %while3A_189 : i32 to index
        %get3A_390 = arith.constant 224 : index
        %get3A_391 = tpu.vector_load %arg16[%get3A_389, %get3A_390] {strides = array<i32>} : memref<32x512xf32, #tpu.memory_space<vmem>>, vector<1x16xf32>,
        %get3A_392 = vector.shape_cast %get3A_391 : vector<1x16xf32> to vector<16xf32>
        %add3A_393 = arith.addf %get3A_388, %get3A_392 : vector<16xf32>
        %swap3A_394 = arith.index_cast %while3A_189 : i32 to index
        %swap3A_395 = arith.constant 224 : index
        %swap3A_396 = tpu.vector_load %arg14[%swap3A_394, %swap3A_395] {strides = array<i32>} : memref<32x512xf32, #tpu.memory_space<vmem>>, vector<1x16xf32>,
        %swap3A_397 = vector.shape_cast %swap3A_396 : vector<1x16xf32> to vector<16xf32>
        %swap3A_398 = vector.shape_cast %add3A_393 : vector<16xf32> to vector<1x16xf32>
        tpu.vector_store %arg14[%swap3A_394, %swap3A_395], %swap3A_398 {add = true, strides = array<i32>} : memref<32x512xf32, #tpu.memory_space<vmem>>, vector<1x16xf32>,
        %get3A_399 = arith.index_cast %while3A_189 : i32 to index
        %get3A_400 = arith.constant 240 : index
        %get3A_401 = tpu.vector_load %arg15[%get3A_399, %get3A_400] {strides = array<i32>} : memref<32x512xf32, #tpu.memory_space<vmem>>, vector<1x16xf32>,
        %get3A_402 = vector.shape_cast %get3A_401 : vector<1x16xf32> to vector<16xf32>
        %get3A_403 = arith.index_cast %while3A_189 : i32 to index
        %get3A_404 = arith.constant 240 : index
        %get3A_405 = tpu.vector_load %arg16[%get3A_403, %get3A_404] {strides = array<i32>} : memref<32x512xf32, #tpu.memory_space<vmem>>, vector<1x16xf32>,
        %get3A_406 = vector.shape_cast %get3A_405 : vector<1x16xf32> to vector<16xf32>
        %add3A_407 = arith.addf %get3A_402, %get3A_406 : vector<16xf32>
        %swap3A_408 = arith.index_cast %while3A_189 : i32 to index
        %swap3A_409 = arith.constant 240 : index
        %swap3A_410 = tpu.vector_load %arg14[%swap3A_408, %swap3A_409] {strides = array<i32>} : memref<32x512xf32, #tpu.memory_space<vmem>>, vector<1x16xf32>,
        %swap3A_411 = vector.shape_cast %swap3A_410 : vector<1x16xf32> to vector<16xf32>
        %swap3A_412 = vector.shape_cast %add3A_407 : vector<16xf32> to vector<1x16xf32>
        tpu.vector_store %arg14[%swap3A_408, %swap3A_409], %swap3A_412 {add = true, strides = array<i32>} : memref<32x512xf32, #tpu.memory_space<vmem>>, vector<1x16xf32>,
        %get3A_413 = arith.index_cast %while3A_189 : i32 to index
        %get3A_414 = arith.constant 256 : index
        %get3A_415 = tpu.vector_load %arg15[%get3A_413, %get3A_414] {strides = array<i32>} : memref<32x512xf32, #tpu.memory_space<vmem>>, vector<1x16xf32>,
        %get3A_416 = vector.shape_cast %get3A_415 : vector<1x16xf32> to vector<16xf32>
        %get3A_417 = arith.index_cast %while3A_189 : i32 to index
        %get3A_418 = arith.constant 256 : index
        %get3A_419 = tpu.vector_load %arg16[%get3A_417, %get3A_418] {strides = array<i32>} : memref<32x512xf32, #tpu.memory_space<vmem>>, vector<1x16xf32>,
        %get3A_420 = vector.shape_cast %get3A_419 : vector<1x16xf32> to vector<16xf32>
        %add3A_421 = arith.addf %get3A_416, %get3A_420 : vector<16xf32>
        %swap3A_422 = arith.index_cast %while3A_189 : i32 to index
        %swap3A_423 = arith.constant 256 : index
        %swap3A_424 = tpu.vector_load %arg14[%swap3A_422, %swap3A_423] {strides = array<i32>} : memref<32x512xf32, #tpu.memory_space<vmem>>, vector<1x16xf32>,
        %swap3A_425 = vector.shape_cast %swap3A_424 : vector<1x16xf32> to vector<16xf32>
        %swap3A_426 = vector.shape_cast %add3A_421 : vector<16xf32> to vector<1x16xf32>
        tpu.vector_store %arg14[%swap3A_422, %swap3A_423], %swap3A_426 {add = true, strides = array<i32>} : memref<32x512xf32, #tpu.memory_space<vmem>>, vector<1x16xf32>,
        %get3A_427 = arith.index_cast %while3A_189 : i32 to index
        %get3A_428 = arith.constant 272 : index
        %get3A_429 = tpu.vector_load %arg15[%get3A_427, %get3A_428] {strides = array<i32>} : memref<32x512xf32, #tpu.memory_space<vmem>>, vector<1x16xf32>,
        %get3A_430 = vector.shape_cast %get3A_429 : vector<1x16xf32> to vector<16xf32>
        %get3A_431 = arith.index_cast %while3A_189 : i32 to index
        %get3A_432 = arith.constant 272 : index
        %get3A_433 = tpu.vector_load %arg16[%get3A_431, %get3A_432] {strides = array<i32>} : memref<32x512xf32, #tpu.memory_space<vmem>>, vector<1x16xf32>,
        %get3A_434 = vector.shape_cast %get3A_433 : vector<1x16xf32> to vector<16xf32>
        %add3A_435 = arith.addf %get3A_430, %get3A_434 : vector<16xf32>
        %swap3A_436 = arith.index_cast %while3A_189 : i32 to index
        %swap3A_437 = arith.constant 272 : index
        %swap3A_438 = tpu.vector_load %arg14[%swap3A_436, %swap3A_437] {strides = array<i32>} : memref<32x512xf32, #tpu.memory_space<vmem>>, vector<1x16xf32>,
        %swap3A_439 = vector.shape_cast %swap3A_438 : vector<1x16xf32> to vector<16xf32>
        %swap3A_440 = vector.shape_cast %add3A_435 : vector<16xf32> to vector<1x16xf32>
        tpu.vector_store %arg14[%swap3A_436, %swap3A_437], %swap3A_440 {add = true, strides = array<i32>} : memref<32x512xf32, #tpu.memory_space<vmem>>, vector<1x16xf32>,
        %get3A_441 = arith.index_cast %while3A_189 : i32 to index
        %get3A_442 = arith.constant 288 : index
        %get3A_443 = tpu.vector_load %arg15[%get3A_441, %get3A_442] {strides = array<i32>} : memref<32x512xf32, #tpu.memory_space<vmem>>, vector<1x16xf32>,
        %get3A_444 = vector.shape_cast %get3A_443 : vector<1x16xf32> to vector<16xf32>
        %get3A_445 = arith.index_cast %while3A_189 : i32 to index
        %get3A_446 = arith.constant 288 : index
        %get3A_447 = tpu.vector_load %arg16[%get3A_445, %get3A_446] {strides = array<i32>} : memref<32x512xf32, #tpu.memory_space<vmem>>, vector<1x16xf32>,
        %get3A_448 = vector.shape_cast %get3A_447 : vector<1x16xf32> to vector<16xf32>
        %add3A_449 = arith.addf %get3A_444, %get3A_448 : vector<16xf32>
        %swap3A_450 = arith.index_cast %while3A_189 : i32 to index
        %swap3A_451 = arith.constant 288 : index
        %swap3A_452 = tpu.vector_load %arg14[%swap3A_450, %swap3A_451] {strides = array<i32>} : memref<32x512xf32, #tpu.memory_space<vmem>>, vector<1x16xf32>,
        %swap3A_453 = vector.shape_cast %swap3A_452 : vector<1x16xf32> to vector<16xf32>
        %swap3A_454 = vector.shape_cast %add3A_449 : vector<16xf32> to vector<1x16xf32>
        tpu.vector_store %arg14[%swap3A_450, %swap3A_451], %swap3A_454 {add = true, strides = array<i32>} : memref<32x512xf32, #tpu.memory_space<vmem>>, vector<1x16xf32>,
        %get3A_455 = arith.index_cast %while3A_189 : i32 to index
        %get3A_456 = arith.constant 304 : index
        %get3A_457 = tpu.vector_load %arg15[%get3A_455, %get3A_456] {strides = array<i32>} : memref<32x512xf32, #tpu.memory_space<vmem>>, vector<1x16xf32>,
        %get3A_458 = vector.shape_cast %get3A_457 : vector<1x16xf32> to vector<16xf32>
        %get3A_459 = arith.index_cast %while3A_189 : i32 to index
        %get3A_460 = arith.constant 304 : index
        %get3A_461 = tpu.vector_load %arg16[%get3A_459, %get3A_460] {strides = array<i32>} : memref<32x512xf32, #tpu.memory_space<vmem>>, vector<1x16xf32>,
        %get3A_462 = vector.shape_cast %get3A_461 : vector<1x16xf32> to vector<16xf32>
        %add3A_463 = arith.addf %get3A_458, %get3A_462 : vector<16xf32>
        %swap3A_464 = arith.index_cast %while3A_189 : i32 to index
        %swap3A_465 = arith.constant 304 : index
        %swap3A_466 = tpu.vector_load %arg14[%swap3A_464, %swap3A_465] {strides = array<i32>} : memref<32x512xf32, #tpu.memory_space<vmem>>, vector<1x16xf32>,
        %swap3A_467 = vector.shape_cast %swap3A_466 : vector<1x16xf32> to vector<16xf32>
        %swap3A_468 = vector.shape_cast %add3A_463 : vector<16xf32> to vector<1x16xf32>
        tpu.vector_store %arg14[%swap3A_464, %swap3A_465], %swap3A_468 {add = true, strides = array<i32>} : memref<32x512xf32, #tpu.memory_space<vmem>>, vector<1x16xf32>,
        %get3A_469 = arith.index_cast %while3A_189 : i32 to index
        %get3A_470 = arith.constant 320 : index
        %get3A_471 = tpu.vector_load %arg15[%get3A_469, %get3A_470] {strides = array<i32>} : memref<32x512xf32, #tpu.memory_space<vmem>>, vector<1x16xf32>,
        %get3A_472 = vector.shape_cast %get3A_471 : vector<1x16xf32> to vector<16xf32>
        %get3A_473 = arith.index_cast %while3A_189 : i32 to index
        %get3A_474 = arith.constant 320 : index
        %get3A_475 = tpu.vector_load %arg16[%get3A_473, %get3A_474] {strides = array<i32>} : memref<32x512xf32, #tpu.memory_space<vmem>>, vector<1x16xf32>,
        %get3A_476 = vector.shape_cast %get3A_475 : vector<1x16xf32> to vector<16xf32>
        %add3A_477 = arith.addf %get3A_472, %get3A_476 : vector<16xf32>
        %swap3A_478 = arith.index_cast %while3A_189 : i32 to index
        %swap3A_479 = arith.constant 320 : index
        %swap3A_480 = tpu.vector_load %arg14[%swap3A_478, %swap3A_479] {strides = array<i32>} : memref<32x512xf32, #tpu.memory_space<vmem>>, vector<1x16xf32>,
        %swap3A_481 = vector.shape_cast %swap3A_480 : vector<1x16xf32> to vector<16xf32>
        %swap3A_482 = vector.shape_cast %add3A_477 : vector<16xf32> to vector<1x16xf32>
        tpu.vector_store %arg14[%swap3A_478, %swap3A_479], %swap3A_482 {add = true, strides = array<i32>} : memref<32x512xf32, #tpu.memory_space<vmem>>, vector<1x16xf32>,
        %get3A_483 = arith.index_cast %while3A_189 : i32 to index
        %get3A_484 = arith.constant 336 : index
        %get3A_485 = tpu.vector_load %arg15[%get3A_483, %get3A_484] {strides = array<i32>} : memref<32x512xf32, #tpu.memory_space<vmem>>, vector<1x16xf32>,
        %get3A_486 = vector.shape_cast %get3A_485 : vector<1x16xf32> to vector<16xf32>
        %get3A_487 = arith.index_cast %while3A_189 : i32 to index
        %get3A_488 = arith.constant 336 : index
        %get3A_489 = tpu.vector_load %arg16[%get3A_487, %get3A_488] {strides = array<i32>} : memref<32x512xf32, #tpu.memory_space<vmem>>, vector<1x16xf32>,
        %get3A_490 = vector.shape_cast %get3A_489 : vector<1x16xf32> to vector<16xf32>
        %add3A_491 = arith.addf %get3A_486, %get3A_490 : vector<16xf32>
        %swap3A_492 = arith.index_cast %while3A_189 : i32 to index
        %swap3A_493 = arith.constant 336 : index
        %swap3A_494 = tpu.vector_load %arg14[%swap3A_492, %swap3A_493] {strides = array<i32>} : memref<32x512xf32, #tpu.memory_space<vmem>>, vector<1x16xf32>,
        %swap3A_495 = vector.shape_cast %swap3A_494 : vector<1x16xf32> to vector<16xf32>
        %swap3A_496 = vector.shape_cast %add3A_491 : vector<16xf32> to vector<1x16xf32>
        tpu.vector_store %arg14[%swap3A_492, %swap3A_493], %swap3A_496 {add = true, strides = array<i32>} : memref<32x512xf32, #tpu.memory_space<vmem>>, vector<1x16xf32>,
        %get3A_497 = arith.index_cast %while3A_189 : i32 to index
        %get3A_498 = arith.constant 352 : index
        %get3A_499 = tpu.vector_load %arg15[%get3A_497, %get3A_498] {strides = array<i32>} : memref<32x512xf32, #tpu.memory_space<vmem>>, vector<1x16xf32>,
        %get3A_500 = vector.shape_cast %get3A_499 : vector<1x16xf32> to vector<16xf32>
        %get3A_501 = arith.index_cast %while3A_189 : i32 to index
        %get3A_502 = arith.constant 352 : index
        %get3A_503 = tpu.vector_load %arg16[%get3A_501, %get3A_502] {strides = array<i32>} : memref<32x512xf32, #tpu.memory_space<vmem>>, vector<1x16xf32>,
        %get3A_504 = vector.shape_cast %get3A_503 : vector<1x16xf32> to vector<16xf32>
        %add3A_505 = arith.addf %get3A_500, %get3A_504 : vector<16xf32>
        %swap3A_506 = arith.index_cast %while3A_189 : i32 to index
        %swap3A_507 = arith.constant 352 : index
        %swap3A_508 = tpu.vector_load %arg14[%swap3A_506, %swap3A_507] {strides = array<i32>} : memref<32x512xf32, #tpu.memory_space<vmem>>, vector<1x16xf32>,
        %swap3A_509 = vector.shape_cast %swap3A_508 : vector<1x16xf32> to vector<16xf32>
        %swap3A_510 = vector.shape_cast %add3A_505 : vector<16xf32> to vector<1x16xf32>
        tpu.vector_store %arg14[%swap3A_506, %swap3A_507], %swap3A_510 {add = true, strides = array<i32>} : memref<32x512xf32, #tpu.memory_space<vmem>>, vector<1x16xf32>,
        %get3A_511 = arith.index_cast %while3A_189 : i32 to index
        %get3A_512 = arith.constant 368 : index
        %get3A_513 = tpu.vector_load %arg15[%get3A_511, %get3A_512] {strides = array<i32>} : memref<32x512xf32, #tpu.memory_space<vmem>>, vector<1x16xf32>,
        %get3A_514 = vector.shape_cast %get3A_513 : vector<1x16xf32> to vector<16xf32>
        %get3A_515 = arith.index_cast %while3A_189 : i32 to index
        %get3A_516 = arith.constant 368 : index
        %get3A_517 = tpu.vector_load %arg16[%get3A_515, %get3A_516] {strides = array<i32>} : memref<32x512xf32, #tpu.memory_space<vmem>>, vector<1x16xf32>,
        %get3A_518 = vector.shape_cast %get3A_517 : vector<1x16xf32> to vector<16xf32>
        %add3A_519 = arith.addf %get3A_514, %get3A_518 : vector<16xf32>
        %swap3A_520 = arith.index_cast %while3A_189 : i32 to index
        %swap3A_521 = arith.constant 368 : index
        %swap3A_522 = tpu.vector_load %arg14[%swap3A_520, %swap3A_521] {strides = array<i32>} : memref<32x512xf32, #tpu.memory_space<vmem>>, vector<1x16xf32>,
        %swap3A_523 = vector.shape_cast %swap3A_522 : vector<1x16xf32> to vector<16xf32>
        %swap3A_524 = vector.shape_cast %add3A_519 : vector<16xf32> to vector<1x16xf32>
        tpu.vector_store %arg14[%swap3A_520, %swap3A_521], %swap3A_524 {add = true, strides = array<i32>} : memref<32x512xf32, #tpu.memory_space<vmem>>, vector<1x16xf32>,
        %get3A_525 = arith.index_cast %while3A_189 : i32 to index
        %get3A_526 = arith.constant 384 : index
        %get3A_527 = tpu.vector_load %arg15[%get3A_525, %get3A_526] {strides = array<i32>} : memref<32x512xf32, #tpu.memory_space<vmem>>, vector<1x16xf32>,
        %get3A_528 = vector.shape_cast %get3A_527 : vector<1x16xf32> to vector<16xf32>
        %get3A_529 = arith.index_cast %while3A_189 : i32 to index
        %get3A_530 = arith.constant 384 : index
        %get3A_531 = tpu.vector_load %arg16[%get3A_529, %get3A_530] {strides = array<i32>} : memref<32x512xf32, #tpu.memory_space<vmem>>, vector<1x16xf32>,
        %get3A_532 = vector.shape_cast %get3A_531 : vector<1x16xf32> to vector<16xf32>
        %add3A_533 = arith.addf %get3A_528, %get3A_532 : vector<16xf32>
        %swap3A_534 = arith.index_cast %while3A_189 : i32 to index
        %swap3A_535 = arith.constant 384 : index
        %swap3A_536 = tpu.vector_load %arg14[%swap3A_534, %swap3A_535] {strides = array<i32>} : memref<32x512xf32, #tpu.memory_space<vmem>>, vector<1x16xf32>,
        %swap3A_537 = vector.shape_cast %swap3A_536 : vector<1x16xf32> to vector<16xf32>
        %swap3A_538 = vector.shape_cast %add3A_533 : vector<16xf32> to vector<1x16xf32>
        tpu.vector_store %arg14[%swap3A_534, %swap3A_535], %swap3A_538 {add = true, strides = array<i32>} : memref<32x512xf32, #tpu.memory_space<vmem>>, vector<1x16xf32>,
        %get3A_539 = arith.index_cast %while3A_189 : i32 to index
        %get3A_540 = arith.constant 400 : index
        %get3A_541 = tpu.vector_load %arg15[%get3A_539, %get3A_540] {strides = array<i32>} : memref<32x512xf32, #tpu.memory_space<vmem>>, vector<1x16xf32>,
        %get3A_542 = vector.shape_cast %get3A_541 : vector<1x16xf32> to vector<16xf32>
        %get3A_543 = arith.index_cast %while3A_189 : i32 to index
        %get3A_544 = arith.constant 400 : index
        %get3A_545 = tpu.vector_load %arg16[%get3A_543, %get3A_544] {strides = array<i32>} : memref<32x512xf32, #tpu.memory_space<vmem>>, vector<1x16xf32>,
        %get3A_546 = vector.shape_cast %get3A_545 : vector<1x16xf32> to vector<16xf32>
        %add3A_547 = arith.addf %get3A_542, %get3A_546 : vector<16xf32>
        %swap3A_548 = arith.index_cast %while3A_189 : i32 to index
        %swap3A_549 = arith.constant 400 : index
        %swap3A_550 = tpu.vector_load %arg14[%swap3A_548, %swap3A_549] {strides = array<i32>} : memref<32x512xf32, #tpu.memory_space<vmem>>, vector<1x16xf32>,
        %swap3A_551 = vector.shape_cast %swap3A_550 : vector<1x16xf32> to vector<16xf32>
        %swap3A_552 = vector.shape_cast %add3A_547 : vector<16xf32> to vector<1x16xf32>
        tpu.vector_store %arg14[%swap3A_548, %swap3A_549], %swap3A_552 {add = true, strides = array<i32>} : memref<32x512xf32, #tpu.memory_space<vmem>>, vector<1x16xf32>,
        %get3A_553 = arith.index_cast %while3A_189 : i32 to index
        %get3A_554 = arith.constant 416 : index
        %get3A_555 = tpu.vector_load %arg15[%get3A_553, %get3A_554] {strides = array<i32>} : memref<32x512xf32, #tpu.memory_space<vmem>>, vector<1x16xf32>,
        %get3A_556 = vector.shape_cast %get3A_555 : vector<1x16xf32> to vector<16xf32>
        %get3A_557 = arith.index_cast %while3A_189 : i32 to index
        %get3A_558 = arith.constant 416 : index
        %get3A_559 = tpu.vector_load %arg16[%get3A_557, %get3A_558] {strides = array<i32>} : memref<32x512xf32, #tpu.memory_space<vmem>>, vector<1x16xf32>,
        %get3A_560 = vector.shape_cast %get3A_559 : vector<1x16xf32> to vector<16xf32>
        %add3A_561 = arith.addf %get3A_556, %get3A_560 : vector<16xf32>
        %swap3A_562 = arith.index_cast %while3A_189 : i32 to index
        %swap3A_563 = arith.constant 416 : index
        %swap3A_564 = tpu.vector_load %arg14[%swap3A_562, %swap3A_563] {strides = array<i32>} : memref<32x512xf32, #tpu.memory_space<vmem>>, vector<1x16xf32>,
        %swap3A_565 = vector.shape_cast %swap3A_564 : vector<1x16xf32> to vector<16xf32>
        %swap3A_566 = vector.shape_cast %add3A_561 : vector<16xf32> to vector<1x16xf32>
        tpu.vector_store %arg14[%swap3A_562, %swap3A_563], %swap3A_566 {add = true, strides = array<i32>} : memref<32x512xf32, #tpu.memory_space<vmem>>, vector<1x16xf32>,
        %get3A_567 = arith.index_cast %while3A_189 : i32 to index
        %get3A_568 = arith.constant 432 : index
        %get3A_569 = tpu.vector_load %arg15[%get3A_567, %get3A_568] {strides = array<i32>} : memref<32x512xf32, #tpu.memory_space<vmem>>, vector<1x16xf32>,
        %get3A_570 = vector.shape_cast %get3A_569 : vector<1x16xf32> to vector<16xf32>
        %get3A_571 = arith.index_cast %while3A_189 : i32 to index
        %get3A_572 = arith.constant 432 : index
        %get3A_573 = tpu.vector_load %arg16[%get3A_571, %get3A_572] {strides = array<i32>} : memref<32x512xf32, #tpu.memory_space<vmem>>, vector<1x16xf32>,
        %get3A_574 = vector.shape_cast %get3A_573 : vector<1x16xf32> to vector<16xf32>
        %add3A_575 = arith.addf %get3A_570, %get3A_574 : vector<16xf32>
        %swap3A_576 = arith.index_cast %while3A_189 : i32 to index
        %swap3A_577 = arith.constant 432 : index
        %swap3A_578 = tpu.vector_load %arg14[%swap3A_576, %swap3A_577] {strides = array<i32>} : memref<32x512xf32, #tpu.memory_space<vmem>>, vector<1x16xf32>,
        %swap3A_579 = vector.shape_cast %swap3A_578 : vector<1x16xf32> to vector<16xf32>
        %swap3A_580 = vector.shape_cast %add3A_575 : vector<16xf32> to vector<1x16xf32>
        tpu.vector_store %arg14[%swap3A_576, %swap3A_577], %swap3A_580 {add = true, strides = array<i32>} : memref<32x512xf32, #tpu.memory_space<vmem>>, vector<1x16xf32>,
        %get3A_581 = arith.index_cast %while3A_189 : i32 to index
        %get3A_582 = arith.constant 448 : index
        %get3A_583 = tpu.vector_load %arg15[%get3A_581, %get3A_582] {strides = array<i32>} : memref<32x512xf32, #tpu.memory_space<vmem>>, vector<1x16xf32>,
        %get3A_584 = vector.shape_cast %get3A_583 : vector<1x16xf32> to vector<16xf32>
        %get3A_585 = arith.index_cast %while3A_189 : i32 to index
        %get3A_586 = arith.constant 448 : index
        %get3A_587 = tpu.vector_load %arg16[%get3A_585, %get3A_586] {strides = array<i32>} : memref<32x512xf32, #tpu.memory_space<vmem>>, vector<1x16xf32>,
        %get3A_588 = vector.shape_cast %get3A_587 : vector<1x16xf32> to vector<16xf32>
        %add3A_589 = arith.addf %get3A_584, %get3A_588 : vector<16xf32>
        %swap3A_590 = arith.index_cast %while3A_189 : i32 to index
        %swap3A_591 = arith.constant 448 : index
        %swap3A_592 = tpu.vector_load %arg14[%swap3A_590, %swap3A_591] {strides = array<i32>} : memref<32x512xf32, #tpu.memory_space<vmem>>, vector<1x16xf32>,
        %swap3A_593 = vector.shape_cast %swap3A_592 : vector<1x16xf32> to vector<16xf32>
        %swap3A_594 = vector.shape_cast %add3A_589 : vector<16xf32> to vector<1x16xf32>
        tpu.vector_store %arg14[%swap3A_590, %swap3A_591], %swap3A_594 {add = true, strides = array<i32>} : memref<32x512xf32, #tpu.memory_space<vmem>>, vector<1x16xf32>,
        %get3A_595 = arith.index_cast %while3A_189 : i32 to index
        %get3A_596 = arith.constant 464 : index
        %get3A_597 = tpu.vector_load %arg15[%get3A_595, %get3A_596] {strides = array<i32>} : memref<32x512xf32, #tpu.memory_space<vmem>>, vector<1x16xf32>,
        %get3A_598 = vector.shape_cast %get3A_597 : vector<1x16xf32> to vector<16xf32>
        %get3A_599 = arith.index_cast %while3A_189 : i32 to index
        %get3A_600 = arith.constant 464 : index
        %get3A_601 = tpu.vector_load %arg16[%get3A_599, %get3A_600] {strides = array<i32>} : memref<32x512xf32, #tpu.memory_space<vmem>>, vector<1x16xf32>,
        %get3A_602 = vector.shape_cast %get3A_601 : vector<1x16xf32> to vector<16xf32>
        %add3A_603 = arith.addf %get3A_598, %get3A_602 : vector<16xf32>
        %swap3A_604 = arith.index_cast %while3A_189 : i32 to index
        %swap3A_605 = arith.constant 464 : index
        %swap3A_606 = tpu.vector_load %arg14[%swap3A_604, %swap3A_605] {strides = array<i32>} : memref<32x512xf32, #tpu.memory_space<vmem>>, vector<1x16xf32>,
        %swap3A_607 = vector.shape_cast %swap3A_606 : vector<1x16xf32> to vector<16xf32>
        %swap3A_608 = vector.shape_cast %add3A_603 : vector<16xf32> to vector<1x16xf32>
        tpu.vector_store %arg14[%swap3A_604, %swap3A_605], %swap3A_608 {add = true, strides = array<i32>} : memref<32x512xf32, #tpu.memory_space<vmem>>, vector<1x16xf32>,
        %get3A_609 = arith.index_cast %while3A_189 : i32 to index
        %get3A_610 = arith.constant 480 : index
        %get3A_611 = tpu.vector_load %arg15[%get3A_609, %get3A_610] {strides = array<i32>} : memref<32x512xf32, #tpu.memory_space<vmem>>, vector<1x16xf32>,
        %get3A_612 = vector.shape_cast %get3A_611 : vector<1x16xf32> to vector<16xf32>
        %get3A_613 = arith.index_cast %while3A_189 : i32 to index
        %get3A_614 = arith.constant 480 : index
        %get3A_615 = tpu.vector_load %arg16[%get3A_613, %get3A_614] {strides = array<i32>} : memref<32x512xf32, #tpu.memory_space<vmem>>, vector<1x16xf32>,
        %get3A_616 = vector.shape_cast %get3A_615 : vector<1x16xf32> to vector<16xf32>
        %add3A_617 = arith.addf %get3A_612, %get3A_616 : vector<16xf32>
        %swap3A_618 = arith.index_cast %while3A_189 : i32 to index
        %swap3A_619 = arith.constant 480 : index
        %swap3A_620 = tpu.vector_load %arg14[%swap3A_618, %swap3A_619] {strides = array<i32>} : memref<32x512xf32, #tpu.memory_space<vmem>>, vector<1x16xf32>,
        %swap3A_621 = vector.shape_cast %swap3A_620 : vector<1x16xf32> to vector<16xf32>
        %swap3A_622 = vector.shape_cast %add3A_617 : vector<16xf32> to vector<1x16xf32>
        tpu.vector_store %arg14[%swap3A_618, %swap3A_619], %swap3A_622 {add = true, strides = array<i32>} : memref<32x512xf32, #tpu.memory_space<vmem>>, vector<1x16xf32>,
        %get3A_623 = arith.index_cast %while3A_189 : i32 to index
        %get3A_624 = arith.constant 496 : index
        %get3A_625 = tpu.vector_load %arg15[%get3A_623, %get3A_624] {strides = array<i32>} : memref<32x512xf32, #tpu.memory_space<vmem>>, vector<1x16xf32>,
        %get3A_626 = vector.shape_cast %get3A_625 : vector<1x16xf32> to vector<16xf32>
        %get3A_627 = arith.index_cast %while3A_189 : i32 to index
        %get3A_628 = arith.constant 496 : index
        %get3A_629 = tpu.vector_load %arg16[%get3A_627, %get3A_628] {strides = array<i32>} : memref<32x512xf32, #tpu.memory_space<vmem>>, vector<1x16xf32>,
        %get3A_630 = vector.shape_cast %get3A_629 : vector<1x16xf32> to vector<16xf32>
        %add3A_631 = arith.addf %get3A_626, %get3A_630 : vector<16xf32>
        %swap3A_632 = arith.index_cast %while3A_189 : i32 to index
        %swap3A_633 = arith.constant 496 : index
        %swap3A_634 = tpu.vector_load %arg14[%swap3A_632, %swap3A_633] {strides = array<i32>} : memref<32x512xf32, #tpu.memory_space<vmem>>, vector<1x16xf32>,
        %swap3A_635 = vector.shape_cast %swap3A_634 : vector<1x16xf32> to vector<16xf32>
        %swap3A_636 = vector.shape_cast %add3A_631 : vector<16xf32> to vector<1x16xf32>
        tpu.vector_store %arg14[%swap3A_632, %swap3A_633], %swap3A_636 {add = true, strides = array<i32>} : memref<32x512xf32, #tpu.memory_space<vmem>>, vector<1x16xf32>,
        %while3A_637 = arith.constant 0 : i32
        scf.yield %while3A_637 : i32
      }
      %add3A_183 = arith.addi %mul3A_49, %add3A_98 : i32
      %dma_start3A_184 = arith.constant 0 : i32
      %dma_start3A_185 = tpu.memref_slice %arg6[%add3A_183, %dma_start3A_184] : memref<32768x512xf32, #tpu.memory_space<hbm>> -> memref<32x512xf32, #tpu.memory_space<hbm>>
      %dma_start3A_186 = arith.constant 0 : i32
      %dma_start3A_187 = tpu.memref_slice %arg6[%add3A_183, %dma_start3A_186] : memref<32768x512xf32, #tpu.memory_space<hbm>> -> memref<32x512xf32, #tpu.memory_space<hbm>>
      tpu.enqueue_dma source(%arg14 : memref<32x512xf32, #tpu.memory_space<vmem>>) target(%dma_start3A_187 : memref<32x512xf32, #tpu.memory_space<hbm>>) target_semaphore(%arg20 : memref<!tpu.dma_semaphore, #tpu.memory_space<semaphore_mem>>)
      %while3A_188 = arith.constant 0 : i32
      scf.yield %while3A_188 : i32
    }
    %dma_wait3A = arith.constant 0 : i32
    %dma_wait3A_90 = tpu.memref_slice %arg6[%mul3A_49, %dma_wait3A] : memref<32768x512xf32, #tpu.memory_space<hbm>> -> memref<32x512xf32, #tpu.memory_space<hbm>>
    %dma_wait3A_91 = arith.constant 0 : i32
    %dma_wait3A_92 = tpu.memref_slice %arg6[%mul3A_49, %dma_wait3A_91] : memref<32768x512xf32, #tpu.memory_space<hbm>> -> memref<32x512xf32, #tpu.memory_space<hbm>>
    tpu.wait_dma2 semaphore(%arg20 : memref<!tpu.dma_semaphore, #tpu.memory_space<semaphore_mem>>) src(%arg14 : memref<32x512xf32, #tpu.memory_space<vmem>>) dst(%dma_wait3A_92 : memref<32x512xf32, #tpu.memory_space<hbm>>)
    return
  }
}

</mosaic_0001>

<sc_bundles>
// kernel: kernel.3.cloned.1.call-start
scs
__scs_entry_jumppad:
0x0: {  	(pc) =	sbr.rel $0x88, $3  }
0x1: {  	(tag) =	ssettag $0x0;
	lr =	simm.s32 $0x1  }
0x2: {  	[smem:$0x3F9D] =	sst lr;
	_ =	strace $0xD0000000  }
0x3: {  	_ = 	snop  }
0x4: {  	_ = 	snop  }
0x5: {  	_ = 	snop  }
0x6: {  	_ = 	snop  }
0x7: {  	_ = 	snop  }
__scs_overlays_trampoline_lowered:
0x8: {  	[smem:$0x3FAC] =	sst s0  }
0x9: {  	[smem:$0x3FAD] =	sst s1  }
0xa: {  	[smem:$0x3FAE] =	sst s2  }
0xb: {  	[smem:$0x3FAF] =	sst s3  }
0xc: {  	[smem:$0x3FB0] =	sst s4  }
0xd: {  	[smem:$0x3FB1] =	sst s5  }
0xe: {  	[smem:$0x3FB2] =	sst s6  }
0xf: {  	[smem:$0x3FB3] =	sst s7  }
0x10: {  	[smem:$0x3FB4] =	sst s8  }
0x11: {  	[smem:$0x3FB5] =	sst s9;
	s0 =	simm.s32 @!p0 $0x0  }
0x12: {  	s1 =	sld [smem:$0x3F9B];
	s0 =	simm.s32 @p0 $0x1  }
0x13: {  	[smem:$0x3FB6] =	sst s0;
	s0 =	simm.s32 @!p1 $0x0  }
0x14: {  	s2 =	sld [smem:$0x3F9A];
	s0 =	simm.s32 @p1 $0x1  }
0x15: {  	[smem:$0x3FB7] =	sst s0;
	s0 =	simm.s32 @!p2 $0x0  }
0x16: {  	s3 =	sld [smem:$0x3FDB];
	s0 =	simm.s32 @p2 $0x1  }
0x17: {  	s4 =	simm.s32 $0x1BF5;
	[smem:$0x3FB9] =	sst s0  }
0x18: {  	s0 =	sld [smem:$0x3F9C];
	_ =	swait.ge [sflag:s4], $0x0  }
0x19: {  	s7 =	sld [smem:$0x3F9D]  }
0x1a: {  	s8 =	sadd.s32 $0xFFFFE003, lr  }
0x1b: {  	s9 =	sadd.s32 $0xFFFFFEF7, lr;
	s5 =	simm.s32 $0xFFFFFFFF;
	p2 =	slt.u32 s8, $0xFFFFF086  }
0x1c: {  	p1 =	slt.u32 s9, $0xF7A;
	s5 =	simm.s32 @!p2 $0x0  }
0x1d: {  	s5 =	simm.s32 @p1 $0x1;
	p0 =	seq.s32 s7, s2  }
0x1e: {  	s7 =	smul.u32 @!p0 $0xF7A, s2;
	p2 =	seq.s32 @!p0 s5, $0x0  }
0x1f: {  	s9 =	smul.u32 $0xF7A, s1;
	s8 =	simm.s32 @!p0 $0x1BF5;
	p2 =	por !p2, p0  }
0x20: {  	[sflag:s8] =	ssyncset.s32 @!p0 $0xFFFFF086;
	s6 =	sadd.s32 @!p0 s3, s7;
	s7 =	simm.s32 @!p0 $0x108  }
0x21: {  	s3 =	sadd.s32 s3, s9;
	s6 =	sadd.s32 @!p0 $0x88, s6;
	s7 =	simm.s32 @p2 $0x1082  }
0x22: {  	[simem:s7], [sflag:s8] =	dma.local @!p0 [hbm:s6], $0xF7A  }
0x23: {  	s9 =	sor.u32 $0xD0000000, s2;
	s6 =	simm.s32 $0x108;
	_ =	swait.ge @!p0 [sflag:s8], $0x0  }
0x24: {  	s3 =	sadd.s32 $0x88, s3;
	s6 =	simm.s32 @!p1 $0x1082;
	[sflag:s4] =	ssyncset.s32 $0xFFFFF086  }
0x25: {  	[simem:s6], [sflag:s4] =	dma.local [hbm:s3], $0xF7A  }
0x26: {  	[smem:$0x3F9D] =	sst s1;
	(tag) =	ssettag s2;
	_ =	strace s9  }
0x27: {  	s1 =	sld [smem:$0x3FAD]  }
0x28: {  	s2 =	sld [smem:$0x3FAE]  }
0x29: {  	s4 =	sld [smem:$0x3FB0]  }
0x2a: {  	p0 =	seq.s32 s5, $0x0;
	s5 =	sld [smem:$0x3FB1]  }
0x2b: {  	s6 =	sld [smem:$0x3FB2]  }
0x2c: {  	s7 =	sld [smem:$0x3FB3]  }
0x2d: {  	s3 =	simm.s32 $0x108;
	s8 =	sld [smem:$0x3FB4]  }
0x2e: {  	s3 =	simm.s32 @!p0 $0x1082;
	s9 =	sld [smem:$0x3FB5]  }
0x2f: {  	lr =	sadd.s32 s0, s3;
	s0 =	sld [smem:$0x3FAC]  }
0x30: {  	s3 =	sld [smem:$0x3FAF]  }
0x31: {  	[smem:$0x3FB8] =	sst s10  }
0x32: {  	s10 =	sld [smem:$0x3FB6];
	_ =	sdelay $0x3  }
0x33: {  	p0 =	seq.s32 s10, $0x1;
	s10 =	sld [smem:$0x3FB8];
	_ =	sdelay $0x3  }
0x34: {  	[smem:$0x3FB8] =	sst s10  }
0x35: {  	s10 =	sld [smem:$0x3FB7];
	_ =	sdelay $0x3  }
0x36: {  	p1 =	seq.s32 s10, $0x1;
	s10 =	sld [smem:$0x3FB8];
	_ =	sdelay $0x3  }
0x37: {  	[smem:$0x3FB8] =	sst s10  }
0x38: {  	s10 =	sld [smem:$0x3FB9]  }
0x39: {  	_ = 	snop;
	(pc) =	sbr.ind lr, $3  }
0x3a: {  	_ = 	snop  }
0x3b: {  	_ = 	snop  }
0x3c: {  	p2 =	seq.s32 s10, $0x1;
	s10 =	sld [smem:$0x3FB8]  }
0x3d: {  	_ =	shalt  }
0x3e: {  	_ =	shalt  }
0x3f: {  	_ =	shalt  }
0x40: {  	_ =	shalt  }
0x41: {  	_ =	shalt  }
0x42: {  	_ =	shalt  }
0x43: {  	_ =	shalt  }
0x44: {  	_ =	shalt  }
0x45: {  	_ =	shalt  }
0x46: {  	_ =	shalt  }
0x47: {  	_ =	shalt  }
0x48: {  	_ =	shalt  }
0x49: {  	_ =	shalt  }
0x4a: {  	_ =	shalt  }
0x4b: {  	_ =	shalt  }
0x4c: {  	_ =	shalt  }
0x4d: {  	_ =	shalt  }
0x4e: {  	_ =	shalt  }
0x4f: {  	_ =	shalt  }
0x50: {  	_ =	shalt  }
0x51: {  	_ =	shalt  }
0x52: {  	_ =	shalt  }
0x53: {  	_ =	shalt  }
0x54: {  	_ =	shalt  }
0x55: {  	_ =	shalt  }
0x56: {  	_ =	shalt  }
0x57: {  	_ =	shalt  }
0x58: {  	_ =	shalt  }
0x59: {  	_ =	shalt  }
0x5a: {  	_ =	shalt  }
0x5b: {  	_ =	shalt  }
0x5c: {  	_ =	shalt  }
0x5d: {  	_ =	shalt  }
0x5e: {  	_ =	shalt  }
0x5f: {  	_ =	shalt  }
0x60: {  	_ =	shalt  }
0x61: {  	_ =	shalt  }
0x62: {  	_ =	shalt  }
0x63: {  	_ =	shalt  }
0x64: {  	_ =	shalt  }
0x65: {  	_ =	shalt  }
0x66: {  	_ =	shalt  }
0x67: {  	_ =	shalt  }
0x68: {  	_ =	shalt  }
0x69: {  	_ =	shalt  }
0x6a: {  	_ =	shalt  }
0x6b: {  	_ =	shalt  }
0x6c: {  	_ =	shalt  }
0x6d: {  	_ =	shalt  }
0x6e: {  	_ =	shalt  }
0x6f: {  	_ =	shalt  }
0x70: {  	_ =	shalt  }
0x71: {  	_ =	shalt  }
0x72: {  	_ =	shalt  }
0x73: {  	_ =	shalt  }
0x74: {  	_ =	shalt  }
0x75: {  	_ =	shalt  }
0x76: {  	_ =	shalt  }
0x77: {  	_ =	shalt  }
0x78: {  	_ =	shalt  }
0x79: {  	_ =	shalt  }
0x7a: {  	_ =	shalt  }
0x7b: {  	_ =	shalt  }
0x7c: {  	_ =	shalt  }
0x7d: {  	_ =	shalt  }
0x7e: {  	_ =	shalt  }
0x7f: {  	_ =	shalt  }
0x80: {  	_ =	shalt  }
0x81: {  	_ =	shalt  }
0x82: {  	_ =	shalt  }
0x83: {  	_ =	shalt  }
0x84: {  	_ =	shalt  }
0x85: {  	_ =	shalt  }
0x86: {  	_ =	shalt  }
0x87: {  	_ =	shalt  }
.Lfunc_end0:
.L_simem_size_0:
called_computation_lowered:
.L_overlay_start_0:
0x88: {  	s2 =	sld [smem:$0x3FD9]  }
0x89: {  	s3 =	sld [smem:$0x3FFE];
	_ =	sdelay $0x1  }
0x8a: {  	s1 =	srdreg.scid  }
0x8b: {  	s0 =	sand.u32 $0x1, s1  }
0x8c: {  	s17 =	sshll.u32 s0, $0xA;
	s2 =	sadd.s32 s3, s2  }
0x8d: {  	s2 =	sadd.s32 s2, s17  }
0x8e: {  	[smem:$0x3FC4] =	sst s2  }
0x8f: {  	_ = 	snop  }
0x90: {  	s2 =	sld [smem:$0x3FC8]  }
0x91: {  	s18 =	sld [smem:$0x3FC7]  }
0x92: {  	s4 =	sld [smem:$0x3FC6]  }
0x93: {  	s5 =	sld [smem:$0x3FD0];
	(tm) =	ssettm $0x1  }
0x94: {  	s6 =	sld [smem:$0x3FFB];
	_ =	sdelay $0x3  }
0x95: {  	_ =	strace s6  }
0x96: {  	s6 =	sld [smem:$0x3FFC];
	_ =	sdelay $0x3  }
0x97: {  	_ =	strace s6  }
0x98: {  	s6 =	sld [smem:$0x3FFD];
	_ =	sdelay $0x3  }
0x99: {  	_ =	strace s6  }
0x9a: {  	_ =	strace $0x8FFFFFFF  }
0x9b: {  	s19 =	sld [smem:$0x3FDB];
	_ =	sdelay $0x1  }
0x9c: {  	s7 =	simm.s32 $_scs_section_size  }
0x9d: {  	s8 =	simm.s32 $_size__tile_overlayer_lowered;
	s9 =	simm.s32 $_tile_overlayer_lowered  }
0x9e: {  	s22 =	simm.s32 $0x1BFF;
	s21 =	sshll.u32 s9, $0x1;
	s6 =	sadd.s32 s7, s19  }
0x9f: {  	s10 =	simm.s32 $0x0;
	s20 =	sshll.u32 s8, $0x1;
	s8 =	sadd.s32 s21, s6  }
0xa0: {  	[timem:s10], [sflag:s22] =	dma.local [hbm:s8], s20  }
0xa1: {  	_ =	swait.ge [sflag:s22], s20  }
0xa2: {  	s7 =	ssub.s32 $0x0, s20;
	[sflag:s22] =	ssyncset.done $0x0  }
0xa3: {  	[sflag:s22] =	ssyncadd.s32 s7;
	_ =	sdelay $0x1  }
0xa4: {  	s23 =	simm.s32 $0x1B8B  }
0xa5: {  	_ =	swait.ge [sflag:s23], $0x1  }
0xa6: {  	[sflag:s23] =	ssyncset.done $0x0  }
0xa7: {  	s25 =	simm.s32 $0x1B8E;
	s24 =	sld [smem:$0x3FFE];
	[sflag:s23] =	ssyncadd.s32 $0xFFFFFFFF  }
0xa8: {  	s26 =	simm.s32 $execute0_lowered;
	[smem:$0x3FD2] =	sst s25  }
0xa9: {  	s8 =	sshll.u32 s26, $0x1;
	_ =	strace $0x80000046;
	[dreg:$0x1] =	wrdreg $0xFFFFFFFF  }
0xaa: {  	s28 =	simm.s32 $_size_execute0_lowered;
	s6 =	sadd.s32 s6, s8;
	[dreg:$0x0] =	wrdreg $0x0  }
0xab: {  	s8 =	sshll.u32 s28, $0x1;
	[dreg:$0x2] =	wrdreg s6  }
0xac: {  	[dreg:$0x3] =	wrdreg s8  }
0xad: {  	[dreg:$0x4] =	wrdreg $0xC0  }
0xae: {  	_ =	task [dreg:s10], $0x5FFFF  }
0xaf: {  	[dreg:$0x1] =	wrdreg $0xFFFFFFFF  }
0xb0: {  	[dreg:$0x0] =	wrdreg $0x60  }
0xb1: {  	[dreg:$0x2] =	wrdreg s24  }
0xb2: {  	[dreg:$0x3] =	wrdreg s2  }
0xb3: {  	[dreg:$0x4] =	wrdreg s18  }
0xb4: {  	[dreg:$0x5] =	wrdreg s4  }
0xb5: {  	[dreg:$0x6] =	wrdreg s5  }
0xb6: {  	[dreg:$0x7] =	wrdreg $0x9  }
0xb7: {  	_ =	task.clear_ibuf [dreg:s10], $0x8FFFF;
	_ =	strace $0x90000046  }
0xb8: {  	s29 =	simm.s32 $0x9;
	_ =	strace $0x80000048  }
0xb9: {  	_ =	swait.ge [sflag:s29], $0x1  }
0xba: {  	[sflag:s29] =	ssyncadd.s32 $0xFFFFFFFF  }
0xbb: {  	_ =	strace $0x90000048  }
0xbc: {  	_ =	sfence  }
0xbd: {  	s30 =	sld [smem:$0x0];
	_ =	sdelay $0x2  }
0xbe: {  	s31 =	sshll.u32 s1, $0xD;
	s1 =	sshrl.u32 s1, $0x2  }
0xbf: {  	s3 =	sand.u32 $0x4000, s31;
	s1 =	sadd.s32 s1, s30  }
0xc0: {  	s0 =	sor.u32 s3, s0;
	s1 =	sshll.u32 s1, $0x11  }
0xc1: {  	s0 =	sor.u32 s1, s0  }
0xc2: {  	s0 =	sadd.s32 $0x8F2B, s0  }
0xc3: {  	[sflag:s0] =	ssyncadd.remote.s32 $0x1  }
0xc4: {  	_ =	sfence.sel $0xFFFF  }
0xc5: {  	[dreg:$0x0] =	wrdreg $0xFFFFFFFF;
	(pc) =	sbr.abs _section_cstart, $3  }
0xc6: {  	[dreg:$0x1] =	wrdreg $0xFFFFFFFF  }
0xc7: {  	_ =	task.clear_ibuf [dreg:s10], $0x2FFFF;
	_ =	strace $0x9FFFFFFF  }
0xc8: {  	(tm) =	ssettm $0x7FFFFFFF  }
0xc9: {  	_ =	shalt  }
tec
execute0_lowered:
.L_overlay_start_1:
0x0: {  	(tag) =	ssettag $0x1  }
0x1: {  	s0 =	rddreg [dreg:$0x0]  }
0x2: {  	s1 =	rddreg [dreg:$0x1]  }
0x3: {  	s3 =	rddreg [dreg:$0x2]  }
0x4: {  	s4 =	rddreg [dreg:$0x3]  }
0x5: {  	s5 =	rddreg [dreg:$0x4]  }
0x6: {  	s8 =	stileid.u32;
	s2 =	srdreg.scid;
	s6 =	simm.s32 $0x0  }
0x7: {  	s14 =	simm.s32 $0x1080;
	s17 =	simm.s32 $0xD080;
	s12 =	simm.s32 $0x15880  }
0x8: {  	s13 =	simm.s32 $0x16080;
	s15 =	simm.s32 $0x16880;
	s16 =	simm.s32 $0x17080  }
0x9: {  	s18 =	simm.s32 $0x17880;
	s19 =	simm.s32 $0x18080;
	s20 =	simm.s32 $0x18880  }
0xa: {  	s21 =	simm.s32 $0x1;
	s22 =	simm.s32 $0x3;
	s23 =	simm.s32 $0x2  }
0xb: {  	s24 =	simm.s32 $0x0;
	s2 =	sand.u32 $0x1, s2;
	s7 =	sshll.u32 s8, $0x1  }
0xc: {  	[smem:$0x7FF] =	sst s6;
	s8 =	sshll.u32 s8, $0x9;
	s10 =	sadd.s32 $0x100, s3  }
0xd: {  	s11 =	sadd.s32 $0x100, s4;
	s7 =	sor.u32 s2, s7;
	s2 =	ssub.s32 $0x2, s2  }
0xe: {  	s8 =	sand.u32 $0x1800, s8;
	s9 =	sshll.u32 s7, $0x8;
	s30 =	sshrl.u32 s2, $0x1  }
0xf: {  	s0 =	sadd.s32 s8, s0;
	s9 =	sand.u32 $0x700, s9;
	s2 =	ssub.s32 s2, s30  }
0x10: {  	v2 =	vlaneseq.u32;
	_ =	strace $0x80000047;
	s0 =	sadd.s32 s9, s0;
	s31 =	smax.u32 s2, $0x1  }
0x11: {  	vm0 =	vmmov $0xffff;
	v1 =	vshrl.u32 v2, $0x3;
	s8 =	sshll.u32 s7, $0xA;
	s0 =	sadd.s32 $0x400, s0;
	[dreg:$0x7] =	wrdreg s31  }
0x12: {  	v0 =	vand.u32 $0x7, v2;
	v2 =	vor.u32 $0x8, v2;
	v1 =	vmul.u32 $0x8, v1;
	s7 =	simm.s32 $0x15080;
	s9 =	sadd.s32 $0x100, s1;
	[dreg:$0x6] =	wrdreg s0  }
.LBB2_1:
0x13: {  	[dreg:$0x8] =	wrdreg s24  }
0x14: {  	s0 =	rddreg [dreg:$0x6];
	s2 =	simm.s32 $0x5  }
0x15: {  	[tilespmem:s6], [sflag:$0x5] =	stream.linear.gather [hbm4b:s0+s6], $0x408, $0x38;
	[tilespmem:$0x19080] =	vst v63  }
0x16: {  	_ =	swait.ge [sflag:s2], $0x408  }
0x17: {  	[sflag:s2] =	ssyncset.done $0x0  }
0x18: {  	[sflag:s2] =	ssyncadd.s32 $0xFFFFFBF8  }
0x19: {  	v3 =	vld [tilespmem:$0x4]  }
0x1a: {  	v4 =	vld [tilespmem:$0x3];
	_ =	sdelay $0x2  }
0x1b: {  	v5 =	vld [tilespmem:$0x2];
	_ =	sdelay $0x1  }
0x1c: {  	v6 =	vmul.u32 $0xC31, v3;
	v7 =	vmul.u32 $0x4A07, v4  }
0x1d: {  	v8 =	vld [tilespmem:$0x1]  }
0x1e: {  	v11 =	vld [tilespmem:$0x13];
	v6 =	vadd.s32 v6, v7  }
0x1f: {  	v9 =	vmul.u32 $0x7F57, v3;
	v10 =	vmul.u32 $0xC31, v4;
	v7 =	vld [tilespmem:$0x14];
	v6 =	vadd.s32 v5, v6  }
0x20: {  	v12 =	vld [tilespmem:$0x0];
	v3 =	vmul.u32 $0x2161, v3;
	v4 =	vmul.u32 $0x7F57, v4;
	v6 =	vand.u32 $0x7FFF, v6  }
0x21: {  	v13 =	vmul.u32 $0x4A07, v5;
	v5 =	vmul.u32 $0xC31, v5;
	[tilespmem:$0x480] =	vst v6  }
0x22: {  	v9 =	vadd.s32 v9, v10;
	v3 =	vadd.s32 v3, v4;
	v4 =	vmul.u32 $0x4A07, v8;
	v10 =	vld [tilespmem:$0x480]  }
0x23: {  	v9 =	vadd.s32 v13, v9;
	v3 =	vadd.s32 v5, v3  }
0x24: {  	v6 =	vld [tilespmem:$0x12];
	v5 =	vmul.u32 $0x4A07, v11;
	v3 =	vadd.s32 v4, v3;
	v4 =	vmul.u32 $0xC31, v7  }
0x25: {  	v8 =	vadd.s32 v8, v9;
	v3 =	vadd.s32 v12, v3  }
0x26: {  	v9 =	vld [tilespmem:$0x11];
	v12 =	vmul.u32 $0xC31, v11;
	v4 =	vadd.s32 v4, v5;
	v5 =	vmul.u32 $0x7F57, v7  }
0x27: {  	v8 =	vand.u32 $0x7FFF, v8;
	v11 =	vmul.u32 $0x7F57, v11;
	v13 =	vshll.u32 v10, $0x2  }
0x28: {  	v5 =	vadd.s32 v5, v12;
	v10 =	vand.u32 $0x7, v10;
	v12 =	vand.u32 $0xFFFFFFE0, v13  }
0x29: {  	v7 =	vmul.u32 $0x2161, v7;
	v4 =	vadd.s32 v6, v4;
	v13 =	vld [tilespmem:$0x10];
	v10 =	vor.u32 v10, v12  }
0x2a: {  	v12 =	vmul.u32 $0x4A07, v6;
	v6 =	vmul.u32 $0xC31, v6;
	v14 =	vperm.xlane v10, v0  }
0x2b: {  	v3 =	vand.u32 $0x7FFF, v3;
	v7 =	vadd.s32 v7, v11;
	v11 =	vmul.u32 $0x4A07, v9  }
0x2c: {  	[tilespmem:$0x880] =	vst v8;
	v5 =	vadd.s32 v12, v5;
	v6 =	vadd.s32 v6, v7;
	v7 =	vadd.s32 v1, v14  }
0x2d: {  	[tilespmem:$0xC80] =	vst v3;
	v4 =	vand.u32 $0x7FFF, v4;
	v3 =	vadd.s32 v9, v5;
	v5 =	vadd.s32 v11, v6  }
0x2e: {  	[tilespmem:$0x490] =	vst v4;
	v4 =	vperm.xlane v10, v2;
	v5 =	vadd.s32 v13, v5;
	v3 =	vand.u32 $0x7FFF, v3  }
0x2f: {  	[tilespmem:$0x890] =	vst v3;
	v3 =	vand.u32 $0x7FFF, v5  }
0x30: {  	[tilespmem:$0xC90] =	vst v3;
	v3 =	vadd.s32 v1, v4  }
0x31: {  	[tilespmem:s14], [sflag:$0x1] =	stream.indirect_vreg.gather [hbm4b:s1+s6], $0x80, v7, vm0, $0xb8;
	[tilespmem:$0x19080] =	vst v63  }
0x32: {  	s24 =	simm.s32 $0x1880  }
0x33: {  	[tilespmem:s24], [sflag:$0x1] =	stream.indirect_vreg.gather [hbm4b:s9+s6], $0x80, v7, vm0, $0xb8;
	[tilespmem:$0x19080] =	vst v63  }
0x34: {  	s25 =	simm.s32 $0x2080  }
0x35: {  	[tilespmem:s25], [sflag:$0x1] =	stream.indirect_vreg.gather [hbm4b:s1+s6], $0x80, v3, vm0, $0xb8;
	[tilespmem:$0x19080] =	vst v63  }
0x36: {  	s26 =	simm.s32 $0x2880  }
0x37: {  	[tilespmem:s26], [sflag:$0x1] =	stream.indirect_vreg.gather [hbm4b:s9+s6], $0x80, v3, vm0, $0xb8;
	[tilespmem:$0x19080] =	vst v63  }
0x38: {  	v3 =	vld [tilespmem:$0x490];
	_ =	sdelay $0x4  }
0x39: {  	v4 =	vshll.u32 v3, $0x2  }
0x3a: {  	v3 =	vand.u32 $0x7, v3;
	v4 =	vand.u32 $0xFFFFFFE0, v4  }
0x3b: {  	v3 =	vor.u32 v3, v4  }
0x3c: {  	v4 =	vperm.xlane v3, v0;
	_ =	sdelay $0x1  }
0x3d: {  	v4 =	vadd.s32 v1, v4;
	_ =	sdelay $0x1  }
0x3e: {  	v3 =	vperm.xlane v3, v2;
	_ =	sdelay $0x1  }
0x3f: {  	s28 =	simm.s32 $0x3080;
	v3 =	vadd.s32 v1, v3  }
0x40: {  	[tilespmem:s28], [sflag:$0x1] =	stream.indirect_vreg.gather [hbm4b:s1+s6], $0x80, v4, vm0, $0xb8;
	[tilespmem:$0x19080] =	vst v63  }
0x41: {  	s29 =	simm.s32 $0x3880  }
0x42: {  	[tilespmem:s29], [sflag:$0x1] =	stream.indirect_vreg.gather [hbm4b:s9+s6], $0x80, v4, vm0, $0xb8;
	[tilespmem:$0x19080] =	vst v63  }
0x43: {  	s30 =	simm.s32 $0x4080  }
0x44: {  	[tilespmem:s30], [sflag:$0x1] =	stream.indirect_vreg.gather [hbm4b:s1+s6], $0x80, v3, vm0, $0xb8;
	[tilespmem:$0x19080] =	vst v63  }
0x45: {  	s31 =	simm.s32 $0x4880  }
0x46: {  	[tilespmem:s31], [sflag:$0x1] =	stream.indirect_vreg.gather [hbm4b:s9+s6], $0x80, v3, vm0, $0xb8;
	[tilespmem:$0x19080] =	vst v63  }
0x47: {  	v3 =	vld [tilespmem:$0x880];
	_ =	sdelay $0x4  }
0x48: {  	v4 =	vshll.u32 v3, $0x2  }
0x49: {  	v3 =	vand.u32 $0x7, v3;
	v4 =	vand.u32 $0xFFFFFFE0, v4  }
0x4a: {  	v3 =	vor.u32 v3, v4  }
0x4b: {  	v4 =	vperm.xlane v3, v0;
	_ =	sdelay $0x1  }
0x4c: {  	v4 =	vadd.s32 v1, v4;
	_ =	sdelay $0x1  }
0x4d: {  	v3 =	vperm.xlane v3, v2;
	_ =	sdelay $0x1  }
0x4e: {  	s2 =	simm.s32 $0x5080;
	v3 =	vadd.s32 v1, v3  }
0x4f: {  	[tilespmem:s2], [sflag:$0x1] =	stream.indirect_vreg.gather [hbm4b:s3+s6], $0x80, v4, vm0, $0xb8;
	[tilespmem:$0x19080] =	vst v63  }
0x50: {  	s24 =	simm.s32 $0x5880  }
0x51: {  	[tilespmem:s24], [sflag:$0x1] =	stream.indirect_vreg.gather [hbm4b:s10+s6], $0x80, v4, vm0, $0xb8;
	[tilespmem:$0x19080] =	vst v63  }
0x52: {  	s25 =	simm.s32 $0x6080  }
0x53: {  	[tilespmem:s25], [sflag:$0x1] =	stream.indirect_vreg.gather [hbm4b:s3+s6], $0x80, v3, vm0, $0xb8;
	[tilespmem:$0x19080] =	vst v63  }
0x54: {  	s26 =	simm.s32 $0x6880  }
0x55: {  	[tilespmem:s26], [sflag:$0x1] =	stream.indirect_vreg.gather [hbm4b:s10+s6], $0x80, v3, vm0, $0xb8;
	[tilespmem:$0x19080] =	vst v63  }
0x56: {  	v3 =	vld [tilespmem:$0x890];
	_ =	sdelay $0x4  }
0x57: {  	v4 =	vshll.u32 v3, $0x2  }
0x58: {  	v3 =	vand.u32 $0x7, v3;
	v4 =	vand.u32 $0xFFFFFFE0, v4  }
0x59: {  	v3 =	vor.u32 v3, v4  }
0x5a: {  	v4 =	vperm.xlane v3, v0;
	_ =	sdelay $0x1  }
0x5b: {  	v4 =	vadd.s32 v1, v4;
	_ =	sdelay $0x1  }
0x5c: {  	v3 =	vperm.xlane v3, v2;
	_ =	sdelay $0x1  }
0x5d: {  	s28 =	simm.s32 $0x7080;
	v3 =	vadd.s32 v1, v3  }
0x5e: {  	[tilespmem:s28], [sflag:$0x1] =	stream.indirect_vreg.gather [hbm4b:s3+s6], $0x80, v4, vm0, $0xb8;
	[tilespmem:$0x19080] =	vst v63  }
0x5f: {  	s29 =	simm.s32 $0x7880  }
0x60: {  	[tilespmem:s29], [sflag:$0x1] =	stream.indirect_vreg.gather [hbm4b:s10+s6], $0x80, v4, vm0, $0xb8;
	[tilespmem:$0x19080] =	vst v63  }
0x61: {  	s30 =	simm.s32 $0x8080  }
0x62: {  	[tilespmem:s30], [sflag:$0x1] =	stream.indirect_vreg.gather [hbm4b:s3+s6], $0x80, v3, vm0, $0xb8;
	[tilespmem:$0x19080] =	vst v63  }
0x63: {  	s31 =	simm.s32 $0x8880  }
0x64: {  	[tilespmem:s31], [sflag:$0x1] =	stream.indirect_vreg.gather [hbm4b:s10+s6], $0x80, v3, vm0, $0xb8;
	[tilespmem:$0x19080] =	vst v63  }
0x65: {  	v3 =	vld [tilespmem:$0xC80];
	_ =	sdelay $0x4  }
0x66: {  	v4 =	vshll.u32 v3, $0x2  }
0x67: {  	v3 =	vand.u32 $0x7, v3;
	v4 =	vand.u32 $0xFFFFFFE0, v4  }
0x68: {  	v3 =	vor.u32 v3, v4  }
0x69: {  	v4 =	vperm.xlane v3, v0;
	_ =	sdelay $0x1  }
0x6a: {  	v4 =	vadd.s32 v1, v4;
	_ =	sdelay $0x1  }
0x6b: {  	v3 =	vperm.xlane v3, v2;
	_ =	sdelay $0x1  }
0x6c: {  	s2 =	simm.s32 $0x9080;
	v3 =	vadd.s32 v1, v3  }
0x6d: {  	[tilespmem:s2], [sflag:$0x1] =	stream.indirect_vreg.gather [hbm4b:s4+s6], $0x80, v4, vm0, $0xb8;
	[tilespmem:$0x19080] =	vst v63  }
0x6e: {  	s24 =	simm.s32 $0x9880  }
0x6f: {  	[tilespmem:s24], [sflag:$0x1] =	stream.indirect_vreg.gather [hbm4b:s11+s6], $0x80, v4, vm0, $0xb8;
	[tilespmem:$0x19080] =	vst v63  }
0x70: {  	s25 =	simm.s32 $0xA080  }
0x71: {  	[tilespmem:s25], [sflag:$0x1] =	stream.indirect_vreg.gather [hbm4b:s4+s6], $0x80, v3, vm0, $0xb8;
	[tilespmem:$0x19080] =	vst v63  }
0x72: {  	s26 =	simm.s32 $0xA880  }
0x73: {  	[tilespmem:s26], [sflag:$0x1] =	stream.indirect_vreg.gather [hbm4b:s11+s6], $0x80, v3, vm0, $0xb8;
	[tilespmem:$0x19080] =	vst v63  }
0x74: {  	v3 =	vld [tilespmem:$0xC90];
	_ =	sdelay $0x4  }
0x75: {  	v4 =	vshll.u32 v3, $0x2  }
0x76: {  	v3 =	vand.u32 $0x7, v3;
	v4 =	vand.u32 $0xFFFFFFE0, v4  }
0x77: {  	v3 =	vor.u32 v3, v4  }
0x78: {  	v4 =	vperm.xlane v3, v0;
	_ =	sdelay $0x1  }
0x79: {  	v4 =	vadd.s32 v1, v4;
	_ =	sdelay $0x1  }
0x7a: {  	v3 =	vperm.xlane v3, v2;
	_ =	sdelay $0x1  }
0x7b: {  	s28 =	simm.s32 $0xB080;
	v3 =	vadd.s32 v1, v3  }
0x7c: {  	[tilespmem:s28], [sflag:$0x1] =	stream.indirect_vreg.gather [hbm4b:s4+s6], $0x80, v4, vm0, $0xb8;
	[tilespmem:$0x19080] =	vst v63  }
0x7d: {  	s29 =	simm.s32 $0xB880  }
0x7e: {  	[tilespmem:s29], [sflag:$0x1] =	stream.indirect_vreg.gather [hbm4b:s11+s6], $0x80, v4, vm0, $0xb8;
	[tilespmem:$0x19080] =	vst v63  }
0x7f: {  	s30 =	simm.s32 $0xC080  }
0x80: {  	[tilespmem:s30], [sflag:$0x1] =	stream.indirect_vreg.gather [hbm4b:s4+s6], $0x80, v3, vm0, $0xb8;
	[tilespmem:$0x19080] =	vst v63  }
0x81: {  	s31 =	simm.s32 $0xC880;
	s24 =	simm.s32 $0x0  }
0x82: {  	[tilespmem:s31], [sflag:$0x1] =	stream.indirect_vreg.gather [hbm4b:s11+s6], $0x80, v3, vm0, $0xb8;
	[tilespmem:$0x19080] =	vst v63  }
0x83: {  	v4 =	vld [tilespmem:s24+$0x24]  }
0x84: {  	v12 =	vld [tilespmem:s24+$0x23]  }
0x85: {  	v7 =	vld [tilespmem:s24+$0x22]  }
0x86: {  	v3 =	vld [tilespmem:s24+$0x21];
	_ =	sdelay $0x1  }
0x87: {  	v6 =	vmul.u32 $0xC31, v4;
	v8 =	vmul.u32 $0x7F57, v4  }
0x88: {  	s25 =	simm.s32 $0x10;
	v5 =	vld [tilespmem:s24+$0x20];
	v9 =	vmul.u32 $0xC31, v12;
	v10 =	vmul.u32 $0x2161, v4;
	v11 =	vmul.u32 $0x7F57, v12  }
0x89: {  	s26 =	simm.s32 $0x80;
	v4 =	vld [tilespmem:s25+$0x24];
	v12 =	vmul.u32 $0x4A07, v12;
	v14 =	vmul.u32 $0x4A07, v7;
	v13 =	vmul.u32 $0xC31, v7  }
.LBB2_2:
0x8a: {  	p0 =	sne.s32 s26, $0xF40;
	v15 =	vld [tilespmem:s25+$0x23];
	v8 =	vadd.s32 v8, v9;
	v9 =	vadd.s32 v10, v11;
	v10 =	vmul.u32 $0x4A07, v3  }
0x8b: {  	v16 =	vld [tilespmem:s25+$0x22];
	v6 =	vadd.s32 v6, v12;
	v8 =	vadd.s32 v14, v8;
	v9 =	vadd.s32 v13, v9  }
.Ltmp0:
0x8c: {  	v6 =	vadd.s32 v7, v6;
	v7 =	vadd.s32 v3, v8;
	v3 =	vld [tilespmem:s25+$0x21];
	v8 =	vadd.s32 v10, v9;
	(pc) =	sbr.rel @p0 .LBB2_2-.Ltmp0, $4  }
0x8d: {  	v5 =	vadd.s32 v5, v8;
	v17 =	vand.u32 $0x7FFF, v6;
	v7 =	vand.u32 $0x7FFF, v7  }
0x8e: {  	v6 =	vmul.u32 $0xC31, v4;
	v8 =	vmul.u32 $0x7F57, v4;
	[tilespmem:s24+$0x8A0] =	vst v7;
	v18 =	vand.u32 $0x7FFF, v5  }
0x8f: {  	s28 =	sshra.s32 s26, $0x2;
	v10 =	vmul.u32 $0x2161, v4;
	v5 =	vld [tilespmem:s25+$0x20];
	v9 =	vmul.u32 $0xC31, v15;
	v11 =	vmul.u32 $0x7F57, v15;
	[tilespmem:s24+$0xCA0] =	vst v18  }
0x90: {  	s26 =	sadd.s32 $0x40, s26;
	v12 =	vmul.u32 $0x4A07, v15;
	v4 =	vld [tilespmem:s28+$0x24];
	v14 =	vmul.u32 $0x4A07, v16;
	v13 =	vmul.u32 $0xC31, v16;
	[tilespmem:s24+$0x4A0] =	vst v17;
	v7 =	vmovc v16;
	s24 =	smov.u32 s25;
	s25 =	smov.u32 s28  }
0x91: {  	v15 =	vld [tilespmem:s25+$0x23];
	v8 =	vadd.s32 v8, v9  }
0x92: {  	v45 =	vadd.s32 v10, v11;
	v46 =	vmul.u32 $0x4A07, v3;
	v47 =	vld [tilespmem:s25+$0x22];
	v8 =	vadd.s32 v14, v8  }
0x93: {  	v48 =	vld [tilespmem:s25+$0x21];
	v6 =	vadd.s32 v6, v12;
	v9 =	vadd.s32 v13, v45;
	v3 =	vadd.s32 v3, v8  }
0x94: {  	v6 =	vadd.s32 v7, v6;
	v49 =	vadd.s32 v46, v9;
	v3 =	vand.u32 $0x7FFF, v3  }
0x95: {  	v5 =	vadd.s32 v5, v49;
	v6 =	vand.u32 $0x7FFF, v6;
	v50 =	vmul.u32 $0xC31, v4  }
0x96: {  	v51 =	vmul.u32 $0x7F57, v4;
	[tilespmem:s24+$0x8A0] =	vst v3;
	v53 =	vmul.u32 $0x2161, v4;
	v5 =	vand.u32 $0x7FFF, v5  }
0x97: {  	v3 =	vld [tilespmem:s25+$0x20];
	v52 =	vmul.u32 $0xC31, v15;
	v54 =	vmul.u32 $0x7F57, v15;
	v58 =	vmul.u32 $0x4A07, v15  }
0x98: {  	v55 =	vmul.u32 $0x4A07, v47;
	v56 =	vmul.u32 $0xC31, v47;
	v57 =	vmul.u32 $0x4A07, v48  }
0x99: {  	v8 =	vadd.s32 v51, v52;
	v4 =	vadd.s32 v53, v54;
	v60 =	vadd.s32 v50, v58  }
0x9a: {  	[tilespmem:s24+$0xCA0] =	vst v5;
	v8 =	vadd.s32 v55, v8;
	v4 =	vadd.s32 v56, v4;
	v62 =	vadd.s32 v47, v60  }
0x9b: {  	[tilespmem:s24+$0x4A0] =	vst v6;
	v59 =	vadd.s32 v48, v8;
	v4 =	vadd.s32 v57, v4;
	v63 =	vand.u32 $0x7FFF, v62  }
0x9c: {  	v3 =	vadd.s32 v3, v4;
	v61 =	vand.u32 $0x7FFF, v59;
	[tilespmem:s25+$0x4A0] =	vst v63  }
0x9d: {  	[tilespmem:s25+$0x8A0] =	vst v61;
	v3 =	vand.u32 $0x7FFF, v3  }
0x9e: {  	s24 =	simm.s32 $0x0;
	[tilespmem:s25+$0xCA0] =	vst v3;
	s25 =	simm.s32 $0x0  }
.LBB2_4:
0x9f: {  	p0 =	seq.s32 s25, $0x0  }
0xa0: {  	s29 =	simm.s32 @!p0 $0x4  }
0xa1: {  	_ =	swait.ge @!p0 [sflag:s29], $0x4000  }
0xa2: {  	s28 =	sshll.u32 s25, $0x6;
	[sflag:s29] =	ssyncset.done @!p0 $0x0  }
0xa3: {  	s26 =	sor.u32 $0x20, s28;
	[sflag:s29] =	ssyncadd.s32 @!p0 $0xFFFFC000  }
0xa4: {  	v3 =	vld [tilespmem:s26+$0x480];
	_ =	sdelay $0x4  }
0xa5: {  	v4 =	vshll.u32 v3, $0x2  }
0xa6: {  	v3 =	vand.u32 $0x7, v3;
	v4 =	vand.u32 $0xFFFFFFE0, v4  }
0xa7: {  	v3 =	vor.u32 v3, v4  }
0xa8: {  	v4 =	vperm.xlane v3, v0;
	_ =	sdelay $0x1  }
0xa9: {  	v4 =	vadd.s32 v1, v4;
	_ =	sdelay $0x1  }
0xaa: {  	v3 =	vperm.xlane v3, v2;
	_ =	sdelay $0x1  }
0xab: {  	v3 =	vadd.s32 v1, v3  }
0xac: {  	[tilespmem:s17], [sflag:$0x2] =	stream.indirect_vreg.gather [hbm4b:s1+s24], $0x80, v4, vm0, $0xb8;
	[tilespmem:$0x19080] =	vst v63  }
0xad: {  	s0 =	simm.s32 $0xD880  }
0xae: {  	[tilespmem:s0], [sflag:$0x2] =	stream.indirect_vreg.gather [hbm4b:s9+s24], $0x80, v4, vm0, $0xb8;
	[tilespmem:$0x19080] =	vst v63  }
0xaf: {  	s2 =	simm.s32 $0xE080  }
0xb0: {  	[tilespmem:s2], [sflag:$0x2] =	stream.indirect_vreg.gather [hbm4b:s1+s24], $0x80, v3, vm0, $0xb8;
	[tilespmem:$0x19080] =	vst v63  }
0xb1: {  	s2 =	simm.s32 $0xE880  }
0xb2: {  	[tilespmem:s2], [sflag:$0x2] =	stream.indirect_vreg.gather [hbm4b:s9+s24], $0x80, v3, vm0, $0xb8;
	[tilespmem:$0x19080] =	vst v63  }
0xb3: {  	v3 =	vld [tilespmem:s26+$0x490];
	_ =	sdelay $0x4  }
0xb4: {  	v59 =	vshll.u32 v3, $0x2  }
0xb5: {  	v3 =	vand.u32 $0x7, v3;
	v4 =	vand.u32 $0xFFFFFFE0, v59  }
0xb6: {  	v3 =	vor.u32 v3, v4  }
0xb7: {  	v4 =	vperm.xlane v3, v0;
	_ =	sdelay $0x1  }
0xb8: {  	v4 =	vadd.s32 v1, v4;
	_ =	sdelay $0x1  }
0xb9: {  	v3 =	vperm.xlane v3, v2;
	_ =	sdelay $0x1  }
0xba: {  	s2 =	simm.s32 $0xF080;
	v3 =	vadd.s32 v1, v3  }
0xbb: {  	[tilespmem:s2], [sflag:$0x2] =	stream.indirect_vreg.gather [hbm4b:s1+s24], $0x80, v4, vm0, $0xb8;
	[tilespmem:$0x19080] =	vst v63  }
0xbc: {  	s2 =	simm.s32 $0xF880  }
0xbd: {  	[tilespmem:s2], [sflag:$0x2] =	stream.indirect_vreg.gather [hbm4b:s9+s24], $0x80, v4, vm0, $0xb8;
	[tilespmem:$0x19080] =	vst v63  }
0xbe: {  	s2 =	simm.s32 $0x10080  }
0xbf: {  	[tilespmem:s2], [sflag:$0x2] =	stream.indirect_vreg.gather [hbm4b:s1+s24], $0x80, v3, vm0, $0xb8;
	[tilespmem:$0x19080] =	vst v63  }
0xc0: {  	s2 =	simm.s32 $0x10880  }
0xc1: {  	[tilespmem:s2], [sflag:$0x2] =	stream.indirect_vreg.gather [hbm4b:s9+s24], $0x80, v3, vm0, $0xb8;
	[tilespmem:$0x19080] =	vst v63  }
0xc2: {  	v3 =	vld [tilespmem:s26+$0x880];
	_ =	sdelay $0x4  }
0xc3: {  	v60 =	vshll.u32 v3, $0x2  }
0xc4: {  	v3 =	vand.u32 $0x7, v3;
	v4 =	vand.u32 $0xFFFFFFE0, v60  }
0xc5: {  	v3 =	vor.u32 v3, v4  }
0xc6: {  	v4 =	vperm.xlane v3, v0;
	_ =	sdelay $0x1  }
0xc7: {  	v4 =	vadd.s32 v1, v4;
	_ =	sdelay $0x1  }
0xc8: {  	v3 =	vperm.xlane v3, v2;
	_ =	sdelay $0x1  }
0xc9: {  	s2 =	simm.s32 $0x11080;
	v3 =	vadd.s32 v1, v3  }
0xca: {  	[tilespmem:s2], [sflag:$0x2] =	stream.indirect_vreg.gather [hbm4b:s3+s24], $0x80, v4, vm0, $0xb8;
	[tilespmem:$0x19080] =	vst v63  }
0xcb: {  	s2 =	simm.s32 $0x11880  }
0xcc: {  	[tilespmem:s2], [sflag:$0x2] =	stream.indirect_vreg.gather [hbm4b:s10+s24], $0x80, v4, vm0, $0xb8;
	[tilespmem:$0x19080] =	vst v63  }
0xcd: {  	s2 =	simm.s32 $0x12080  }
0xce: {  	[tilespmem:s2], [sflag:$0x2] =	stream.indirect_vreg.gather [hbm4b:s3+s24], $0x80, v3, vm0, $0xb8;
	[tilespmem:$0x19080] =	vst v63  }
0xcf: {  	s2 =	simm.s32 $0x12880  }
0xd0: {  	[tilespmem:s2], [sflag:$0x2] =	stream.indirect_vreg.gather [hbm4b:s10+s24], $0x80, v3, vm0, $0xb8;
	[tilespmem:$0x19080] =	vst v63  }
0xd1: {  	v3 =	vld [tilespmem:s26+$0x890];
	_ =	sdelay $0x4  }
0xd2: {  	v61 =	vshll.u32 v3, $0x2  }
0xd3: {  	v3 =	vand.u32 $0x7, v3;
	v4 =	vand.u32 $0xFFFFFFE0, v61  }
0xd4: {  	v3 =	vor.u32 v3, v4  }
0xd5: {  	v4 =	vperm.xlane v3, v0;
	_ =	sdelay $0x1  }
0xd6: {  	v4 =	vadd.s32 v1, v4;
	_ =	sdelay $0x1  }
0xd7: {  	v3 =	vperm.xlane v3, v2;
	_ =	sdelay $0x1  }
0xd8: {  	s2 =	simm.s32 $0x13080;
	v3 =	vadd.s32 v1, v3  }
0xd9: {  	[tilespmem:s2], [sflag:$0x2] =	stream.indirect_vreg.gather [hbm4b:s3+s24], $0x80, v4, vm0, $0xb8;
	[tilespmem:$0x19080] =	vst v63  }
0xda: {  	s2 =	simm.s32 $0x13880  }
0xdb: {  	[tilespmem:s2], [sflag:$0x2] =	stream.indirect_vreg.gather [hbm4b:s10+s24], $0x80, v4, vm0, $0xb8;
	[tilespmem:$0x19080] =	vst v63  }
0xdc: {  	s2 =	simm.s32 $0x14080  }
0xdd: {  	[tilespmem:s2], [sflag:$0x2] =	stream.indirect_vreg.gather [hbm4b:s3+s24], $0x80, v3, vm0, $0xb8;
	[tilespmem:$0x19080] =	vst v63  }
0xde: {  	s2 =	simm.s32 $0x14880  }
0xdf: {  	[tilespmem:s2], [sflag:$0x2] =	stream.indirect_vreg.gather [hbm4b:s10+s24], $0x80, v3, vm0, $0xb8;
	[tilespmem:$0x19080] =	vst v63  }
0xe0: {  	v3 =	vld [tilespmem:s26+$0xC80];
	_ =	sdelay $0x4  }
0xe1: {  	v62 =	vshll.u32 v3, $0x2  }
0xe2: {  	v3 =	vand.u32 $0x7, v3;
	v4 =	vand.u32 $0xFFFFFFE0, v62  }
0xe3: {  	v3 =	vor.u32 v3, v4  }
0xe4: {  	v4 =	vperm.xlane v3, v0;
	_ =	sdelay $0x1  }
0xe5: {  	v4 =	vadd.s32 v1, v4;
	_ =	sdelay $0x1  }
0xe6: {  	v3 =	vperm.xlane v3, v2;
	_ =	sdelay $0x1  }
0xe7: {  	v3 =	vadd.s32 v1, v3  }
0xe8: {  	[tilespmem:s7], [sflag:$0x2] =	stream.indirect_vreg.gather [hbm4b:s4+s24], $0x80, v4, vm0, $0xb8;
	[tilespmem:$0x19080] =	vst v63  }
0xe9: {  	_ = 	snop  }
0xea: {  	[tilespmem:s12], [sflag:$0x2] =	stream.indirect_vreg.gather [hbm4b:s11+s24], $0x80, v4, vm0, $0xb8;
	[tilespmem:$0x19080] =	vst v63  }
0xeb: {  	_ = 	snop  }
0xec: {  	[tilespmem:s13], [sflag:$0x2] =	stream.indirect_vreg.gather [hbm4b:s4+s24], $0x80, v3, vm0, $0xb8;
	[tilespmem:$0x19080] =	vst v63  }
0xed: {  	_ = 	snop  }
0xee: {  	[tilespmem:s15], [sflag:$0x2] =	stream.indirect_vreg.gather [hbm4b:s11+s24], $0x80, v3, vm0, $0xb8;
	[tilespmem:$0x19080] =	vst v63  }
0xef: {  	v3 =	vld [tilespmem:s26+$0xC90];
	_ =	sdelay $0x4  }
0xf0: {  	v63 =	vshll.u32 v3, $0x2  }
0xf1: {  	v3 =	vand.u32 $0x7, v3;
	v4 =	vand.u32 $0xFFFFFFE0, v63  }
0xf2: {  	v3 =	vor.u32 v3, v4  }
0xf3: {  	v4 =	vperm.xlane v3, v0;
	_ =	sdelay $0x1  }
0xf4: {  	v4 =	vadd.s32 v1, v4;
	_ =	sdelay $0x1  }
0xf5: {  	v3 =	vperm.xlane v3, v2;
	_ =	sdelay $0x1  }
0xf6: {  	v3 =	vadd.s32 v1, v3  }
0xf7: {  	[tilespmem:s16], [sflag:$0x2] =	stream.indirect_vreg.gather [hbm4b:s4+s24], $0x80, v4, vm0, $0xb8;
	[tilespmem:$0x19080] =	vst v63  }
0xf8: {  	_ = 	snop  }
0xf9: {  	[tilespmem:s18], [sflag:$0x2] =	stream.indirect_vreg.gather [hbm4b:s11+s24], $0x80, v4, vm0, $0xb8;
	[tilespmem:$0x19080] =	vst v63  }
0xfa: {  	_ = 	snop  }
0xfb: {  	[tilespmem:s19], [sflag:$0x2] =	stream.indirect_vreg.gather [hbm4b:s4+s24], $0x80, v3, vm0, $0xb8;
	[tilespmem:$0x19080] =	vst v63  }
0xfc: {  	_ = 	snop  }
0xfd: {  	[tilespmem:s20], [sflag:$0x2] =	stream.indirect_vreg.gather [hbm4b:s11+s24], $0x80, v3, vm0, $0xb8;
	[tilespmem:$0x19080] =	vst v63  }
0xfe: {  	_ =	swait.ge [sflag:s21], $0x4000  }
0xff: {  	[sflag:s21] =	ssyncset.done $0x0  }
0x100: {  	[sflag:s21] =	ssyncadd.s32 $0xFFFFC000  }
0x101: {  	_ =	swait.ge [sflag:s21], $0x4000  }
0x102: {  	[sflag:s21] =	ssyncset.done $0x0  }
0x103: {  	[sflag:s21] =	ssyncadd.s32 $0xFFFFC000  }
0x104: {  	s30 =	sand.u32 $0x380, s24;
	_ =	swait.ge [sflag:s21], $0x4000  }
0x105: {  	s31 =	simm.s32 $0x0;
	s29 =	sand.u32 $0x3000, s24;
	[sflag:s21] =	ssyncset.done $0x0  }
0x106: {  	s29 =	sor.u32 s30, s29;
	s30 =	simm.s32 $0x200;
	[sflag:s21] =	ssyncadd.s32 $0xFFFFC000  }
.LBB2_5:
0x107: {  	p0 =	sne.s32 s30, $0x3E00;
	v3 =	vld [tilespmem:s29+$0x5CF0]  }
0x108: {  	v4 =	vld [tilespmem:s29+$0x9CF0]  }
0x109: {  	v5 =	vld [tilespmem:s29+$0x5080]  }
0x10a: {  	v6 =	vld [tilespmem:s29+$0x9080]  }
0x10b: {  	v7 =	vld [tilespmem:s29+$0x5090]  }
0x10c: {  	v8 =	vld [tilespmem:s29+$0x9090]  }
0x10d: {  	v9 =	vld [tilespmem:s29+$0x50A0];
	v4 =	vadd.f32 v4, v3  }
0x10e: {  	v10 =	vld [tilespmem:s29+$0x90A0]  }
0x10f: {  	v3 =	vadd.f32 v6, v5;
	[tilespmem:s29+$0x1CF0] =	vst.add.f32.msk $0xffff, v4  }
0x110: {  	v6 =	vld [tilespmem:s29+$0x50B0]  }
0x111: {  	v4 =	vadd.f32 v8, v7;
	v7 =	vld [tilespmem:s29+$0x90B0]  }
0x112: {  	v8 =	vld [tilespmem:s29+$0x50C0]  }
0x113: {  	v5 =	vadd.f32 v10, v9;
	v9 =	vld [tilespmem:s29+$0x90C0]  }
0x114: {  	v10 =	vld [tilespmem:s29+$0x50D0]  }
0x115: {  	v11 =	vld [tilespmem:s29+$0x90D0]  }
0x116: {  	v6 =	vadd.f32 v7, v6;
	v12 =	vld [tilespmem:s29+$0x50E0]  }
0x117: {  	v13 =	vld [tilespmem:s29+$0x90E0]  }
0x118: {  	v7 =	vadd.f32 v9, v8;
	v8 =	vld [tilespmem:s29+$0x50F0]  }
0x119: {  	v9 =	vld [tilespmem:s29+$0x90F0]  }
0x11a: {  	v10 =	vadd.f32 v11, v10;
	v11 =	vld [tilespmem:s29+$0x5480]  }
0x11b: {  	v14 =	vld [tilespmem:s29+$0x9480]  }
0x11c: {  	v12 =	vadd.f32 v13, v12;
	v13 =	vld [tilespmem:s29+$0x5490]  }
0x11d: {  	v15 =	vld [tilespmem:s29+$0x9490]  }
0x11e: {  	v8 =	vadd.f32 v9, v8;
	v9 =	vld [tilespmem:s29+$0x54A0]  }
0x11f: {  	v16 =	vld [tilespmem:s29+$0x94A0]  }
0x120: {  	v11 =	vadd.f32 v14, v11;
	v14 =	vld [tilespmem:s29+$0x54B0]  }
0x121: {  	v17 =	vld [tilespmem:s29+$0x94B0]  }
0x122: {  	v13 =	vadd.f32 v15, v13;
	v15 =	vld [tilespmem:s29+$0x54C0]  }
0x123: {  	v18 =	vld [tilespmem:s29+$0x94C0]  }
0x124: {  	v9 =	vadd.f32 v16, v9;
	v16 =	vld [tilespmem:s29+$0x54D0]  }
0x125: {  	v19 =	vld [tilespmem:s29+$0x94D0]  }
0x126: {  	v14 =	vadd.f32 v17, v14;
	v17 =	vld [tilespmem:s29+$0x54E0]  }
0x127: {  	v20 =	vld [tilespmem:s29+$0x94E0]  }
0x128: {  	v15 =	vadd.f32 v18, v15;
	v18 =	vld [tilespmem:s29+$0x54F0]  }
0x129: {  	v21 =	vld [tilespmem:s29+$0x94F0]  }
0x12a: {  	v16 =	vadd.f32 v19, v16;
	v19 =	vld [tilespmem:s29+$0x5880]  }
0x12b: {  	v22 =	vld [tilespmem:s29+$0x9880]  }
0x12c: {  	v17 =	vadd.f32 v20, v17;
	v20 =	vld [tilespmem:s29+$0x5890]  }
0x12d: {  	v23 =	vld [tilespmem:s29+$0x9890]  }
0x12e: {  	v18 =	vadd.f32 v21, v18;
	v21 =	vld [tilespmem:s29+$0x58A0]  }
0x12f: {  	v24 =	vld [tilespmem:s29+$0x98A0]  }
0x130: {  	v19 =	vadd.f32 v22, v19;
	v22 =	vld [tilespmem:s29+$0x58B0]  }
0x131: {  	v25 =	vld [tilespmem:s29+$0x98B0]  }
0x132: {  	v20 =	vadd.f32 v23, v20;
	v23 =	vld [tilespmem:s29+$0x58C0]  }
0x133: {  	v26 =	vld [tilespmem:s29+$0x98C0]  }
0x134: {  	v21 =	vadd.f32 v24, v21;
	v24 =	vld [tilespmem:s29+$0x58D0]  }
0x135: {  	v27 =	vld [tilespmem:s29+$0x98D0]  }
0x136: {  	v22 =	vadd.f32 v25, v22;
	v25 =	vld [tilespmem:s29+$0x58E0]  }
0x137: {  	v28 =	vld [tilespmem:s29+$0x98E0]  }
0x138: {  	v23 =	vadd.f32 v26, v23;
	v26 =	vld [tilespmem:s29+$0x58F0]  }
0x139: {  	v29 =	vld [tilespmem:s29+$0x98F0]  }
0x13a: {  	v24 =	vadd.f32 v27, v24;
	v27 =	vld [tilespmem:s29+$0x5C80]  }
0x13b: {  	v30 =	vld [tilespmem:s29+$0x9C80]  }
0x13c: {  	v25 =	vadd.f32 v28, v25;
	v28 =	vld [tilespmem:s29+$0x5C90]  }
0x13d: {  	v31 =	vld [tilespmem:s29+$0x9C90]  }
0x13e: {  	v26 =	vadd.f32 v29, v26;
	v29 =	vld [tilespmem:s29+$0x5CA0]  }
0x13f: {  	v32 =	vld [tilespmem:s29+$0x9CA0]  }
0x140: {  	v27 =	vadd.f32 v30, v27;
	v30 =	vld [tilespmem:s29+$0x5CB0]  }
0x141: {  	v33 =	vld [tilespmem:s29+$0x9CB0]  }
0x142: {  	v28 =	vadd.f32 v31, v28;
	v31 =	vld [tilespmem:s29+$0x5CC0]  }
0x143: {  	v34 =	vld [tilespmem:s29+$0x9CC0]  }
0x144: {  	v29 =	vadd.f32 v32, v29;
	v32 =	vld [tilespmem:s29+$0x5CD0]  }
0x145: {  	v35 =	vld [tilespmem:s29+$0x9CD0]  }
0x146: {  	v30 =	vadd.f32 v33, v30;
	v33 =	vld [tilespmem:s29+$0x5CE0]  }
0x147: {  	v36 =	vld [tilespmem:s29+$0x9CE0]  }
0x148: {  	[tilespmem:s29+$0x1080] =	vst.add.f32.msk $0xffff, v3;
	v3 =	vadd.f32 v34, v31  }
0x149: {  	[tilespmem:s29+$0x1090] =	vst.add.f32.msk $0xffff, v4  }
0x14a: {  	[tilespmem:s29+$0x10A0] =	vst.add.f32.msk $0xffff, v5;
	v4 =	vadd.f32 v35, v32  }
0x14b: {  	[tilespmem:s29+$0x10B0] =	vst.add.f32.msk $0xffff, v6  }
0x14c: {  	[tilespmem:s29+$0x10C0] =	vst.add.f32.msk $0xffff, v7;
	v5 =	vadd.f32 v36, v33  }
0x14d: {  	[tilespmem:s29+$0x10D0] =	vst.add.f32.msk $0xffff, v10  }
0x14e: {  	[tilespmem:s29+$0x10E0] =	vst.add.f32.msk $0xffff, v12  }
0x14f: {  	[tilespmem:s29+$0x10F0] =	vst.add.f32.msk $0xffff, v8  }
0x150: {  	[tilespmem:s29+$0x1480] =	vst.add.f32.msk $0xffff, v11  }
0x151: {  	[tilespmem:s29+$0x1490] =	vst.add.f32.msk $0xffff, v13  }
0x152: {  	[tilespmem:s29+$0x14A0] =	vst.add.f32.msk $0xffff, v9  }
0x153: {  	[tilespmem:s29+$0x14B0] =	vst.add.f32.msk $0xffff, v14  }
0x154: {  	[tilespmem:s29+$0x14C0] =	vst.add.f32.msk $0xffff, v15  }
0x155: {  	[tilespmem:s29+$0x14D0] =	vst.add.f32.msk $0xffff, v16  }
0x156: {  	[tilespmem:s29+$0x14E0] =	vst.add.f32.msk $0xffff, v17  }
0x157: {  	[tilespmem:s29+$0x14F0] =	vst.add.f32.msk $0xffff, v18  }
0x158: {  	[tilespmem:s29+$0x1880] =	vst.add.f32.msk $0xffff, v19  }
0x159: {  	[tilespmem:s29+$0x1890] =	vst.add.f32.msk $0xffff, v20  }
0x15a: {  	[tilespmem:s29+$0x18A0] =	vst.add.f32.msk $0xffff, v21  }
0x15b: {  	[tilespmem:s29+$0x18B0] =	vst.add.f32.msk $0xffff, v22  }
0x15c: {  	[tilespmem:s29+$0x18C0] =	vst.add.f32.msk $0xffff, v23  }
0x15d: {  	[tilespmem:s29+$0x18D0] =	vst.add.f32.msk $0xffff, v24  }
0x15e: {  	[tilespmem:s29+$0x18E0] =	vst.add.f32.msk $0xffff, v25  }
0x15f: {  	[tilespmem:s29+$0x18F0] =	vst.add.f32.msk $0xffff, v26  }
0x160: {  	[tilespmem:s29+$0x1C80] =	vst.add.f32.msk $0xffff, v27  }
0x161: {  	[tilespmem:s29+$0x1C90] =	vst.add.f32.msk $0xffff, v28  }
.Ltmp1:
0x162: {  	[tilespmem:s29+$0x1CA0] =	vst.add.f32.msk $0xffff, v29;
	(pc) =	sbr.rel @p0 .LBB2_5-.Ltmp1, $4  }
0x163: {  	[tilespmem:s29+$0x1CB0] =	vst.add.f32.msk $0xffff, v30  }
0x164: {  	s31 =	sadd.s32 $0x80, s31;
	[tilespmem:s29+$0x1CC0] =	vst.add.f32.msk $0xffff, v3  }
0x165: {  	s0 =	sand.u32 $0x3000, s30;
	s2 =	sand.u32 $0x380, s31;
	[tilespmem:s29+$0x1CD0] =	vst.add.f32.msk $0xffff, v4  }
0x166: {  	s30 =	sadd.s32 $0x200, s30;
	[tilespmem:s29+$0x1CE0] =	vst.add.f32.msk $0xffff, v5;
	s29 =	sor.u32 s2, s0  }
0x167: {  	v3 =	vld [tilespmem:s29+$0x5CF0]  }
0x168: {  	v4 =	vld [tilespmem:s29+$0x9CF0]  }
0x169: {  	v5 =	vld [tilespmem:s29+$0x5080]  }
0x16a: {  	v6 =	vld [tilespmem:s29+$0x9080]  }
0x16b: {  	v7 =	vld [tilespmem:s29+$0x5090]  }
0x16c: {  	v8 =	vld [tilespmem:s29+$0x9090]  }
0x16d: {  	v9 =	vld [tilespmem:s29+$0x50A0]  }
0x16e: {  	v10 =	vld [tilespmem:s29+$0x90B0]  }
0x16f: {  	v11 =	vld [tilespmem:s29+$0x50C0]  }
0x170: {  	v12 =	vld [tilespmem:s29+$0x90C0]  }
0x171: {  	v13 =	vld [tilespmem:s29+$0x50D0]  }
0x172: {  	v14 =	vld [tilespmem:s29+$0x90D0]  }
0x173: {  	v15 =	vld [tilespmem:s29+$0x50E0]  }
0x174: {  	v16 =	vld [tilespmem:s29+$0x90E0]  }
0x175: {  	v17 =	vld [tilespmem:s29+$0x50F0]  }
0x176: {  	v18 =	vld [tilespmem:s29+$0x90F0]  }
0x177: {  	v19 =	vld [tilespmem:s29+$0x5480]  }
0x178: {  	v20 =	vld [tilespmem:s29+$0x9480]  }
0x179: {  	v21 =	vld [tilespmem:s29+$0x5490]  }
0x17a: {  	v22 =	vld [tilespmem:s29+$0x9490]  }
0x17b: {  	v23 =	vld [tilespmem:s29+$0x54A0]  }
0x17c: {  	v24 =	vld [tilespmem:s29+$0x94A0]  }
0x17d: {  	v25 =	vld [tilespmem:s29+$0x54B0]  }
0x17e: {  	v26 =	vld [tilespmem:s29+$0x94B0]  }
0x17f: {  	v27 =	vld [tilespmem:s29+$0x54C0]  }
0x180: {  	v28 =	vld [tilespmem:s29+$0x94C0]  }
0x181: {  	v29 =	vld [tilespmem:s29+$0x54D0]  }
0x182: {  	v30 =	vld [tilespmem:s29+$0x94D0]  }
0x183: {  	v31 =	vld [tilespmem:s29+$0x54E0]  }
0x184: {  	v32 =	vld [tilespmem:s29+$0x94E0]  }
0x185: {  	v33 =	vld [tilespmem:s29+$0x54F0]  }
0x186: {  	v34 =	vld [tilespmem:s29+$0x94F0]  }
0x187: {  	v35 =	vld [tilespmem:s29+$0x5880]  }
0x188: {  	v36 =	vld [tilespmem:s29+$0x9880]  }
0x189: {  	v37 =	vld [tilespmem:s29+$0x5890]  }
0x18a: {  	v38 =	vld [tilespmem:s29+$0x9890]  }
0x18b: {  	v39 =	vld [tilespmem:s29+$0x58A0]  }
0x18c: {  	v40 =	vld [tilespmem:s29+$0x98A0]  }
0x18d: {  	v41 =	vld [tilespmem:s29+$0x58B0]  }
0x18e: {  	v42 =	vld [tilespmem:s29+$0x98B0]  }
0x18f: {  	v43 =	vld [tilespmem:s29+$0x58C0]  }
0x190: {  	v44 =	vld [tilespmem:s29+$0x98C0]  }
0x191: {  	v45 =	vld [tilespmem:s29+$0x58D0]  }
0x192: {  	v46 =	vld [tilespmem:s29+$0x98D0]  }
0x193: {  	v47 =	vld [tilespmem:s29+$0x58E0]  }
0x194: {  	v48 =	vld [tilespmem:s29+$0x98E0]  }
0x195: {  	v49 =	vld [tilespmem:s29+$0x58F0]  }
0x196: {  	v50 =	vld [tilespmem:s29+$0x98F0]  }
0x197: {  	v51 =	vld [tilespmem:s29+$0x5C80]  }
0x198: {  	v52 =	vld [tilespmem:s29+$0x9C80]  }
0x199: {  	v53 =	vld [tilespmem:s29+$0x5C90]  }
0x19a: {  	v54 =	vld [tilespmem:s29+$0x9C90]  }
0x19b: {  	v55 =	vld [tilespmem:s29+$0x5CA0]  }
0x19c: {  	v56 =	vld [tilespmem:s29+$0x9CA0]  }
0x19d: {  	v57 =	vld [tilespmem:s29+$0x5CB0]  }
0x19e: {  	v58 =	vld [tilespmem:s29+$0x9CB0]  }
0x19f: {  	v59 =	vld [tilespmem:s29+$0x5CC0]  }
0x1a0: {  	v60 =	vld [tilespmem:s29+$0x9CC0]  }
0x1a1: {  	v61 =	vld [tilespmem:s29+$0x5CD0]  }
0x1a2: {  	v62 =	vld [tilespmem:s29+$0x9CD0]  }
0x1a3: {  	v3 =	vadd.f32 v4, v3;
	v4 =	vld [tilespmem:s29+$0x90A0]  }
0x1a4: {  	v5 =	vadd.f32 v6, v5;
	v6 =	vld [tilespmem:s29+$0x5CE0]  }
0x1a5: {  	v7 =	vadd.f32 v8, v7;
	v8 =	vld [tilespmem:s29+$0x9CE0]  }
0x1a6: {  	[tilespmem:s29+$0x1CF0] =	vst.add.f32.msk $0xffff, v3  }
0x1a7: {  	v3 =	vld [tilespmem:s29+$0x50B0]  }
0x1a8: {  	v12 =	vadd.f32 v12, v11;
	[tilespmem:s29+$0x1080] =	vst.add.f32.msk $0xffff, v5  }
0x1a9: {  	v14 =	vadd.f32 v14, v13;
	[tilespmem:s29+$0x1090] =	vst.add.f32.msk $0xffff, v7  }
0x1aa: {  	v18 =	vadd.f32 v18, v17;
	[tilespmem:s29+$0x10C0] =	vst.add.f32.msk $0xffff, v12  }
0x1ab: {  	v20 =	vadd.f32 v20, v19;
	[tilespmem:s29+$0x10D0] =	vst.add.f32.msk $0xffff, v14  }
0x1ac: {  	v24 =	vadd.f32 v24, v23;
	[tilespmem:s29+$0x10F0] =	vst.add.f32.msk $0xffff, v18  }
0x1ad: {  	v26 =	vadd.f32 v26, v25;
	[tilespmem:s29+$0x1480] =	vst.add.f32.msk $0xffff, v20  }
0x1ae: {  	v30 =	vadd.f32 v30, v29;
	[tilespmem:s29+$0x14A0] =	vst.add.f32.msk $0xffff, v24  }
0x1af: {  	v32 =	vadd.f32 v32, v31;
	[tilespmem:s29+$0x14B0] =	vst.add.f32.msk $0xffff, v26  }
0x1b0: {  	v36 =	vadd.f32 v36, v35;
	[tilespmem:s29+$0x14D0] =	vst.add.f32.msk $0xffff, v30  }
0x1b1: {  	v38 =	vadd.f32 v38, v37;
	[tilespmem:s29+$0x14E0] =	vst.add.f32.msk $0xffff, v32  }
0x1b2: {  	[tilespmem:s29+$0x1880] =	vst.add.f32.msk $0xffff, v36;
	v3 =	vadd.f32 v10, v3  }
0x1b3: {  	v42 =	vadd.f32 v42, v41;
	[tilespmem:s29+$0x1890] =	vst.add.f32.msk $0xffff, v38  }
0x1b4: {  	[tilespmem:s29+$0x10B0] =	vst.add.f32.msk $0xffff, v3;
	v3 =	vadd.f32 v16, v15  }
0x1b5: {  	v44 =	vadd.f32 v44, v43;
	[tilespmem:s29+$0x18B0] =	vst.add.f32.msk $0xffff, v42  }
0x1b6: {  	[tilespmem:s29+$0x10E0] =	vst.add.f32.msk $0xffff, v3;
	v3 =	vadd.f32 v22, v21  }
0x1b7: {  	v48 =	vadd.f32 v48, v47;
	[tilespmem:s29+$0x18C0] =	vst.add.f32.msk $0xffff, v44  }
0x1b8: {  	[tilespmem:s29+$0x1490] =	vst.add.f32.msk $0xffff, v3;
	v3 =	vadd.f32 v28, v27  }
0x1b9: {  	v50 =	vadd.f32 v50, v49;
	[tilespmem:s29+$0x18E0] =	vst.add.f32.msk $0xffff, v48  }
0x1ba: {  	[tilespmem:s29+$0x14C0] =	vst.add.f32.msk $0xffff, v3;
	v3 =	vadd.f32 v34, v33  }
0x1bb: {  	v54 =	vadd.f32 v54, v53;
	[tilespmem:s29+$0x18F0] =	vst.add.f32.msk $0xffff, v50  }
0x1bc: {  	[tilespmem:s29+$0x14F0] =	vst.add.f32.msk $0xffff, v3;
	v3 =	vadd.f32 v40, v39  }
0x1bd: {  	v56 =	vadd.f32 v56, v55;
	[tilespmem:s29+$0x1C90] =	vst.add.f32.msk $0xffff, v54  }
0x1be: {  	[tilespmem:s29+$0x18A0] =	vst.add.f32.msk $0xffff, v3;
	v3 =	vadd.f32 v46, v45  }
0x1bf: {  	v60 =	vadd.f32 v60, v59;
	[tilespmem:s29+$0x1CA0] =	vst.add.f32.msk $0xffff, v56  }
0x1c0: {  	[tilespmem:s29+$0x18D0] =	vst.add.f32.msk $0xffff, v3;
	v3 =	vadd.f32 v52, v51  }
0x1c1: {  	v63 =	vadd.f32 v62, v61;
	[tilespmem:s29+$0x1CC0] =	vst.add.f32.msk $0xffff, v60  }
0x1c2: {  	[tilespmem:s29+$0x1C80] =	vst.add.f32.msk $0xffff, v3;
	v3 =	vadd.f32 v58, v57  }
0x1c3: {  	[tilespmem:s29+$0x1CD0] =	vst.add.f32.msk $0xffff, v63;
	v4 =	vadd.f32 v4, v9  }
0x1c4: {  	s0 =	sadd.s32 s8, s28;
	[tilespmem:s29+$0x1CB0] =	vst.add.f32.msk $0xffff, v3;
	v3 =	vadd.f32 v8, v6  }
0x1c5: {  	p0 =	seq.s32 s25, $0xF;
	s0 =	sshll.u32 s0, $0x6;
	[tilespmem:s29+$0x10A0] =	vst.add.f32.msk $0xffff, v4  }
.Ltmp2:
0x1c6: {  	s0 =	sadd.s32 s5, s0;
	[tilespmem:s29+$0x1CE0] =	vst.add.f32.msk $0xffff, v3;
	(pc) =	sbr.rel @p0 .LBB2_8-.Ltmp2, $4  }
0x1c7: {  	[hbm4b:s0+s6] =	stream.linear.scatter [tilespmem:s14], [sflag:$0x3], $0x4000, $0x38;
	[tilespmem:$0x19080] =	vst v63  }
0x1c8: {  	_ =	swait.ge [sflag:s22], $0x4000  }
0x1c9: {  	[sflag:s22] =	ssyncset.done $0x0  }
0x1ca: {  	[sflag:s22] =	ssyncadd.s32 $0xFFFFC000  }
0x1cb: {  	v3 =	vld [tilespmem:s28+$0x4C0];
	_ =	sdelay $0x4  }
0x1cc: {  	v4 =	vshll.u32 v3, $0x2  }
0x1cd: {  	v3 =	vand.u32 $0x7, v3;
	v4 =	vand.u32 $0xFFFFFFE0, v4  }
0x1ce: {  	v3 =	vor.u32 v3, v4  }
0x1cf: {  	v4 =	vperm.xlane v3, v0;
	_ =	sdelay $0x1  }
0x1d0: {  	v4 =	vadd.s32 v1, v4;
	_ =	sdelay $0x1  }
0x1d1: {  	v3 =	vperm.xlane v3, v2;
	_ =	sdelay $0x1  }
0x1d2: {  	v3 =	vadd.s32 v1, v3  }
0x1d3: {  	[tilespmem:s14], [sflag:$0x1] =	stream.indirect_vreg.gather [hbm4b:s1+s6], $0x80, v4, vm0, $0xb8;
	[tilespmem:$0x19080] =	vst v63  }
0x1d4: {  	s0 =	simm.s32 $0x1880  }
0x1d5: {  	[tilespmem:s0], [sflag:$0x1] =	stream.indirect_vreg.gather [hbm4b:s9+s6], $0x80, v4, vm0, $0xb8;
	[tilespmem:$0x19080] =	vst v63  }
0x1d6: {  	s31 =	simm.s32 $0x2080  }
0x1d7: {  	[tilespmem:s31], [sflag:$0x1] =	stream.indirect_vreg.gather [hbm4b:s1+s6], $0x80, v3, vm0, $0xb8;
	[tilespmem:$0x19080] =	vst v63  }
0x1d8: {  	s2 =	simm.s32 $0x2880  }
0x1d9: {  	[tilespmem:s2], [sflag:$0x1] =	stream.indirect_vreg.gather [hbm4b:s9+s6], $0x80, v3, vm0, $0xb8;
	[tilespmem:$0x19080] =	vst v63  }
0x1da: {  	v3 =	vld [tilespmem:s28+$0x4D0];
	_ =	sdelay $0x4  }
0x1db: {  	v59 =	vshll.u32 v3, $0x2  }
0x1dc: {  	v3 =	vand.u32 $0x7, v3;
	v4 =	vand.u32 $0xFFFFFFE0, v59  }
0x1dd: {  	v3 =	vor.u32 v3, v4  }
0x1de: {  	v4 =	vperm.xlane v3, v0;
	_ =	sdelay $0x1  }
0x1df: {  	v4 =	vadd.s32 v1, v4;
	_ =	sdelay $0x1  }
0x1e0: {  	v3 =	vperm.xlane v3, v2;
	_ =	sdelay $0x1  }
0x1e1: {  	s29 =	simm.s32 $0x3080;
	v3 =	vadd.s32 v1, v3  }
0x1e2: {  	[tilespmem:s29], [sflag:$0x1] =	stream.indirect_vreg.gather [hbm4b:s1+s6], $0x80, v4, vm0, $0xb8;
	[tilespmem:$0x19080] =	vst v63  }
0x1e3: {  	s30 =	simm.s32 $0x3880  }
0x1e4: {  	[tilespmem:s30], [sflag:$0x1] =	stream.indirect_vreg.gather [hbm4b:s9+s6], $0x80, v4, vm0, $0xb8;
	[tilespmem:$0x19080] =	vst v63  }
0x1e5: {  	s31 =	simm.s32 $0x4080  }
0x1e6: {  	[tilespmem:s31], [sflag:$0x1] =	stream.indirect_vreg.gather [hbm4b:s1+s6], $0x80, v3, vm0, $0xb8;
	[tilespmem:$0x19080] =	vst v63  }
0x1e7: {  	s2 =	simm.s32 $0x4880  }
0x1e8: {  	[tilespmem:s2], [sflag:$0x1] =	stream.indirect_vreg.gather [hbm4b:s9+s6], $0x80, v3, vm0, $0xb8;
	[tilespmem:$0x19080] =	vst v63  }
0x1e9: {  	v3 =	vld [tilespmem:s28+$0x8C0];
	_ =	sdelay $0x4  }
0x1ea: {  	v60 =	vshll.u32 v3, $0x2  }
0x1eb: {  	v3 =	vand.u32 $0x7, v3;
	v4 =	vand.u32 $0xFFFFFFE0, v60  }
0x1ec: {  	v3 =	vor.u32 v3, v4  }
0x1ed: {  	v4 =	vperm.xlane v3, v0;
	_ =	sdelay $0x1  }
0x1ee: {  	v4 =	vadd.s32 v1, v4;
	_ =	sdelay $0x1  }
0x1ef: {  	v3 =	vperm.xlane v3, v2;
	_ =	sdelay $0x1  }
0x1f0: {  	s29 =	simm.s32 $0x5080;
	v3 =	vadd.s32 v1, v3  }
0x1f1: {  	[tilespmem:s29], [sflag:$0x1] =	stream.indirect_vreg.gather [hbm4b:s3+s6], $0x80, v4, vm0, $0xb8;
	[tilespmem:$0x19080] =	vst v63  }
0x1f2: {  	s30 =	simm.s32 $0x5880  }
0x1f3: {  	[tilespmem:s30], [sflag:$0x1] =	stream.indirect_vreg.gather [hbm4b:s10+s6], $0x80, v4, vm0, $0xb8;
	[tilespmem:$0x19080] =	vst v63  }
0x1f4: {  	s31 =	simm.s32 $0x6080  }
0x1f5: {  	[tilespmem:s31], [sflag:$0x1] =	stream.indirect_vreg.gather [hbm4b:s3+s6], $0x80, v3, vm0, $0xb8;
	[tilespmem:$0x19080] =	vst v63  }
0x1f6: {  	s2 =	simm.s32 $0x6880  }
0x1f7: {  	[tilespmem:s2], [sflag:$0x1] =	stream.indirect_vreg.gather [hbm4b:s10+s6], $0x80, v3, vm0, $0xb8;
	[tilespmem:$0x19080] =	vst v63  }
0x1f8: {  	v3 =	vld [tilespmem:s28+$0x8D0];
	_ =	sdelay $0x4  }
0x1f9: {  	v61 =	vshll.u32 v3, $0x2  }
0x1fa: {  	v3 =	vand.u32 $0x7, v3;
	v4 =	vand.u32 $0xFFFFFFE0, v61  }
0x1fb: {  	v3 =	vor.u32 v3, v4  }
0x1fc: {  	v4 =	vperm.xlane v3, v0;
	_ =	sdelay $0x1  }
0x1fd: {  	v4 =	vadd.s32 v1, v4;
	_ =	sdelay $0x1  }
0x1fe: {  	v3 =	vperm.xlane v3, v2;
	_ =	sdelay $0x1  }
0x1ff: {  	s29 =	simm.s32 $0x7080;
	v3 =	vadd.s32 v1, v3  }
0x200: {  	[tilespmem:s29], [sflag:$0x1] =	stream.indirect_vreg.gather [hbm4b:s3+s6], $0x80, v4, vm0, $0xb8;
	[tilespmem:$0x19080] =	vst v63  }
0x201: {  	s30 =	simm.s32 $0x7880  }
0x202: {  	[tilespmem:s30], [sflag:$0x1] =	stream.indirect_vreg.gather [hbm4b:s10+s6], $0x80, v4, vm0, $0xb8;
	[tilespmem:$0x19080] =	vst v63  }
0x203: {  	s31 =	simm.s32 $0x8080  }
0x204: {  	[tilespmem:s31], [sflag:$0x1] =	stream.indirect_vreg.gather [hbm4b:s3+s6], $0x80, v3, vm0, $0xb8;
	[tilespmem:$0x19080] =	vst v63  }
0x205: {  	s2 =	simm.s32 $0x8880  }
0x206: {  	[tilespmem:s2], [sflag:$0x1] =	stream.indirect_vreg.gather [hbm4b:s10+s6], $0x80, v3, vm0, $0xb8;
	[tilespmem:$0x19080] =	vst v63  }
0x207: {  	v3 =	vld [tilespmem:s28+$0xCC0];
	_ =	sdelay $0x4  }
0x208: {  	v62 =	vshll.u32 v3, $0x2  }
0x209: {  	v3 =	vand.u32 $0x7, v3;
	v4 =	vand.u32 $0xFFFFFFE0, v62  }
0x20a: {  	v3 =	vor.u32 v3, v4  }
0x20b: {  	v4 =	vperm.xlane v3, v0;
	_ =	sdelay $0x1  }
0x20c: {  	v4 =	vadd.s32 v1, v4;
	_ =	sdelay $0x1  }
0x20d: {  	v3 =	vperm.xlane v3, v2;
	_ =	sdelay $0x1  }
0x20e: {  	s29 =	simm.s32 $0x9080;
	v3 =	vadd.s32 v1, v3  }
0x20f: {  	[tilespmem:s29], [sflag:$0x1] =	stream.indirect_vreg.gather [hbm4b:s4+s6], $0x80, v4, vm0, $0xb8;
	[tilespmem:$0x19080] =	vst v63  }
0x210: {  	s30 =	simm.s32 $0x9880  }
0x211: {  	[tilespmem:s30], [sflag:$0x1] =	stream.indirect_vreg.gather [hbm4b:s11+s6], $0x80, v4, vm0, $0xb8;
	[tilespmem:$0x19080] =	vst v63  }
0x212: {  	s31 =	simm.s32 $0xA080  }
0x213: {  	[tilespmem:s31], [sflag:$0x1] =	stream.indirect_vreg.gather [hbm4b:s4+s6], $0x80, v3, vm0, $0xb8;
	[tilespmem:$0x19080] =	vst v63  }
0x214: {  	s2 =	simm.s32 $0xA880  }
0x215: {  	[tilespmem:s2], [sflag:$0x1] =	stream.indirect_vreg.gather [hbm4b:s11+s6], $0x80, v3, vm0, $0xb8;
	[tilespmem:$0x19080] =	vst v63  }
0x216: {  	v3 =	vld [tilespmem:s28+$0xCD0];
	_ =	sdelay $0x4  }
0x217: {  	v63 =	vshll.u32 v3, $0x2  }
0x218: {  	v3 =	vand.u32 $0x7, v3;
	v4 =	vand.u32 $0xFFFFFFE0, v63  }
0x219: {  	v3 =	vor.u32 v3, v4  }
0x21a: {  	v4 =	vperm.xlane v3, v0;
	_ =	sdelay $0x1  }
0x21b: {  	v4 =	vadd.s32 v1, v4;
	_ =	sdelay $0x1  }
0x21c: {  	v3 =	vperm.xlane v3, v2;
	_ =	sdelay $0x1  }
0x21d: {  	s28 =	simm.s32 $0xB080;
	v3 =	vadd.s32 v1, v3  }
0x21e: {  	[tilespmem:s28], [sflag:$0x1] =	stream.indirect_vreg.gather [hbm4b:s4+s6], $0x80, v4, vm0, $0xb8;
	[tilespmem:$0x19080] =	vst v63  }
0x21f: {  	s29 =	simm.s32 $0xB880  }
0x220: {  	[tilespmem:s29], [sflag:$0x1] =	stream.indirect_vreg.gather [hbm4b:s11+s6], $0x80, v4, vm0, $0xb8;
	[tilespmem:$0x19080] =	vst v63  }
0x221: {  	s30 =	simm.s32 $0xC080  }
0x222: {  	[tilespmem:s30], [sflag:$0x1] =	stream.indirect_vreg.gather [hbm4b:s4+s6], $0x80, v3, vm0, $0xb8;
	[tilespmem:$0x19080] =	vst v63  }
0x223: {  	s31 =	simm.s32 $0xC880  }
0x224: {  	[tilespmem:s31], [sflag:$0x1] =	stream.indirect_vreg.gather [hbm4b:s11+s6], $0x80, v3, vm0, $0xb8;
	[tilespmem:$0x19080] =	vst v63  }
.LBB2_8:
0x225: {  	_ =	swait.ge [sflag:s23], $0x4000  }
0x226: {  	[sflag:s23] =	ssyncset.done $0x0  }
0x227: {  	[sflag:s23] =	ssyncadd.s32 $0xFFFFC000  }
0x228: {  	_ =	swait.ge [sflag:s23], $0x4000  }
0x229: {  	[sflag:s23] =	ssyncset.done $0x0  }
0x22a: {  	[sflag:s23] =	ssyncadd.s32 $0xFFFFC000  }
0x22b: {  	s29 =	simm.s32 $0x0;
	_ =	swait.ge [sflag:s23], $0x4000  }
0x22c: {  	s0 =	sand.u32 $0x3000, s29;
	s2 =	sand.u32 $0x380, s29;
	[sflag:s23] =	ssyncset.done $0x0  }
0x22d: {  	s30 =	simm.s32 $0x200;
	s28 =	sor.u32 s2, s0;
	[sflag:s23] =	ssyncadd.s32 $0xFFFFC000  }
.LBB2_9:
0x22e: {  	p0 =	sne.s32 s30, $0x3E00;
	v3 =	vld [tilespmem:s28+$0x11CF0]  }
0x22f: {  	v4 =	vld [tilespmem:s28+$0x15CF0]  }
0x230: {  	v5 =	vld [tilespmem:s28+$0x11080]  }
0x231: {  	v6 =	vld [tilespmem:s28+$0x15080]  }
0x232: {  	v7 =	vld [tilespmem:s28+$0x11090]  }
0x233: {  	v8 =	vld [tilespmem:s28+$0x15090]  }
0x234: {  	v9 =	vld [tilespmem:s28+$0x110A0];
	v4 =	vadd.f32 v4, v3  }
0x235: {  	v10 =	vld [tilespmem:s28+$0x150A0]  }
0x236: {  	v3 =	vadd.f32 v6, v5;
	[tilespmem:s28+$0xDCF0] =	vst.add.f32.msk $0xffff, v4  }
0x237: {  	v6 =	vld [tilespmem:s28+$0x110B0]  }
0x238: {  	v4 =	vadd.f32 v8, v7;
	v7 =	vld [tilespmem:s28+$0x150B0]  }
0x239: {  	v8 =	vld [tilespmem:s28+$0x110C0]  }
0x23a: {  	v5 =	vadd.f32 v10, v9;
	v9 =	vld [tilespmem:s28+$0x150C0]  }
0x23b: {  	v10 =	vld [tilespmem:s28+$0x110D0]  }
0x23c: {  	v11 =	vld [tilespmem:s28+$0x150D0]  }
0x23d: {  	v6 =	vadd.f32 v7, v6;
	v12 =	vld [tilespmem:s28+$0x110E0]  }
0x23e: {  	v13 =	vld [tilespmem:s28+$0x150E0]  }
0x23f: {  	v7 =	vadd.f32 v9, v8;
	v8 =	vld [tilespmem:s28+$0x110F0]  }
0x240: {  	v9 =	vld [tilespmem:s28+$0x150F0]  }
0x241: {  	v10 =	vadd.f32 v11, v10;
	v11 =	vld [tilespmem:s28+$0x11480]  }
0x242: {  	v14 =	vld [tilespmem:s28+$0x15480]  }
0x243: {  	v12 =	vadd.f32 v13, v12;
	v13 =	vld [tilespmem:s28+$0x11490]  }
0x244: {  	v15 =	vld [tilespmem:s28+$0x15490]  }
0x245: {  	v8 =	vadd.f32 v9, v8;
	v9 =	vld [tilespmem:s28+$0x114A0]  }
0x246: {  	v16 =	vld [tilespmem:s28+$0x154A0]  }
0x247: {  	v11 =	vadd.f32 v14, v11;
	v14 =	vld [tilespmem:s28+$0x114B0]  }
0x248: {  	v17 =	vld [tilespmem:s28+$0x154B0]  }
0x249: {  	v13 =	vadd.f32 v15, v13;
	v15 =	vld [tilespmem:s28+$0x114C0]  }
0x24a: {  	v18 =	vld [tilespmem:s28+$0x154C0]  }
0x24b: {  	v9 =	vadd.f32 v16, v9;
	v16 =	vld [tilespmem:s28+$0x114D0]  }
0x24c: {  	v19 =	vld [tilespmem:s28+$0x154D0]  }
0x24d: {  	v14 =	vadd.f32 v17, v14;
	v17 =	vld [tilespmem:s28+$0x114E0]  }
0x24e: {  	v20 =	vld [tilespmem:s28+$0x154E0]  }
0x24f: {  	v15 =	vadd.f32 v18, v15;
	v18 =	vld [tilespmem:s28+$0x114F0]  }
0x250: {  	v21 =	vld [tilespmem:s28+$0x154F0]  }
0x251: {  	v16 =	vadd.f32 v19, v16;
	v19 =	vld [tilespmem:s28+$0x11880]  }
0x252: {  	v22 =	vld [tilespmem:s28+$0x15880]  }
0x253: {  	v17 =	vadd.f32 v20, v17;
	v20 =	vld [tilespmem:s28+$0x11890]  }
0x254: {  	v23 =	vld [tilespmem:s28+$0x15890]  }
0x255: {  	v18 =	vadd.f32 v21, v18;
	v21 =	vld [tilespmem:s28+$0x118A0]  }
0x256: {  	v24 =	vld [tilespmem:s28+$0x158A0]  }
0x257: {  	v19 =	vadd.f32 v22, v19;
	v22 =	vld [tilespmem:s28+$0x118B0]  }
0x258: {  	v25 =	vld [tilespmem:s28+$0x158B0]  }
0x259: {  	v20 =	vadd.f32 v23, v20;
	v23 =	vld [tilespmem:s28+$0x118C0]  }
0x25a: {  	v26 =	vld [tilespmem:s28+$0x158C0]  }
0x25b: {  	v21 =	vadd.f32 v24, v21;
	v24 =	vld [tilespmem:s28+$0x118D0]  }
0x25c: {  	v27 =	vld [tilespmem:s28+$0x158D0]  }
0x25d: {  	v22 =	vadd.f32 v25, v22;
	v25 =	vld [tilespmem:s28+$0x118E0]  }
0x25e: {  	v28 =	vld [tilespmem:s28+$0x158E0]  }
0x25f: {  	v23 =	vadd.f32 v26, v23;
	v26 =	vld [tilespmem:s28+$0x118F0]  }
0x260: {  	v29 =	vld [tilespmem:s28+$0x158F0]  }
0x261: {  	v24 =	vadd.f32 v27, v24;
	v27 =	vld [tilespmem:s28+$0x11C80]  }
0x262: {  	v30 =	vld [tilespmem:s28+$0x15C80]  }
0x263: {  	v25 =	vadd.f32 v28, v25;
	v28 =	vld [tilespmem:s28+$0x11C90]  }
0x264: {  	v31 =	vld [tilespmem:s28+$0x15C90]  }
0x265: {  	v26 =	vadd.f32 v29, v26;
	v29 =	vld [tilespmem:s28+$0x11CA0]  }
0x266: {  	v32 =	vld [tilespmem:s28+$0x15CA0]  }
0x267: {  	v27 =	vadd.f32 v30, v27;
	v30 =	vld [tilespmem:s28+$0x11CB0]  }
0x268: {  	v33 =	vld [tilespmem:s28+$0x15CB0]  }
0x269: {  	v28 =	vadd.f32 v31, v28;
	v31 =	vld [tilespmem:s28+$0x11CC0]  }
0x26a: {  	v34 =	vld [tilespmem:s28+$0x15CC0]  }
0x26b: {  	v29 =	vadd.f32 v32, v29;
	v32 =	vld [tilespmem:s28+$0x11CD0]  }
0x26c: {  	v35 =	vld [tilespmem:s28+$0x15CD0]  }
0x26d: {  	v30 =	vadd.f32 v33, v30;
	v33 =	vld [tilespmem:s28+$0x11CE0]  }
0x26e: {  	v36 =	vld [tilespmem:s28+$0x15CE0]  }
0x26f: {  	[tilespmem:s28+$0xD080] =	vst.add.f32.msk $0xffff, v3;
	v3 =	vadd.f32 v34, v31  }
0x270: {  	[tilespmem:s28+$0xD090] =	vst.add.f32.msk $0xffff, v4  }
0x271: {  	[tilespmem:s28+$0xD0A0] =	vst.add.f32.msk $0xffff, v5;
	v4 =	vadd.f32 v35, v32  }
0x272: {  	[tilespmem:s28+$0xD0B0] =	vst.add.f32.msk $0xffff, v6  }
0x273: {  	[tilespmem:s28+$0xD0C0] =	vst.add.f32.msk $0xffff, v7;
	v5 =	vadd.f32 v36, v33  }
0x274: {  	[tilespmem:s28+$0xD0D0] =	vst.add.f32.msk $0xffff, v10  }
0x275: {  	[tilespmem:s28+$0xD0E0] =	vst.add.f32.msk $0xffff, v12  }
0x276: {  	[tilespmem:s28+$0xD0F0] =	vst.add.f32.msk $0xffff, v8  }
0x277: {  	[tilespmem:s28+$0xD480] =	vst.add.f32.msk $0xffff, v11  }
0x278: {  	[tilespmem:s28+$0xD490] =	vst.add.f32.msk $0xffff, v13  }
0x279: {  	[tilespmem:s28+$0xD4A0] =	vst.add.f32.msk $0xffff, v9  }
0x27a: {  	[tilespmem:s28+$0xD4B0] =	vst.add.f32.msk $0xffff, v14  }
0x27b: {  	[tilespmem:s28+$0xD4C0] =	vst.add.f32.msk $0xffff, v15  }
0x27c: {  	[tilespmem:s28+$0xD4D0] =	vst.add.f32.msk $0xffff, v16  }
0x27d: {  	[tilespmem:s28+$0xD4E0] =	vst.add.f32.msk $0xffff, v17  }
0x27e: {  	[tilespmem:s28+$0xD4F0] =	vst.add.f32.msk $0xffff, v18  }
0x27f: {  	[tilespmem:s28+$0xD880] =	vst.add.f32.msk $0xffff, v19  }
0x280: {  	[tilespmem:s28+$0xD890] =	vst.add.f32.msk $0xffff, v20  }
0x281: {  	[tilespmem:s28+$0xD8A0] =	vst.add.f32.msk $0xffff, v21  }
0x282: {  	[tilespmem:s28+$0xD8B0] =	vst.add.f32.msk $0xffff, v22  }
0x283: {  	[tilespmem:s28+$0xD8C0] =	vst.add.f32.msk $0xffff, v23  }
0x284: {  	[tilespmem:s28+$0xD8D0] =	vst.add.f32.msk $0xffff, v24  }
0x285: {  	[tilespmem:s28+$0xD8E0] =	vst.add.f32.msk $0xffff, v25  }
0x286: {  	[tilespmem:s28+$0xD8F0] =	vst.add.f32.msk $0xffff, v26  }
0x287: {  	[tilespmem:s28+$0xDC80] =	vst.add.f32.msk $0xffff, v27  }
0x288: {  	[tilespmem:s28+$0xDC90] =	vst.add.f32.msk $0xffff, v28  }
.Ltmp3:
0x289: {  	[tilespmem:s28+$0xDCA0] =	vst.add.f32.msk $0xffff, v29;
	(pc) =	sbr.rel @p0 .LBB2_9-.Ltmp3, $4  }
0x28a: {  	[tilespmem:s28+$0xDCB0] =	vst.add.f32.msk $0xffff, v30  }
0x28b: {  	s29 =	sadd.s32 $0x80, s29;
	[tilespmem:s28+$0xDCC0] =	vst.add.f32.msk $0xffff, v3  }
0x28c: {  	s0 =	sand.u32 $0x3000, s30;
	s2 =	sand.u32 $0x380, s29;
	[tilespmem:s28+$0xDCD0] =	vst.add.f32.msk $0xffff, v4  }
0x28d: {  	s30 =	sadd.s32 $0x200, s30;
	[tilespmem:s28+$0xDCE0] =	vst.add.f32.msk $0xffff, v5;
	s28 =	sor.u32 s2, s0  }
0x28e: {  	v3 =	vld [tilespmem:s28+$0x11CF0]  }
0x28f: {  	v4 =	vld [tilespmem:s28+$0x15CF0]  }
0x290: {  	v5 =	vld [tilespmem:s28+$0x11080]  }
0x291: {  	v6 =	vld [tilespmem:s28+$0x15080]  }
0x292: {  	v7 =	vld [tilespmem:s28+$0x11090]  }
0x293: {  	v8 =	vld [tilespmem:s28+$0x15090]  }
0x294: {  	v9 =	vld [tilespmem:s28+$0x110A0]  }
0x295: {  	v10 =	vld [tilespmem:s28+$0x150B0]  }
0x296: {  	v11 =	vld [tilespmem:s28+$0x110C0]  }
0x297: {  	v12 =	vld [tilespmem:s28+$0x150C0]  }
0x298: {  	v13 =	vld [tilespmem:s28+$0x110D0]  }
0x299: {  	v14 =	vld [tilespmem:s28+$0x150D0]  }
0x29a: {  	v15 =	vld [tilespmem:s28+$0x110E0]  }
0x29b: {  	v16 =	vld [tilespmem:s28+$0x150E0]  }
0x29c: {  	v17 =	vld [tilespmem:s28+$0x110F0]  }
0x29d: {  	v18 =	vld [tilespmem:s28+$0x150F0]  }
0x29e: {  	v19 =	vld [tilespmem:s28+$0x11480]  }
0x29f: {  	v20 =	vld [tilespmem:s28+$0x15480]  }
0x2a0: {  	v21 =	vld [tilespmem:s28+$0x11490]  }
0x2a1: {  	v22 =	vld [tilespmem:s28+$0x15490]  }
0x2a2: {  	v23 =	vld [tilespmem:s28+$0x114A0]  }
0x2a3: {  	v24 =	vld [tilespmem:s28+$0x154A0]  }
0x2a4: {  	v25 =	vld [tilespmem:s28+$0x114B0]  }
0x2a5: {  	v26 =	vld [tilespmem:s28+$0x154B0]  }
0x2a6: {  	v27 =	vld [tilespmem:s28+$0x114C0]  }
0x2a7: {  	v28 =	vld [tilespmem:s28+$0x154C0]  }
0x2a8: {  	v29 =	vld [tilespmem:s28+$0x114D0]  }
0x2a9: {  	v30 =	vld [tilespmem:s28+$0x154D0]  }
0x2aa: {  	v31 =	vld [tilespmem:s28+$0x114E0]  }
0x2ab: {  	v32 =	vld [tilespmem:s28+$0x154E0]  }
0x2ac: {  	v33 =	vld [tilespmem:s28+$0x114F0]  }
0x2ad: {  	v34 =	vld [tilespmem:s28+$0x154F0]  }
0x2ae: {  	v35 =	vld [tilespmem:s28+$0x11880]  }
0x2af: {  	v36 =	vld [tilespmem:s28+$0x15880]  }
0x2b0: {  	v37 =	vld [tilespmem:s28+$0x11890]  }
0x2b1: {  	v38 =	vld [tilespmem:s28+$0x15890]  }
0x2b2: {  	v39 =	vld [tilespmem:s28+$0x118A0]  }
0x2b3: {  	v40 =	vld [tilespmem:s28+$0x158A0]  }
0x2b4: {  	v41 =	vld [tilespmem:s28+$0x118B0]  }
0x2b5: {  	v42 =	vld [tilespmem:s28+$0x158B0]  }
0x2b6: {  	v43 =	vld [tilespmem:s28+$0x118C0]  }
0x2b7: {  	v44 =	vld [tilespmem:s28+$0x158C0]  }
0x2b8: {  	v45 =	vld [tilespmem:s28+$0x118D0]  }
0x2b9: {  	v46 =	vld [tilespmem:s28+$0x158D0]  }
0x2ba: {  	v47 =	vld [tilespmem:s28+$0x118E0]  }
0x2bb: {  	v48 =	vld [tilespmem:s28+$0x158E0]  }
0x2bc: {  	v49 =	vld [tilespmem:s28+$0x118F0]  }
0x2bd: {  	v50 =	vld [tilespmem:s28+$0x158F0]  }
0x2be: {  	v51 =	vld [tilespmem:s28+$0x11C80]  }
0x2bf: {  	v52 =	vld [tilespmem:s28+$0x15C80]  }
0x2c0: {  	v53 =	vld [tilespmem:s28+$0x11C90]  }
0x2c1: {  	v54 =	vld [tilespmem:s28+$0x15C90]  }
0x2c2: {  	v55 =	vld [tilespmem:s28+$0x11CA0]  }
0x2c3: {  	v56 =	vld [tilespmem:s28+$0x15CA0]  }
0x2c4: {  	v57 =	vld [tilespmem:s28+$0x11CB0]  }
0x2c5: {  	v58 =	vld [tilespmem:s28+$0x15CB0]  }
0x2c6: {  	v59 =	vld [tilespmem:s28+$0x11CC0]  }
0x2c7: {  	v60 =	vld [tilespmem:s28+$0x15CC0]  }
0x2c8: {  	v61 =	vld [tilespmem:s28+$0x11CD0]  }
0x2c9: {  	v62 =	vld [tilespmem:s28+$0x15CD0]  }
0x2ca: {  	v3 =	vadd.f32 v4, v3;
	v4 =	vld [tilespmem:s28+$0x150A0]  }
0x2cb: {  	v5 =	vadd.f32 v6, v5;
	v6 =	vld [tilespmem:s28+$0x11CE0]  }
0x2cc: {  	v7 =	vadd.f32 v8, v7;
	v8 =	vld [tilespmem:s28+$0x15CE0]  }
0x2cd: {  	[tilespmem:s28+$0xDCF0] =	vst.add.f32.msk $0xffff, v3  }
0x2ce: {  	v3 =	vld [tilespmem:s28+$0x110B0]  }
0x2cf: {  	v12 =	vadd.f32 v12, v11;
	[tilespmem:s28+$0xD080] =	vst.add.f32.msk $0xffff, v5  }
0x2d0: {  	v14 =	vadd.f32 v14, v13;
	[tilespmem:s28+$0xD090] =	vst.add.f32.msk $0xffff, v7  }
0x2d1: {  	v18 =	vadd.f32 v18, v17;
	[tilespmem:s28+$0xD0C0] =	vst.add.f32.msk $0xffff, v12  }
0x2d2: {  	v20 =	vadd.f32 v20, v19;
	[tilespmem:s28+$0xD0D0] =	vst.add.f32.msk $0xffff, v14  }
0x2d3: {  	v24 =	vadd.f32 v24, v23;
	[tilespmem:s28+$0xD0F0] =	vst.add.f32.msk $0xffff, v18  }
0x2d4: {  	v26 =	vadd.f32 v26, v25;
	[tilespmem:s28+$0xD480] =	vst.add.f32.msk $0xffff, v20  }
0x2d5: {  	v30 =	vadd.f32 v30, v29;
	[tilespmem:s28+$0xD4A0] =	vst.add.f32.msk $0xffff, v24  }
0x2d6: {  	v32 =	vadd.f32 v32, v31;
	[tilespmem:s28+$0xD4B0] =	vst.add.f32.msk $0xffff, v26  }
0x2d7: {  	v36 =	vadd.f32 v36, v35;
	[tilespmem:s28+$0xD4D0] =	vst.add.f32.msk $0xffff, v30  }
0x2d8: {  	v38 =	vadd.f32 v38, v37;
	[tilespmem:s28+$0xD4E0] =	vst.add.f32.msk $0xffff, v32  }
0x2d9: {  	[tilespmem:s28+$0xD880] =	vst.add.f32.msk $0xffff, v36;
	v3 =	vadd.f32 v10, v3  }
0x2da: {  	v42 =	vadd.f32 v42, v41;
	[tilespmem:s28+$0xD890] =	vst.add.f32.msk $0xffff, v38  }
0x2db: {  	[tilespmem:s28+$0xD0B0] =	vst.add.f32.msk $0xffff, v3;
	v3 =	vadd.f32 v16, v15  }
0x2dc: {  	v44 =	vadd.f32 v44, v43;
	[tilespmem:s28+$0xD8B0] =	vst.add.f32.msk $0xffff, v42  }
0x2dd: {  	[tilespmem:s28+$0xD0E0] =	vst.add.f32.msk $0xffff, v3;
	v3 =	vadd.f32 v22, v21  }
0x2de: {  	v48 =	vadd.f32 v48, v47;
	[tilespmem:s28+$0xD8C0] =	vst.add.f32.msk $0xffff, v44  }
0x2df: {  	[tilespmem:s28+$0xD490] =	vst.add.f32.msk $0xffff, v3;
	v3 =	vadd.f32 v28, v27  }
0x2e0: {  	v50 =	vadd.f32 v50, v49;
	[tilespmem:s28+$0xD8E0] =	vst.add.f32.msk $0xffff, v48  }
0x2e1: {  	[tilespmem:s28+$0xD4C0] =	vst.add.f32.msk $0xffff, v3;
	v3 =	vadd.f32 v34, v33  }
0x2e2: {  	v54 =	vadd.f32 v54, v53;
	[tilespmem:s28+$0xD8F0] =	vst.add.f32.msk $0xffff, v50  }
0x2e3: {  	[tilespmem:s28+$0xD4F0] =	vst.add.f32.msk $0xffff, v3;
	v3 =	vadd.f32 v40, v39  }
0x2e4: {  	v56 =	vadd.f32 v56, v55;
	[tilespmem:s28+$0xDC90] =	vst.add.f32.msk $0xffff, v54  }
0x2e5: {  	[tilespmem:s28+$0xD8A0] =	vst.add.f32.msk $0xffff, v3;
	v3 =	vadd.f32 v46, v45  }
0x2e6: {  	v60 =	vadd.f32 v60, v59;
	[tilespmem:s28+$0xDCA0] =	vst.add.f32.msk $0xffff, v56  }
0x2e7: {  	[tilespmem:s28+$0xD8D0] =	vst.add.f32.msk $0xffff, v3;
	v3 =	vadd.f32 v52, v51  }
0x2e8: {  	s25 =	sadd.s32 $0x1, s25;
	v63 =	vadd.f32 v62, v61;
	[tilespmem:s28+$0xDCC0] =	vst.add.f32.msk $0xffff, v60  }
0x2e9: {  	p0 =	sne.s32 s25, $0x10;
	[tilespmem:s28+$0xDC80] =	vst.add.f32.msk $0xffff, v3;
	v3 =	vadd.f32 v58, v57  }
.Ltmp4:
0x2ea: {  	[tilespmem:s28+$0xDCD0] =	vst.add.f32.msk $0xffff, v63;
	v4 =	vadd.f32 v4, v9;
	(pc) =	sbr.rel @p0 .LBB2_4-.Ltmp4, $4  }
0x2eb: {  	s0 =	sadd.s32 s8, s26;
	[tilespmem:s28+$0xDCB0] =	vst.add.f32.msk $0xffff, v3;
	v3 =	vadd.f32 v8, v6  }
0x2ec: {  	s0 =	sshll.u32 s0, $0x6;
	[tilespmem:s28+$0xD0A0] =	vst.add.f32.msk $0xffff, v4  }
0x2ed: {  	s0 =	sadd.s32 s5, s0;
	[tilespmem:s28+$0xDCE0] =	vst.add.f32.msk $0xffff, v3  }
0x2ee: {  	[hbm4b:s0+s6] =	stream.linear.scatter [tilespmem:s17], [sflag:$0x4], $0x4000, $0x38;
	[tilespmem:$0x19080] =	vst v63  }
0x2ef: {  	s2 =	simm.s32 $0x4  }
0x2f0: {  	_ =	swait.ge [sflag:s2], $0x4000  }
0x2f1: {  	s24 =	rddreg [dreg:$0x8]  }
0x2f2: {  	s0 =	rddreg [dreg:$0x7];
	s24 =	sadd.s32 $0x1, s24  }
0x2f3: {  	p0 =	sne.s32 s24, s0  }
.Ltmp5:
0x2f4: {  	_ = 	snop;
	(pc) =	sbr.rel @p0 .LBB2_1-.Ltmp5, $3  }
0x2f5: {  	_ =	sdelay $0x1  }
0x2f6: {  	[sflag:s2] =	ssyncset.done $0x0  }
0x2f7: {  	[sflag:s2] =	ssyncadd.s32 $0xFFFFC000  }
0x2f8: {  	_ =	sfence.sel $0x180000  }
0x2f9: {  	[bflag:$0x0] =	sbarrier.arrive $0xFFFF  }
0x2fa: {  	_ =	strace $0x90000047  }
0x2fb: {  	s0 =	stileid.u32;
	[bflag:$0x2] =	sbarrier.arrive $0xFFFF  }
0x2fc: {  	p0 =	sne.s32 s0, $0x0;
	s0 =	rddreg [dreg:$0x5]  }
0x2fd: {  	s0 =	sadd.s32 @!p0 $0x100000, s0  }
0x2fe: {  	[sflag:s0] =	ssyncadd.tile.s32 @!p0 $0x1;
	_ =	shalt  }
.Lfunc_end2:
_tile_overlayer_lowered:
.L_overlay_start_2:
0x2ff: {  	(tag) =	ssettag $0x2  }
0x300: {  	s0 =	rddreg [dreg:$0x0];
	s2 =	stileid.u32  }
0x301: {  	s1 =	rddreg [dreg:$0x1];
	p0 =	sne.s32 s2, $0x0  }
0x302: {  	s3 =	rddreg [dreg:$0x2];
	[bflag:$0x3] =	sbarrier.arrive $0xFFFF;
	s2 =	simm.s32 @!p0 $0x1C05  }
0x303: {  	[timem:s3], [sflag:s2] =	dma.local @!p0 [hbm:s0], s1  }
0x304: {  	s0 =	simm.s32 @!p0 $0x5  }
0x305: {  	_ =	swait.ge @!p0 [sflag:s0], s1  }
0x306: {  	s1 =	ssub.s32 @!p0 $0x0, s1;
	[sflag:s0] =	ssyncset.done @!p0 $0x0  }
0x307: {  	[sflag:s0] =	ssyncadd.s32 @!p0 s1  }
0x308: {  	[bflag:$0x3] =	sbarrier.arrive $0xFFFF  }
0x309: {  	_ =	shalt  }

</sc_bundles>
